<compile_context>
chip_gen: v7x
topology: tpu7x:2x2x1
jax: 0.10.2.dev20260603
libtpu: 0.0.44.dev20260713+nightly
codegen_flags: <defaults>
</compile_context>

<pallas_src>
import functools

import jax
import jax.numpy as jnp
from jax import lax
from jax.experimental import pallas as pl
from jax.experimental.pallas import tpu as pltpu
from jax.experimental.pallas import tpu_sc as plsc

B = 4096
L = 200
D = 64
NC = 2
NS = 16
NW = NC * NS
RPW = B // NW
LANES = 16
NCHUNK = (L + LANES - 1) // LANES
LP = NCHUNK * LANES
C0 = 104
C1 = L - C0

NEG_INF = float("-inf")


def _body(inputs_hbm, emb_hbm, wk_hbm, wot_hbm, out_hbm,
          idxb, xb0, xb1, lbuf, pbuf, wk, wot, obuf, sem0, sem1):
    cid = lax.axis_index("c")
    sid = lax.axis_index("s")
    wid = sid * NC + cid
    base = wid * RPW

    pltpu.sync_copy(wk_hbm, wk)
    pltpu.sync_copy(wot_hbm, wot)
    pltpu.sync_copy(inputs_hbm.at[pl.ds(base, RPW), :], idxb.at[:, pl.ds(0, L)])

    lane = lax.iota(jnp.int32, 16)
    wkc = [wk[pl.ds(i * 16, 16)] for i in range(4)]

    def start_gather(r, xb, sem):
        pltpu.async_copy(emb_hbm.at[idxb.at[r, pl.ds(0, C0)]],
                         xb.at[pl.ds(0, C0), :], sem)
        pltpu.async_copy(emb_hbm.at[idxb.at[r, pl.ds(C0, C1)]],
                         xb.at[pl.ds(C0, C1), :], sem)

    def wait_gather(xb, sem):
        pltpu.make_async_copy(emb_hbm.at[pl.ds(0, L)],
                              xb.at[pl.ds(0, L), :], sem).wait()

    def compute_row(r, xb):
        def chunk_scores(k, mx):
            rows = k * LANES + lane
            acc = jnp.zeros((16,), jnp.float32)
            for d in range(D):
                v = plsc.load_gather(
                    xb, [rows, jnp.full((16,), d, jnp.int32)])
                acc = acc + v * wkc[d // 16][d % 16]
            idxv = idxb[r, pl.ds(k * LANES, 16)]
            valid = (idxv != 0) & (k * LANES + lane < L)
            e2 = jnp.exp(acc + acc)
            t = 1.0 - 2.0 / (e2 + 1.0)
            z = jnp.where(valid, t, NEG_INF)
            lbuf[pl.ds(k * LANES, 16)] = z
            return jnp.maximum(mx, z)
        mxv = lax.fori_loop(0, NCHUNK, chunk_scores,
                            jnp.full((16,), NEG_INF, jnp.float32))
        m = jnp.max(mxv)

        def chunk_p(k, sv):
            z = lbuf[pl.ds(k * LANES, 16)]
            p = jnp.where(z > NEG_INF, jnp.exp(z - m), 0.0)
            pbuf[pl.ds(k * LANES, 16)] = p
            return sv + p
        svec = lax.fori_loop(0, NCHUNK, chunk_p, jnp.zeros((16,), jnp.float32))
        s = jnp.sum(svec)

        def pool_step(i, accs):
            a0, a1, a2, a3 = accs
            for j in range(4):
                l = i * 4 + j
                p = plsc.load_gather(pbuf, [jnp.full((16,), l, jnp.int32)])
                a0 = a0 + p * xb[l, pl.ds(0, 16)]
                a1 = a1 + p * xb[l, pl.ds(16, 16)]
                a2 = a2 + p * xb[l, pl.ds(32, 16)]
                a3 = a3 + p * xb[l, pl.ds(48, 16)]
            return (a0, a1, a2, a3)
        zero = jnp.zeros((16,), jnp.float32)
        a0, a1, a2, a3 = lax.fori_loop(0, L // 4, pool_step,
                                       (zero, zero, zero, zero))

        t0 = (a0 * wot[0, pl.ds(0, 16)] + a1 * wot[0, pl.ds(16, 16)]
              + a2 * wot[0, pl.ds(32, 16)] + a3 * wot[0, pl.ds(48, 16)])
        t1 = (a0 * wot[1, pl.ds(0, 16)] + a1 * wot[1, pl.ds(16, 16)]
              + a2 * wot[1, pl.ds(32, 16)] + a3 * wot[1, pl.ds(48, 16)])
        ov = jnp.where(lane == 0, jnp.sum(t0), jnp.where(lane == 1, jnp.sum(t1), 0.0))
        ov = ov / jnp.full((16,), s, jnp.float32)
        obuf[r, pl.ds(0, 16)] = ov

    start_gather(0, xb0, sem0)

    def row_pair(g, _):
        r0 = 2 * g
        r1 = 2 * g + 1
        start_gather(r1, xb1, sem1)
        wait_gather(xb0, sem0)
        compute_row(r0, xb0)
        start_gather(jnp.minimum(r0 + 2, RPW - 1), xb0, sem0)
        wait_gather(xb1, sem1)
        compute_row(r1, xb1)
        return 0
    lax.fori_loop(0, RPW // 2, row_pair, 0)
    wait_gather(xb0, sem0)

    pltpu.sync_copy(obuf.at[:, pl.ds(0, 2)], out_hbm.at[pl.ds(base, RPW), :])


@jax.jit
def kernel(inputs, embedding, Wk, Wo, bo):
    wk = Wk[:, 0]
    wot = Wo.T
    run = pl.kernel(
        _body,
        out_type=jax.ShapeDtypeStruct((B, 2), jnp.float32),
        mesh=plsc.VectorSubcoreMesh(core_axis_name="c", subcore_axis_name="s",
                                    num_cores=NC, num_subcores=NS),
        compiler_params=pltpu.CompilerParams(use_tc_tiling_on_sc=False,
                                             needs_layout_passes=False),
        scratch_types=[
            pltpu.VMEM((RPW, LP), jnp.int32),
            pltpu.VMEM((LP, D), jnp.float32),
            pltpu.VMEM((LP, D), jnp.float32),
            pltpu.VMEM((LP,), jnp.float32),
            pltpu.VMEM((LP,), jnp.float32),
            pltpu.VMEM((D,), jnp.float32),
            pltpu.VMEM((2, D), jnp.float32),
            pltpu.VMEM((RPW, 16), jnp.float32),
            pltpu.SemaphoreType.DMA,
            pltpu.SemaphoreType.DMA,
        ],
    )
    out = run(inputs, embedding, wk, wot)
    return out + bo[None, :]

# --- scband reference (transcript-rebuilt; emitter-appended) ---
"""Pipeline reference for scband-feed-forward-attention-60241211294132 (READ-ONLY COPY).

The authoritative reference and input builder live on the scoring server;
editing this copy changes nothing except your own understanding.
"""

import jax, jax.numpy as jnp
import numpy as np

VOCAB = 1000000
D = 64
B = 4096
L = 200


def setup_inputs(seed: int = 0) -> dict:
    key = jax.random.key(seed)
    k1, k2, k3, k4 = jax.random.split(key, 4)
    inputs = jax.random.randint(k1, (B, L), 0, VOCAB, dtype=jnp.int32)
    embedding = jax.random.normal(k2, (VOCAB, D), dtype=jnp.float32) * 0.02
    Wk = jax.random.normal(k3, (D, 1), dtype=jnp.float32) * 0.1
    Wo = jax.random.normal(k4, (D, 2), dtype=jnp.float32) * 0.1
    bo = jnp.zeros((2,), dtype=jnp.float32)
    return {"inputs": inputs, "embedding": embedding, "Wk": Wk, "Wo": Wo, "bo": bo}


def reference(inputs, embedding, Wk, Wo, bo):
    # masks = tf.sign(inputs); 0 -> padding
    masks = jnp.sign(inputs)
    # embedding lookup (SparseCore gather)
    x = jnp.take(embedding, inputs, axis=0)  # [B, L, D]
    # KernelAttentivePooling (dropout is identity at inference)
    align = jnp.tanh(x @ Wk)[..., 0]  # [B, L]
    neg_inf = jnp.full_like(align, -jnp.inf)
    align = jnp.where(masks == 0, neg_inf, align)
    align = jax.nn.softmax(align, axis=-1)  # [B, L]
    # weighted sum over sequence: matmul(x^T, align)
    pooled = jnp.einsum('bld,bl->bd', x, align)  # [B, D]
    # out_linear
    return pooled @ Wo + bo  # [B, 2]

if __name__ == "__main__":
    import jax
    _d = setup_inputs()
    print(jax.jit(kernel)(*tuple(_d.values())))

</pallas_src>

<mosaic_0001>
#map = affine_map<(d0, d1) -> (0, 0)>
#map1 = affine_map<(d0, d1) -> (0)>
module attributes {stable_mosaic.version = 14 : i64} {
  func.func @_body(%arg0: i32, %arg1: i32, %arg2: memref<4096x200xi32, #tpu.memory_space<hbm>>, %arg3: memref<1000000x64xf32, #tpu.memory_space<hbm>>, %arg4: memref<64xf32, #tpu.memory_space<hbm>>, %arg5: memref<2x64xf32, #tpu.memory_space<hbm>>, %arg6: memref<4096x2xf32, #tpu.memory_space<hbm>>, %arg7: memref<128x208xi32, #tpu.memory_space<vmem>>, %arg8: memref<208x64xf32, #tpu.memory_space<vmem>>, %arg9: memref<208x64xf32, #tpu.memory_space<vmem>>, %arg10: memref<208xf32, #tpu.memory_space<vmem>>, %arg11: memref<208xf32, #tpu.memory_space<vmem>>, %arg12: memref<64xf32, #tpu.memory_space<vmem>>, %arg13: memref<2x64xf32, #tpu.memory_space<vmem>>, %arg14: memref<128x16xf32, #tpu.memory_space<vmem>>, %arg15: memref<!tpu.dma_semaphore, #tpu.memory_space<semaphore_mem>>, %arg16: memref<!tpu.dma_semaphore, #tpu.memory_space<semaphore_mem>>) attributes {dimension_semantics = [#tpu.dimension_semantics<core_parallel>, #tpu.dimension_semantics<subcore_parallel>], iteration_bounds = array<i64: 2, 16>, scalar_prefetch = 0 : i64, scratch_operands = 10 : i64, tpu.core_type = #tpu.core_type<sc_vector_subcore>, window_params = [{transform_indices = #map}, {transform_indices = #map}, {transform_indices = #map1}, {transform_indices = #map}, {transform_indices = #map}]} {
    %mul3A = arith.constant 2 : i32
    %mul3A_0 = arith.muli %arg1, %mul3A : i32
    %add3A = arith.addi %mul3A_0, %arg0 : i32
    %mul3A_1 = arith.constant 128 : i32
    %mul3A_2 = arith.muli %add3A, %mul3A_1 : i32
    "tpu.region"() ({
      %run_scoped3A = tpu.sem_alloc : memref<!tpu.dma_semaphore, #tpu.memory_space<semaphore_mem>>
      tpu.enqueue_dma source(%arg4 : memref<64xf32, #tpu.memory_space<hbm>>) target(%arg12 : memref<64xf32, #tpu.memory_space<vmem>>) target_semaphore(%run_scoped3A : memref<!tpu.dma_semaphore, #tpu.memory_space<semaphore_mem>>)
      tpu.wait_dma2 semaphore(%run_scoped3A : memref<!tpu.dma_semaphore, #tpu.memory_space<semaphore_mem>>) src(%arg4 : memref<64xf32, #tpu.memory_space<hbm>>) dst(%arg12 : memref<64xf32, #tpu.memory_space<vmem>>)
      tpu.yield
    }) : () -> ()
    "tpu.region"() ({
      %run_scoped3A = tpu.sem_alloc : memref<!tpu.dma_semaphore, #tpu.memory_space<semaphore_mem>>
      tpu.enqueue_dma source(%arg5 : memref<2x64xf32, #tpu.memory_space<hbm>>) target(%arg13 : memref<2x64xf32, #tpu.memory_space<vmem>>) target_semaphore(%run_scoped3A : memref<!tpu.dma_semaphore, #tpu.memory_space<semaphore_mem>>)
      tpu.wait_dma2 semaphore(%run_scoped3A : memref<!tpu.dma_semaphore, #tpu.memory_space<semaphore_mem>>) src(%arg5 : memref<2x64xf32, #tpu.memory_space<hbm>>) dst(%arg13 : memref<2x64xf32, #tpu.memory_space<vmem>>)
      tpu.yield
    }) : () -> ()
    "tpu.region"() ({
      %run_scoped3A = tpu.sem_alloc : memref<!tpu.dma_semaphore, #tpu.memory_space<semaphore_mem>>
      %dma_start3A_46 = arith.constant 0 : i32
      %dma_start3A_47 = arith.constant 0 : i32
      %dma_start3A_48 = tpu.memref_slice %arg7[%dma_start3A_46, %dma_start3A_47] : memref<128x208xi32, #tpu.memory_space<vmem>> -> memref<128x200xi32, #tpu.memory_space<vmem>>
      %dma_start3A_49 = arith.constant 0 : i32
      %dma_start3A_50 = tpu.memref_slice %arg2[%mul3A_2, %dma_start3A_49] : memref<4096x200xi32, #tpu.memory_space<hbm>> -> memref<128x200xi32, #tpu.memory_space<hbm>>
      %dma_start3A_51 = arith.constant 0 : i32
      %dma_start3A_52 = arith.constant 0 : i32
      %dma_start3A_53 = tpu.memref_slice %arg7[%dma_start3A_51, %dma_start3A_52] : memref<128x208xi32, #tpu.memory_space<vmem>> -> memref<128x200xi32, #tpu.memory_space<vmem>>
      %dma_start3A_54 = arith.constant 0 : i32
      %dma_start3A_55 = tpu.memref_slice %arg2[%mul3A_2, %dma_start3A_54] : memref<4096x200xi32, #tpu.memory_space<hbm>> -> memref<128x200xi32, #tpu.memory_space<hbm>>
      tpu.enqueue_dma source(%dma_start3A_55 : memref<128x200xi32, #tpu.memory_space<hbm>>) target(%dma_start3A_53 : memref<128x200xi32, #tpu.memory_space<vmem>>) target_semaphore(%run_scoped3A : memref<!tpu.dma_semaphore, #tpu.memory_space<semaphore_mem>>)
      %dma_wait3A_56 = arith.constant 0 : i32
      %dma_wait3A_57 = arith.constant 0 : i32
      %dma_wait3A_58 = tpu.memref_slice %arg7[%dma_wait3A_56, %dma_wait3A_57] : memref<128x208xi32, #tpu.memory_space<vmem>> -> memref<128x200xi32, #tpu.memory_space<vmem>>
      %dma_wait3A_59 = arith.constant 0 : i32
      %dma_wait3A_60 = tpu.memref_slice %arg2[%mul3A_2, %dma_wait3A_59] : memref<4096x200xi32, #tpu.memory_space<hbm>> -> memref<128x200xi32, #tpu.memory_space<hbm>>
      %dma_wait3A_61 = arith.constant 0 : i32
      %dma_wait3A_62 = arith.constant 0 : i32
      %dma_wait3A_63 = tpu.memref_slice %arg7[%dma_wait3A_61, %dma_wait3A_62] : memref<128x208xi32, #tpu.memory_space<vmem>> -> memref<128x200xi32, #tpu.memory_space<vmem>>
      %dma_wait3A_64 = arith.constant 0 : i32
      %dma_wait3A_65 = tpu.memref_slice %arg2[%mul3A_2, %dma_wait3A_64] : memref<4096x200xi32, #tpu.memory_space<hbm>> -> memref<128x200xi32, #tpu.memory_space<hbm>>
      tpu.wait_dma2 semaphore(%run_scoped3A : memref<!tpu.dma_semaphore, #tpu.memory_space<semaphore_mem>>) src(%dma_wait3A_65 : memref<128x200xi32, #tpu.memory_space<hbm>>) dst(%dma_wait3A_63 : memref<128x200xi32, #tpu.memory_space<vmem>>)
      tpu.yield
    }) : () -> ()
    %iota3A = tpu.iota {dimensions = array<i32: 0>} : vector<16xi32>
    %get3A = arith.constant 0 : index
    %get3A_3 = tpu.vector_load %arg12[%get3A] {strides = array<i32>} : memref<64xf32, #tpu.memory_space<vmem>>, vector<16xf32>,
    %get3A_4 = arith.constant 16 : index
    %get3A_5 = tpu.vector_load %arg12[%get3A_4] {strides = array<i32>} : memref<64xf32, #tpu.memory_space<vmem>>, vector<16xf32>,
    %get3A_6 = arith.constant 32 : index
    %get3A_7 = tpu.vector_load %arg12[%get3A_6] {strides = array<i32>} : memref<64xf32, #tpu.memory_space<vmem>>, vector<16xf32>,
    %get3A_8 = arith.constant 48 : index
    %get3A_9 = tpu.vector_load %arg12[%get3A_8] {strides = array<i32>} : memref<64xf32, #tpu.memory_space<vmem>>, vector<16xf32>,
    %dma_start3A = arith.constant 0 : i32
    %dma_start3A_10 = arith.constant 0 : i32
    %dma_start3A_11 = arith.constant 0 : i32
    %dma_start3A_12 = tpu.memref_slice %arg8[%dma_start3A_10, %dma_start3A_11] : memref<208x64xf32, #tpu.memory_space<vmem>> -> memref<104x64xf32, #tpu.memory_space<vmem>>
    %dma_start3A_13 = arith.constant 0 : i32
    %dma_start3A_14 = tpu.memref_slice %arg7[%dma_start3A, %dma_start3A_13] : memref<128x208xi32, #tpu.memory_space<vmem>> -> memref<1x104xi32, #tpu.memory_space<vmem>>
    %dma_start3A_15 = tpu.memref_squeeze %dma_start3A_14 : memref<1x104xi32, #tpu.memory_space<vmem>> -> memref<104xi32, #tpu.memory_space<vmem>>
    %dma_start3A_16 = arith.constant 0 : i32
    %dma_start3A_17 = arith.constant 0 : i32
    %dma_start3A_18 = tpu.memref_slice %arg3[%dma_start3A_16, %dma_start3A_17] : memref<1000000x64xf32, #tpu.memory_space<hbm>> -> memref<1000000x64xf32, #tpu.memory_space<hbm>>
    tpu.enqueue_indirect_dma source(%dma_start3A_18 : memref<1000000x64xf32, #tpu.memory_space<hbm>>) target(%dma_start3A_12 : memref<104x64xf32, #tpu.memory_space<vmem>>) offsets(%dma_start3A_15 : memref<104xi32, #tpu.memory_space<vmem>>) semaphore(%arg15 : memref<!tpu.dma_semaphore, #tpu.memory_space<semaphore_mem>>)
    %dma_start3A_19 = arith.constant 0 : i32
    %dma_start3A_20 = arith.constant 104 : i32
    %dma_start3A_21 = arith.constant 0 : i32
    %dma_start3A_22 = tpu.memref_slice %arg8[%dma_start3A_20, %dma_start3A_21] : memref<208x64xf32, #tpu.memory_space<vmem>> -> memref<96x64xf32, #tpu.memory_space<vmem>>
    %dma_start3A_23 = arith.constant 104 : i32
    %dma_start3A_24 = tpu.memref_slice %arg7[%dma_start3A_19, %dma_start3A_23] : memref<128x208xi32, #tpu.memory_space<vmem>> -> memref<1x96xi32, #tpu.memory_space<vmem>>
    %dma_start3A_25 = tpu.memref_squeeze %dma_start3A_24 : memref<1x96xi32, #tpu.memory_space<vmem>> -> memref<96xi32, #tpu.memory_space<vmem>>
    %dma_start3A_26 = arith.constant 0 : i32
    %dma_start3A_27 = arith.constant 0 : i32
    %dma_start3A_28 = tpu.memref_slice %arg3[%dma_start3A_26, %dma_start3A_27] : memref<1000000x64xf32, #tpu.memory_space<hbm>> -> memref<1000000x64xf32, #tpu.memory_space<hbm>>
    tpu.enqueue_indirect_dma source(%dma_start3A_28 : memref<1000000x64xf32, #tpu.memory_space<hbm>>) target(%dma_start3A_22 : memref<96x64xf32, #tpu.memory_space<vmem>>) offsets(%dma_start3A_25 : memref<96xi32, #tpu.memory_space<vmem>>) semaphore(%arg15 : memref<!tpu.dma_semaphore, #tpu.memory_space<semaphore_mem>>)
    %scan3A = arith.constant 0 : i32
    %scan3A_29 = arith.constant 0 : i32
    %scan3A_30 = arith.constant 64 : i32
    %scan3A_31 = arith.addi %scan3A_29, %scan3A_30 : i32
    %scan3A_32 = arith.constant 1 : i32
    %scan3A_33 = scf.for %scan3A_46 = %scan3A_29 to %scan3A_31 step %scan3A_32 iter_args(%scan3A_47 = %scan3A) -> (i32)  : i32 {
      %mul3A_48 = arith.constant 2 : i32
      %mul3A_49 = arith.muli %mul3A_48, %scan3A_46 : i32
      %mul3A_50 = arith.constant 2 : i32
      %mul3A_51 = arith.muli %mul3A_50, %scan3A_46 : i32
      %add3A_52 = arith.constant 1 : i32
      %add3A_53 = arith.addi %mul3A_51, %add3A_52 : i32
      %dma_start3A_54 = arith.constant 0 : i32
      %dma_start3A_55 = arith.constant 0 : i32
      %dma_start3A_56 = tpu.memref_slice %arg9[%dma_start3A_54, %dma_start3A_55] : memref<208x64xf32, #tpu.memory_space<vmem>> -> memref<104x64xf32, #tpu.memory_space<vmem>>
      %dma_start3A_57 = arith.constant 0 : i32
      %dma_start3A_58 = tpu.memref_slice %arg7[%add3A_53, %dma_start3A_57] : memref<128x208xi32, #tpu.memory_space<vmem>> -> memref<1x104xi32, #tpu.memory_space<vmem>>
      %dma_start3A_59 = tpu.memref_squeeze %dma_start3A_58 : memref<1x104xi32, #tpu.memory_space<vmem>> -> memref<104xi32, #tpu.memory_space<vmem>>
      %dma_start3A_60 = arith.constant 0 : i32
      %dma_start3A_61 = arith.constant 0 : i32
      %dma_start3A_62 = tpu.memref_slice %arg3[%dma_start3A_60, %dma_start3A_61] : memref<1000000x64xf32, #tpu.memory_space<hbm>> -> memref<1000000x64xf32, #tpu.memory_space<hbm>>
      tpu.enqueue_indirect_dma source(%dma_start3A_62 : memref<1000000x64xf32, #tpu.memory_space<hbm>>) target(%dma_start3A_56 : memref<104x64xf32, #tpu.memory_space<vmem>>) offsets(%dma_start3A_59 : memref<104xi32, #tpu.memory_space<vmem>>) semaphore(%arg16 : memref<!tpu.dma_semaphore, #tpu.memory_space<semaphore_mem>>)
      %dma_start3A_63 = arith.constant 104 : i32
      %dma_start3A_64 = arith.constant 0 : i32
      %dma_start3A_65 = tpu.memref_slice %arg9[%dma_start3A_63, %dma_start3A_64] : memref<208x64xf32, #tpu.memory_space<vmem>> -> memref<96x64xf32, #tpu.memory_space<vmem>>
      %dma_start3A_66 = arith.constant 104 : i32
      %dma_start3A_67 = tpu.memref_slice %arg7[%add3A_53, %dma_start3A_66] : memref<128x208xi32, #tpu.memory_space<vmem>> -> memref<1x96xi32, #tpu.memory_space<vmem>>
      %dma_start3A_68 = tpu.memref_squeeze %dma_start3A_67 : memref<1x96xi32, #tpu.memory_space<vmem>> -> memref<96xi32, #tpu.memory_space<vmem>>
      %dma_start3A_69 = arith.constant 0 : i32
      %dma_start3A_70 = arith.constant 0 : i32
      %dma_start3A_71 = tpu.memref_slice %arg3[%dma_start3A_69, %dma_start3A_70] : memref<1000000x64xf32, #tpu.memory_space<hbm>> -> memref<1000000x64xf32, #tpu.memory_space<hbm>>
      tpu.enqueue_indirect_dma source(%dma_start3A_71 : memref<1000000x64xf32, #tpu.memory_space<hbm>>) target(%dma_start3A_65 : memref<96x64xf32, #tpu.memory_space<vmem>>) offsets(%dma_start3A_68 : memref<96xi32, #tpu.memory_space<vmem>>) semaphore(%arg16 : memref<!tpu.dma_semaphore, #tpu.memory_space<semaphore_mem>>)
      %dma_wait3A_72 = arith.constant 0 : i32
      %dma_wait3A_73 = arith.constant 0 : i32
      %dma_wait3A_74 = tpu.memref_slice %arg8[%dma_wait3A_72, %dma_wait3A_73] : memref<208x64xf32, #tpu.memory_space<vmem>> -> memref<200x64xf32, #tpu.memory_space<vmem>>
      %dma_wait3A_75 = arith.constant 0 : i32
      %dma_wait3A_76 = arith.constant 0 : i32
      %dma_wait3A_77 = tpu.memref_slice %arg3[%dma_wait3A_75, %dma_wait3A_76] : memref<1000000x64xf32, #tpu.memory_space<hbm>> -> memref<200x64xf32, #tpu.memory_space<hbm>>
      %dma_wait3A_78 = arith.constant 0 : i32
      %dma_wait3A_79 = arith.constant 0 : i32
      %dma_wait3A_80 = tpu.memref_slice %arg8[%dma_wait3A_78, %dma_wait3A_79] : memref<208x64xf32, #tpu.memory_space<vmem>> -> memref<200x64xf32, #tpu.memory_space<vmem>>
      %dma_wait3A_81 = arith.constant 0 : i32
      %dma_wait3A_82 = arith.constant 0 : i32
      %dma_wait3A_83 = tpu.memref_slice %arg3[%dma_wait3A_81, %dma_wait3A_82] : memref<1000000x64xf32, #tpu.memory_space<hbm>> -> memref<200x64xf32, #tpu.memory_space<hbm>>
      tpu.wait_dma2 semaphore(%arg15 : memref<!tpu.dma_semaphore, #tpu.memory_space<semaphore_mem>>) src(%dma_wait3A_83 : memref<200x64xf32, #tpu.memory_space<hbm>>) dst(%dma_wait3A_80 : memref<200x64xf32, #tpu.memory_space<vmem>>)
      %broadcast_in_dim3A = arith.constant 0xFF800000 : f32
      %broadcast_in_dim3A_84 = vector.broadcast %broadcast_in_dim3A : f32 to vector<16xf32>
      %scan3A_85 = arith.constant 0 : i32
      %scan3A_86 = arith.constant 13 : i32
      %scan3A_87 = arith.addi %scan3A_85, %scan3A_86 : i32
      %scan3A_88 = arith.constant 1 : i32
      %scan3A_89 = scf.for %scan3A_316 = %scan3A_85 to %scan3A_87 step %scan3A_88 iter_args(%scan3A_317 = %broadcast_in_dim3A_84) -> (vector<16xf32>)  : i32 {
        %mul3A_318 = arith.constant 16 : i32
        %mul3A_319 = arith.muli %scan3A_316, %mul3A_318 : i32
        %add3A_320 = vector.broadcast %mul3A_319 : i32 to vector<16xi32>
        %add3A_321 = arith.addi %add3A_320, %iota3A : vector<16xi32>
        %broadcast_in_dim3A_322 = arith.constant 0.000000e+00 : f32
        %broadcast_in_dim3A_323 = vector.broadcast %broadcast_in_dim3A_322 : f32 to vector<16xf32>
        %broadcast_in_dim3A_324 = arith.constant 0 : i32
        %broadcast_in_dim3A_325 = vector.broadcast %broadcast_in_dim3A_324 : i32 to vector<16xi32>
        %gather3A = tpu.vector_load_idx %arg8[%add3A_321, %broadcast_in_dim3A_325] : memref<208x64xf32, #tpu.memory_space<vmem>>[vector<16xi32>, vector<16xi32>], vector<16xf32>,
        %slice3A = vector.extract_strided_slice %get3A_3 {offsets = [0], sizes = [1], strides = [1]} : vector<16xf32> to vector<1xf32>
        %squeeze3A = vector.extract %slice3A[0] : f32 from vector<1xf32>
        %mul3A_326 = vector.broadcast %squeeze3A : f32 to vector<16xf32>
        %mul3A_327 = arith.mulf %gather3A, %mul3A_326 : vector<16xf32>
        %add3A_328 = arith.addf %broadcast_in_dim3A_323, %mul3A_327 : vector<16xf32>
        %broadcast_in_dim3A_329 = arith.constant 1 : i32
        %broadcast_in_dim3A_330 = vector.broadcast %broadcast_in_dim3A_329 : i32 to vector<16xi32>
        %gather3A_331 = tpu.vector_load_idx %arg8[%add3A_321, %broadcast_in_dim3A_330] : memref<208x64xf32, #tpu.memory_space<vmem>>[vector<16xi32>, vector<16xi32>], vector<16xf32>,
        %slice3A_332 = vector.extract_strided_slice %get3A_3 {offsets = [1], sizes = [1], strides = [1]} : vector<16xf32> to vector<1xf32>
        %squeeze3A_333 = vector.extract %slice3A_332[0] : f32 from vector<1xf32>
        %mul3A_334 = vector.broadcast %squeeze3A_333 : f32 to vector<16xf32>
        %mul3A_335 = arith.mulf %gather3A_331, %mul3A_334 : vector<16xf32>
        %add3A_336 = arith.addf %add3A_328, %mul3A_335 : vector<16xf32>
        %broadcast_in_dim3A_337 = arith.constant 2 : i32
        %broadcast_in_dim3A_338 = vector.broadcast %broadcast_in_dim3A_337 : i32 to vector<16xi32>
        %gather3A_339 = tpu.vector_load_idx %arg8[%add3A_321, %broadcast_in_dim3A_338] : memref<208x64xf32, #tpu.memory_space<vmem>>[vector<16xi32>, vector<16xi32>], vector<16xf32>,
        %slice3A_340 = vector.extract_strided_slice %get3A_3 {offsets = [2], sizes = [1], strides = [1]} : vector<16xf32> to vector<1xf32>
        %squeeze3A_341 = vector.extract %slice3A_340[0] : f32 from vector<1xf32>
        %mul3A_342 = vector.broadcast %squeeze3A_341 : f32 to vector<16xf32>
        %mul3A_343 = arith.mulf %gather3A_339, %mul3A_342 : vector<16xf32>
        %add3A_344 = arith.addf %add3A_336, %mul3A_343 : vector<16xf32>
        %broadcast_in_dim3A_345 = arith.constant 3 : i32
        %broadcast_in_dim3A_346 = vector.broadcast %broadcast_in_dim3A_345 : i32 to vector<16xi32>
        %gather3A_347 = tpu.vector_load_idx %arg8[%add3A_321, %broadcast_in_dim3A_346] : memref<208x64xf32, #tpu.memory_space<vmem>>[vector<16xi32>, vector<16xi32>], vector<16xf32>,
        %slice3A_348 = vector.extract_strided_slice %get3A_3 {offsets = [3], sizes = [1], strides = [1]} : vector<16xf32> to vector<1xf32>
        %squeeze3A_349 = vector.extract %slice3A_348[0] : f32 from vector<1xf32>
        %mul3A_350 = vector.broadcast %squeeze3A_349 : f32 to vector<16xf32>
        %mul3A_351 = arith.mulf %gather3A_347, %mul3A_350 : vector<16xf32>
        %add3A_352 = arith.addf %add3A_344, %mul3A_351 : vector<16xf32>
        %broadcast_in_dim3A_353 = arith.constant 4 : i32
        %broadcast_in_dim3A_354 = vector.broadcast %broadcast_in_dim3A_353 : i32 to vector<16xi32>
        %gather3A_355 = tpu.vector_load_idx %arg8[%add3A_321, %broadcast_in_dim3A_354] : memref<208x64xf32, #tpu.memory_space<vmem>>[vector<16xi32>, vector<16xi32>], vector<16xf32>,
        %slice3A_356 = vector.extract_strided_slice %get3A_3 {offsets = [4], sizes = [1], strides = [1]} : vector<16xf32> to vector<1xf32>
        %squeeze3A_357 = vector.extract %slice3A_356[0] : f32 from vector<1xf32>
        %mul3A_358 = vector.broadcast %squeeze3A_357 : f32 to vector<16xf32>
        %mul3A_359 = arith.mulf %gather3A_355, %mul3A_358 : vector<16xf32>
        %add3A_360 = arith.addf %add3A_352, %mul3A_359 : vector<16xf32>
        %broadcast_in_dim3A_361 = arith.constant 5 : i32
        %broadcast_in_dim3A_362 = vector.broadcast %broadcast_in_dim3A_361 : i32 to vector<16xi32>
        %gather3A_363 = tpu.vector_load_idx %arg8[%add3A_321, %broadcast_in_dim3A_362] : memref<208x64xf32, #tpu.memory_space<vmem>>[vector<16xi32>, vector<16xi32>], vector<16xf32>,
        %slice3A_364 = vector.extract_strided_slice %get3A_3 {offsets = [5], sizes = [1], strides = [1]} : vector<16xf32> to vector<1xf32>
        %squeeze3A_365 = vector.extract %slice3A_364[0] : f32 from vector<1xf32>
        %mul3A_366 = vector.broadcast %squeeze3A_365 : f32 to vector<16xf32>
        %mul3A_367 = arith.mulf %gather3A_363, %mul3A_366 : vector<16xf32>
        %add3A_368 = arith.addf %add3A_360, %mul3A_367 : vector<16xf32>
        %broadcast_in_dim3A_369 = arith.constant 6 : i32
        %broadcast_in_dim3A_370 = vector.broadcast %broadcast_in_dim3A_369 : i32 to vector<16xi32>
        %gather3A_371 = tpu.vector_load_idx %arg8[%add3A_321, %broadcast_in_dim3A_370] : memref<208x64xf32, #tpu.memory_space<vmem>>[vector<16xi32>, vector<16xi32>], vector<16xf32>,
        %slice3A_372 = vector.extract_strided_slice %get3A_3 {offsets = [6], sizes = [1], strides = [1]} : vector<16xf32> to vector<1xf32>
        %squeeze3A_373 = vector.extract %slice3A_372[0] : f32 from vector<1xf32>
        %mul3A_374 = vector.broadcast %squeeze3A_373 : f32 to vector<16xf32>
        %mul3A_375 = arith.mulf %gather3A_371, %mul3A_374 : vector<16xf32>
        %add3A_376 = arith.addf %add3A_368, %mul3A_375 : vector<16xf32>
        %broadcast_in_dim3A_377 = arith.constant 7 : i32
        %broadcast_in_dim3A_378 = vector.broadcast %broadcast_in_dim3A_377 : i32 to vector<16xi32>
        %gather3A_379 = tpu.vector_load_idx %arg8[%add3A_321, %broadcast_in_dim3A_378] : memref<208x64xf32, #tpu.memory_space<vmem>>[vector<16xi32>, vector<16xi32>], vector<16xf32>,
        %slice3A_380 = vector.extract_strided_slice %get3A_3 {offsets = [7], sizes = [1], strides = [1]} : vector<16xf32> to vector<1xf32>
        %squeeze3A_381 = vector.extract %slice3A_380[0] : f32 from vector<1xf32>
        %mul3A_382 = vector.broadcast %squeeze3A_381 : f32 to vector<16xf32>
        %mul3A_383 = arith.mulf %gather3A_379, %mul3A_382 : vector<16xf32>
        %add3A_384 = arith.addf %add3A_376, %mul3A_383 : vector<16xf32>
        %broadcast_in_dim3A_385 = arith.constant 8 : i32
        %broadcast_in_dim3A_386 = vector.broadcast %broadcast_in_dim3A_385 : i32 to vector<16xi32>
        %gather3A_387 = tpu.vector_load_idx %arg8[%add3A_321, %broadcast_in_dim3A_386] : memref<208x64xf32, #tpu.memory_space<vmem>>[vector<16xi32>, vector<16xi32>], vector<16xf32>,
        %slice3A_388 = vector.extract_strided_slice %get3A_3 {offsets = [8], sizes = [1], strides = [1]} : vector<16xf32> to vector<1xf32>
        %squeeze3A_389 = vector.extract %slice3A_388[0] : f32 from vector<1xf32>
        %mul3A_390 = vector.broadcast %squeeze3A_389 : f32 to vector<16xf32>
        %mul3A_391 = arith.mulf %gather3A_387, %mul3A_390 : vector<16xf32>
        %add3A_392 = arith.addf %add3A_384, %mul3A_391 : vector<16xf32>
        %broadcast_in_dim3A_393 = arith.constant 9 : i32
        %broadcast_in_dim3A_394 = vector.broadcast %broadcast_in_dim3A_393 : i32 to vector<16xi32>
        %gather3A_395 = tpu.vector_load_idx %arg8[%add3A_321, %broadcast_in_dim3A_394] : memref<208x64xf32, #tpu.memory_space<vmem>>[vector<16xi32>, vector<16xi32>], vector<16xf32>,
        %slice3A_396 = vector.extract_strided_slice %get3A_3 {offsets = [9], sizes = [1], strides = [1]} : vector<16xf32> to vector<1xf32>
        %squeeze3A_397 = vector.extract %slice3A_396[0] : f32 from vector<1xf32>
        %mul3A_398 = vector.broadcast %squeeze3A_397 : f32 to vector<16xf32>
        %mul3A_399 = arith.mulf %gather3A_395, %mul3A_398 : vector<16xf32>
        %add3A_400 = arith.addf %add3A_392, %mul3A_399 : vector<16xf32>
        %broadcast_in_dim3A_401 = arith.constant 10 : i32
        %broadcast_in_dim3A_402 = vector.broadcast %broadcast_in_dim3A_401 : i32 to vector<16xi32>
        %gather3A_403 = tpu.vector_load_idx %arg8[%add3A_321, %broadcast_in_dim3A_402] : memref<208x64xf32, #tpu.memory_space<vmem>>[vector<16xi32>, vector<16xi32>], vector<16xf32>,
        %slice3A_404 = vector.extract_strided_slice %get3A_3 {offsets = [10], sizes = [1], strides = [1]} : vector<16xf32> to vector<1xf32>
        %squeeze3A_405 = vector.extract %slice3A_404[0] : f32 from vector<1xf32>
        %mul3A_406 = vector.broadcast %squeeze3A_405 : f32 to vector<16xf32>
        %mul3A_407 = arith.mulf %gather3A_403, %mul3A_406 : vector<16xf32>
        %add3A_408 = arith.addf %add3A_400, %mul3A_407 : vector<16xf32>
        %broadcast_in_dim3A_409 = arith.constant 11 : i32
        %broadcast_in_dim3A_410 = vector.broadcast %broadcast_in_dim3A_409 : i32 to vector<16xi32>
        %gather3A_411 = tpu.vector_load_idx %arg8[%add3A_321, %broadcast_in_dim3A_410] : memref<208x64xf32, #tpu.memory_space<vmem>>[vector<16xi32>, vector<16xi32>], vector<16xf32>,
        %slice3A_412 = vector.extract_strided_slice %get3A_3 {offsets = [11], sizes = [1], strides = [1]} : vector<16xf32> to vector<1xf32>
        %squeeze3A_413 = vector.extract %slice3A_412[0] : f32 from vector<1xf32>
        %mul3A_414 = vector.broadcast %squeeze3A_413 : f32 to vector<16xf32>
        %mul3A_415 = arith.mulf %gather3A_411, %mul3A_414 : vector<16xf32>
        %add3A_416 = arith.addf %add3A_408, %mul3A_415 : vector<16xf32>
        %broadcast_in_dim3A_417 = arith.constant 12 : i32
        %broadcast_in_dim3A_418 = vector.broadcast %broadcast_in_dim3A_417 : i32 to vector<16xi32>
        %gather3A_419 = tpu.vector_load_idx %arg8[%add3A_321, %broadcast_in_dim3A_418] : memref<208x64xf32, #tpu.memory_space<vmem>>[vector<16xi32>, vector<16xi32>], vector<16xf32>,
        %slice3A_420 = vector.extract_strided_slice %get3A_3 {offsets = [12], sizes = [1], strides = [1]} : vector<16xf32> to vector<1xf32>
        %squeeze3A_421 = vector.extract %slice3A_420[0] : f32 from vector<1xf32>
        %mul3A_422 = vector.broadcast %squeeze3A_421 : f32 to vector<16xf32>
        %mul3A_423 = arith.mulf %gather3A_419, %mul3A_422 : vector<16xf32>
        %add3A_424 = arith.addf %add3A_416, %mul3A_423 : vector<16xf32>
        %broadcast_in_dim3A_425 = arith.constant 13 : i32
        %broadcast_in_dim3A_426 = vector.broadcast %broadcast_in_dim3A_425 : i32 to vector<16xi32>
        %gather3A_427 = tpu.vector_load_idx %arg8[%add3A_321, %broadcast_in_dim3A_426] : memref<208x64xf32, #tpu.memory_space<vmem>>[vector<16xi32>, vector<16xi32>], vector<16xf32>,
        %slice3A_428 = vector.extract_strided_slice %get3A_3 {offsets = [13], sizes = [1], strides = [1]} : vector<16xf32> to vector<1xf32>
        %squeeze3A_429 = vector.extract %slice3A_428[0] : f32 from vector<1xf32>
        %mul3A_430 = vector.broadcast %squeeze3A_429 : f32 to vector<16xf32>
        %mul3A_431 = arith.mulf %gather3A_427, %mul3A_430 : vector<16xf32>
        %add3A_432 = arith.addf %add3A_424, %mul3A_431 : vector<16xf32>
        %broadcast_in_dim3A_433 = arith.constant 14 : i32
        %broadcast_in_dim3A_434 = vector.broadcast %broadcast_in_dim3A_433 : i32 to vector<16xi32>
        %gather3A_435 = tpu.vector_load_idx %arg8[%add3A_321, %broadcast_in_dim3A_434] : memref<208x64xf32, #tpu.memory_space<vmem>>[vector<16xi32>, vector<16xi32>], vector<16xf32>,
        %slice3A_436 = vector.extract_strided_slice %get3A_3 {offsets = [14], sizes = [1], strides = [1]} : vector<16xf32> to vector<1xf32>
        %squeeze3A_437 = vector.extract %slice3A_436[0] : f32 from vector<1xf32>
        %mul3A_438 = vector.broadcast %squeeze3A_437 : f32 to vector<16xf32>
        %mul3A_439 = arith.mulf %gather3A_435, %mul3A_438 : vector<16xf32>
        %add3A_440 = arith.addf %add3A_432, %mul3A_439 : vector<16xf32>
        %broadcast_in_dim3A_441 = arith.constant 15 : i32
        %broadcast_in_dim3A_442 = vector.broadcast %broadcast_in_dim3A_441 : i32 to vector<16xi32>
        %gather3A_443 = tpu.vector_load_idx %arg8[%add3A_321, %broadcast_in_dim3A_442] : memref<208x64xf32, #tpu.memory_space<vmem>>[vector<16xi32>, vector<16xi32>], vector<16xf32>,
        %slice3A_444 = vector.extract_strided_slice %get3A_3 {offsets = [15], sizes = [1], strides = [1]} : vector<16xf32> to vector<1xf32>
        %squeeze3A_445 = vector.extract %slice3A_444[0] : f32 from vector<1xf32>
        %mul3A_446 = vector.broadcast %squeeze3A_445 : f32 to vector<16xf32>
        %mul3A_447 = arith.mulf %gather3A_443, %mul3A_446 : vector<16xf32>
        %add3A_448 = arith.addf %add3A_440, %mul3A_447 : vector<16xf32>
        %broadcast_in_dim3A_449 = arith.constant 16 : i32
        %broadcast_in_dim3A_450 = vector.broadcast %broadcast_in_dim3A_449 : i32 to vector<16xi32>
        %gather3A_451 = tpu.vector_load_idx %arg8[%add3A_321, %broadcast_in_dim3A_450] : memref<208x64xf32, #tpu.memory_space<vmem>>[vector<16xi32>, vector<16xi32>], vector<16xf32>,
        %slice3A_452 = vector.extract_strided_slice %get3A_5 {offsets = [0], sizes = [1], strides = [1]} : vector<16xf32> to vector<1xf32>
        %squeeze3A_453 = vector.extract %slice3A_452[0] : f32 from vector<1xf32>
        %mul3A_454 = vector.broadcast %squeeze3A_453 : f32 to vector<16xf32>
        %mul3A_455 = arith.mulf %gather3A_451, %mul3A_454 : vector<16xf32>
        %add3A_456 = arith.addf %add3A_448, %mul3A_455 : vector<16xf32>
        %broadcast_in_dim3A_457 = arith.constant 17 : i32
        %broadcast_in_dim3A_458 = vector.broadcast %broadcast_in_dim3A_457 : i32 to vector<16xi32>
        %gather3A_459 = tpu.vector_load_idx %arg8[%add3A_321, %broadcast_in_dim3A_458] : memref<208x64xf32, #tpu.memory_space<vmem>>[vector<16xi32>, vector<16xi32>], vector<16xf32>,
        %slice3A_460 = vector.extract_strided_slice %get3A_5 {offsets = [1], sizes = [1], strides = [1]} : vector<16xf32> to vector<1xf32>
        %squeeze3A_461 = vector.extract %slice3A_460[0] : f32 from vector<1xf32>
        %mul3A_462 = vector.broadcast %squeeze3A_461 : f32 to vector<16xf32>
        %mul3A_463 = arith.mulf %gather3A_459, %mul3A_462 : vector<16xf32>
        %add3A_464 = arith.addf %add3A_456, %mul3A_463 : vector<16xf32>
        %broadcast_in_dim3A_465 = arith.constant 18 : i32
        %broadcast_in_dim3A_466 = vector.broadcast %broadcast_in_dim3A_465 : i32 to vector<16xi32>
        %gather3A_467 = tpu.vector_load_idx %arg8[%add3A_321, %broadcast_in_dim3A_466] : memref<208x64xf32, #tpu.memory_space<vmem>>[vector<16xi32>, vector<16xi32>], vector<16xf32>,
        %slice3A_468 = vector.extract_strided_slice %get3A_5 {offsets = [2], sizes = [1], strides = [1]} : vector<16xf32> to vector<1xf32>
        %squeeze3A_469 = vector.extract %slice3A_468[0] : f32 from vector<1xf32>
        %mul3A_470 = vector.broadcast %squeeze3A_469 : f32 to vector<16xf32>
        %mul3A_471 = arith.mulf %gather3A_467, %mul3A_470 : vector<16xf32>
        %add3A_472 = arith.addf %add3A_464, %mul3A_471 : vector<16xf32>
        %broadcast_in_dim3A_473 = arith.constant 19 : i32
        %broadcast_in_dim3A_474 = vector.broadcast %broadcast_in_dim3A_473 : i32 to vector<16xi32>
        %gather3A_475 = tpu.vector_load_idx %arg8[%add3A_321, %broadcast_in_dim3A_474] : memref<208x64xf32, #tpu.memory_space<vmem>>[vector<16xi32>, vector<16xi32>], vector<16xf32>,
        %slice3A_476 = vector.extract_strided_slice %get3A_5 {offsets = [3], sizes = [1], strides = [1]} : vector<16xf32> to vector<1xf32>
        %squeeze3A_477 = vector.extract %slice3A_476[0] : f32 from vector<1xf32>
        %mul3A_478 = vector.broadcast %squeeze3A_477 : f32 to vector<16xf32>
        %mul3A_479 = arith.mulf %gather3A_475, %mul3A_478 : vector<16xf32>
        %add3A_480 = arith.addf %add3A_472, %mul3A_479 : vector<16xf32>
        %broadcast_in_dim3A_481 = arith.constant 20 : i32
        %broadcast_in_dim3A_482 = vector.broadcast %broadcast_in_dim3A_481 : i32 to vector<16xi32>
        %gather3A_483 = tpu.vector_load_idx %arg8[%add3A_321, %broadcast_in_dim3A_482] : memref<208x64xf32, #tpu.memory_space<vmem>>[vector<16xi32>, vector<16xi32>], vector<16xf32>,
        %slice3A_484 = vector.extract_strided_slice %get3A_5 {offsets = [4], sizes = [1], strides = [1]} : vector<16xf32> to vector<1xf32>
        %squeeze3A_485 = vector.extract %slice3A_484[0] : f32 from vector<1xf32>
        %mul3A_486 = vector.broadcast %squeeze3A_485 : f32 to vector<16xf32>
        %mul3A_487 = arith.mulf %gather3A_483, %mul3A_486 : vector<16xf32>
        %add3A_488 = arith.addf %add3A_480, %mul3A_487 : vector<16xf32>
        %broadcast_in_dim3A_489 = arith.constant 21 : i32
        %broadcast_in_dim3A_490 = vector.broadcast %broadcast_in_dim3A_489 : i32 to vector<16xi32>
        %gather3A_491 = tpu.vector_load_idx %arg8[%add3A_321, %broadcast_in_dim3A_490] : memref<208x64xf32, #tpu.memory_space<vmem>>[vector<16xi32>, vector<16xi32>], vector<16xf32>,
        %slice3A_492 = vector.extract_strided_slice %get3A_5 {offsets = [5], sizes = [1], strides = [1]} : vector<16xf32> to vector<1xf32>
        %squeeze3A_493 = vector.extract %slice3A_492[0] : f32 from vector<1xf32>
        %mul3A_494 = vector.broadcast %squeeze3A_493 : f32 to vector<16xf32>
        %mul3A_495 = arith.mulf %gather3A_491, %mul3A_494 : vector<16xf32>
        %add3A_496 = arith.addf %add3A_488, %mul3A_495 : vector<16xf32>
        %broadcast_in_dim3A_497 = arith.constant 22 : i32
        %broadcast_in_dim3A_498 = vector.broadcast %broadcast_in_dim3A_497 : i32 to vector<16xi32>
        %gather3A_499 = tpu.vector_load_idx %arg8[%add3A_321, %broadcast_in_dim3A_498] : memref<208x64xf32, #tpu.memory_space<vmem>>[vector<16xi32>, vector<16xi32>], vector<16xf32>,
        %slice3A_500 = vector.extract_strided_slice %get3A_5 {offsets = [6], sizes = [1], strides = [1]} : vector<16xf32> to vector<1xf32>
        %squeeze3A_501 = vector.extract %slice3A_500[0] : f32 from vector<1xf32>
        %mul3A_502 = vector.broadcast %squeeze3A_501 : f32 to vector<16xf32>
        %mul3A_503 = arith.mulf %gather3A_499, %mul3A_502 : vector<16xf32>
        %add3A_504 = arith.addf %add3A_496, %mul3A_503 : vector<16xf32>
        %broadcast_in_dim3A_505 = arith.constant 23 : i32
        %broadcast_in_dim3A_506 = vector.broadcast %broadcast_in_dim3A_505 : i32 to vector<16xi32>
        %gather3A_507 = tpu.vector_load_idx %arg8[%add3A_321, %broadcast_in_dim3A_506] : memref<208x64xf32, #tpu.memory_space<vmem>>[vector<16xi32>, vector<16xi32>], vector<16xf32>,
        %slice3A_508 = vector.extract_strided_slice %get3A_5 {offsets = [7], sizes = [1], strides = [1]} : vector<16xf32> to vector<1xf32>
        %squeeze3A_509 = vector.extract %slice3A_508[0] : f32 from vector<1xf32>
        %mul3A_510 = vector.broadcast %squeeze3A_509 : f32 to vector<16xf32>
        %mul3A_511 = arith.mulf %gather3A_507, %mul3A_510 : vector<16xf32>
        %add3A_512 = arith.addf %add3A_504, %mul3A_511 : vector<16xf32>
        %broadcast_in_dim3A_513 = arith.constant 24 : i32
        %broadcast_in_dim3A_514 = vector.broadcast %broadcast_in_dim3A_513 : i32 to vector<16xi32>
        %gather3A_515 = tpu.vector_load_idx %arg8[%add3A_321, %broadcast_in_dim3A_514] : memref<208x64xf32, #tpu.memory_space<vmem>>[vector<16xi32>, vector<16xi32>], vector<16xf32>,
        %slice3A_516 = vector.extract_strided_slice %get3A_5 {offsets = [8], sizes = [1], strides = [1]} : vector<16xf32> to vector<1xf32>
        %squeeze3A_517 = vector.extract %slice3A_516[0] : f32 from vector<1xf32>
        %mul3A_518 = vector.broadcast %squeeze3A_517 : f32 to vector<16xf32>
        %mul3A_519 = arith.mulf %gather3A_515, %mul3A_518 : vector<16xf32>
        %add3A_520 = arith.addf %add3A_512, %mul3A_519 : vector<16xf32>
        %broadcast_in_dim3A_521 = arith.constant 25 : i32
        %broadcast_in_dim3A_522 = vector.broadcast %broadcast_in_dim3A_521 : i32 to vector<16xi32>
        %gather3A_523 = tpu.vector_load_idx %arg8[%add3A_321, %broadcast_in_dim3A_522] : memref<208x64xf32, #tpu.memory_space<vmem>>[vector<16xi32>, vector<16xi32>], vector<16xf32>,
        %slice3A_524 = vector.extract_strided_slice %get3A_5 {offsets = [9], sizes = [1], strides = [1]} : vector<16xf32> to vector<1xf32>
        %squeeze3A_525 = vector.extract %slice3A_524[0] : f32 from vector<1xf32>
        %mul3A_526 = vector.broadcast %squeeze3A_525 : f32 to vector<16xf32>
        %mul3A_527 = arith.mulf %gather3A_523, %mul3A_526 : vector<16xf32>
        %add3A_528 = arith.addf %add3A_520, %mul3A_527 : vector<16xf32>
        %broadcast_in_dim3A_529 = arith.constant 26 : i32
        %broadcast_in_dim3A_530 = vector.broadcast %broadcast_in_dim3A_529 : i32 to vector<16xi32>
        %gather3A_531 = tpu.vector_load_idx %arg8[%add3A_321, %broadcast_in_dim3A_530] : memref<208x64xf32, #tpu.memory_space<vmem>>[vector<16xi32>, vector<16xi32>], vector<16xf32>,
        %slice3A_532 = vector.extract_strided_slice %get3A_5 {offsets = [10], sizes = [1], strides = [1]} : vector<16xf32> to vector<1xf32>
        %squeeze3A_533 = vector.extract %slice3A_532[0] : f32 from vector<1xf32>
        %mul3A_534 = vector.broadcast %squeeze3A_533 : f32 to vector<16xf32>
        %mul3A_535 = arith.mulf %gather3A_531, %mul3A_534 : vector<16xf32>
        %add3A_536 = arith.addf %add3A_528, %mul3A_535 : vector<16xf32>
        %broadcast_in_dim3A_537 = arith.constant 27 : i32
        %broadcast_in_dim3A_538 = vector.broadcast %broadcast_in_dim3A_537 : i32 to vector<16xi32>
        %gather3A_539 = tpu.vector_load_idx %arg8[%add3A_321, %broadcast_in_dim3A_538] : memref<208x64xf32, #tpu.memory_space<vmem>>[vector<16xi32>, vector<16xi32>], vector<16xf32>,
        %slice3A_540 = vector.extract_strided_slice %get3A_5 {offsets = [11], sizes = [1], strides = [1]} : vector<16xf32> to vector<1xf32>
        %squeeze3A_541 = vector.extract %slice3A_540[0] : f32 from vector<1xf32>
        %mul3A_542 = vector.broadcast %squeeze3A_541 : f32 to vector<16xf32>
        %mul3A_543 = arith.mulf %gather3A_539, %mul3A_542 : vector<16xf32>
        %add3A_544 = arith.addf %add3A_536, %mul3A_543 : vector<16xf32>
        %broadcast_in_dim3A_545 = arith.constant 28 : i32
        %broadcast_in_dim3A_546 = vector.broadcast %broadcast_in_dim3A_545 : i32 to vector<16xi32>
        %gather3A_547 = tpu.vector_load_idx %arg8[%add3A_321, %broadcast_in_dim3A_546] : memref<208x64xf32, #tpu.memory_space<vmem>>[vector<16xi32>, vector<16xi32>], vector<16xf32>,
        %slice3A_548 = vector.extract_strided_slice %get3A_5 {offsets = [12], sizes = [1], strides = [1]} : vector<16xf32> to vector<1xf32>
        %squeeze3A_549 = vector.extract %slice3A_548[0] : f32 from vector<1xf32>
        %mul3A_550 = vector.broadcast %squeeze3A_549 : f32 to vector<16xf32>
        %mul3A_551 = arith.mulf %gather3A_547, %mul3A_550 : vector<16xf32>
        %add3A_552 = arith.addf %add3A_544, %mul3A_551 : vector<16xf32>
        %broadcast_in_dim3A_553 = arith.constant 29 : i32
        %broadcast_in_dim3A_554 = vector.broadcast %broadcast_in_dim3A_553 : i32 to vector<16xi32>
        %gather3A_555 = tpu.vector_load_idx %arg8[%add3A_321, %broadcast_in_dim3A_554] : memref<208x64xf32, #tpu.memory_space<vmem>>[vector<16xi32>, vector<16xi32>], vector<16xf32>,
        %slice3A_556 = vector.extract_strided_slice %get3A_5 {offsets = [13], sizes = [1], strides = [1]} : vector<16xf32> to vector<1xf32>
        %squeeze3A_557 = vector.extract %slice3A_556[0] : f32 from vector<1xf32>
        %mul3A_558 = vector.broadcast %squeeze3A_557 : f32 to vector<16xf32>
        %mul3A_559 = arith.mulf %gather3A_555, %mul3A_558 : vector<16xf32>
        %add3A_560 = arith.addf %add3A_552, %mul3A_559 : vector<16xf32>
        %broadcast_in_dim3A_561 = arith.constant 30 : i32
        %broadcast_in_dim3A_562 = vector.broadcast %broadcast_in_dim3A_561 : i32 to vector<16xi32>
        %gather3A_563 = tpu.vector_load_idx %arg8[%add3A_321, %broadcast_in_dim3A_562] : memref<208x64xf32, #tpu.memory_space<vmem>>[vector<16xi32>, vector<16xi32>], vector<16xf32>,
        %slice3A_564 = vector.extract_strided_slice %get3A_5 {offsets = [14], sizes = [1], strides = [1]} : vector<16xf32> to vector<1xf32>
        %squeeze3A_565 = vector.extract %slice3A_564[0] : f32 from vector<1xf32>
        %mul3A_566 = vector.broadcast %squeeze3A_565 : f32 to vector<16xf32>
        %mul3A_567 = arith.mulf %gather3A_563, %mul3A_566 : vector<16xf32>
        %add3A_568 = arith.addf %add3A_560, %mul3A_567 : vector<16xf32>
        %broadcast_in_dim3A_569 = arith.constant 31 : i32
        %broadcast_in_dim3A_570 = vector.broadcast %broadcast_in_dim3A_569 : i32 to vector<16xi32>
        %gather3A_571 = tpu.vector_load_idx %arg8[%add3A_321, %broadcast_in_dim3A_570] : memref<208x64xf32, #tpu.memory_space<vmem>>[vector<16xi32>, vector<16xi32>], vector<16xf32>,
        %slice3A_572 = vector.extract_strided_slice %get3A_5 {offsets = [15], sizes = [1], strides = [1]} : vector<16xf32> to vector<1xf32>
        %squeeze3A_573 = vector.extract %slice3A_572[0] : f32 from vector<1xf32>
        %mul3A_574 = vector.broadcast %squeeze3A_573 : f32 to vector<16xf32>
        %mul3A_575 = arith.mulf %gather3A_571, %mul3A_574 : vector<16xf32>
        %add3A_576 = arith.addf %add3A_568, %mul3A_575 : vector<16xf32>
        %broadcast_in_dim3A_577 = arith.constant 32 : i32
        %broadcast_in_dim3A_578 = vector.broadcast %broadcast_in_dim3A_577 : i32 to vector<16xi32>
        %gather3A_579 = tpu.vector_load_idx %arg8[%add3A_321, %broadcast_in_dim3A_578] : memref<208x64xf32, #tpu.memory_space<vmem>>[vector<16xi32>, vector<16xi32>], vector<16xf32>,
        %slice3A_580 = vector.extract_strided_slice %get3A_7 {offsets = [0], sizes = [1], strides = [1]} : vector<16xf32> to vector<1xf32>
        %squeeze3A_581 = vector.extract %slice3A_580[0] : f32 from vector<1xf32>
        %mul3A_582 = vector.broadcast %squeeze3A_581 : f32 to vector<16xf32>
        %mul3A_583 = arith.mulf %gather3A_579, %mul3A_582 : vector<16xf32>
        %add3A_584 = arith.addf %add3A_576, %mul3A_583 : vector<16xf32>
        %broadcast_in_dim3A_585 = arith.constant 33 : i32
        %broadcast_in_dim3A_586 = vector.broadcast %broadcast_in_dim3A_585 : i32 to vector<16xi32>
        %gather3A_587 = tpu.vector_load_idx %arg8[%add3A_321, %broadcast_in_dim3A_586] : memref<208x64xf32, #tpu.memory_space<vmem>>[vector<16xi32>, vector<16xi32>], vector<16xf32>,
        %slice3A_588 = vector.extract_strided_slice %get3A_7 {offsets = [1], sizes = [1], strides = [1]} : vector<16xf32> to vector<1xf32>
        %squeeze3A_589 = vector.extract %slice3A_588[0] : f32 from vector<1xf32>
        %mul3A_590 = vector.broadcast %squeeze3A_589 : f32 to vector<16xf32>
        %mul3A_591 = arith.mulf %gather3A_587, %mul3A_590 : vector<16xf32>
        %add3A_592 = arith.addf %add3A_584, %mul3A_591 : vector<16xf32>
        %broadcast_in_dim3A_593 = arith.constant 34 : i32
        %broadcast_in_dim3A_594 = vector.broadcast %broadcast_in_dim3A_593 : i32 to vector<16xi32>
        %gather3A_595 = tpu.vector_load_idx %arg8[%add3A_321, %broadcast_in_dim3A_594] : memref<208x64xf32, #tpu.memory_space<vmem>>[vector<16xi32>, vector<16xi32>], vector<16xf32>,
        %slice3A_596 = vector.extract_strided_slice %get3A_7 {offsets = [2], sizes = [1], strides = [1]} : vector<16xf32> to vector<1xf32>
        %squeeze3A_597 = vector.extract %slice3A_596[0] : f32 from vector<1xf32>
        %mul3A_598 = vector.broadcast %squeeze3A_597 : f32 to vector<16xf32>
        %mul3A_599 = arith.mulf %gather3A_595, %mul3A_598 : vector<16xf32>
        %add3A_600 = arith.addf %add3A_592, %mul3A_599 : vector<16xf32>
        %broadcast_in_dim3A_601 = arith.constant 35 : i32
        %broadcast_in_dim3A_602 = vector.broadcast %broadcast_in_dim3A_601 : i32 to vector<16xi32>
        %gather3A_603 = tpu.vector_load_idx %arg8[%add3A_321, %broadcast_in_dim3A_602] : memref<208x64xf32, #tpu.memory_space<vmem>>[vector<16xi32>, vector<16xi32>], vector<16xf32>,
        %slice3A_604 = vector.extract_strided_slice %get3A_7 {offsets = [3], sizes = [1], strides = [1]} : vector<16xf32> to vector<1xf32>
        %squeeze3A_605 = vector.extract %slice3A_604[0] : f32 from vector<1xf32>
        %mul3A_606 = vector.broadcast %squeeze3A_605 : f32 to vector<16xf32>
        %mul3A_607 = arith.mulf %gather3A_603, %mul3A_606 : vector<16xf32>
        %add3A_608 = arith.addf %add3A_600, %mul3A_607 : vector<16xf32>
        %broadcast_in_dim3A_609 = arith.constant 36 : i32
        %broadcast_in_dim3A_610 = vector.broadcast %broadcast_in_dim3A_609 : i32 to vector<16xi32>
        %gather3A_611 = tpu.vector_load_idx %arg8[%add3A_321, %broadcast_in_dim3A_610] : memref<208x64xf32, #tpu.memory_space<vmem>>[vector<16xi32>, vector<16xi32>], vector<16xf32>,
        %slice3A_612 = vector.extract_strided_slice %get3A_7 {offsets = [4], sizes = [1], strides = [1]} : vector<16xf32> to vector<1xf32>
        %squeeze3A_613 = vector.extract %slice3A_612[0] : f32 from vector<1xf32>
        %mul3A_614 = vector.broadcast %squeeze3A_613 : f32 to vector<16xf32>
        %mul3A_615 = arith.mulf %gather3A_611, %mul3A_614 : vector<16xf32>
        %add3A_616 = arith.addf %add3A_608, %mul3A_615 : vector<16xf32>
        %broadcast_in_dim3A_617 = arith.constant 37 : i32
        %broadcast_in_dim3A_618 = vector.broadcast %broadcast_in_dim3A_617 : i32 to vector<16xi32>
        %gather3A_619 = tpu.vector_load_idx %arg8[%add3A_321, %broadcast_in_dim3A_618] : memref<208x64xf32, #tpu.memory_space<vmem>>[vector<16xi32>, vector<16xi32>], vector<16xf32>,
        %slice3A_620 = vector.extract_strided_slice %get3A_7 {offsets = [5], sizes = [1], strides = [1]} : vector<16xf32> to vector<1xf32>
        %squeeze3A_621 = vector.extract %slice3A_620[0] : f32 from vector<1xf32>
        %mul3A_622 = vector.broadcast %squeeze3A_621 : f32 to vector<16xf32>
        %mul3A_623 = arith.mulf %gather3A_619, %mul3A_622 : vector<16xf32>
        %add3A_624 = arith.addf %add3A_616, %mul3A_623 : vector<16xf32>
        %broadcast_in_dim3A_625 = arith.constant 38 : i32
        %broadcast_in_dim3A_626 = vector.broadcast %broadcast_in_dim3A_625 : i32 to vector<16xi32>
        %gather3A_627 = tpu.vector_load_idx %arg8[%add3A_321, %broadcast_in_dim3A_626] : memref<208x64xf32, #tpu.memory_space<vmem>>[vector<16xi32>, vector<16xi32>], vector<16xf32>,
        %slice3A_628 = vector.extract_strided_slice %get3A_7 {offsets = [6], sizes = [1], strides = [1]} : vector<16xf32> to vector<1xf32>
        %squeeze3A_629 = vector.extract %slice3A_628[0] : f32 from vector<1xf32>
        %mul3A_630 = vector.broadcast %squeeze3A_629 : f32 to vector<16xf32>
        %mul3A_631 = arith.mulf %gather3A_627, %mul3A_630 : vector<16xf32>
        %add3A_632 = arith.addf %add3A_624, %mul3A_631 : vector<16xf32>
        %broadcast_in_dim3A_633 = arith.constant 39 : i32
        %broadcast_in_dim3A_634 = vector.broadcast %broadcast_in_dim3A_633 : i32 to vector<16xi32>
        %gather3A_635 = tpu.vector_load_idx %arg8[%add3A_321, %broadcast_in_dim3A_634] : memref<208x64xf32, #tpu.memory_space<vmem>>[vector<16xi32>, vector<16xi32>], vector<16xf32>,
        %slice3A_636 = vector.extract_strided_slice %get3A_7 {offsets = [7], sizes = [1], strides = [1]} : vector<16xf32> to vector<1xf32>
        %squeeze3A_637 = vector.extract %slice3A_636[0] : f32 from vector<1xf32>
        %mul3A_638 = vector.broadcast %squeeze3A_637 : f32 to vector<16xf32>
        %mul3A_639 = arith.mulf %gather3A_635, %mul3A_638 : vector<16xf32>
        %add3A_640 = arith.addf %add3A_632, %mul3A_639 : vector<16xf32>
        %broadcast_in_dim3A_641 = arith.constant 40 : i32
        %broadcast_in_dim3A_642 = vector.broadcast %broadcast_in_dim3A_641 : i32 to vector<16xi32>
        %gather3A_643 = tpu.vector_load_idx %arg8[%add3A_321, %broadcast_in_dim3A_642] : memref<208x64xf32, #tpu.memory_space<vmem>>[vector<16xi32>, vector<16xi32>], vector<16xf32>,
        %slice3A_644 = vector.extract_strided_slice %get3A_7 {offsets = [8], sizes = [1], strides = [1]} : vector<16xf32> to vector<1xf32>
        %squeeze3A_645 = vector.extract %slice3A_644[0] : f32 from vector<1xf32>
        %mul3A_646 = vector.broadcast %squeeze3A_645 : f32 to vector<16xf32>
        %mul3A_647 = arith.mulf %gather3A_643, %mul3A_646 : vector<16xf32>
        %add3A_648 = arith.addf %add3A_640, %mul3A_647 : vector<16xf32>
        %broadcast_in_dim3A_649 = arith.constant 41 : i32
        %broadcast_in_dim3A_650 = vector.broadcast %broadcast_in_dim3A_649 : i32 to vector<16xi32>
        %gather3A_651 = tpu.vector_load_idx %arg8[%add3A_321, %broadcast_in_dim3A_650] : memref<208x64xf32, #tpu.memory_space<vmem>>[vector<16xi32>, vector<16xi32>], vector<16xf32>,
        %slice3A_652 = vector.extract_strided_slice %get3A_7 {offsets = [9], sizes = [1], strides = [1]} : vector<16xf32> to vector<1xf32>
        %squeeze3A_653 = vector.extract %slice3A_652[0] : f32 from vector<1xf32>
        %mul3A_654 = vector.broadcast %squeeze3A_653 : f32 to vector<16xf32>
        %mul3A_655 = arith.mulf %gather3A_651, %mul3A_654 : vector<16xf32>
        %add3A_656 = arith.addf %add3A_648, %mul3A_655 : vector<16xf32>
        %broadcast_in_dim3A_657 = arith.constant 42 : i32
        %broadcast_in_dim3A_658 = vector.broadcast %broadcast_in_dim3A_657 : i32 to vector<16xi32>
        %gather3A_659 = tpu.vector_load_idx %arg8[%add3A_321, %broadcast_in_dim3A_658] : memref<208x64xf32, #tpu.memory_space<vmem>>[vector<16xi32>, vector<16xi32>], vector<16xf32>,
        %slice3A_660 = vector.extract_strided_slice %get3A_7 {offsets = [10], sizes = [1], strides = [1]} : vector<16xf32> to vector<1xf32>
        %squeeze3A_661 = vector.extract %slice3A_660[0] : f32 from vector<1xf32>
        %mul3A_662 = vector.broadcast %squeeze3A_661 : f32 to vector<16xf32>
        %mul3A_663 = arith.mulf %gather3A_659, %mul3A_662 : vector<16xf32>
        %add3A_664 = arith.addf %add3A_656, %mul3A_663 : vector<16xf32>
        %broadcast_in_dim3A_665 = arith.constant 43 : i32
        %broadcast_in_dim3A_666 = vector.broadcast %broadcast_in_dim3A_665 : i32 to vector<16xi32>
        %gather3A_667 = tpu.vector_load_idx %arg8[%add3A_321, %broadcast_in_dim3A_666] : memref<208x64xf32, #tpu.memory_space<vmem>>[vector<16xi32>, vector<16xi32>], vector<16xf32>,
        %slice3A_668 = vector.extract_strided_slice %get3A_7 {offsets = [11], sizes = [1], strides = [1]} : vector<16xf32> to vector<1xf32>
        %squeeze3A_669 = vector.extract %slice3A_668[0] : f32 from vector<1xf32>
        %mul3A_670 = vector.broadcast %squeeze3A_669 : f32 to vector<16xf32>
        %mul3A_671 = arith.mulf %gather3A_667, %mul3A_670 : vector<16xf32>
        %add3A_672 = arith.addf %add3A_664, %mul3A_671 : vector<16xf32>
        %broadcast_in_dim3A_673 = arith.constant 44 : i32
        %broadcast_in_dim3A_674 = vector.broadcast %broadcast_in_dim3A_673 : i32 to vector<16xi32>
        %gather3A_675 = tpu.vector_load_idx %arg8[%add3A_321, %broadcast_in_dim3A_674] : memref<208x64xf32, #tpu.memory_space<vmem>>[vector<16xi32>, vector<16xi32>], vector<16xf32>,
        %slice3A_676 = vector.extract_strided_slice %get3A_7 {offsets = [12], sizes = [1], strides = [1]} : vector<16xf32> to vector<1xf32>
        %squeeze3A_677 = vector.extract %slice3A_676[0] : f32 from vector<1xf32>
        %mul3A_678 = vector.broadcast %squeeze3A_677 : f32 to vector<16xf32>
        %mul3A_679 = arith.mulf %gather3A_675, %mul3A_678 : vector<16xf32>
        %add3A_680 = arith.addf %add3A_672, %mul3A_679 : vector<16xf32>
        %broadcast_in_dim3A_681 = arith.constant 45 : i32
        %broadcast_in_dim3A_682 = vector.broadcast %broadcast_in_dim3A_681 : i32 to vector<16xi32>
        %gather3A_683 = tpu.vector_load_idx %arg8[%add3A_321, %broadcast_in_dim3A_682] : memref<208x64xf32, #tpu.memory_space<vmem>>[vector<16xi32>, vector<16xi32>], vector<16xf32>,
        %slice3A_684 = vector.extract_strided_slice %get3A_7 {offsets = [13], sizes = [1], strides = [1]} : vector<16xf32> to vector<1xf32>
        %squeeze3A_685 = vector.extract %slice3A_684[0] : f32 from vector<1xf32>
        %mul3A_686 = vector.broadcast %squeeze3A_685 : f32 to vector<16xf32>
        %mul3A_687 = arith.mulf %gather3A_683, %mul3A_686 : vector<16xf32>
        %add3A_688 = arith.addf %add3A_680, %mul3A_687 : vector<16xf32>
        %broadcast_in_dim3A_689 = arith.constant 46 : i32
        %broadcast_in_dim3A_690 = vector.broadcast %broadcast_in_dim3A_689 : i32 to vector<16xi32>
        %gather3A_691 = tpu.vector_load_idx %arg8[%add3A_321, %broadcast_in_dim3A_690] : memref<208x64xf32, #tpu.memory_space<vmem>>[vector<16xi32>, vector<16xi32>], vector<16xf32>,
        %slice3A_692 = vector.extract_strided_slice %get3A_7 {offsets = [14], sizes = [1], strides = [1]} : vector<16xf32> to vector<1xf32>
        %squeeze3A_693 = vector.extract %slice3A_692[0] : f32 from vector<1xf32>
        %mul3A_694 = vector.broadcast %squeeze3A_693 : f32 to vector<16xf32>
        %mul3A_695 = arith.mulf %gather3A_691, %mul3A_694 : vector<16xf32>
        %add3A_696 = arith.addf %add3A_688, %mul3A_695 : vector<16xf32>
        %broadcast_in_dim3A_697 = arith.constant 47 : i32
        %broadcast_in_dim3A_698 = vector.broadcast %broadcast_in_dim3A_697 : i32 to vector<16xi32>
        %gather3A_699 = tpu.vector_load_idx %arg8[%add3A_321, %broadcast_in_dim3A_698] : memref<208x64xf32, #tpu.memory_space<vmem>>[vector<16xi32>, vector<16xi32>], vector<16xf32>,
        %slice3A_700 = vector.extract_strided_slice %get3A_7 {offsets = [15], sizes = [1], strides = [1]} : vector<16xf32> to vector<1xf32>
        %squeeze3A_701 = vector.extract %slice3A_700[0] : f32 from vector<1xf32>
        %mul3A_702 = vector.broadcast %squeeze3A_701 : f32 to vector<16xf32>
        %mul3A_703 = arith.mulf %gather3A_699, %mul3A_702 : vector<16xf32>
        %add3A_704 = arith.addf %add3A_696, %mul3A_703 : vector<16xf32>
        %broadcast_in_dim3A_705 = arith.constant 48 : i32
        %broadcast_in_dim3A_706 = vector.broadcast %broadcast_in_dim3A_705 : i32 to vector<16xi32>
        %gather3A_707 = tpu.vector_load_idx %arg8[%add3A_321, %broadcast_in_dim3A_706] : memref<208x64xf32, #tpu.memory_space<vmem>>[vector<16xi32>, vector<16xi32>], vector<16xf32>,
        %slice3A_708 = vector.extract_strided_slice %get3A_9 {offsets = [0], sizes = [1], strides = [1]} : vector<16xf32> to vector<1xf32>
        %squeeze3A_709 = vector.extract %slice3A_708[0] : f32 from vector<1xf32>
        %mul3A_710 = vector.broadcast %squeeze3A_709 : f32 to vector<16xf32>
        %mul3A_711 = arith.mulf %gather3A_707, %mul3A_710 : vector<16xf32>
        %add3A_712 = arith.addf %add3A_704, %mul3A_711 : vector<16xf32>
        %broadcast_in_dim3A_713 = arith.constant 49 : i32
        %broadcast_in_dim3A_714 = vector.broadcast %broadcast_in_dim3A_713 : i32 to vector<16xi32>
        %gather3A_715 = tpu.vector_load_idx %arg8[%add3A_321, %broadcast_in_dim3A_714] : memref<208x64xf32, #tpu.memory_space<vmem>>[vector<16xi32>, vector<16xi32>], vector<16xf32>,
        %slice3A_716 = vector.extract_strided_slice %get3A_9 {offsets = [1], sizes = [1], strides = [1]} : vector<16xf32> to vector<1xf32>
        %squeeze3A_717 = vector.extract %slice3A_716[0] : f32 from vector<1xf32>
        %mul3A_718 = vector.broadcast %squeeze3A_717 : f32 to vector<16xf32>
        %mul3A_719 = arith.mulf %gather3A_715, %mul3A_718 : vector<16xf32>
        %add3A_720 = arith.addf %add3A_712, %mul3A_719 : vector<16xf32>
        %broadcast_in_dim3A_721 = arith.constant 50 : i32
        %broadcast_in_dim3A_722 = vector.broadcast %broadcast_in_dim3A_721 : i32 to vector<16xi32>
        %gather3A_723 = tpu.vector_load_idx %arg8[%add3A_321, %broadcast_in_dim3A_722] : memref<208x64xf32, #tpu.memory_space<vmem>>[vector<16xi32>, vector<16xi32>], vector<16xf32>,
        %slice3A_724 = vector.extract_strided_slice %get3A_9 {offsets = [2], sizes = [1], strides = [1]} : vector<16xf32> to vector<1xf32>
        %squeeze3A_725 = vector.extract %slice3A_724[0] : f32 from vector<1xf32>
        %mul3A_726 = vector.broadcast %squeeze3A_725 : f32 to vector<16xf32>
        %mul3A_727 = arith.mulf %gather3A_723, %mul3A_726 : vector<16xf32>
        %add3A_728 = arith.addf %add3A_720, %mul3A_727 : vector<16xf32>
        %broadcast_in_dim3A_729 = arith.constant 51 : i32
        %broadcast_in_dim3A_730 = vector.broadcast %broadcast_in_dim3A_729 : i32 to vector<16xi32>
        %gather3A_731 = tpu.vector_load_idx %arg8[%add3A_321, %broadcast_in_dim3A_730] : memref<208x64xf32, #tpu.memory_space<vmem>>[vector<16xi32>, vector<16xi32>], vector<16xf32>,
        %slice3A_732 = vector.extract_strided_slice %get3A_9 {offsets = [3], sizes = [1], strides = [1]} : vector<16xf32> to vector<1xf32>
        %squeeze3A_733 = vector.extract %slice3A_732[0] : f32 from vector<1xf32>
        %mul3A_734 = vector.broadcast %squeeze3A_733 : f32 to vector<16xf32>
        %mul3A_735 = arith.mulf %gather3A_731, %mul3A_734 : vector<16xf32>
        %add3A_736 = arith.addf %add3A_728, %mul3A_735 : vector<16xf32>
        %broadcast_in_dim3A_737 = arith.constant 52 : i32
        %broadcast_in_dim3A_738 = vector.broadcast %broadcast_in_dim3A_737 : i32 to vector<16xi32>
        %gather3A_739 = tpu.vector_load_idx %arg8[%add3A_321, %broadcast_in_dim3A_738] : memref<208x64xf32, #tpu.memory_space<vmem>>[vector<16xi32>, vector<16xi32>], vector<16xf32>,
        %slice3A_740 = vector.extract_strided_slice %get3A_9 {offsets = [4], sizes = [1], strides = [1]} : vector<16xf32> to vector<1xf32>
        %squeeze3A_741 = vector.extract %slice3A_740[0] : f32 from vector<1xf32>
        %mul3A_742 = vector.broadcast %squeeze3A_741 : f32 to vector<16xf32>
        %mul3A_743 = arith.mulf %gather3A_739, %mul3A_742 : vector<16xf32>
        %add3A_744 = arith.addf %add3A_736, %mul3A_743 : vector<16xf32>
        %broadcast_in_dim3A_745 = arith.constant 53 : i32
        %broadcast_in_dim3A_746 = vector.broadcast %broadcast_in_dim3A_745 : i32 to vector<16xi32>
        %gather3A_747 = tpu.vector_load_idx %arg8[%add3A_321, %broadcast_in_dim3A_746] : memref<208x64xf32, #tpu.memory_space<vmem>>[vector<16xi32>, vector<16xi32>], vector<16xf32>,
        %slice3A_748 = vector.extract_strided_slice %get3A_9 {offsets = [5], sizes = [1], strides = [1]} : vector<16xf32> to vector<1xf32>
        %squeeze3A_749 = vector.extract %slice3A_748[0] : f32 from vector<1xf32>
        %mul3A_750 = vector.broadcast %squeeze3A_749 : f32 to vector<16xf32>
        %mul3A_751 = arith.mulf %gather3A_747, %mul3A_750 : vector<16xf32>
        %add3A_752 = arith.addf %add3A_744, %mul3A_751 : vector<16xf32>
        %broadcast_in_dim3A_753 = arith.constant 54 : i32
        %broadcast_in_dim3A_754 = vector.broadcast %broadcast_in_dim3A_753 : i32 to vector<16xi32>
        %gather3A_755 = tpu.vector_load_idx %arg8[%add3A_321, %broadcast_in_dim3A_754] : memref<208x64xf32, #tpu.memory_space<vmem>>[vector<16xi32>, vector<16xi32>], vector<16xf32>,
        %slice3A_756 = vector.extract_strided_slice %get3A_9 {offsets = [6], sizes = [1], strides = [1]} : vector<16xf32> to vector<1xf32>
        %squeeze3A_757 = vector.extract %slice3A_756[0] : f32 from vector<1xf32>
        %mul3A_758 = vector.broadcast %squeeze3A_757 : f32 to vector<16xf32>
        %mul3A_759 = arith.mulf %gather3A_755, %mul3A_758 : vector<16xf32>
        %add3A_760 = arith.addf %add3A_752, %mul3A_759 : vector<16xf32>
        %broadcast_in_dim3A_761 = arith.constant 55 : i32
        %broadcast_in_dim3A_762 = vector.broadcast %broadcast_in_dim3A_761 : i32 to vector<16xi32>
        %gather3A_763 = tpu.vector_load_idx %arg8[%add3A_321, %broadcast_in_dim3A_762] : memref<208x64xf32, #tpu.memory_space<vmem>>[vector<16xi32>, vector<16xi32>], vector<16xf32>,
        %slice3A_764 = vector.extract_strided_slice %get3A_9 {offsets = [7], sizes = [1], strides = [1]} : vector<16xf32> to vector<1xf32>
        %squeeze3A_765 = vector.extract %slice3A_764[0] : f32 from vector<1xf32>
        %mul3A_766 = vector.broadcast %squeeze3A_765 : f32 to vector<16xf32>
        %mul3A_767 = arith.mulf %gather3A_763, %mul3A_766 : vector<16xf32>
        %add3A_768 = arith.addf %add3A_760, %mul3A_767 : vector<16xf32>
        %broadcast_in_dim3A_769 = arith.constant 56 : i32
        %broadcast_in_dim3A_770 = vector.broadcast %broadcast_in_dim3A_769 : i32 to vector<16xi32>
        %gather3A_771 = tpu.vector_load_idx %arg8[%add3A_321, %broadcast_in_dim3A_770] : memref<208x64xf32, #tpu.memory_space<vmem>>[vector<16xi32>, vector<16xi32>], vector<16xf32>,
        %slice3A_772 = vector.extract_strided_slice %get3A_9 {offsets = [8], sizes = [1], strides = [1]} : vector<16xf32> to vector<1xf32>
        %squeeze3A_773 = vector.extract %slice3A_772[0] : f32 from vector<1xf32>
        %mul3A_774 = vector.broadcast %squeeze3A_773 : f32 to vector<16xf32>
        %mul3A_775 = arith.mulf %gather3A_771, %mul3A_774 : vector<16xf32>
        %add3A_776 = arith.addf %add3A_768, %mul3A_775 : vector<16xf32>
        %broadcast_in_dim3A_777 = arith.constant 57 : i32
        %broadcast_in_dim3A_778 = vector.broadcast %broadcast_in_dim3A_777 : i32 to vector<16xi32>
        %gather3A_779 = tpu.vector_load_idx %arg8[%add3A_321, %broadcast_in_dim3A_778] : memref<208x64xf32, #tpu.memory_space<vmem>>[vector<16xi32>, vector<16xi32>], vector<16xf32>,
        %slice3A_780 = vector.extract_strided_slice %get3A_9 {offsets = [9], sizes = [1], strides = [1]} : vector<16xf32> to vector<1xf32>
        %squeeze3A_781 = vector.extract %slice3A_780[0] : f32 from vector<1xf32>
        %mul3A_782 = vector.broadcast %squeeze3A_781 : f32 to vector<16xf32>
        %mul3A_783 = arith.mulf %gather3A_779, %mul3A_782 : vector<16xf32>
        %add3A_784 = arith.addf %add3A_776, %mul3A_783 : vector<16xf32>
        %broadcast_in_dim3A_785 = arith.constant 58 : i32
        %broadcast_in_dim3A_786 = vector.broadcast %broadcast_in_dim3A_785 : i32 to vector<16xi32>
        %gather3A_787 = tpu.vector_load_idx %arg8[%add3A_321, %broadcast_in_dim3A_786] : memref<208x64xf32, #tpu.memory_space<vmem>>[vector<16xi32>, vector<16xi32>], vector<16xf32>,
        %slice3A_788 = vector.extract_strided_slice %get3A_9 {offsets = [10], sizes = [1], strides = [1]} : vector<16xf32> to vector<1xf32>
        %squeeze3A_789 = vector.extract %slice3A_788[0] : f32 from vector<1xf32>
        %mul3A_790 = vector.broadcast %squeeze3A_789 : f32 to vector<16xf32>
        %mul3A_791 = arith.mulf %gather3A_787, %mul3A_790 : vector<16xf32>
        %add3A_792 = arith.addf %add3A_784, %mul3A_791 : vector<16xf32>
        %broadcast_in_dim3A_793 = arith.constant 59 : i32
        %broadcast_in_dim3A_794 = vector.broadcast %broadcast_in_dim3A_793 : i32 to vector<16xi32>
        %gather3A_795 = tpu.vector_load_idx %arg8[%add3A_321, %broadcast_in_dim3A_794] : memref<208x64xf32, #tpu.memory_space<vmem>>[vector<16xi32>, vector<16xi32>], vector<16xf32>,
        %slice3A_796 = vector.extract_strided_slice %get3A_9 {offsets = [11], sizes = [1], strides = [1]} : vector<16xf32> to vector<1xf32>
        %squeeze3A_797 = vector.extract %slice3A_796[0] : f32 from vector<1xf32>
        %mul3A_798 = vector.broadcast %squeeze3A_797 : f32 to vector<16xf32>
        %mul3A_799 = arith.mulf %gather3A_795, %mul3A_798 : vector<16xf32>
        %add3A_800 = arith.addf %add3A_792, %mul3A_799 : vector<16xf32>
        %broadcast_in_dim3A_801 = arith.constant 60 : i32
        %broadcast_in_dim3A_802 = vector.broadcast %broadcast_in_dim3A_801 : i32 to vector<16xi32>
        %gather3A_803 = tpu.vector_load_idx %arg8[%add3A_321, %broadcast_in_dim3A_802] : memref<208x64xf32, #tpu.memory_space<vmem>>[vector<16xi32>, vector<16xi32>], vector<16xf32>,
        %slice3A_804 = vector.extract_strided_slice %get3A_9 {offsets = [12], sizes = [1], strides = [1]} : vector<16xf32> to vector<1xf32>
        %squeeze3A_805 = vector.extract %slice3A_804[0] : f32 from vector<1xf32>
        %mul3A_806 = vector.broadcast %squeeze3A_805 : f32 to vector<16xf32>
        %mul3A_807 = arith.mulf %gather3A_803, %mul3A_806 : vector<16xf32>
        %add3A_808 = arith.addf %add3A_800, %mul3A_807 : vector<16xf32>
        %broadcast_in_dim3A_809 = arith.constant 61 : i32
        %broadcast_in_dim3A_810 = vector.broadcast %broadcast_in_dim3A_809 : i32 to vector<16xi32>
        %gather3A_811 = tpu.vector_load_idx %arg8[%add3A_321, %broadcast_in_dim3A_810] : memref<208x64xf32, #tpu.memory_space<vmem>>[vector<16xi32>, vector<16xi32>], vector<16xf32>,
        %slice3A_812 = vector.extract_strided_slice %get3A_9 {offsets = [13], sizes = [1], strides = [1]} : vector<16xf32> to vector<1xf32>
        %squeeze3A_813 = vector.extract %slice3A_812[0] : f32 from vector<1xf32>
        %mul3A_814 = vector.broadcast %squeeze3A_813 : f32 to vector<16xf32>
        %mul3A_815 = arith.mulf %gather3A_811, %mul3A_814 : vector<16xf32>
        %add3A_816 = arith.addf %add3A_808, %mul3A_815 : vector<16xf32>
        %broadcast_in_dim3A_817 = arith.constant 62 : i32
        %broadcast_in_dim3A_818 = vector.broadcast %broadcast_in_dim3A_817 : i32 to vector<16xi32>
        %gather3A_819 = tpu.vector_load_idx %arg8[%add3A_321, %broadcast_in_dim3A_818] : memref<208x64xf32, #tpu.memory_space<vmem>>[vector<16xi32>, vector<16xi32>], vector<16xf32>,
        %slice3A_820 = vector.extract_strided_slice %get3A_9 {offsets = [14], sizes = [1], strides = [1]} : vector<16xf32> to vector<1xf32>
        %squeeze3A_821 = vector.extract %slice3A_820[0] : f32 from vector<1xf32>
        %mul3A_822 = vector.broadcast %squeeze3A_821 : f32 to vector<16xf32>
        %mul3A_823 = arith.mulf %gather3A_819, %mul3A_822 : vector<16xf32>
        %add3A_824 = arith.addf %add3A_816, %mul3A_823 : vector<16xf32>
        %broadcast_in_dim3A_825 = arith.constant 63 : i32
        %broadcast_in_dim3A_826 = vector.broadcast %broadcast_in_dim3A_825 : i32 to vector<16xi32>
        %gather3A_827 = tpu.vector_load_idx %arg8[%add3A_321, %broadcast_in_dim3A_826] : memref<208x64xf32, #tpu.memory_space<vmem>>[vector<16xi32>, vector<16xi32>], vector<16xf32>,
        %slice3A_828 = vector.extract_strided_slice %get3A_9 {offsets = [15], sizes = [1], strides = [1]} : vector<16xf32> to vector<1xf32>
        %squeeze3A_829 = vector.extract %slice3A_828[0] : f32 from vector<1xf32>
        %mul3A_830 = vector.broadcast %squeeze3A_829 : f32 to vector<16xf32>
        %mul3A_831 = arith.mulf %gather3A_827, %mul3A_830 : vector<16xf32>
        %add3A_832 = arith.addf %add3A_824, %mul3A_831 : vector<16xf32>
        %mul3A_833 = arith.constant 16 : i32
        %mul3A_834 = arith.muli %scan3A_316, %mul3A_833 : i32
        %get3A_835 = arith.index_cast %mul3A_49 : i32 to index
        %get3A_836 = arith.index_cast %mul3A_834 : i32 to index
        %get3A_837 = tpu.vector_load %arg7[%get3A_835, %get3A_836] {strides = array<i32>} : memref<128x208xi32, #tpu.memory_space<vmem>>, vector<16xi32>,
        %ne3A = arith.constant 0 : i32
        %ne3A_838 = vector.broadcast %ne3A : i32 to vector<16xi32>
        %ne3A_839 = arith.cmpi ne, %get3A_837, %ne3A_838 : vector<16xi32>
        %mul3A_840 = arith.constant 16 : i32
        %mul3A_841 = arith.muli %scan3A_316, %mul3A_840 : i32
        %add3A_842 = vector.broadcast %mul3A_841 : i32 to vector<16xi32>
        %add3A_843 = arith.addi %add3A_842, %iota3A : vector<16xi32>
        %lt3A = arith.constant 200 : i32
        %lt3A_844 = vector.broadcast %lt3A : i32 to vector<16xi32>
        %lt3A_845 = arith.cmpi slt, %add3A_843, %lt3A_844 : vector<16xi32>
        %and3A = arith.andi %ne3A_839, %lt3A_845 : vector<16xi1>
        %add3A_846 = arith.addf %add3A_832, %add3A_832 : vector<16xf32>
        %exp3A = math.exp %add3A_846 : vector<16xf32>
        %add3A_847 = arith.constant 1.000000e+00 : f32
        %add3A_848 = vector.broadcast %add3A_847 : f32 to vector<16xf32>
        %add3A_849 = arith.addf %exp3A, %add3A_848 : vector<16xf32>
        %div3A_850 = arith.constant 2.000000e+00 : f32
        %div3A_851 = vector.broadcast %div3A_850 : f32 to vector<16xf32>
        %div3A_852 = arith.divf %div3A_851, %add3A_849 : vector<16xf32>
        %sub3A = arith.constant 1.000000e+00 : f32
        %sub3A_853 = vector.broadcast %sub3A : f32 to vector<16xf32>
        %sub3A_854 = arith.subf %sub3A_853, %div3A_852 : vector<16xf32>
        %jit3A_855 = arith.constant 0xFF800000 : f32
        %broadcast_in_dim3A_856 = vector.broadcast %jit3A_855 : f32 to vector<16xf32>
        %select_n3A_857 = arith.select %and3A, %sub3A_854, %broadcast_in_dim3A_856 : vector<16xi1>, vector<16xf32>
        %mul3A_858 = arith.constant 16 : i32
        %mul3A_859 = arith.muli %scan3A_316, %mul3A_858 : i32
        %swap3A_860 = arith.index_cast %mul3A_859 : i32 to index
        %swap3A_861 = tpu.vector_load %arg10[%swap3A_860] {strides = array<i32>} : memref<208xf32, #tpu.memory_space<vmem>>, vector<16xf32>,
        tpu.vector_store %arg10[%swap3A_860], %select_n3A_857 {strides = array<i32>} : memref<208xf32, #tpu.memory_space<vmem>>, vector<16xf32>,
        %max3A = arith.maximumf %scan3A_317, %select_n3A_857 : vector<16xf32>
        scf.yield %max3A : vector<16xf32>
      }
      %scan3A_90 = arith.constant 13 : i32
      %reduce_max3A = arith.constant true
      %reduce_max3A_91 = vector.broadcast %reduce_max3A : i1 to vector<16xi1>
      %reduce_max3A_92 = tpu.scan <max>, %scan3A_89 masked %reduce_max3A_91 : vector<16xf32>, vector<16xi1> -> vector<16xf32>
      %reduce_max3A_93 = vector.extract %reduce_max3A_92[15] : f32 from vector<16xf32>
      %broadcast_in_dim3A_94 = arith.constant 0.000000e+00 : f32
      %broadcast_in_dim3A_95 = vector.broadcast %broadcast_in_dim3A_94 : f32 to vector<16xf32>
      %scan3A_96 = arith.constant 0 : i32
      %scan3A_97 = arith.constant 13 : i32
      %scan3A_98 = arith.addi %scan3A_96, %scan3A_97 : i32
      %scan3A_99 = arith.constant 1 : i32
      %scan3A_100 = scf.for %scan3A_316 = %scan3A_96 to %scan3A_98 step %scan3A_99 iter_args(%scan3A_317 = %broadcast_in_dim3A_95) -> (vector<16xf32>)  : i32 {
        %mul3A_318 = arith.constant 16 : i32
        %mul3A_319 = arith.muli %scan3A_316, %mul3A_318 : i32
        %get3A_320 = arith.index_cast %mul3A_319 : i32 to index
        %get3A_321 = tpu.vector_load %arg10[%get3A_320] {strides = array<i32>} : memref<208xf32, #tpu.memory_space<vmem>>, vector<16xf32>,
        %gt3A = arith.constant 0xFF800000 : f32
        %gt3A_322 = vector.broadcast %gt3A : f32 to vector<16xf32>
        %gt3A_323 = arith.cmpf ogt, %get3A_321, %gt3A_322 : vector<16xf32>
        %sub3A = vector.broadcast %reduce_max3A_93 : f32 to vector<16xf32>
        %sub3A_324 = arith.subf %get3A_321, %sub3A : vector<16xf32>
        %exp3A = math.exp %sub3A_324 : vector<16xf32>
        %jit3A_325 = arith.constant 0.000000e+00 : f32
        %broadcast_in_dim3A_326 = vector.broadcast %jit3A_325 : f32 to vector<16xf32>
        %select_n3A_327 = arith.select %gt3A_323, %exp3A, %broadcast_in_dim3A_326 : vector<16xi1>, vector<16xf32>
        %mul3A_328 = arith.constant 16 : i32
        %mul3A_329 = arith.muli %scan3A_316, %mul3A_328 : i32
        %swap3A_330 = arith.index_cast %mul3A_329 : i32 to index
        %swap3A_331 = tpu.vector_load %arg11[%swap3A_330] {strides = array<i32>} : memref<208xf32, #tpu.memory_space<vmem>>, vector<16xf32>,
        tpu.vector_store %arg11[%swap3A_330], %select_n3A_327 {strides = array<i32>} : memref<208xf32, #tpu.memory_space<vmem>>, vector<16xf32>,
        %add3A_332 = arith.addf %scan3A_317, %select_n3A_327 : vector<16xf32>
        scf.yield %add3A_332 : vector<16xf32>
      }
      %scan3A_101 = arith.constant 13 : i32
      %reduce_sum3A = arith.constant true
      %reduce_sum3A_102 = vector.broadcast %reduce_sum3A : i1 to vector<16xi1>
      %reduce_sum3A_103 = tpu.scan <sum>, %scan3A_100 masked %reduce_sum3A_102 : vector<16xf32>, vector<16xi1> -> vector<16xf32>
      %reduce_sum3A_104 = vector.extract %reduce_sum3A_103[15] : f32 from vector<16xf32>
      %broadcast_in_dim3A_105 = arith.constant 0.000000e+00 : f32
      %broadcast_in_dim3A_106 = vector.broadcast %broadcast_in_dim3A_105 : f32 to vector<16xf32>
      %scan3A_107 = arith.constant 0 : i32
      %scan3A_108 = arith.constant 50 : i32
      %scan3A_109 = arith.addi %scan3A_107, %scan3A_108 : i32
      %scan3A_110 = arith.constant 1 : i32
      %scan3A_111:4 = scf.for %scan3A_316 = %scan3A_107 to %scan3A_109 step %scan3A_110 iter_args(%scan3A_317 = %broadcast_in_dim3A_106, %scan3A_318 = %broadcast_in_dim3A_106, %scan3A_319 = %broadcast_in_dim3A_106, %scan3A_320 = %broadcast_in_dim3A_106) -> (vector<16xf32>, vector<16xf32>, vector<16xf32>, vector<16xf32>)  : i32 {
        %mul3A_321 = arith.constant 4 : i32
        %mul3A_322 = arith.muli %scan3A_316, %mul3A_321 : i32
        %add3A_323 = arith.constant 0 : i32
        %add3A_324 = arith.addi %mul3A_322, %add3A_323 : i32
        %broadcast_in_dim3A_325 = vector.broadcast %add3A_324 : i32 to vector<16xi32>
        %gather3A = tpu.vector_load_idx %arg11[%broadcast_in_dim3A_325] : memref<208xf32, #tpu.memory_space<vmem>>[vector<16xi32>], vector<16xf32>,
        %get3A_326 = arith.index_cast %add3A_324 : i32 to index
        %get3A_327 = arith.constant 0 : index
        %get3A_328 = tpu.vector_load %arg8[%get3A_326, %get3A_327] {strides = array<i32>} : memref<208x64xf32, #tpu.memory_space<vmem>>, vector<16xf32>,
        %mul3A_329 = arith.mulf %gather3A, %get3A_328 : vector<16xf32>
        %add3A_330 = arith.addf %scan3A_317, %mul3A_329 : vector<16xf32>
        %get3A_331 = arith.index_cast %add3A_324 : i32 to index
        %get3A_332 = arith.constant 16 : index
        %get3A_333 = tpu.vector_load %arg8[%get3A_331, %get3A_332] {strides = array<i32>} : memref<208x64xf32, #tpu.memory_space<vmem>>, vector<16xf32>,
        %mul3A_334 = arith.mulf %gather3A, %get3A_333 : vector<16xf32>
        %add3A_335 = arith.addf %scan3A_318, %mul3A_334 : vector<16xf32>
        %get3A_336 = arith.index_cast %add3A_324 : i32 to index
        %get3A_337 = arith.constant 32 : index
        %get3A_338 = tpu.vector_load %arg8[%get3A_336, %get3A_337] {strides = array<i32>} : memref<208x64xf32, #tpu.memory_space<vmem>>, vector<16xf32>,
        %mul3A_339 = arith.mulf %gather3A, %get3A_338 : vector<16xf32>
        %add3A_340 = arith.addf %scan3A_319, %mul3A_339 : vector<16xf32>
        %get3A_341 = arith.index_cast %add3A_324 : i32 to index
        %get3A_342 = arith.constant 48 : index
        %get3A_343 = tpu.vector_load %arg8[%get3A_341, %get3A_342] {strides = array<i32>} : memref<208x64xf32, #tpu.memory_space<vmem>>, vector<16xf32>,
        %mul3A_344 = arith.mulf %gather3A, %get3A_343 : vector<16xf32>
        %add3A_345 = arith.addf %scan3A_320, %mul3A_344 : vector<16xf32>
        %mul3A_346 = arith.constant 4 : i32
        %mul3A_347 = arith.muli %scan3A_316, %mul3A_346 : i32
        %add3A_348 = arith.constant 1 : i32
        %add3A_349 = arith.addi %mul3A_347, %add3A_348 : i32
        %broadcast_in_dim3A_350 = vector.broadcast %add3A_349 : i32 to vector<16xi32>
        %gather3A_351 = tpu.vector_load_idx %arg11[%broadcast_in_dim3A_350] : memref<208xf32, #tpu.memory_space<vmem>>[vector<16xi32>], vector<16xf32>,
        %get3A_352 = arith.index_cast %add3A_349 : i32 to index
        %get3A_353 = arith.constant 0 : index
        %get3A_354 = tpu.vector_load %arg8[%get3A_352, %get3A_353] {strides = array<i32>} : memref<208x64xf32, #tpu.memory_space<vmem>>, vector<16xf32>,
        %mul3A_355 = arith.mulf %gather3A_351, %get3A_354 : vector<16xf32>
        %add3A_356 = arith.addf %add3A_330, %mul3A_355 : vector<16xf32>
        %get3A_357 = arith.index_cast %add3A_349 : i32 to index
        %get3A_358 = arith.constant 16 : index
        %get3A_359 = tpu.vector_load %arg8[%get3A_357, %get3A_358] {strides = array<i32>} : memref<208x64xf32, #tpu.memory_space<vmem>>, vector<16xf32>,
        %mul3A_360 = arith.mulf %gather3A_351, %get3A_359 : vector<16xf32>
        %add3A_361 = arith.addf %add3A_335, %mul3A_360 : vector<16xf32>
        %get3A_362 = arith.index_cast %add3A_349 : i32 to index
        %get3A_363 = arith.constant 32 : index
        %get3A_364 = tpu.vector_load %arg8[%get3A_362, %get3A_363] {strides = array<i32>} : memref<208x64xf32, #tpu.memory_space<vmem>>, vector<16xf32>,
        %mul3A_365 = arith.mulf %gather3A_351, %get3A_364 : vector<16xf32>
        %add3A_366 = arith.addf %add3A_340, %mul3A_365 : vector<16xf32>
        %get3A_367 = arith.index_cast %add3A_349 : i32 to index
        %get3A_368 = arith.constant 48 : index
        %get3A_369 = tpu.vector_load %arg8[%get3A_367, %get3A_368] {strides = array<i32>} : memref<208x64xf32, #tpu.memory_space<vmem>>, vector<16xf32>,
        %mul3A_370 = arith.mulf %gather3A_351, %get3A_369 : vector<16xf32>
        %add3A_371 = arith.addf %add3A_345, %mul3A_370 : vector<16xf32>
        %mul3A_372 = arith.constant 4 : i32
        %mul3A_373 = arith.muli %scan3A_316, %mul3A_372 : i32
        %add3A_374 = arith.constant 2 : i32
        %add3A_375 = arith.addi %mul3A_373, %add3A_374 : i32
        %broadcast_in_dim3A_376 = vector.broadcast %add3A_375 : i32 to vector<16xi32>
        %gather3A_377 = tpu.vector_load_idx %arg11[%broadcast_in_dim3A_376] : memref<208xf32, #tpu.memory_space<vmem>>[vector<16xi32>], vector<16xf32>,
        %get3A_378 = arith.index_cast %add3A_375 : i32 to index
        %get3A_379 = arith.constant 0 : index
        %get3A_380 = tpu.vector_load %arg8[%get3A_378, %get3A_379] {strides = array<i32>} : memref<208x64xf32, #tpu.memory_space<vmem>>, vector<16xf32>,
        %mul3A_381 = arith.mulf %gather3A_377, %get3A_380 : vector<16xf32>
        %add3A_382 = arith.addf %add3A_356, %mul3A_381 : vector<16xf32>
        %get3A_383 = arith.index_cast %add3A_375 : i32 to index
        %get3A_384 = arith.constant 16 : index
        %get3A_385 = tpu.vector_load %arg8[%get3A_383, %get3A_384] {strides = array<i32>} : memref<208x64xf32, #tpu.memory_space<vmem>>, vector<16xf32>,
        %mul3A_386 = arith.mulf %gather3A_377, %get3A_385 : vector<16xf32>
        %add3A_387 = arith.addf %add3A_361, %mul3A_386 : vector<16xf32>
        %get3A_388 = arith.index_cast %add3A_375 : i32 to index
        %get3A_389 = arith.constant 32 : index
        %get3A_390 = tpu.vector_load %arg8[%get3A_388, %get3A_389] {strides = array<i32>} : memref<208x64xf32, #tpu.memory_space<vmem>>, vector<16xf32>,
        %mul3A_391 = arith.mulf %gather3A_377, %get3A_390 : vector<16xf32>
        %add3A_392 = arith.addf %add3A_366, %mul3A_391 : vector<16xf32>
        %get3A_393 = arith.index_cast %add3A_375 : i32 to index
        %get3A_394 = arith.constant 48 : index
        %get3A_395 = tpu.vector_load %arg8[%get3A_393, %get3A_394] {strides = array<i32>} : memref<208x64xf32, #tpu.memory_space<vmem>>, vector<16xf32>,
        %mul3A_396 = arith.mulf %gather3A_377, %get3A_395 : vector<16xf32>
        %add3A_397 = arith.addf %add3A_371, %mul3A_396 : vector<16xf32>
        %mul3A_398 = arith.constant 4 : i32
        %mul3A_399 = arith.muli %scan3A_316, %mul3A_398 : i32
        %add3A_400 = arith.constant 3 : i32
        %add3A_401 = arith.addi %mul3A_399, %add3A_400 : i32
        %broadcast_in_dim3A_402 = vector.broadcast %add3A_401 : i32 to vector<16xi32>
        %gather3A_403 = tpu.vector_load_idx %arg11[%broadcast_in_dim3A_402] : memref<208xf32, #tpu.memory_space<vmem>>[vector<16xi32>], vector<16xf32>,
        %get3A_404 = arith.index_cast %add3A_401 : i32 to index
        %get3A_405 = arith.constant 0 : index
        %get3A_406 = tpu.vector_load %arg8[%get3A_404, %get3A_405] {strides = array<i32>} : memref<208x64xf32, #tpu.memory_space<vmem>>, vector<16xf32>,
        %mul3A_407 = arith.mulf %gather3A_403, %get3A_406 : vector<16xf32>
        %add3A_408 = arith.addf %add3A_382, %mul3A_407 : vector<16xf32>
        %get3A_409 = arith.index_cast %add3A_401 : i32 to index
        %get3A_410 = arith.constant 16 : index
        %get3A_411 = tpu.vector_load %arg8[%get3A_409, %get3A_410] {strides = array<i32>} : memref<208x64xf32, #tpu.memory_space<vmem>>, vector<16xf32>,
        %mul3A_412 = arith.mulf %gather3A_403, %get3A_411 : vector<16xf32>
        %add3A_413 = arith.addf %add3A_387, %mul3A_412 : vector<16xf32>
        %get3A_414 = arith.index_cast %add3A_401 : i32 to index
        %get3A_415 = arith.constant 32 : index
        %get3A_416 = tpu.vector_load %arg8[%get3A_414, %get3A_415] {strides = array<i32>} : memref<208x64xf32, #tpu.memory_space<vmem>>, vector<16xf32>,
        %mul3A_417 = arith.mulf %gather3A_403, %get3A_416 : vector<16xf32>
        %add3A_418 = arith.addf %add3A_392, %mul3A_417 : vector<16xf32>
        %get3A_419 = arith.index_cast %add3A_401 : i32 to index
        %get3A_420 = arith.constant 48 : index
        %get3A_421 = tpu.vector_load %arg8[%get3A_419, %get3A_420] {strides = array<i32>} : memref<208x64xf32, #tpu.memory_space<vmem>>, vector<16xf32>,
        %mul3A_422 = arith.mulf %gather3A_403, %get3A_421 : vector<16xf32>
        %add3A_423 = arith.addf %add3A_397, %mul3A_422 : vector<16xf32>
        scf.yield %add3A_408, %add3A_413, %add3A_418, %add3A_423 : vector<16xf32>, vector<16xf32>, vector<16xf32>, vector<16xf32>
      }
      %scan3A_112 = arith.constant 50 : i32
      %get3A_113 = arith.constant 0 : i32
      %get3A_114 = arith.index_cast %get3A_113 : i32 to index
      %get3A_115 = arith.constant 0 : index
      %get3A_116 = tpu.vector_load %arg13[%get3A_114, %get3A_115] {strides = array<i32>} : memref<2x64xf32, #tpu.memory_space<vmem>>, vector<16xf32>,
      %mul3A_117 = arith.mulf %scan3A_111#0, %get3A_116 : vector<16xf32>
      %get3A_118 = arith.constant 0 : i32
      %get3A_119 = arith.index_cast %get3A_118 : i32 to index
      %get3A_120 = arith.constant 16 : index
      %get3A_121 = tpu.vector_load %arg13[%get3A_119, %get3A_120] {strides = array<i32>} : memref<2x64xf32, #tpu.memory_space<vmem>>, vector<16xf32>,
      %mul3A_122 = arith.mulf %scan3A_111#1, %get3A_121 : vector<16xf32>
      %add3A_123 = arith.addf %mul3A_117, %mul3A_122 : vector<16xf32>
      %get3A_124 = arith.constant 0 : i32
      %get3A_125 = arith.index_cast %get3A_124 : i32 to index
      %get3A_126 = arith.constant 32 : index
      %get3A_127 = tpu.vector_load %arg13[%get3A_125, %get3A_126] {strides = array<i32>} : memref<2x64xf32, #tpu.memory_space<vmem>>, vector<16xf32>,
      %mul3A_128 = arith.mulf %scan3A_111#2, %get3A_127 : vector<16xf32>
      %add3A_129 = arith.addf %add3A_123, %mul3A_128 : vector<16xf32>
      %get3A_130 = arith.constant 0 : i32
      %get3A_131 = arith.index_cast %get3A_130 : i32 to index
      %get3A_132 = arith.constant 48 : index
      %get3A_133 = tpu.vector_load %arg13[%get3A_131, %get3A_132] {strides = array<i32>} : memref<2x64xf32, #tpu.memory_space<vmem>>, vector<16xf32>,
      %mul3A_134 = arith.mulf %scan3A_111#3, %get3A_133 : vector<16xf32>
      %add3A_135 = arith.addf %add3A_129, %mul3A_134 : vector<16xf32>
      %get3A_136 = arith.constant 1 : i32
      %get3A_137 = arith.index_cast %get3A_136 : i32 to index
      %get3A_138 = arith.constant 0 : index
      %get3A_139 = tpu.vector_load %arg13[%get3A_137, %get3A_138] {strides = array<i32>} : memref<2x64xf32, #tpu.memory_space<vmem>>, vector<16xf32>,
      %mul3A_140 = arith.mulf %scan3A_111#0, %get3A_139 : vector<16xf32>
      %get3A_141 = arith.constant 1 : i32
      %get3A_142 = arith.index_cast %get3A_141 : i32 to index
      %get3A_143 = arith.constant 16 : index
      %get3A_144 = tpu.vector_load %arg13[%get3A_142, %get3A_143] {strides = array<i32>} : memref<2x64xf32, #tpu.memory_space<vmem>>, vector<16xf32>,
      %mul3A_145 = arith.mulf %scan3A_111#1, %get3A_144 : vector<16xf32>
      %add3A_146 = arith.addf %mul3A_140, %mul3A_145 : vector<16xf32>
      %get3A_147 = arith.constant 1 : i32
      %get3A_148 = arith.index_cast %get3A_147 : i32 to index
      %get3A_149 = arith.constant 32 : index
      %get3A_150 = tpu.vector_load %arg13[%get3A_148, %get3A_149] {strides = array<i32>} : memref<2x64xf32, #tpu.memory_space<vmem>>, vector<16xf32>,
      %mul3A_151 = arith.mulf %scan3A_111#2, %get3A_150 : vector<16xf32>
      %add3A_152 = arith.addf %add3A_146, %mul3A_151 : vector<16xf32>
      %get3A_153 = arith.constant 1 : i32
      %get3A_154 = arith.index_cast %get3A_153 : i32 to index
      %get3A_155 = arith.constant 48 : index
      %get3A_156 = tpu.vector_load %arg13[%get3A_154, %get3A_155] {strides = array<i32>} : memref<2x64xf32, #tpu.memory_space<vmem>>, vector<16xf32>,
      %mul3A_157 = arith.mulf %scan3A_111#3, %get3A_156 : vector<16xf32>
      %add3A_158 = arith.addf %add3A_152, %mul3A_157 : vector<16xf32>
      %eq3A = arith.constant 0 : i32
      %eq3A_159 = vector.broadcast %eq3A : i32 to vector<16xi32>
      %eq3A_160 = arith.cmpi eq, %iota3A, %eq3A_159 : vector<16xi32>
      %reduce_sum3A_161 = arith.constant true
      %reduce_sum3A_162 = vector.broadcast %reduce_sum3A_161 : i1 to vector<16xi1>
      %reduce_sum3A_163 = tpu.scan <sum>, %add3A_135 masked %reduce_sum3A_162 : vector<16xf32>, vector<16xi1> -> vector<16xf32>
      %reduce_sum3A_164 = vector.extract %reduce_sum3A_163[15] : f32 from vector<16xf32>
      %eq3A_165 = arith.constant 1 : i32
      %eq3A_166 = vector.broadcast %eq3A_165 : i32 to vector<16xi32>
      %eq3A_167 = arith.cmpi eq, %iota3A, %eq3A_166 : vector<16xi32>
      %reduce_sum3A_168 = arith.constant true
      %reduce_sum3A_169 = vector.broadcast %reduce_sum3A_168 : i1 to vector<16xi1>
      %reduce_sum3A_170 = tpu.scan <sum>, %add3A_158 masked %reduce_sum3A_169 : vector<16xf32>, vector<16xi1> -> vector<16xf32>
      %reduce_sum3A_171 = vector.extract %reduce_sum3A_170[15] : f32 from vector<16xf32>
      %jit3A = arith.constant 0.000000e+00 : f32
      %broadcast_in_dim3A_172 = vector.broadcast %reduce_sum3A_171 : f32 to vector<16xf32>
      %broadcast_in_dim3A_173 = vector.broadcast %jit3A : f32 to vector<16xf32>
      %select_n3A = arith.select %eq3A_167, %broadcast_in_dim3A_172, %broadcast_in_dim3A_173 : vector<16xi1>, vector<16xf32>
      %broadcast_in_dim3A_174 = vector.broadcast %reduce_sum3A_164 : f32 to vector<16xf32>
      %select_n3A_175 = arith.select %eq3A_160, %broadcast_in_dim3A_174, %select_n3A : vector<16xi1>, vector<16xf32>
      %broadcast_in_dim3A_176 = vector.broadcast %reduce_sum3A_104 : f32 to vector<16xf32>
      %div3A = arith.divf %select_n3A_175, %broadcast_in_dim3A_176 : vector<16xf32>
      %swap3A = arith.index_cast %mul3A_49 : i32 to index
      %swap3A_177 = arith.constant 0 : index
      %swap3A_178 = tpu.vector_load %arg14[%swap3A, %swap3A_177] {strides = array<i32>} : memref<128x16xf32, #tpu.memory_space<vmem>>, vector<16xf32>,
      tpu.vector_store %arg14[%swap3A, %swap3A_177], %div3A {strides = array<i32>} : memref<128x16xf32, #tpu.memory_space<vmem>>, vector<16xf32>,
      %add3A_179 = arith.constant 2 : i32
      %add3A_180 = arith.addi %mul3A_49, %add3A_179 : i32
      %min3A = arith.constant 127 : i32
      %min3A_181 = arith.minsi %add3A_180, %min3A : i32
      %dma_start3A_182 = arith.constant 0 : i32
      %dma_start3A_183 = arith.constant 0 : i32
      %dma_start3A_184 = tpu.memref_slice %arg8[%dma_start3A_182, %dma_start3A_183] : memref<208x64xf32, #tpu.memory_space<vmem>> -> memref<104x64xf32, #tpu.memory_space<vmem>>
      %dma_start3A_185 = arith.constant 0 : i32
      %dma_start3A_186 = tpu.memref_slice %arg7[%min3A_181, %dma_start3A_185] : memref<128x208xi32, #tpu.memory_space<vmem>> -> memref<1x104xi32, #tpu.memory_space<vmem>>
      %dma_start3A_187 = tpu.memref_squeeze %dma_start3A_186 : memref<1x104xi32, #tpu.memory_space<vmem>> -> memref<104xi32, #tpu.memory_space<vmem>>
      %dma_start3A_188 = arith.constant 0 : i32
      %dma_start3A_189 = arith.constant 0 : i32
      %dma_start3A_190 = tpu.memref_slice %arg3[%dma_start3A_188, %dma_start3A_189] : memref<1000000x64xf32, #tpu.memory_space<hbm>> -> memref<1000000x64xf32, #tpu.memory_space<hbm>>
      tpu.enqueue_indirect_dma source(%dma_start3A_190 : memref<1000000x64xf32, #tpu.memory_space<hbm>>) target(%dma_start3A_184 : memref<104x64xf32, #tpu.memory_space<vmem>>) offsets(%dma_start3A_187 : memref<104xi32, #tpu.memory_space<vmem>>) semaphore(%arg15 : memref<!tpu.dma_semaphore, #tpu.memory_space<semaphore_mem>>)
      %dma_start3A_191 = arith.constant 104 : i32
      %dma_start3A_192 = arith.constant 0 : i32
      %dma_start3A_193 = tpu.memref_slice %arg8[%dma_start3A_191, %dma_start3A_192] : memref<208x64xf32, #tpu.memory_space<vmem>> -> memref<96x64xf32, #tpu.memory_space<vmem>>
      %dma_start3A_194 = arith.constant 104 : i32
      %dma_start3A_195 = tpu.memref_slice %arg7[%min3A_181, %dma_start3A_194] : memref<128x208xi32, #tpu.memory_space<vmem>> -> memref<1x96xi32, #tpu.memory_space<vmem>>
      %dma_start3A_196 = tpu.memref_squeeze %dma_start3A_195 : memref<1x96xi32, #tpu.memory_space<vmem>> -> memref<96xi32, #tpu.memory_space<vmem>>
      %dma_start3A_197 = arith.constant 0 : i32
      %dma_start3A_198 = arith.constant 0 : i32
      %dma_start3A_199 = tpu.memref_slice %arg3[%dma_start3A_197, %dma_start3A_198] : memref<1000000x64xf32, #tpu.memory_space<hbm>> -> memref<1000000x64xf32, #tpu.memory_space<hbm>>
      tpu.enqueue_indirect_dma source(%dma_start3A_199 : memref<1000000x64xf32, #tpu.memory_space<hbm>>) target(%dma_start3A_193 : memref<96x64xf32, #tpu.memory_space<vmem>>) offsets(%dma_start3A_196 : memref<96xi32, #tpu.memory_space<vmem>>) semaphore(%arg15 : memref<!tpu.dma_semaphore, #tpu.memory_space<semaphore_mem>>)
      %dma_wait3A_200 = arith.constant 0 : i32
      %dma_wait3A_201 = arith.constant 0 : i32
      %dma_wait3A_202 = tpu.memref_slice %arg9[%dma_wait3A_200, %dma_wait3A_201] : memref<208x64xf32, #tpu.memory_space<vmem>> -> memref<200x64xf32, #tpu.memory_space<vmem>>
      %dma_wait3A_203 = arith.constant 0 : i32
      %dma_wait3A_204 = arith.constant 0 : i32
      %dma_wait3A_205 = tpu.memref_slice %arg3[%dma_wait3A_203, %dma_wait3A_204] : memref<1000000x64xf32, #tpu.memory_space<hbm>> -> memref<200x64xf32, #tpu.memory_space<hbm>>
      %dma_wait3A_206 = arith.constant 0 : i32
      %dma_wait3A_207 = arith.constant 0 : i32
      %dma_wait3A_208 = tpu.memref_slice %arg9[%dma_wait3A_206, %dma_wait3A_207] : memref<208x64xf32, #tpu.memory_space<vmem>> -> memref<200x64xf32, #tpu.memory_space<vmem>>
      %dma_wait3A_209 = arith.constant 0 : i32
      %dma_wait3A_210 = arith.constant 0 : i32
      %dma_wait3A_211 = tpu.memref_slice %arg3[%dma_wait3A_209, %dma_wait3A_210] : memref<1000000x64xf32, #tpu.memory_space<hbm>> -> memref<200x64xf32, #tpu.memory_space<hbm>>
      tpu.wait_dma2 semaphore(%arg16 : memref<!tpu.dma_semaphore, #tpu.memory_space<semaphore_mem>>) src(%dma_wait3A_211 : memref<200x64xf32, #tpu.memory_space<hbm>>) dst(%dma_wait3A_208 : memref<200x64xf32, #tpu.memory_space<vmem>>)
      %broadcast_in_dim3A_212 = arith.constant 0xFF800000 : f32
      %broadcast_in_dim3A_213 = vector.broadcast %broadcast_in_dim3A_212 : f32 to vector<16xf32>
      %scan3A_214 = arith.constant 0 : i32
      %scan3A_215 = arith.constant 13 : i32
      %scan3A_216 = arith.addi %scan3A_214, %scan3A_215 : i32
      %scan3A_217 = arith.constant 1 : i32
      %scan3A_218 = scf.for %scan3A_316 = %scan3A_214 to %scan3A_216 step %scan3A_217 iter_args(%scan3A_317 = %broadcast_in_dim3A_213) -> (vector<16xf32>)  : i32 {
        %mul3A_318 = arith.constant 16 : i32
        %mul3A_319 = arith.muli %scan3A_316, %mul3A_318 : i32
        %add3A_320 = vector.broadcast %mul3A_319 : i32 to vector<16xi32>
        %add3A_321 = arith.addi %add3A_320, %iota3A : vector<16xi32>
        %broadcast_in_dim3A_322 = arith.constant 0.000000e+00 : f32
        %broadcast_in_dim3A_323 = vector.broadcast %broadcast_in_dim3A_322 : f32 to vector<16xf32>
        %broadcast_in_dim3A_324 = arith.constant 0 : i32
        %broadcast_in_dim3A_325 = vector.broadcast %broadcast_in_dim3A_324 : i32 to vector<16xi32>
        %gather3A = tpu.vector_load_idx %arg9[%add3A_321, %broadcast_in_dim3A_325] : memref<208x64xf32, #tpu.memory_space<vmem>>[vector<16xi32>, vector<16xi32>], vector<16xf32>,
        %slice3A = vector.extract_strided_slice %get3A_3 {offsets = [0], sizes = [1], strides = [1]} : vector<16xf32> to vector<1xf32>
        %squeeze3A = vector.extract %slice3A[0] : f32 from vector<1xf32>
        %mul3A_326 = vector.broadcast %squeeze3A : f32 to vector<16xf32>
        %mul3A_327 = arith.mulf %gather3A, %mul3A_326 : vector<16xf32>
        %add3A_328 = arith.addf %broadcast_in_dim3A_323, %mul3A_327 : vector<16xf32>
        %broadcast_in_dim3A_329 = arith.constant 1 : i32
        %broadcast_in_dim3A_330 = vector.broadcast %broadcast_in_dim3A_329 : i32 to vector<16xi32>
        %gather3A_331 = tpu.vector_load_idx %arg9[%add3A_321, %broadcast_in_dim3A_330] : memref<208x64xf32, #tpu.memory_space<vmem>>[vector<16xi32>, vector<16xi32>], vector<16xf32>,
        %slice3A_332 = vector.extract_strided_slice %get3A_3 {offsets = [1], sizes = [1], strides = [1]} : vector<16xf32> to vector<1xf32>
        %squeeze3A_333 = vector.extract %slice3A_332[0] : f32 from vector<1xf32>
        %mul3A_334 = vector.broadcast %squeeze3A_333 : f32 to vector<16xf32>
        %mul3A_335 = arith.mulf %gather3A_331, %mul3A_334 : vector<16xf32>
        %add3A_336 = arith.addf %add3A_328, %mul3A_335 : vector<16xf32>
        %broadcast_in_dim3A_337 = arith.constant 2 : i32
        %broadcast_in_dim3A_338 = vector.broadcast %broadcast_in_dim3A_337 : i32 to vector<16xi32>
        %gather3A_339 = tpu.vector_load_idx %arg9[%add3A_321, %broadcast_in_dim3A_338] : memref<208x64xf32, #tpu.memory_space<vmem>>[vector<16xi32>, vector<16xi32>], vector<16xf32>,
        %slice3A_340 = vector.extract_strided_slice %get3A_3 {offsets = [2], sizes = [1], strides = [1]} : vector<16xf32> to vector<1xf32>
        %squeeze3A_341 = vector.extract %slice3A_340[0] : f32 from vector<1xf32>
        %mul3A_342 = vector.broadcast %squeeze3A_341 : f32 to vector<16xf32>
        %mul3A_343 = arith.mulf %gather3A_339, %mul3A_342 : vector<16xf32>
        %add3A_344 = arith.addf %add3A_336, %mul3A_343 : vector<16xf32>
        %broadcast_in_dim3A_345 = arith.constant 3 : i32
        %broadcast_in_dim3A_346 = vector.broadcast %broadcast_in_dim3A_345 : i32 to vector<16xi32>
        %gather3A_347 = tpu.vector_load_idx %arg9[%add3A_321, %broadcast_in_dim3A_346] : memref<208x64xf32, #tpu.memory_space<vmem>>[vector<16xi32>, vector<16xi32>], vector<16xf32>,
        %slice3A_348 = vector.extract_strided_slice %get3A_3 {offsets = [3], sizes = [1], strides = [1]} : vector<16xf32> to vector<1xf32>
        %squeeze3A_349 = vector.extract %slice3A_348[0] : f32 from vector<1xf32>
        %mul3A_350 = vector.broadcast %squeeze3A_349 : f32 to vector<16xf32>
        %mul3A_351 = arith.mulf %gather3A_347, %mul3A_350 : vector<16xf32>
        %add3A_352 = arith.addf %add3A_344, %mul3A_351 : vector<16xf32>
        %broadcast_in_dim3A_353 = arith.constant 4 : i32
        %broadcast_in_dim3A_354 = vector.broadcast %broadcast_in_dim3A_353 : i32 to vector<16xi32>
        %gather3A_355 = tpu.vector_load_idx %arg9[%add3A_321, %broadcast_in_dim3A_354] : memref<208x64xf32, #tpu.memory_space<vmem>>[vector<16xi32>, vector<16xi32>], vector<16xf32>,
        %slice3A_356 = vector.extract_strided_slice %get3A_3 {offsets = [4], sizes = [1], strides = [1]} : vector<16xf32> to vector<1xf32>
        %squeeze3A_357 = vector.extract %slice3A_356[0] : f32 from vector<1xf32>
        %mul3A_358 = vector.broadcast %squeeze3A_357 : f32 to vector<16xf32>
        %mul3A_359 = arith.mulf %gather3A_355, %mul3A_358 : vector<16xf32>
        %add3A_360 = arith.addf %add3A_352, %mul3A_359 : vector<16xf32>
        %broadcast_in_dim3A_361 = arith.constant 5 : i32
        %broadcast_in_dim3A_362 = vector.broadcast %broadcast_in_dim3A_361 : i32 to vector<16xi32>
        %gather3A_363 = tpu.vector_load_idx %arg9[%add3A_321, %broadcast_in_dim3A_362] : memref<208x64xf32, #tpu.memory_space<vmem>>[vector<16xi32>, vector<16xi32>], vector<16xf32>,
        %slice3A_364 = vector.extract_strided_slice %get3A_3 {offsets = [5], sizes = [1], strides = [1]} : vector<16xf32> to vector<1xf32>
        %squeeze3A_365 = vector.extract %slice3A_364[0] : f32 from vector<1xf32>
        %mul3A_366 = vector.broadcast %squeeze3A_365 : f32 to vector<16xf32>
        %mul3A_367 = arith.mulf %gather3A_363, %mul3A_366 : vector<16xf32>
        %add3A_368 = arith.addf %add3A_360, %mul3A_367 : vector<16xf32>
        %broadcast_in_dim3A_369 = arith.constant 6 : i32
        %broadcast_in_dim3A_370 = vector.broadcast %broadcast_in_dim3A_369 : i32 to vector<16xi32>
        %gather3A_371 = tpu.vector_load_idx %arg9[%add3A_321, %broadcast_in_dim3A_370] : memref<208x64xf32, #tpu.memory_space<vmem>>[vector<16xi32>, vector<16xi32>], vector<16xf32>,
        %slice3A_372 = vector.extract_strided_slice %get3A_3 {offsets = [6], sizes = [1], strides = [1]} : vector<16xf32> to vector<1xf32>
        %squeeze3A_373 = vector.extract %slice3A_372[0] : f32 from vector<1xf32>
        %mul3A_374 = vector.broadcast %squeeze3A_373 : f32 to vector<16xf32>
        %mul3A_375 = arith.mulf %gather3A_371, %mul3A_374 : vector<16xf32>
        %add3A_376 = arith.addf %add3A_368, %mul3A_375 : vector<16xf32>
        %broadcast_in_dim3A_377 = arith.constant 7 : i32
        %broadcast_in_dim3A_378 = vector.broadcast %broadcast_in_dim3A_377 : i32 to vector<16xi32>
        %gather3A_379 = tpu.vector_load_idx %arg9[%add3A_321, %broadcast_in_dim3A_378] : memref<208x64xf32, #tpu.memory_space<vmem>>[vector<16xi32>, vector<16xi32>], vector<16xf32>,
        %slice3A_380 = vector.extract_strided_slice %get3A_3 {offsets = [7], sizes = [1], strides = [1]} : vector<16xf32> to vector<1xf32>
        %squeeze3A_381 = vector.extract %slice3A_380[0] : f32 from vector<1xf32>
        %mul3A_382 = vector.broadcast %squeeze3A_381 : f32 to vector<16xf32>
        %mul3A_383 = arith.mulf %gather3A_379, %mul3A_382 : vector<16xf32>
        %add3A_384 = arith.addf %add3A_376, %mul3A_383 : vector<16xf32>
        %broadcast_in_dim3A_385 = arith.constant 8 : i32
        %broadcast_in_dim3A_386 = vector.broadcast %broadcast_in_dim3A_385 : i32 to vector<16xi32>
        %gather3A_387 = tpu.vector_load_idx %arg9[%add3A_321, %broadcast_in_dim3A_386] : memref<208x64xf32, #tpu.memory_space<vmem>>[vector<16xi32>, vector<16xi32>], vector<16xf32>,
        %slice3A_388 = vector.extract_strided_slice %get3A_3 {offsets = [8], sizes = [1], strides = [1]} : vector<16xf32> to vector<1xf32>
        %squeeze3A_389 = vector.extract %slice3A_388[0] : f32 from vector<1xf32>
        %mul3A_390 = vector.broadcast %squeeze3A_389 : f32 to vector<16xf32>
        %mul3A_391 = arith.mulf %gather3A_387, %mul3A_390 : vector<16xf32>
        %add3A_392 = arith.addf %add3A_384, %mul3A_391 : vector<16xf32>
        %broadcast_in_dim3A_393 = arith.constant 9 : i32
        %broadcast_in_dim3A_394 = vector.broadcast %broadcast_in_dim3A_393 : i32 to vector<16xi32>
        %gather3A_395 = tpu.vector_load_idx %arg9[%add3A_321, %broadcast_in_dim3A_394] : memref<208x64xf32, #tpu.memory_space<vmem>>[vector<16xi32>, vector<16xi32>], vector<16xf32>,
        %slice3A_396 = vector.extract_strided_slice %get3A_3 {offsets = [9], sizes = [1], strides = [1]} : vector<16xf32> to vector<1xf32>
        %squeeze3A_397 = vector.extract %slice3A_396[0] : f32 from vector<1xf32>
        %mul3A_398 = vector.broadcast %squeeze3A_397 : f32 to vector<16xf32>
        %mul3A_399 = arith.mulf %gather3A_395, %mul3A_398 : vector<16xf32>
        %add3A_400 = arith.addf %add3A_392, %mul3A_399 : vector<16xf32>
        %broadcast_in_dim3A_401 = arith.constant 10 : i32
        %broadcast_in_dim3A_402 = vector.broadcast %broadcast_in_dim3A_401 : i32 to vector<16xi32>
        %gather3A_403 = tpu.vector_load_idx %arg9[%add3A_321, %broadcast_in_dim3A_402] : memref<208x64xf32, #tpu.memory_space<vmem>>[vector<16xi32>, vector<16xi32>], vector<16xf32>,
        %slice3A_404 = vector.extract_strided_slice %get3A_3 {offsets = [10], sizes = [1], strides = [1]} : vector<16xf32> to vector<1xf32>
        %squeeze3A_405 = vector.extract %slice3A_404[0] : f32 from vector<1xf32>
        %mul3A_406 = vector.broadcast %squeeze3A_405 : f32 to vector<16xf32>
        %mul3A_407 = arith.mulf %gather3A_403, %mul3A_406 : vector<16xf32>
        %add3A_408 = arith.addf %add3A_400, %mul3A_407 : vector<16xf32>
        %broadcast_in_dim3A_409 = arith.constant 11 : i32
        %broadcast_in_dim3A_410 = vector.broadcast %broadcast_in_dim3A_409 : i32 to vector<16xi32>
        %gather3A_411 = tpu.vector_load_idx %arg9[%add3A_321, %broadcast_in_dim3A_410] : memref<208x64xf32, #tpu.memory_space<vmem>>[vector<16xi32>, vector<16xi32>], vector<16xf32>,
        %slice3A_412 = vector.extract_strided_slice %get3A_3 {offsets = [11], sizes = [1], strides = [1]} : vector<16xf32> to vector<1xf32>
        %squeeze3A_413 = vector.extract %slice3A_412[0] : f32 from vector<1xf32>
        %mul3A_414 = vector.broadcast %squeeze3A_413 : f32 to vector<16xf32>
        %mul3A_415 = arith.mulf %gather3A_411, %mul3A_414 : vector<16xf32>
        %add3A_416 = arith.addf %add3A_408, %mul3A_415 : vector<16xf32>
        %broadcast_in_dim3A_417 = arith.constant 12 : i32
        %broadcast_in_dim3A_418 = vector.broadcast %broadcast_in_dim3A_417 : i32 to vector<16xi32>
        %gather3A_419 = tpu.vector_load_idx %arg9[%add3A_321, %broadcast_in_dim3A_418] : memref<208x64xf32, #tpu.memory_space<vmem>>[vector<16xi32>, vector<16xi32>], vector<16xf32>,
        %slice3A_420 = vector.extract_strided_slice %get3A_3 {offsets = [12], sizes = [1], strides = [1]} : vector<16xf32> to vector<1xf32>
        %squeeze3A_421 = vector.extract %slice3A_420[0] : f32 from vector<1xf32>
        %mul3A_422 = vector.broadcast %squeeze3A_421 : f32 to vector<16xf32>
        %mul3A_423 = arith.mulf %gather3A_419, %mul3A_422 : vector<16xf32>
        %add3A_424 = arith.addf %add3A_416, %mul3A_423 : vector<16xf32>
        %broadcast_in_dim3A_425 = arith.constant 13 : i32
        %broadcast_in_dim3A_426 = vector.broadcast %broadcast_in_dim3A_425 : i32 to vector<16xi32>
        %gather3A_427 = tpu.vector_load_idx %arg9[%add3A_321, %broadcast_in_dim3A_426] : memref<208x64xf32, #tpu.memory_space<vmem>>[vector<16xi32>, vector<16xi32>], vector<16xf32>,
        %slice3A_428 = vector.extract_strided_slice %get3A_3 {offsets = [13], sizes = [1], strides = [1]} : vector<16xf32> to vector<1xf32>
        %squeeze3A_429 = vector.extract %slice3A_428[0] : f32 from vector<1xf32>
        %mul3A_430 = vector.broadcast %squeeze3A_429 : f32 to vector<16xf32>
        %mul3A_431 = arith.mulf %gather3A_427, %mul3A_430 : vector<16xf32>
        %add3A_432 = arith.addf %add3A_424, %mul3A_431 : vector<16xf32>
        %broadcast_in_dim3A_433 = arith.constant 14 : i32
        %broadcast_in_dim3A_434 = vector.broadcast %broadcast_in_dim3A_433 : i32 to vector<16xi32>
        %gather3A_435 = tpu.vector_load_idx %arg9[%add3A_321, %broadcast_in_dim3A_434] : memref<208x64xf32, #tpu.memory_space<vmem>>[vector<16xi32>, vector<16xi32>], vector<16xf32>,
        %slice3A_436 = vector.extract_strided_slice %get3A_3 {offsets = [14], sizes = [1], strides = [1]} : vector<16xf32> to vector<1xf32>
        %squeeze3A_437 = vector.extract %slice3A_436[0] : f32 from vector<1xf32>
        %mul3A_438 = vector.broadcast %squeeze3A_437 : f32 to vector<16xf32>
        %mul3A_439 = arith.mulf %gather3A_435, %mul3A_438 : vector<16xf32>
        %add3A_440 = arith.addf %add3A_432, %mul3A_439 : vector<16xf32>
        %broadcast_in_dim3A_441 = arith.constant 15 : i32
        %broadcast_in_dim3A_442 = vector.broadcast %broadcast_in_dim3A_441 : i32 to vector<16xi32>
        %gather3A_443 = tpu.vector_load_idx %arg9[%add3A_321, %broadcast_in_dim3A_442] : memref<208x64xf32, #tpu.memory_space<vmem>>[vector<16xi32>, vector<16xi32>], vector<16xf32>,
        %slice3A_444 = vector.extract_strided_slice %get3A_3 {offsets = [15], sizes = [1], strides = [1]} : vector<16xf32> to vector<1xf32>
        %squeeze3A_445 = vector.extract %slice3A_444[0] : f32 from vector<1xf32>
        %mul3A_446 = vector.broadcast %squeeze3A_445 : f32 to vector<16xf32>
        %mul3A_447 = arith.mulf %gather3A_443, %mul3A_446 : vector<16xf32>
        %add3A_448 = arith.addf %add3A_440, %mul3A_447 : vector<16xf32>
        %broadcast_in_dim3A_449 = arith.constant 16 : i32
        %broadcast_in_dim3A_450 = vector.broadcast %broadcast_in_dim3A_449 : i32 to vector<16xi32>
        %gather3A_451 = tpu.vector_load_idx %arg9[%add3A_321, %broadcast_in_dim3A_450] : memref<208x64xf32, #tpu.memory_space<vmem>>[vector<16xi32>, vector<16xi32>], vector<16xf32>,
        %slice3A_452 = vector.extract_strided_slice %get3A_5 {offsets = [0], sizes = [1], strides = [1]} : vector<16xf32> to vector<1xf32>
        %squeeze3A_453 = vector.extract %slice3A_452[0] : f32 from vector<1xf32>
        %mul3A_454 = vector.broadcast %squeeze3A_453 : f32 to vector<16xf32>
        %mul3A_455 = arith.mulf %gather3A_451, %mul3A_454 : vector<16xf32>
        %add3A_456 = arith.addf %add3A_448, %mul3A_455 : vector<16xf32>
        %broadcast_in_dim3A_457 = arith.constant 17 : i32
        %broadcast_in_dim3A_458 = vector.broadcast %broadcast_in_dim3A_457 : i32 to vector<16xi32>
        %gather3A_459 = tpu.vector_load_idx %arg9[%add3A_321, %broadcast_in_dim3A_458] : memref<208x64xf32, #tpu.memory_space<vmem>>[vector<16xi32>, vector<16xi32>], vector<16xf32>,
        %slice3A_460 = vector.extract_strided_slice %get3A_5 {offsets = [1], sizes = [1], strides = [1]} : vector<16xf32> to vector<1xf32>
        %squeeze3A_461 = vector.extract %slice3A_460[0] : f32 from vector<1xf32>
        %mul3A_462 = vector.broadcast %squeeze3A_461 : f32 to vector<16xf32>
        %mul3A_463 = arith.mulf %gather3A_459, %mul3A_462 : vector<16xf32>
        %add3A_464 = arith.addf %add3A_456, %mul3A_463 : vector<16xf32>
        %broadcast_in_dim3A_465 = arith.constant 18 : i32
        %broadcast_in_dim3A_466 = vector.broadcast %broadcast_in_dim3A_465 : i32 to vector<16xi32>
        %gather3A_467 = tpu.vector_load_idx %arg9[%add3A_321, %broadcast_in_dim3A_466] : memref<208x64xf32, #tpu.memory_space<vmem>>[vector<16xi32>, vector<16xi32>], vector<16xf32>,
        %slice3A_468 = vector.extract_strided_slice %get3A_5 {offsets = [2], sizes = [1], strides = [1]} : vector<16xf32> to vector<1xf32>
        %squeeze3A_469 = vector.extract %slice3A_468[0] : f32 from vector<1xf32>
        %mul3A_470 = vector.broadcast %squeeze3A_469 : f32 to vector<16xf32>
        %mul3A_471 = arith.mulf %gather3A_467, %mul3A_470 : vector<16xf32>
        %add3A_472 = arith.addf %add3A_464, %mul3A_471 : vector<16xf32>
        %broadcast_in_dim3A_473 = arith.constant 19 : i32
        %broadcast_in_dim3A_474 = vector.broadcast %broadcast_in_dim3A_473 : i32 to vector<16xi32>
        %gather3A_475 = tpu.vector_load_idx %arg9[%add3A_321, %broadcast_in_dim3A_474] : memref<208x64xf32, #tpu.memory_space<vmem>>[vector<16xi32>, vector<16xi32>], vector<16xf32>,
        %slice3A_476 = vector.extract_strided_slice %get3A_5 {offsets = [3], sizes = [1], strides = [1]} : vector<16xf32> to vector<1xf32>
        %squeeze3A_477 = vector.extract %slice3A_476[0] : f32 from vector<1xf32>
        %mul3A_478 = vector.broadcast %squeeze3A_477 : f32 to vector<16xf32>
        %mul3A_479 = arith.mulf %gather3A_475, %mul3A_478 : vector<16xf32>
        %add3A_480 = arith.addf %add3A_472, %mul3A_479 : vector<16xf32>
        %broadcast_in_dim3A_481 = arith.constant 20 : i32
        %broadcast_in_dim3A_482 = vector.broadcast %broadcast_in_dim3A_481 : i32 to vector<16xi32>
        %gather3A_483 = tpu.vector_load_idx %arg9[%add3A_321, %broadcast_in_dim3A_482] : memref<208x64xf32, #tpu.memory_space<vmem>>[vector<16xi32>, vector<16xi32>], vector<16xf32>,
        %slice3A_484 = vector.extract_strided_slice %get3A_5 {offsets = [4], sizes = [1], strides = [1]} : vector<16xf32> to vector<1xf32>
        %squeeze3A_485 = vector.extract %slice3A_484[0] : f32 from vector<1xf32>
        %mul3A_486 = vector.broadcast %squeeze3A_485 : f32 to vector<16xf32>
        %mul3A_487 = arith.mulf %gather3A_483, %mul3A_486 : vector<16xf32>
        %add3A_488 = arith.addf %add3A_480, %mul3A_487 : vector<16xf32>
        %broadcast_in_dim3A_489 = arith.constant 21 : i32
        %broadcast_in_dim3A_490 = vector.broadcast %broadcast_in_dim3A_489 : i32 to vector<16xi32>
        %gather3A_491 = tpu.vector_load_idx %arg9[%add3A_321, %broadcast_in_dim3A_490] : memref<208x64xf32, #tpu.memory_space<vmem>>[vector<16xi32>, vector<16xi32>], vector<16xf32>,
        %slice3A_492 = vector.extract_strided_slice %get3A_5 {offsets = [5], sizes = [1], strides = [1]} : vector<16xf32> to vector<1xf32>
        %squeeze3A_493 = vector.extract %slice3A_492[0] : f32 from vector<1xf32>
        %mul3A_494 = vector.broadcast %squeeze3A_493 : f32 to vector<16xf32>
        %mul3A_495 = arith.mulf %gather3A_491, %mul3A_494 : vector<16xf32>
        %add3A_496 = arith.addf %add3A_488, %mul3A_495 : vector<16xf32>
        %broadcast_in_dim3A_497 = arith.constant 22 : i32
        %broadcast_in_dim3A_498 = vector.broadcast %broadcast_in_dim3A_497 : i32 to vector<16xi32>
        %gather3A_499 = tpu.vector_load_idx %arg9[%add3A_321, %broadcast_in_dim3A_498] : memref<208x64xf32, #tpu.memory_space<vmem>>[vector<16xi32>, vector<16xi32>], vector<16xf32>,
        %slice3A_500 = vector.extract_strided_slice %get3A_5 {offsets = [6], sizes = [1], strides = [1]} : vector<16xf32> to vector<1xf32>
        %squeeze3A_501 = vector.extract %slice3A_500[0] : f32 from vector<1xf32>
        %mul3A_502 = vector.broadcast %squeeze3A_501 : f32 to vector<16xf32>
        %mul3A_503 = arith.mulf %gather3A_499, %mul3A_502 : vector<16xf32>
        %add3A_504 = arith.addf %add3A_496, %mul3A_503 : vector<16xf32>
        %broadcast_in_dim3A_505 = arith.constant 23 : i32
        %broadcast_in_dim3A_506 = vector.broadcast %broadcast_in_dim3A_505 : i32 to vector<16xi32>
        %gather3A_507 = tpu.vector_load_idx %arg9[%add3A_321, %broadcast_in_dim3A_506] : memref<208x64xf32, #tpu.memory_space<vmem>>[vector<16xi32>, vector<16xi32>], vector<16xf32>,
        %slice3A_508 = vector.extract_strided_slice %get3A_5 {offsets = [7], sizes = [1], strides = [1]} : vector<16xf32> to vector<1xf32>
        %squeeze3A_509 = vector.extract %slice3A_508[0] : f32 from vector<1xf32>
        %mul3A_510 = vector.broadcast %squeeze3A_509 : f32 to vector<16xf32>
        %mul3A_511 = arith.mulf %gather3A_507, %mul3A_510 : vector<16xf32>
        %add3A_512 = arith.addf %add3A_504, %mul3A_511 : vector<16xf32>
        %broadcast_in_dim3A_513 = arith.constant 24 : i32
        %broadcast_in_dim3A_514 = vector.broadcast %broadcast_in_dim3A_513 : i32 to vector<16xi32>
        %gather3A_515 = tpu.vector_load_idx %arg9[%add3A_321, %broadcast_in_dim3A_514] : memref<208x64xf32, #tpu.memory_space<vmem>>[vector<16xi32>, vector<16xi32>], vector<16xf32>,
        %slice3A_516 = vector.extract_strided_slice %get3A_5 {offsets = [8], sizes = [1], strides = [1]} : vector<16xf32> to vector<1xf32>
        %squeeze3A_517 = vector.extract %slice3A_516[0] : f32 from vector<1xf32>
        %mul3A_518 = vector.broadcast %squeeze3A_517 : f32 to vector<16xf32>
        %mul3A_519 = arith.mulf %gather3A_515, %mul3A_518 : vector<16xf32>
        %add3A_520 = arith.addf %add3A_512, %mul3A_519 : vector<16xf32>
        %broadcast_in_dim3A_521 = arith.constant 25 : i32
        %broadcast_in_dim3A_522 = vector.broadcast %broadcast_in_dim3A_521 : i32 to vector<16xi32>
        %gather3A_523 = tpu.vector_load_idx %arg9[%add3A_321, %broadcast_in_dim3A_522] : memref<208x64xf32, #tpu.memory_space<vmem>>[vector<16xi32>, vector<16xi32>], vector<16xf32>,
        %slice3A_524 = vector.extract_strided_slice %get3A_5 {offsets = [9], sizes = [1], strides = [1]} : vector<16xf32> to vector<1xf32>
        %squeeze3A_525 = vector.extract %slice3A_524[0] : f32 from vector<1xf32>
        %mul3A_526 = vector.broadcast %squeeze3A_525 : f32 to vector<16xf32>
        %mul3A_527 = arith.mulf %gather3A_523, %mul3A_526 : vector<16xf32>
        %add3A_528 = arith.addf %add3A_520, %mul3A_527 : vector<16xf32>
        %broadcast_in_dim3A_529 = arith.constant 26 : i32
        %broadcast_in_dim3A_530 = vector.broadcast %broadcast_in_dim3A_529 : i32 to vector<16xi32>
        %gather3A_531 = tpu.vector_load_idx %arg9[%add3A_321, %broadcast_in_dim3A_530] : memref<208x64xf32, #tpu.memory_space<vmem>>[vector<16xi32>, vector<16xi32>], vector<16xf32>,
        %slice3A_532 = vector.extract_strided_slice %get3A_5 {offsets = [10], sizes = [1], strides = [1]} : vector<16xf32> to vector<1xf32>
        %squeeze3A_533 = vector.extract %slice3A_532[0] : f32 from vector<1xf32>
        %mul3A_534 = vector.broadcast %squeeze3A_533 : f32 to vector<16xf32>
        %mul3A_535 = arith.mulf %gather3A_531, %mul3A_534 : vector<16xf32>
        %add3A_536 = arith.addf %add3A_528, %mul3A_535 : vector<16xf32>
        %broadcast_in_dim3A_537 = arith.constant 27 : i32
        %broadcast_in_dim3A_538 = vector.broadcast %broadcast_in_dim3A_537 : i32 to vector<16xi32>
        %gather3A_539 = tpu.vector_load_idx %arg9[%add3A_321, %broadcast_in_dim3A_538] : memref<208x64xf32, #tpu.memory_space<vmem>>[vector<16xi32>, vector<16xi32>], vector<16xf32>,
        %slice3A_540 = vector.extract_strided_slice %get3A_5 {offsets = [11], sizes = [1], strides = [1]} : vector<16xf32> to vector<1xf32>
        %squeeze3A_541 = vector.extract %slice3A_540[0] : f32 from vector<1xf32>
        %mul3A_542 = vector.broadcast %squeeze3A_541 : f32 to vector<16xf32>
        %mul3A_543 = arith.mulf %gather3A_539, %mul3A_542 : vector<16xf32>
        %add3A_544 = arith.addf %add3A_536, %mul3A_543 : vector<16xf32>
        %broadcast_in_dim3A_545 = arith.constant 28 : i32
        %broadcast_in_dim3A_546 = vector.broadcast %broadcast_in_dim3A_545 : i32 to vector<16xi32>
        %gather3A_547 = tpu.vector_load_idx %arg9[%add3A_321, %broadcast_in_dim3A_546] : memref<208x64xf32, #tpu.memory_space<vmem>>[vector<16xi32>, vector<16xi32>], vector<16xf32>,
        %slice3A_548 = vector.extract_strided_slice %get3A_5 {offsets = [12], sizes = [1], strides = [1]} : vector<16xf32> to vector<1xf32>
        %squeeze3A_549 = vector.extract %slice3A_548[0] : f32 from vector<1xf32>
        %mul3A_550 = vector.broadcast %squeeze3A_549 : f32 to vector<16xf32>
        %mul3A_551 = arith.mulf %gather3A_547, %mul3A_550 : vector<16xf32>
        %add3A_552 = arith.addf %add3A_544, %mul3A_551 : vector<16xf32>
        %broadcast_in_dim3A_553 = arith.constant 29 : i32
        %broadcast_in_dim3A_554 = vector.broadcast %broadcast_in_dim3A_553 : i32 to vector<16xi32>
        %gather3A_555 = tpu.vector_load_idx %arg9[%add3A_321, %broadcast_in_dim3A_554] : memref<208x64xf32, #tpu.memory_space<vmem>>[vector<16xi32>, vector<16xi32>], vector<16xf32>,
        %slice3A_556 = vector.extract_strided_slice %get3A_5 {offsets = [13], sizes = [1], strides = [1]} : vector<16xf32> to vector<1xf32>
        %squeeze3A_557 = vector.extract %slice3A_556[0] : f32 from vector<1xf32>
        %mul3A_558 = vector.broadcast %squeeze3A_557 : f32 to vector<16xf32>
        %mul3A_559 = arith.mulf %gather3A_555, %mul3A_558 : vector<16xf32>
        %add3A_560 = arith.addf %add3A_552, %mul3A_559 : vector<16xf32>
        %broadcast_in_dim3A_561 = arith.constant 30 : i32
        %broadcast_in_dim3A_562 = vector.broadcast %broadcast_in_dim3A_561 : i32 to vector<16xi32>
        %gather3A_563 = tpu.vector_load_idx %arg9[%add3A_321, %broadcast_in_dim3A_562] : memref<208x64xf32, #tpu.memory_space<vmem>>[vector<16xi32>, vector<16xi32>], vector<16xf32>,
        %slice3A_564 = vector.extract_strided_slice %get3A_5 {offsets = [14], sizes = [1], strides = [1]} : vector<16xf32> to vector<1xf32>
        %squeeze3A_565 = vector.extract %slice3A_564[0] : f32 from vector<1xf32>
        %mul3A_566 = vector.broadcast %squeeze3A_565 : f32 to vector<16xf32>
        %mul3A_567 = arith.mulf %gather3A_563, %mul3A_566 : vector<16xf32>
        %add3A_568 = arith.addf %add3A_560, %mul3A_567 : vector<16xf32>
        %broadcast_in_dim3A_569 = arith.constant 31 : i32
        %broadcast_in_dim3A_570 = vector.broadcast %broadcast_in_dim3A_569 : i32 to vector<16xi32>
        %gather3A_571 = tpu.vector_load_idx %arg9[%add3A_321, %broadcast_in_dim3A_570] : memref<208x64xf32, #tpu.memory_space<vmem>>[vector<16xi32>, vector<16xi32>], vector<16xf32>,
        %slice3A_572 = vector.extract_strided_slice %get3A_5 {offsets = [15], sizes = [1], strides = [1]} : vector<16xf32> to vector<1xf32>
        %squeeze3A_573 = vector.extract %slice3A_572[0] : f32 from vector<1xf32>
        %mul3A_574 = vector.broadcast %squeeze3A_573 : f32 to vector<16xf32>
        %mul3A_575 = arith.mulf %gather3A_571, %mul3A_574 : vector<16xf32>
        %add3A_576 = arith.addf %add3A_568, %mul3A_575 : vector<16xf32>
        %broadcast_in_dim3A_577 = arith.constant 32 : i32
        %broadcast_in_dim3A_578 = vector.broadcast %broadcast_in_dim3A_577 : i32 to vector<16xi32>
        %gather3A_579 = tpu.vector_load_idx %arg9[%add3A_321, %broadcast_in_dim3A_578] : memref<208x64xf32, #tpu.memory_space<vmem>>[vector<16xi32>, vector<16xi32>], vector<16xf32>,
        %slice3A_580 = vector.extract_strided_slice %get3A_7 {offsets = [0], sizes = [1], strides = [1]} : vector<16xf32> to vector<1xf32>
        %squeeze3A_581 = vector.extract %slice3A_580[0] : f32 from vector<1xf32>
        %mul3A_582 = vector.broadcast %squeeze3A_581 : f32 to vector<16xf32>
        %mul3A_583 = arith.mulf %gather3A_579, %mul3A_582 : vector<16xf32>
        %add3A_584 = arith.addf %add3A_576, %mul3A_583 : vector<16xf32>
        %broadcast_in_dim3A_585 = arith.constant 33 : i32
        %broadcast_in_dim3A_586 = vector.broadcast %broadcast_in_dim3A_585 : i32 to vector<16xi32>
        %gather3A_587 = tpu.vector_load_idx %arg9[%add3A_321, %broadcast_in_dim3A_586] : memref<208x64xf32, #tpu.memory_space<vmem>>[vector<16xi32>, vector<16xi32>], vector<16xf32>,
        %slice3A_588 = vector.extract_strided_slice %get3A_7 {offsets = [1], sizes = [1], strides = [1]} : vector<16xf32> to vector<1xf32>
        %squeeze3A_589 = vector.extract %slice3A_588[0] : f32 from vector<1xf32>
        %mul3A_590 = vector.broadcast %squeeze3A_589 : f32 to vector<16xf32>
        %mul3A_591 = arith.mulf %gather3A_587, %mul3A_590 : vector<16xf32>
        %add3A_592 = arith.addf %add3A_584, %mul3A_591 : vector<16xf32>
        %broadcast_in_dim3A_593 = arith.constant 34 : i32
        %broadcast_in_dim3A_594 = vector.broadcast %broadcast_in_dim3A_593 : i32 to vector<16xi32>
        %gather3A_595 = tpu.vector_load_idx %arg9[%add3A_321, %broadcast_in_dim3A_594] : memref<208x64xf32, #tpu.memory_space<vmem>>[vector<16xi32>, vector<16xi32>], vector<16xf32>,
        %slice3A_596 = vector.extract_strided_slice %get3A_7 {offsets = [2], sizes = [1], strides = [1]} : vector<16xf32> to vector<1xf32>
        %squeeze3A_597 = vector.extract %slice3A_596[0] : f32 from vector<1xf32>
        %mul3A_598 = vector.broadcast %squeeze3A_597 : f32 to vector<16xf32>
        %mul3A_599 = arith.mulf %gather3A_595, %mul3A_598 : vector<16xf32>
        %add3A_600 = arith.addf %add3A_592, %mul3A_599 : vector<16xf32>
        %broadcast_in_dim3A_601 = arith.constant 35 : i32
        %broadcast_in_dim3A_602 = vector.broadcast %broadcast_in_dim3A_601 : i32 to vector<16xi32>
        %gather3A_603 = tpu.vector_load_idx %arg9[%add3A_321, %broadcast_in_dim3A_602] : memref<208x64xf32, #tpu.memory_space<vmem>>[vector<16xi32>, vector<16xi32>], vector<16xf32>,
        %slice3A_604 = vector.extract_strided_slice %get3A_7 {offsets = [3], sizes = [1], strides = [1]} : vector<16xf32> to vector<1xf32>
        %squeeze3A_605 = vector.extract %slice3A_604[0] : f32 from vector<1xf32>
        %mul3A_606 = vector.broadcast %squeeze3A_605 : f32 to vector<16xf32>
        %mul3A_607 = arith.mulf %gather3A_603, %mul3A_606 : vector<16xf32>
        %add3A_608 = arith.addf %add3A_600, %mul3A_607 : vector<16xf32>
        %broadcast_in_dim3A_609 = arith.constant 36 : i32
        %broadcast_in_dim3A_610 = vector.broadcast %broadcast_in_dim3A_609 : i32 to vector<16xi32>
        %gather3A_611 = tpu.vector_load_idx %arg9[%add3A_321, %broadcast_in_dim3A_610] : memref<208x64xf32, #tpu.memory_space<vmem>>[vector<16xi32>, vector<16xi32>], vector<16xf32>,
        %slice3A_612 = vector.extract_strided_slice %get3A_7 {offsets = [4], sizes = [1], strides = [1]} : vector<16xf32> to vector<1xf32>
        %squeeze3A_613 = vector.extract %slice3A_612[0] : f32 from vector<1xf32>
        %mul3A_614 = vector.broadcast %squeeze3A_613 : f32 to vector<16xf32>
        %mul3A_615 = arith.mulf %gather3A_611, %mul3A_614 : vector<16xf32>
        %add3A_616 = arith.addf %add3A_608, %mul3A_615 : vector<16xf32>
        %broadcast_in_dim3A_617 = arith.constant 37 : i32
        %broadcast_in_dim3A_618 = vector.broadcast %broadcast_in_dim3A_617 : i32 to vector<16xi32>
        %gather3A_619 = tpu.vector_load_idx %arg9[%add3A_321, %broadcast_in_dim3A_618] : memref<208x64xf32, #tpu.memory_space<vmem>>[vector<16xi32>, vector<16xi32>], vector<16xf32>,
        %slice3A_620 = vector.extract_strided_slice %get3A_7 {offsets = [5], sizes = [1], strides = [1]} : vector<16xf32> to vector<1xf32>
        %squeeze3A_621 = vector.extract %slice3A_620[0] : f32 from vector<1xf32>
        %mul3A_622 = vector.broadcast %squeeze3A_621 : f32 to vector<16xf32>
        %mul3A_623 = arith.mulf %gather3A_619, %mul3A_622 : vector<16xf32>
        %add3A_624 = arith.addf %add3A_616, %mul3A_623 : vector<16xf32>
        %broadcast_in_dim3A_625 = arith.constant 38 : i32
        %broadcast_in_dim3A_626 = vector.broadcast %broadcast_in_dim3A_625 : i32 to vector<16xi32>
        %gather3A_627 = tpu.vector_load_idx %arg9[%add3A_321, %broadcast_in_dim3A_626] : memref<208x64xf32, #tpu.memory_space<vmem>>[vector<16xi32>, vector<16xi32>], vector<16xf32>,
        %slice3A_628 = vector.extract_strided_slice %get3A_7 {offsets = [6], sizes = [1], strides = [1]} : vector<16xf32> to vector<1xf32>
        %squeeze3A_629 = vector.extract %slice3A_628[0] : f32 from vector<1xf32>
        %mul3A_630 = vector.broadcast %squeeze3A_629 : f32 to vector<16xf32>
        %mul3A_631 = arith.mulf %gather3A_627, %mul3A_630 : vector<16xf32>
        %add3A_632 = arith.addf %add3A_624, %mul3A_631 : vector<16xf32>
        %broadcast_in_dim3A_633 = arith.constant 39 : i32
        %broadcast_in_dim3A_634 = vector.broadcast %broadcast_in_dim3A_633 : i32 to vector<16xi32>
        %gather3A_635 = tpu.vector_load_idx %arg9[%add3A_321, %broadcast_in_dim3A_634] : memref<208x64xf32, #tpu.memory_space<vmem>>[vector<16xi32>, vector<16xi32>], vector<16xf32>,
        %slice3A_636 = vector.extract_strided_slice %get3A_7 {offsets = [7], sizes = [1], strides = [1]} : vector<16xf32> to vector<1xf32>
        %squeeze3A_637 = vector.extract %slice3A_636[0] : f32 from vector<1xf32>
        %mul3A_638 = vector.broadcast %squeeze3A_637 : f32 to vector<16xf32>
        %mul3A_639 = arith.mulf %gather3A_635, %mul3A_638 : vector<16xf32>
        %add3A_640 = arith.addf %add3A_632, %mul3A_639 : vector<16xf32>
        %broadcast_in_dim3A_641 = arith.constant 40 : i32
        %broadcast_in_dim3A_642 = vector.broadcast %broadcast_in_dim3A_641 : i32 to vector<16xi32>
        %gather3A_643 = tpu.vector_load_idx %arg9[%add3A_321, %broadcast_in_dim3A_642] : memref<208x64xf32, #tpu.memory_space<vmem>>[vector<16xi32>, vector<16xi32>], vector<16xf32>,
        %slice3A_644 = vector.extract_strided_slice %get3A_7 {offsets = [8], sizes = [1], strides = [1]} : vector<16xf32> to vector<1xf32>
        %squeeze3A_645 = vector.extract %slice3A_644[0] : f32 from vector<1xf32>
        %mul3A_646 = vector.broadcast %squeeze3A_645 : f32 to vector<16xf32>
        %mul3A_647 = arith.mulf %gather3A_643, %mul3A_646 : vector<16xf32>
        %add3A_648 = arith.addf %add3A_640, %mul3A_647 : vector<16xf32>
        %broadcast_in_dim3A_649 = arith.constant 41 : i32
        %broadcast_in_dim3A_650 = vector.broadcast %broadcast_in_dim3A_649 : i32 to vector<16xi32>
        %gather3A_651 = tpu.vector_load_idx %arg9[%add3A_321, %broadcast_in_dim3A_650] : memref<208x64xf32, #tpu.memory_space<vmem>>[vector<16xi32>, vector<16xi32>], vector<16xf32>,
        %slice3A_652 = vector.extract_strided_slice %get3A_7 {offsets = [9], sizes = [1], strides = [1]} : vector<16xf32> to vector<1xf32>
        %squeeze3A_653 = vector.extract %slice3A_652[0] : f32 from vector<1xf32>
        %mul3A_654 = vector.broadcast %squeeze3A_653 : f32 to vector<16xf32>
        %mul3A_655 = arith.mulf %gather3A_651, %mul3A_654 : vector<16xf32>
        %add3A_656 = arith.addf %add3A_648, %mul3A_655 : vector<16xf32>
        %broadcast_in_dim3A_657 = arith.constant 42 : i32
        %broadcast_in_dim3A_658 = vector.broadcast %broadcast_in_dim3A_657 : i32 to vector<16xi32>
        %gather3A_659 = tpu.vector_load_idx %arg9[%add3A_321, %broadcast_in_dim3A_658] : memref<208x64xf32, #tpu.memory_space<vmem>>[vector<16xi32>, vector<16xi32>], vector<16xf32>,
        %slice3A_660 = vector.extract_strided_slice %get3A_7 {offsets = [10], sizes = [1], strides = [1]} : vector<16xf32> to vector<1xf32>
        %squeeze3A_661 = vector.extract %slice3A_660[0] : f32 from vector<1xf32>
        %mul3A_662 = vector.broadcast %squeeze3A_661 : f32 to vector<16xf32>
        %mul3A_663 = arith.mulf %gather3A_659, %mul3A_662 : vector<16xf32>
        %add3A_664 = arith.addf %add3A_656, %mul3A_663 : vector<16xf32>
        %broadcast_in_dim3A_665 = arith.constant 43 : i32
        %broadcast_in_dim3A_666 = vector.broadcast %broadcast_in_dim3A_665 : i32 to vector<16xi32>
        %gather3A_667 = tpu.vector_load_idx %arg9[%add3A_321, %broadcast_in_dim3A_666] : memref<208x64xf32, #tpu.memory_space<vmem>>[vector<16xi32>, vector<16xi32>], vector<16xf32>,
        %slice3A_668 = vector.extract_strided_slice %get3A_7 {offsets = [11], sizes = [1], strides = [1]} : vector<16xf32> to vector<1xf32>
        %squeeze3A_669 = vector.extract %slice3A_668[0] : f32 from vector<1xf32>
        %mul3A_670 = vector.broadcast %squeeze3A_669 : f32 to vector<16xf32>
        %mul3A_671 = arith.mulf %gather3A_667, %mul3A_670 : vector<16xf32>
        %add3A_672 = arith.addf %add3A_664, %mul3A_671 : vector<16xf32>
        %broadcast_in_dim3A_673 = arith.constant 44 : i32
        %broadcast_in_dim3A_674 = vector.broadcast %broadcast_in_dim3A_673 : i32 to vector<16xi32>
        %gather3A_675 = tpu.vector_load_idx %arg9[%add3A_321, %broadcast_in_dim3A_674] : memref<208x64xf32, #tpu.memory_space<vmem>>[vector<16xi32>, vector<16xi32>], vector<16xf32>,
        %slice3A_676 = vector.extract_strided_slice %get3A_7 {offsets = [12], sizes = [1], strides = [1]} : vector<16xf32> to vector<1xf32>
        %squeeze3A_677 = vector.extract %slice3A_676[0] : f32 from vector<1xf32>
        %mul3A_678 = vector.broadcast %squeeze3A_677 : f32 to vector<16xf32>
        %mul3A_679 = arith.mulf %gather3A_675, %mul3A_678 : vector<16xf32>
        %add3A_680 = arith.addf %add3A_672, %mul3A_679 : vector<16xf32>
        %broadcast_in_dim3A_681 = arith.constant 45 : i32
        %broadcast_in_dim3A_682 = vector.broadcast %broadcast_in_dim3A_681 : i32 to vector<16xi32>
        %gather3A_683 = tpu.vector_load_idx %arg9[%add3A_321, %broadcast_in_dim3A_682] : memref<208x64xf32, #tpu.memory_space<vmem>>[vector<16xi32>, vector<16xi32>], vector<16xf32>,
        %slice3A_684 = vector.extract_strided_slice %get3A_7 {offsets = [13], sizes = [1], strides = [1]} : vector<16xf32> to vector<1xf32>
        %squeeze3A_685 = vector.extract %slice3A_684[0] : f32 from vector<1xf32>
        %mul3A_686 = vector.broadcast %squeeze3A_685 : f32 to vector<16xf32>
        %mul3A_687 = arith.mulf %gather3A_683, %mul3A_686 : vector<16xf32>
        %add3A_688 = arith.addf %add3A_680, %mul3A_687 : vector<16xf32>
        %broadcast_in_dim3A_689 = arith.constant 46 : i32
        %broadcast_in_dim3A_690 = vector.broadcast %broadcast_in_dim3A_689 : i32 to vector<16xi32>
        %gather3A_691 = tpu.vector_load_idx %arg9[%add3A_321, %broadcast_in_dim3A_690] : memref<208x64xf32, #tpu.memory_space<vmem>>[vector<16xi32>, vector<16xi32>], vector<16xf32>,
        %slice3A_692 = vector.extract_strided_slice %get3A_7 {offsets = [14], sizes = [1], strides = [1]} : vector<16xf32> to vector<1xf32>
        %squeeze3A_693 = vector.extract %slice3A_692[0] : f32 from vector<1xf32>
        %mul3A_694 = vector.broadcast %squeeze3A_693 : f32 to vector<16xf32>
        %mul3A_695 = arith.mulf %gather3A_691, %mul3A_694 : vector<16xf32>
        %add3A_696 = arith.addf %add3A_688, %mul3A_695 : vector<16xf32>
        %broadcast_in_dim3A_697 = arith.constant 47 : i32
        %broadcast_in_dim3A_698 = vector.broadcast %broadcast_in_dim3A_697 : i32 to vector<16xi32>
        %gather3A_699 = tpu.vector_load_idx %arg9[%add3A_321, %broadcast_in_dim3A_698] : memref<208x64xf32, #tpu.memory_space<vmem>>[vector<16xi32>, vector<16xi32>], vector<16xf32>,
        %slice3A_700 = vector.extract_strided_slice %get3A_7 {offsets = [15], sizes = [1], strides = [1]} : vector<16xf32> to vector<1xf32>
        %squeeze3A_701 = vector.extract %slice3A_700[0] : f32 from vector<1xf32>
        %mul3A_702 = vector.broadcast %squeeze3A_701 : f32 to vector<16xf32>
        %mul3A_703 = arith.mulf %gather3A_699, %mul3A_702 : vector<16xf32>
        %add3A_704 = arith.addf %add3A_696, %mul3A_703 : vector<16xf32>
        %broadcast_in_dim3A_705 = arith.constant 48 : i32
        %broadcast_in_dim3A_706 = vector.broadcast %broadcast_in_dim3A_705 : i32 to vector<16xi32>
        %gather3A_707 = tpu.vector_load_idx %arg9[%add3A_321, %broadcast_in_dim3A_706] : memref<208x64xf32, #tpu.memory_space<vmem>>[vector<16xi32>, vector<16xi32>], vector<16xf32>,
        %slice3A_708 = vector.extract_strided_slice %get3A_9 {offsets = [0], sizes = [1], strides = [1]} : vector<16xf32> to vector<1xf32>
        %squeeze3A_709 = vector.extract %slice3A_708[0] : f32 from vector<1xf32>
        %mul3A_710 = vector.broadcast %squeeze3A_709 : f32 to vector<16xf32>
        %mul3A_711 = arith.mulf %gather3A_707, %mul3A_710 : vector<16xf32>
        %add3A_712 = arith.addf %add3A_704, %mul3A_711 : vector<16xf32>
        %broadcast_in_dim3A_713 = arith.constant 49 : i32
        %broadcast_in_dim3A_714 = vector.broadcast %broadcast_in_dim3A_713 : i32 to vector<16xi32>
        %gather3A_715 = tpu.vector_load_idx %arg9[%add3A_321, %broadcast_in_dim3A_714] : memref<208x64xf32, #tpu.memory_space<vmem>>[vector<16xi32>, vector<16xi32>], vector<16xf32>,
        %slice3A_716 = vector.extract_strided_slice %get3A_9 {offsets = [1], sizes = [1], strides = [1]} : vector<16xf32> to vector<1xf32>
        %squeeze3A_717 = vector.extract %slice3A_716[0] : f32 from vector<1xf32>
        %mul3A_718 = vector.broadcast %squeeze3A_717 : f32 to vector<16xf32>
        %mul3A_719 = arith.mulf %gather3A_715, %mul3A_718 : vector<16xf32>
        %add3A_720 = arith.addf %add3A_712, %mul3A_719 : vector<16xf32>
        %broadcast_in_dim3A_721 = arith.constant 50 : i32
        %broadcast_in_dim3A_722 = vector.broadcast %broadcast_in_dim3A_721 : i32 to vector<16xi32>
        %gather3A_723 = tpu.vector_load_idx %arg9[%add3A_321, %broadcast_in_dim3A_722] : memref<208x64xf32, #tpu.memory_space<vmem>>[vector<16xi32>, vector<16xi32>], vector<16xf32>,
        %slice3A_724 = vector.extract_strided_slice %get3A_9 {offsets = [2], sizes = [1], strides = [1]} : vector<16xf32> to vector<1xf32>
        %squeeze3A_725 = vector.extract %slice3A_724[0] : f32 from vector<1xf32>
        %mul3A_726 = vector.broadcast %squeeze3A_725 : f32 to vector<16xf32>
        %mul3A_727 = arith.mulf %gather3A_723, %mul3A_726 : vector<16xf32>
        %add3A_728 = arith.addf %add3A_720, %mul3A_727 : vector<16xf32>
        %broadcast_in_dim3A_729 = arith.constant 51 : i32
        %broadcast_in_dim3A_730 = vector.broadcast %broadcast_in_dim3A_729 : i32 to vector<16xi32>
        %gather3A_731 = tpu.vector_load_idx %arg9[%add3A_321, %broadcast_in_dim3A_730] : memref<208x64xf32, #tpu.memory_space<vmem>>[vector<16xi32>, vector<16xi32>], vector<16xf32>,
        %slice3A_732 = vector.extract_strided_slice %get3A_9 {offsets = [3], sizes = [1], strides = [1]} : vector<16xf32> to vector<1xf32>
        %squeeze3A_733 = vector.extract %slice3A_732[0] : f32 from vector<1xf32>
        %mul3A_734 = vector.broadcast %squeeze3A_733 : f32 to vector<16xf32>
        %mul3A_735 = arith.mulf %gather3A_731, %mul3A_734 : vector<16xf32>
        %add3A_736 = arith.addf %add3A_728, %mul3A_735 : vector<16xf32>
        %broadcast_in_dim3A_737 = arith.constant 52 : i32
        %broadcast_in_dim3A_738 = vector.broadcast %broadcast_in_dim3A_737 : i32 to vector<16xi32>
        %gather3A_739 = tpu.vector_load_idx %arg9[%add3A_321, %broadcast_in_dim3A_738] : memref<208x64xf32, #tpu.memory_space<vmem>>[vector<16xi32>, vector<16xi32>], vector<16xf32>,
        %slice3A_740 = vector.extract_strided_slice %get3A_9 {offsets = [4], sizes = [1], strides = [1]} : vector<16xf32> to vector<1xf32>
        %squeeze3A_741 = vector.extract %slice3A_740[0] : f32 from vector<1xf32>
        %mul3A_742 = vector.broadcast %squeeze3A_741 : f32 to vector<16xf32>
        %mul3A_743 = arith.mulf %gather3A_739, %mul3A_742 : vector<16xf32>
        %add3A_744 = arith.addf %add3A_736, %mul3A_743 : vector<16xf32>
        %broadcast_in_dim3A_745 = arith.constant 53 : i32
        %broadcast_in_dim3A_746 = vector.broadcast %broadcast_in_dim3A_745 : i32 to vector<16xi32>
        %gather3A_747 = tpu.vector_load_idx %arg9[%add3A_321, %broadcast_in_dim3A_746] : memref<208x64xf32, #tpu.memory_space<vmem>>[vector<16xi32>, vector<16xi32>], vector<16xf32>,
        %slice3A_748 = vector.extract_strided_slice %get3A_9 {offsets = [5], sizes = [1], strides = [1]} : vector<16xf32> to vector<1xf32>
        %squeeze3A_749 = vector.extract %slice3A_748[0] : f32 from vector<1xf32>
        %mul3A_750 = vector.broadcast %squeeze3A_749 : f32 to vector<16xf32>
        %mul3A_751 = arith.mulf %gather3A_747, %mul3A_750 : vector<16xf32>
        %add3A_752 = arith.addf %add3A_744, %mul3A_751 : vector<16xf32>
        %broadcast_in_dim3A_753 = arith.constant 54 : i32
        %broadcast_in_dim3A_754 = vector.broadcast %broadcast_in_dim3A_753 : i32 to vector<16xi32>
        %gather3A_755 = tpu.vector_load_idx %arg9[%add3A_321, %broadcast_in_dim3A_754] : memref<208x64xf32, #tpu.memory_space<vmem>>[vector<16xi32>, vector<16xi32>], vector<16xf32>,
        %slice3A_756 = vector.extract_strided_slice %get3A_9 {offsets = [6], sizes = [1], strides = [1]} : vector<16xf32> to vector<1xf32>
        %squeeze3A_757 = vector.extract %slice3A_756[0] : f32 from vector<1xf32>
        %mul3A_758 = vector.broadcast %squeeze3A_757 : f32 to vector<16xf32>
        %mul3A_759 = arith.mulf %gather3A_755, %mul3A_758 : vector<16xf32>
        %add3A_760 = arith.addf %add3A_752, %mul3A_759 : vector<16xf32>
        %broadcast_in_dim3A_761 = arith.constant 55 : i32
        %broadcast_in_dim3A_762 = vector.broadcast %broadcast_in_dim3A_761 : i32 to vector<16xi32>
        %gather3A_763 = tpu.vector_load_idx %arg9[%add3A_321, %broadcast_in_dim3A_762] : memref<208x64xf32, #tpu.memory_space<vmem>>[vector<16xi32>, vector<16xi32>], vector<16xf32>,
        %slice3A_764 = vector.extract_strided_slice %get3A_9 {offsets = [7], sizes = [1], strides = [1]} : vector<16xf32> to vector<1xf32>
        %squeeze3A_765 = vector.extract %slice3A_764[0] : f32 from vector<1xf32>
        %mul3A_766 = vector.broadcast %squeeze3A_765 : f32 to vector<16xf32>
        %mul3A_767 = arith.mulf %gather3A_763, %mul3A_766 : vector<16xf32>
        %add3A_768 = arith.addf %add3A_760, %mul3A_767 : vector<16xf32>
        %broadcast_in_dim3A_769 = arith.constant 56 : i32
        %broadcast_in_dim3A_770 = vector.broadcast %broadcast_in_dim3A_769 : i32 to vector<16xi32>
        %gather3A_771 = tpu.vector_load_idx %arg9[%add3A_321, %broadcast_in_dim3A_770] : memref<208x64xf32, #tpu.memory_space<vmem>>[vector<16xi32>, vector<16xi32>], vector<16xf32>,
        %slice3A_772 = vector.extract_strided_slice %get3A_9 {offsets = [8], sizes = [1], strides = [1]} : vector<16xf32> to vector<1xf32>
        %squeeze3A_773 = vector.extract %slice3A_772[0] : f32 from vector<1xf32>
        %mul3A_774 = vector.broadcast %squeeze3A_773 : f32 to vector<16xf32>
        %mul3A_775 = arith.mulf %gather3A_771, %mul3A_774 : vector<16xf32>
        %add3A_776 = arith.addf %add3A_768, %mul3A_775 : vector<16xf32>
        %broadcast_in_dim3A_777 = arith.constant 57 : i32
        %broadcast_in_dim3A_778 = vector.broadcast %broadcast_in_dim3A_777 : i32 to vector<16xi32>
        %gather3A_779 = tpu.vector_load_idx %arg9[%add3A_321, %broadcast_in_dim3A_778] : memref<208x64xf32, #tpu.memory_space<vmem>>[vector<16xi32>, vector<16xi32>], vector<16xf32>,
        %slice3A_780 = vector.extract_strided_slice %get3A_9 {offsets = [9], sizes = [1], strides = [1]} : vector<16xf32> to vector<1xf32>
        %squeeze3A_781 = vector.extract %slice3A_780[0] : f32 from vector<1xf32>
        %mul3A_782 = vector.broadcast %squeeze3A_781 : f32 to vector<16xf32>
        %mul3A_783 = arith.mulf %gather3A_779, %mul3A_782 : vector<16xf32>
        %add3A_784 = arith.addf %add3A_776, %mul3A_783 : vector<16xf32>
        %broadcast_in_dim3A_785 = arith.constant 58 : i32
        %broadcast_in_dim3A_786 = vector.broadcast %broadcast_in_dim3A_785 : i32 to vector<16xi32>
        %gather3A_787 = tpu.vector_load_idx %arg9[%add3A_321, %broadcast_in_dim3A_786] : memref<208x64xf32, #tpu.memory_space<vmem>>[vector<16xi32>, vector<16xi32>], vector<16xf32>,
        %slice3A_788 = vector.extract_strided_slice %get3A_9 {offsets = [10], sizes = [1], strides = [1]} : vector<16xf32> to vector<1xf32>
        %squeeze3A_789 = vector.extract %slice3A_788[0] : f32 from vector<1xf32>
        %mul3A_790 = vector.broadcast %squeeze3A_789 : f32 to vector<16xf32>
        %mul3A_791 = arith.mulf %gather3A_787, %mul3A_790 : vector<16xf32>
        %add3A_792 = arith.addf %add3A_784, %mul3A_791 : vector<16xf32>
        %broadcast_in_dim3A_793 = arith.constant 59 : i32
        %broadcast_in_dim3A_794 = vector.broadcast %broadcast_in_dim3A_793 : i32 to vector<16xi32>
        %gather3A_795 = tpu.vector_load_idx %arg9[%add3A_321, %broadcast_in_dim3A_794] : memref<208x64xf32, #tpu.memory_space<vmem>>[vector<16xi32>, vector<16xi32>], vector<16xf32>,
        %slice3A_796 = vector.extract_strided_slice %get3A_9 {offsets = [11], sizes = [1], strides = [1]} : vector<16xf32> to vector<1xf32>
        %squeeze3A_797 = vector.extract %slice3A_796[0] : f32 from vector<1xf32>
        %mul3A_798 = vector.broadcast %squeeze3A_797 : f32 to vector<16xf32>
        %mul3A_799 = arith.mulf %gather3A_795, %mul3A_798 : vector<16xf32>
        %add3A_800 = arith.addf %add3A_792, %mul3A_799 : vector<16xf32>
        %broadcast_in_dim3A_801 = arith.constant 60 : i32
        %broadcast_in_dim3A_802 = vector.broadcast %broadcast_in_dim3A_801 : i32 to vector<16xi32>
        %gather3A_803 = tpu.vector_load_idx %arg9[%add3A_321, %broadcast_in_dim3A_802] : memref<208x64xf32, #tpu.memory_space<vmem>>[vector<16xi32>, vector<16xi32>], vector<16xf32>,
        %slice3A_804 = vector.extract_strided_slice %get3A_9 {offsets = [12], sizes = [1], strides = [1]} : vector<16xf32> to vector<1xf32>
        %squeeze3A_805 = vector.extract %slice3A_804[0] : f32 from vector<1xf32>
        %mul3A_806 = vector.broadcast %squeeze3A_805 : f32 to vector<16xf32>
        %mul3A_807 = arith.mulf %gather3A_803, %mul3A_806 : vector<16xf32>
        %add3A_808 = arith.addf %add3A_800, %mul3A_807 : vector<16xf32>
        %broadcast_in_dim3A_809 = arith.constant 61 : i32
        %broadcast_in_dim3A_810 = vector.broadcast %broadcast_in_dim3A_809 : i32 to vector<16xi32>
        %gather3A_811 = tpu.vector_load_idx %arg9[%add3A_321, %broadcast_in_dim3A_810] : memref<208x64xf32, #tpu.memory_space<vmem>>[vector<16xi32>, vector<16xi32>], vector<16xf32>,
        %slice3A_812 = vector.extract_strided_slice %get3A_9 {offsets = [13], sizes = [1], strides = [1]} : vector<16xf32> to vector<1xf32>
        %squeeze3A_813 = vector.extract %slice3A_812[0] : f32 from vector<1xf32>
        %mul3A_814 = vector.broadcast %squeeze3A_813 : f32 to vector<16xf32>
        %mul3A_815 = arith.mulf %gather3A_811, %mul3A_814 : vector<16xf32>
        %add3A_816 = arith.addf %add3A_808, %mul3A_815 : vector<16xf32>
        %broadcast_in_dim3A_817 = arith.constant 62 : i32
        %broadcast_in_dim3A_818 = vector.broadcast %broadcast_in_dim3A_817 : i32 to vector<16xi32>
        %gather3A_819 = tpu.vector_load_idx %arg9[%add3A_321, %broadcast_in_dim3A_818] : memref<208x64xf32, #tpu.memory_space<vmem>>[vector<16xi32>, vector<16xi32>], vector<16xf32>,
        %slice3A_820 = vector.extract_strided_slice %get3A_9 {offsets = [14], sizes = [1], strides = [1]} : vector<16xf32> to vector<1xf32>
        %squeeze3A_821 = vector.extract %slice3A_820[0] : f32 from vector<1xf32>
        %mul3A_822 = vector.broadcast %squeeze3A_821 : f32 to vector<16xf32>
        %mul3A_823 = arith.mulf %gather3A_819, %mul3A_822 : vector<16xf32>
        %add3A_824 = arith.addf %add3A_816, %mul3A_823 : vector<16xf32>
        %broadcast_in_dim3A_825 = arith.constant 63 : i32
        %broadcast_in_dim3A_826 = vector.broadcast %broadcast_in_dim3A_825 : i32 to vector<16xi32>
        %gather3A_827 = tpu.vector_load_idx %arg9[%add3A_321, %broadcast_in_dim3A_826] : memref<208x64xf32, #tpu.memory_space<vmem>>[vector<16xi32>, vector<16xi32>], vector<16xf32>,
        %slice3A_828 = vector.extract_strided_slice %get3A_9 {offsets = [15], sizes = [1], strides = [1]} : vector<16xf32> to vector<1xf32>
        %squeeze3A_829 = vector.extract %slice3A_828[0] : f32 from vector<1xf32>
        %mul3A_830 = vector.broadcast %squeeze3A_829 : f32 to vector<16xf32>
        %mul3A_831 = arith.mulf %gather3A_827, %mul3A_830 : vector<16xf32>
        %add3A_832 = arith.addf %add3A_824, %mul3A_831 : vector<16xf32>
        %mul3A_833 = arith.constant 16 : i32
        %mul3A_834 = arith.muli %scan3A_316, %mul3A_833 : i32
        %get3A_835 = arith.index_cast %add3A_53 : i32 to index
        %get3A_836 = arith.index_cast %mul3A_834 : i32 to index
        %get3A_837 = tpu.vector_load %arg7[%get3A_835, %get3A_836] {strides = array<i32>} : memref<128x208xi32, #tpu.memory_space<vmem>>, vector<16xi32>,
        %ne3A = arith.constant 0 : i32
        %ne3A_838 = vector.broadcast %ne3A : i32 to vector<16xi32>
        %ne3A_839 = arith.cmpi ne, %get3A_837, %ne3A_838 : vector<16xi32>
        %mul3A_840 = arith.constant 16 : i32
        %mul3A_841 = arith.muli %scan3A_316, %mul3A_840 : i32
        %add3A_842 = vector.broadcast %mul3A_841 : i32 to vector<16xi32>
        %add3A_843 = arith.addi %add3A_842, %iota3A : vector<16xi32>
        %lt3A = arith.constant 200 : i32
        %lt3A_844 = vector.broadcast %lt3A : i32 to vector<16xi32>
        %lt3A_845 = arith.cmpi slt, %add3A_843, %lt3A_844 : vector<16xi32>
        %and3A = arith.andi %ne3A_839, %lt3A_845 : vector<16xi1>
        %add3A_846 = arith.addf %add3A_832, %add3A_832 : vector<16xf32>
        %exp3A = math.exp %add3A_846 : vector<16xf32>
        %add3A_847 = arith.constant 1.000000e+00 : f32
        %add3A_848 = vector.broadcast %add3A_847 : f32 to vector<16xf32>
        %add3A_849 = arith.addf %exp3A, %add3A_848 : vector<16xf32>
        %div3A_850 = arith.constant 2.000000e+00 : f32
        %div3A_851 = vector.broadcast %div3A_850 : f32 to vector<16xf32>
        %div3A_852 = arith.divf %div3A_851, %add3A_849 : vector<16xf32>
        %sub3A = arith.constant 1.000000e+00 : f32
        %sub3A_853 = vector.broadcast %sub3A : f32 to vector<16xf32>
        %sub3A_854 = arith.subf %sub3A_853, %div3A_852 : vector<16xf32>
        %jit3A_855 = arith.constant 0xFF800000 : f32
        %broadcast_in_dim3A_856 = vector.broadcast %jit3A_855 : f32 to vector<16xf32>
        %select_n3A_857 = arith.select %and3A, %sub3A_854, %broadcast_in_dim3A_856 : vector<16xi1>, vector<16xf32>
        %mul3A_858 = arith.constant 16 : i32
        %mul3A_859 = arith.muli %scan3A_316, %mul3A_858 : i32
        %swap3A_860 = arith.index_cast %mul3A_859 : i32 to index
        %swap3A_861 = tpu.vector_load %arg10[%swap3A_860] {strides = array<i32>} : memref<208xf32, #tpu.memory_space<vmem>>, vector<16xf32>,
        tpu.vector_store %arg10[%swap3A_860], %select_n3A_857 {strides = array<i32>} : memref<208xf32, #tpu.memory_space<vmem>>, vector<16xf32>,
        %max3A = arith.maximumf %scan3A_317, %select_n3A_857 : vector<16xf32>
        scf.yield %max3A : vector<16xf32>
      }
      %scan3A_219 = arith.constant 13 : i32
      %reduce_max3A_220 = arith.constant true
      %reduce_max3A_221 = vector.broadcast %reduce_max3A_220 : i1 to vector<16xi1>
      %reduce_max3A_222 = tpu.scan <max>, %scan3A_218 masked %reduce_max3A_221 : vector<16xf32>, vector<16xi1> -> vector<16xf32>
      %reduce_max3A_223 = vector.extract %reduce_max3A_222[15] : f32 from vector<16xf32>
      %broadcast_in_dim3A_224 = arith.constant 0.000000e+00 : f32
      %broadcast_in_dim3A_225 = vector.broadcast %broadcast_in_dim3A_224 : f32 to vector<16xf32>
      %scan3A_226 = arith.constant 0 : i32
      %scan3A_227 = arith.constant 13 : i32
      %scan3A_228 = arith.addi %scan3A_226, %scan3A_227 : i32
      %scan3A_229 = arith.constant 1 : i32
      %scan3A_230 = scf.for %scan3A_316 = %scan3A_226 to %scan3A_228 step %scan3A_229 iter_args(%scan3A_317 = %broadcast_in_dim3A_225) -> (vector<16xf32>)  : i32 {
        %mul3A_318 = arith.constant 16 : i32
        %mul3A_319 = arith.muli %scan3A_316, %mul3A_318 : i32
        %get3A_320 = arith.index_cast %mul3A_319 : i32 to index
        %get3A_321 = tpu.vector_load %arg10[%get3A_320] {strides = array<i32>} : memref<208xf32, #tpu.memory_space<vmem>>, vector<16xf32>,
        %gt3A = arith.constant 0xFF800000 : f32
        %gt3A_322 = vector.broadcast %gt3A : f32 to vector<16xf32>
        %gt3A_323 = arith.cmpf ogt, %get3A_321, %gt3A_322 : vector<16xf32>
        %sub3A = vector.broadcast %reduce_max3A_223 : f32 to vector<16xf32>
        %sub3A_324 = arith.subf %get3A_321, %sub3A : vector<16xf32>
        %exp3A = math.exp %sub3A_324 : vector<16xf32>
        %jit3A_325 = arith.constant 0.000000e+00 : f32
        %broadcast_in_dim3A_326 = vector.broadcast %jit3A_325 : f32 to vector<16xf32>
        %select_n3A_327 = arith.select %gt3A_323, %exp3A, %broadcast_in_dim3A_326 : vector<16xi1>, vector<16xf32>
        %mul3A_328 = arith.constant 16 : i32
        %mul3A_329 = arith.muli %scan3A_316, %mul3A_328 : i32
        %swap3A_330 = arith.index_cast %mul3A_329 : i32 to index
        %swap3A_331 = tpu.vector_load %arg11[%swap3A_330] {strides = array<i32>} : memref<208xf32, #tpu.memory_space<vmem>>, vector<16xf32>,
        tpu.vector_store %arg11[%swap3A_330], %select_n3A_327 {strides = array<i32>} : memref<208xf32, #tpu.memory_space<vmem>>, vector<16xf32>,
        %add3A_332 = arith.addf %scan3A_317, %select_n3A_327 : vector<16xf32>
        scf.yield %add3A_332 : vector<16xf32>
      }
      %scan3A_231 = arith.constant 13 : i32
      %reduce_sum3A_232 = arith.constant true
      %reduce_sum3A_233 = vector.broadcast %reduce_sum3A_232 : i1 to vector<16xi1>
      %reduce_sum3A_234 = tpu.scan <sum>, %scan3A_230 masked %reduce_sum3A_233 : vector<16xf32>, vector<16xi1> -> vector<16xf32>
      %reduce_sum3A_235 = vector.extract %reduce_sum3A_234[15] : f32 from vector<16xf32>
      %broadcast_in_dim3A_236 = arith.constant 0.000000e+00 : f32
      %broadcast_in_dim3A_237 = vector.broadcast %broadcast_in_dim3A_236 : f32 to vector<16xf32>
      %scan3A_238 = arith.constant 0 : i32
      %scan3A_239 = arith.constant 50 : i32
      %scan3A_240 = arith.addi %scan3A_238, %scan3A_239 : i32
      %scan3A_241 = arith.constant 1 : i32
      %scan3A_242:4 = scf.for %scan3A_316 = %scan3A_238 to %scan3A_240 step %scan3A_241 iter_args(%scan3A_317 = %broadcast_in_dim3A_237, %scan3A_318 = %broadcast_in_dim3A_237, %scan3A_319 = %broadcast_in_dim3A_237, %scan3A_320 = %broadcast_in_dim3A_237) -> (vector<16xf32>, vector<16xf32>, vector<16xf32>, vector<16xf32>)  : i32 {
        %mul3A_321 = arith.constant 4 : i32
        %mul3A_322 = arith.muli %scan3A_316, %mul3A_321 : i32
        %add3A_323 = arith.constant 0 : i32
        %add3A_324 = arith.addi %mul3A_322, %add3A_323 : i32
        %broadcast_in_dim3A_325 = vector.broadcast %add3A_324 : i32 to vector<16xi32>
        %gather3A = tpu.vector_load_idx %arg11[%broadcast_in_dim3A_325] : memref<208xf32, #tpu.memory_space<vmem>>[vector<16xi32>], vector<16xf32>,
        %get3A_326 = arith.index_cast %add3A_324 : i32 to index
        %get3A_327 = arith.constant 0 : index
        %get3A_328 = tpu.vector_load %arg9[%get3A_326, %get3A_327] {strides = array<i32>} : memref<208x64xf32, #tpu.memory_space<vmem>>, vector<16xf32>,
        %mul3A_329 = arith.mulf %gather3A, %get3A_328 : vector<16xf32>
        %add3A_330 = arith.addf %scan3A_317, %mul3A_329 : vector<16xf32>
        %get3A_331 = arith.index_cast %add3A_324 : i32 to index
        %get3A_332 = arith.constant 16 : index
        %get3A_333 = tpu.vector_load %arg9[%get3A_331, %get3A_332] {strides = array<i32>} : memref<208x64xf32, #tpu.memory_space<vmem>>, vector<16xf32>,
        %mul3A_334 = arith.mulf %gather3A, %get3A_333 : vector<16xf32>
        %add3A_335 = arith.addf %scan3A_318, %mul3A_334 : vector<16xf32>
        %get3A_336 = arith.index_cast %add3A_324 : i32 to index
        %get3A_337 = arith.constant 32 : index
        %get3A_338 = tpu.vector_load %arg9[%get3A_336, %get3A_337] {strides = array<i32>} : memref<208x64xf32, #tpu.memory_space<vmem>>, vector<16xf32>,
        %mul3A_339 = arith.mulf %gather3A, %get3A_338 : vector<16xf32>
        %add3A_340 = arith.addf %scan3A_319, %mul3A_339 : vector<16xf32>
        %get3A_341 = arith.index_cast %add3A_324 : i32 to index
        %get3A_342 = arith.constant 48 : index
        %get3A_343 = tpu.vector_load %arg9[%get3A_341, %get3A_342] {strides = array<i32>} : memref<208x64xf32, #tpu.memory_space<vmem>>, vector<16xf32>,
        %mul3A_344 = arith.mulf %gather3A, %get3A_343 : vector<16xf32>
        %add3A_345 = arith.addf %scan3A_320, %mul3A_344 : vector<16xf32>
        %mul3A_346 = arith.constant 4 : i32
        %mul3A_347 = arith.muli %scan3A_316, %mul3A_346 : i32
        %add3A_348 = arith.constant 1 : i32
        %add3A_349 = arith.addi %mul3A_347, %add3A_348 : i32
        %broadcast_in_dim3A_350 = vector.broadcast %add3A_349 : i32 to vector<16xi32>
        %gather3A_351 = tpu.vector_load_idx %arg11[%broadcast_in_dim3A_350] : memref<208xf32, #tpu.memory_space<vmem>>[vector<16xi32>], vector<16xf32>,
        %get3A_352 = arith.index_cast %add3A_349 : i32 to index
        %get3A_353 = arith.constant 0 : index
        %get3A_354 = tpu.vector_load %arg9[%get3A_352, %get3A_353] {strides = array<i32>} : memref<208x64xf32, #tpu.memory_space<vmem>>, vector<16xf32>,
        %mul3A_355 = arith.mulf %gather3A_351, %get3A_354 : vector<16xf32>
        %add3A_356 = arith.addf %add3A_330, %mul3A_355 : vector<16xf32>
        %get3A_357 = arith.index_cast %add3A_349 : i32 to index
        %get3A_358 = arith.constant 16 : index
        %get3A_359 = tpu.vector_load %arg9[%get3A_357, %get3A_358] {strides = array<i32>} : memref<208x64xf32, #tpu.memory_space<vmem>>, vector<16xf32>,
        %mul3A_360 = arith.mulf %gather3A_351, %get3A_359 : vector<16xf32>
        %add3A_361 = arith.addf %add3A_335, %mul3A_360 : vector<16xf32>
        %get3A_362 = arith.index_cast %add3A_349 : i32 to index
        %get3A_363 = arith.constant 32 : index
        %get3A_364 = tpu.vector_load %arg9[%get3A_362, %get3A_363] {strides = array<i32>} : memref<208x64xf32, #tpu.memory_space<vmem>>, vector<16xf32>,
        %mul3A_365 = arith.mulf %gather3A_351, %get3A_364 : vector<16xf32>
        %add3A_366 = arith.addf %add3A_340, %mul3A_365 : vector<16xf32>
        %get3A_367 = arith.index_cast %add3A_349 : i32 to index
        %get3A_368 = arith.constant 48 : index
        %get3A_369 = tpu.vector_load %arg9[%get3A_367, %get3A_368] {strides = array<i32>} : memref<208x64xf32, #tpu.memory_space<vmem>>, vector<16xf32>,
        %mul3A_370 = arith.mulf %gather3A_351, %get3A_369 : vector<16xf32>
        %add3A_371 = arith.addf %add3A_345, %mul3A_370 : vector<16xf32>
        %mul3A_372 = arith.constant 4 : i32
        %mul3A_373 = arith.muli %scan3A_316, %mul3A_372 : i32
        %add3A_374 = arith.constant 2 : i32
        %add3A_375 = arith.addi %mul3A_373, %add3A_374 : i32
        %broadcast_in_dim3A_376 = vector.broadcast %add3A_375 : i32 to vector<16xi32>
        %gather3A_377 = tpu.vector_load_idx %arg11[%broadcast_in_dim3A_376] : memref<208xf32, #tpu.memory_space<vmem>>[vector<16xi32>], vector<16xf32>,
        %get3A_378 = arith.index_cast %add3A_375 : i32 to index
        %get3A_379 = arith.constant 0 : index
        %get3A_380 = tpu.vector_load %arg9[%get3A_378, %get3A_379] {strides = array<i32>} : memref<208x64xf32, #tpu.memory_space<vmem>>, vector<16xf32>,
        %mul3A_381 = arith.mulf %gather3A_377, %get3A_380 : vector<16xf32>
        %add3A_382 = arith.addf %add3A_356, %mul3A_381 : vector<16xf32>
        %get3A_383 = arith.index_cast %add3A_375 : i32 to index
        %get3A_384 = arith.constant 16 : index
        %get3A_385 = tpu.vector_load %arg9[%get3A_383, %get3A_384] {strides = array<i32>} : memref<208x64xf32, #tpu.memory_space<vmem>>, vector<16xf32>,
        %mul3A_386 = arith.mulf %gather3A_377, %get3A_385 : vector<16xf32>
        %add3A_387 = arith.addf %add3A_361, %mul3A_386 : vector<16xf32>
        %get3A_388 = arith.index_cast %add3A_375 : i32 to index
        %get3A_389 = arith.constant 32 : index
        %get3A_390 = tpu.vector_load %arg9[%get3A_388, %get3A_389] {strides = array<i32>} : memref<208x64xf32, #tpu.memory_space<vmem>>, vector<16xf32>,
        %mul3A_391 = arith.mulf %gather3A_377, %get3A_390 : vector<16xf32>
        %add3A_392 = arith.addf %add3A_366, %mul3A_391 : vector<16xf32>
        %get3A_393 = arith.index_cast %add3A_375 : i32 to index
        %get3A_394 = arith.constant 48 : index
        %get3A_395 = tpu.vector_load %arg9[%get3A_393, %get3A_394] {strides = array<i32>} : memref<208x64xf32, #tpu.memory_space<vmem>>, vector<16xf32>,
        %mul3A_396 = arith.mulf %gather3A_377, %get3A_395 : vector<16xf32>
        %add3A_397 = arith.addf %add3A_371, %mul3A_396 : vector<16xf32>
        %mul3A_398 = arith.constant 4 : i32
        %mul3A_399 = arith.muli %scan3A_316, %mul3A_398 : i32
        %add3A_400 = arith.constant 3 : i32
        %add3A_401 = arith.addi %mul3A_399, %add3A_400 : i32
        %broadcast_in_dim3A_402 = vector.broadcast %add3A_401 : i32 to vector<16xi32>
        %gather3A_403 = tpu.vector_load_idx %arg11[%broadcast_in_dim3A_402] : memref<208xf32, #tpu.memory_space<vmem>>[vector<16xi32>], vector<16xf32>,
        %get3A_404 = arith.index_cast %add3A_401 : i32 to index
        %get3A_405 = arith.constant 0 : index
        %get3A_406 = tpu.vector_load %arg9[%get3A_404, %get3A_405] {strides = array<i32>} : memref<208x64xf32, #tpu.memory_space<vmem>>, vector<16xf32>,
        %mul3A_407 = arith.mulf %gather3A_403, %get3A_406 : vector<16xf32>
        %add3A_408 = arith.addf %add3A_382, %mul3A_407 : vector<16xf32>
        %get3A_409 = arith.index_cast %add3A_401 : i32 to index
        %get3A_410 = arith.constant 16 : index
        %get3A_411 = tpu.vector_load %arg9[%get3A_409, %get3A_410] {strides = array<i32>} : memref<208x64xf32, #tpu.memory_space<vmem>>, vector<16xf32>,
        %mul3A_412 = arith.mulf %gather3A_403, %get3A_411 : vector<16xf32>
        %add3A_413 = arith.addf %add3A_387, %mul3A_412 : vector<16xf32>
        %get3A_414 = arith.index_cast %add3A_401 : i32 to index
        %get3A_415 = arith.constant 32 : index
        %get3A_416 = tpu.vector_load %arg9[%get3A_414, %get3A_415] {strides = array<i32>} : memref<208x64xf32, #tpu.memory_space<vmem>>, vector<16xf32>,
        %mul3A_417 = arith.mulf %gather3A_403, %get3A_416 : vector<16xf32>
        %add3A_418 = arith.addf %add3A_392, %mul3A_417 : vector<16xf32>
        %get3A_419 = arith.index_cast %add3A_401 : i32 to index
        %get3A_420 = arith.constant 48 : index
        %get3A_421 = tpu.vector_load %arg9[%get3A_419, %get3A_420] {strides = array<i32>} : memref<208x64xf32, #tpu.memory_space<vmem>>, vector<16xf32>,
        %mul3A_422 = arith.mulf %gather3A_403, %get3A_421 : vector<16xf32>
        %add3A_423 = arith.addf %add3A_397, %mul3A_422 : vector<16xf32>
        scf.yield %add3A_408, %add3A_413, %add3A_418, %add3A_423 : vector<16xf32>, vector<16xf32>, vector<16xf32>, vector<16xf32>
      }
      %scan3A_243 = arith.constant 50 : i32
      %get3A_244 = arith.constant 0 : i32
      %get3A_245 = arith.index_cast %get3A_244 : i32 to index
      %get3A_246 = arith.constant 0 : index
      %get3A_247 = tpu.vector_load %arg13[%get3A_245, %get3A_246] {strides = array<i32>} : memref<2x64xf32, #tpu.memory_space<vmem>>, vector<16xf32>,
      %mul3A_248 = arith.mulf %scan3A_242#0, %get3A_247 : vector<16xf32>
      %get3A_249 = arith.constant 0 : i32
      %get3A_250 = arith.index_cast %get3A_249 : i32 to index
      %get3A_251 = arith.constant 16 : index
      %get3A_252 = tpu.vector_load %arg13[%get3A_250, %get3A_251] {strides = array<i32>} : memref<2x64xf32, #tpu.memory_space<vmem>>, vector<16xf32>,
      %mul3A_253 = arith.mulf %scan3A_242#1, %get3A_252 : vector<16xf32>
      %add3A_254 = arith.addf %mul3A_248, %mul3A_253 : vector<16xf32>
      %get3A_255 = arith.constant 0 : i32
      %get3A_256 = arith.index_cast %get3A_255 : i32 to index
      %get3A_257 = arith.constant 32 : index
      %get3A_258 = tpu.vector_load %arg13[%get3A_256, %get3A_257] {strides = array<i32>} : memref<2x64xf32, #tpu.memory_space<vmem>>, vector<16xf32>,
      %mul3A_259 = arith.mulf %scan3A_242#2, %get3A_258 : vector<16xf32>
      %add3A_260 = arith.addf %add3A_254, %mul3A_259 : vector<16xf32>
      %get3A_261 = arith.constant 0 : i32
      %get3A_262 = arith.index_cast %get3A_261 : i32 to index
      %get3A_263 = arith.constant 48 : index
      %get3A_264 = tpu.vector_load %arg13[%get3A_262, %get3A_263] {strides = array<i32>} : memref<2x64xf32, #tpu.memory_space<vmem>>, vector<16xf32>,
      %mul3A_265 = arith.mulf %scan3A_242#3, %get3A_264 : vector<16xf32>
      %add3A_266 = arith.addf %add3A_260, %mul3A_265 : vector<16xf32>
      %get3A_267 = arith.constant 1 : i32
      %get3A_268 = arith.index_cast %get3A_267 : i32 to index
      %get3A_269 = arith.constant 0 : index
      %get3A_270 = tpu.vector_load %arg13[%get3A_268, %get3A_269] {strides = array<i32>} : memref<2x64xf32, #tpu.memory_space<vmem>>, vector<16xf32>,
      %mul3A_271 = arith.mulf %scan3A_242#0, %get3A_270 : vector<16xf32>
      %get3A_272 = arith.constant 1 : i32
      %get3A_273 = arith.index_cast %get3A_272 : i32 to index
      %get3A_274 = arith.constant 16 : index
      %get3A_275 = tpu.vector_load %arg13[%get3A_273, %get3A_274] {strides = array<i32>} : memref<2x64xf32, #tpu.memory_space<vmem>>, vector<16xf32>,
      %mul3A_276 = arith.mulf %scan3A_242#1, %get3A_275 : vector<16xf32>
      %add3A_277 = arith.addf %mul3A_271, %mul3A_276 : vector<16xf32>
      %get3A_278 = arith.constant 1 : i32
      %get3A_279 = arith.index_cast %get3A_278 : i32 to index
      %get3A_280 = arith.constant 32 : index
      %get3A_281 = tpu.vector_load %arg13[%get3A_279, %get3A_280] {strides = array<i32>} : memref<2x64xf32, #tpu.memory_space<vmem>>, vector<16xf32>,
      %mul3A_282 = arith.mulf %scan3A_242#2, %get3A_281 : vector<16xf32>
      %add3A_283 = arith.addf %add3A_277, %mul3A_282 : vector<16xf32>
      %get3A_284 = arith.constant 1 : i32
      %get3A_285 = arith.index_cast %get3A_284 : i32 to index
      %get3A_286 = arith.constant 48 : index
      %get3A_287 = tpu.vector_load %arg13[%get3A_285, %get3A_286] {strides = array<i32>} : memref<2x64xf32, #tpu.memory_space<vmem>>, vector<16xf32>,
      %mul3A_288 = arith.mulf %scan3A_242#3, %get3A_287 : vector<16xf32>
      %add3A_289 = arith.addf %add3A_283, %mul3A_288 : vector<16xf32>
      %eq3A_290 = arith.constant 0 : i32
      %eq3A_291 = vector.broadcast %eq3A_290 : i32 to vector<16xi32>
      %eq3A_292 = arith.cmpi eq, %iota3A, %eq3A_291 : vector<16xi32>
      %reduce_sum3A_293 = arith.constant true
      %reduce_sum3A_294 = vector.broadcast %reduce_sum3A_293 : i1 to vector<16xi1>
      %reduce_sum3A_295 = tpu.scan <sum>, %add3A_266 masked %reduce_sum3A_294 : vector<16xf32>, vector<16xi1> -> vector<16xf32>
      %reduce_sum3A_296 = vector.extract %reduce_sum3A_295[15] : f32 from vector<16xf32>
      %eq3A_297 = arith.constant 1 : i32
      %eq3A_298 = vector.broadcast %eq3A_297 : i32 to vector<16xi32>
      %eq3A_299 = arith.cmpi eq, %iota3A, %eq3A_298 : vector<16xi32>
      %reduce_sum3A_300 = arith.constant true
      %reduce_sum3A_301 = vector.broadcast %reduce_sum3A_300 : i1 to vector<16xi1>
      %reduce_sum3A_302 = tpu.scan <sum>, %add3A_289 masked %reduce_sum3A_301 : vector<16xf32>, vector<16xi1> -> vector<16xf32>
      %reduce_sum3A_303 = vector.extract %reduce_sum3A_302[15] : f32 from vector<16xf32>
      %jit3A_304 = arith.constant 0.000000e+00 : f32
      %broadcast_in_dim3A_305 = vector.broadcast %reduce_sum3A_303 : f32 to vector<16xf32>
      %broadcast_in_dim3A_306 = vector.broadcast %jit3A_304 : f32 to vector<16xf32>
      %select_n3A_307 = arith.select %eq3A_299, %broadcast_in_dim3A_305, %broadcast_in_dim3A_306 : vector<16xi1>, vector<16xf32>
      %broadcast_in_dim3A_308 = vector.broadcast %reduce_sum3A_296 : f32 to vector<16xf32>
      %select_n3A_309 = arith.select %eq3A_292, %broadcast_in_dim3A_308, %select_n3A_307 : vector<16xi1>, vector<16xf32>
      %broadcast_in_dim3A_310 = vector.broadcast %reduce_sum3A_235 : f32 to vector<16xf32>
      %div3A_311 = arith.divf %select_n3A_309, %broadcast_in_dim3A_310 : vector<16xf32>
      %swap3A_312 = arith.index_cast %add3A_53 : i32 to index
      %swap3A_313 = arith.constant 0 : index
      %swap3A_314 = tpu.vector_load %arg14[%swap3A_312, %swap3A_313] {strides = array<i32>} : memref<128x16xf32, #tpu.memory_space<vmem>>, vector<16xf32>,
      tpu.vector_store %arg14[%swap3A_312, %swap3A_313], %div3A_311 {strides = array<i32>} : memref<128x16xf32, #tpu.memory_space<vmem>>, vector<16xf32>,
      %scan3A_315 = arith.constant 0 : i32
      scf.yield %scan3A_315 : i32
    }
    %scan3A_34 = arith.constant 64 : i32
    %dma_wait3A = arith.constant 0 : i32
    %dma_wait3A_35 = arith.constant 0 : i32
    %dma_wait3A_36 = tpu.memref_slice %arg8[%dma_wait3A, %dma_wait3A_35] : memref<208x64xf32, #tpu.memory_space<vmem>> -> memref<200x64xf32, #tpu.memory_space<vmem>>
    %dma_wait3A_37 = arith.constant 0 : i32
    %dma_wait3A_38 = arith.constant 0 : i32
    %dma_wait3A_39 = tpu.memref_slice %arg3[%dma_wait3A_37, %dma_wait3A_38] : memref<1000000x64xf32, #tpu.memory_space<hbm>> -> memref<200x64xf32, #tpu.memory_space<hbm>>
    %dma_wait3A_40 = arith.constant 0 : i32
    %dma_wait3A_41 = arith.constant 0 : i32
    %dma_wait3A_42 = tpu.memref_slice %arg8[%dma_wait3A_40, %dma_wait3A_41] : memref<208x64xf32, #tpu.memory_space<vmem>> -> memref<200x64xf32, #tpu.memory_space<vmem>>
    %dma_wait3A_43 = arith.constant 0 : i32
    %dma_wait3A_44 = arith.constant 0 : i32
    %dma_wait3A_45 = tpu.memref_slice %arg3[%dma_wait3A_43, %dma_wait3A_44] : memref<1000000x64xf32, #tpu.memory_space<hbm>> -> memref<200x64xf32, #tpu.memory_space<hbm>>
    tpu.wait_dma2 semaphore(%arg15 : memref<!tpu.dma_semaphore, #tpu.memory_space<semaphore_mem>>) src(%dma_wait3A_45 : memref<200x64xf32, #tpu.memory_space<hbm>>) dst(%dma_wait3A_42 : memref<200x64xf32, #tpu.memory_space<vmem>>)
    "tpu.region"() ({
      %run_scoped3A = tpu.sem_alloc : memref<!tpu.dma_semaphore, #tpu.memory_space<semaphore_mem>>
      %dma_start3A_46 = arith.constant 0 : i32
      %dma_start3A_47 = arith.constant 0 : i32
      %dma_start3A_48 = tpu.memref_slice %arg14[%dma_start3A_46, %dma_start3A_47] : memref<128x16xf32, #tpu.memory_space<vmem>> -> memref<128x2xf32, #tpu.memory_space<vmem>>
      %dma_start3A_49 = arith.constant 0 : i32
      %dma_start3A_50 = tpu.memref_slice %arg6[%mul3A_2, %dma_start3A_49] : memref<4096x2xf32, #tpu.memory_space<hbm>> -> memref<128x2xf32, #tpu.memory_space<hbm>>
      %dma_start3A_51 = arith.constant 0 : i32
      %dma_start3A_52 = tpu.memref_slice %arg6[%mul3A_2, %dma_start3A_51] : memref<4096x2xf32, #tpu.memory_space<hbm>> -> memref<128x2xf32, #tpu.memory_space<hbm>>
      %dma_start3A_53 = arith.constant 0 : i32
      %dma_start3A_54 = arith.constant 0 : i32
      %dma_start3A_55 = tpu.memref_slice %arg14[%dma_start3A_53, %dma_start3A_54] : memref<128x16xf32, #tpu.memory_space<vmem>> -> memref<128x2xf32, #tpu.memory_space<vmem>>
      tpu.enqueue_dma source(%dma_start3A_55 : memref<128x2xf32, #tpu.memory_space<vmem>>) target(%dma_start3A_52 : memref<128x2xf32, #tpu.memory_space<hbm>>) target_semaphore(%run_scoped3A : memref<!tpu.dma_semaphore, #tpu.memory_space<semaphore_mem>>)
      %dma_wait3A_56 = arith.constant 0 : i32
      %dma_wait3A_57 = arith.constant 0 : i32
      %dma_wait3A_58 = tpu.memref_slice %arg14[%dma_wait3A_56, %dma_wait3A_57] : memref<128x16xf32, #tpu.memory_space<vmem>> -> memref<128x2xf32, #tpu.memory_space<vmem>>
      %dma_wait3A_59 = arith.constant 0 : i32
      %dma_wait3A_60 = tpu.memref_slice %arg6[%mul3A_2, %dma_wait3A_59] : memref<4096x2xf32, #tpu.memory_space<hbm>> -> memref<128x2xf32, #tpu.memory_space<hbm>>
      %dma_wait3A_61 = arith.constant 0 : i32
      %dma_wait3A_62 = tpu.memref_slice %arg6[%mul3A_2, %dma_wait3A_61] : memref<4096x2xf32, #tpu.memory_space<hbm>> -> memref<128x2xf32, #tpu.memory_space<hbm>>
      %dma_wait3A_63 = arith.constant 0 : i32
      %dma_wait3A_64 = arith.constant 0 : i32
      %dma_wait3A_65 = tpu.memref_slice %arg14[%dma_wait3A_63, %dma_wait3A_64] : memref<128x16xf32, #tpu.memory_space<vmem>> -> memref<128x2xf32, #tpu.memory_space<vmem>>
      tpu.wait_dma2 semaphore(%run_scoped3A : memref<!tpu.dma_semaphore, #tpu.memory_space<semaphore_mem>>) src(%dma_wait3A_65 : memref<128x2xf32, #tpu.memory_space<vmem>>) dst(%dma_wait3A_62 : memref<128x2xf32, #tpu.memory_space<hbm>>)
      tpu.yield
    }) : () -> ()
    return
  }
}

</mosaic_0001>

<sc_bundles>
// kernel: kernel.3.cloned.1.call-start
scs
__scs_entry_jumppad:
0x0: {  	(pc) =	sbr.rel $0x88, $3  }
0x1: {  	(tag) =	ssettag $0x0;
	lr =	simm.s32 $0x1  }
0x2: {  	[smem:$0x3F9C] =	sst lr;
	_ =	strace $0xD0000000  }
0x3: {  	_ = 	snop  }
0x4: {  	_ = 	snop  }
0x5: {  	_ = 	snop  }
0x6: {  	_ = 	snop  }
0x7: {  	_ = 	snop  }
__scs_overlays_trampoline_lowered:
0x8: {  	[smem:$0x3FAB] =	sst s0  }
0x9: {  	[smem:$0x3FAC] =	sst s1  }
0xa: {  	[smem:$0x3FAD] =	sst s2  }
0xb: {  	[smem:$0x3FAE] =	sst s3  }
0xc: {  	[smem:$0x3FAF] =	sst s4  }
0xd: {  	[smem:$0x3FB0] =	sst s5  }
0xe: {  	[smem:$0x3FB1] =	sst s6  }
0xf: {  	[smem:$0x3FB2] =	sst s7  }
0x10: {  	[smem:$0x3FB3] =	sst s8  }
0x11: {  	[smem:$0x3FB4] =	sst s9;
	s0 =	simm.s32 @!p0 $0x0  }
0x12: {  	s1 =	sld [smem:$0x3F9A];
	s0 =	simm.s32 @p0 $0x1  }
0x13: {  	[smem:$0x3FB5] =	sst s0;
	s0 =	simm.s32 @!p1 $0x0  }
0x14: {  	s2 =	sld [smem:$0x3F99];
	s0 =	simm.s32 @p1 $0x1  }
0x15: {  	[smem:$0x3FB6] =	sst s0;
	s0 =	simm.s32 @!p2 $0x0  }
0x16: {  	s3 =	sld [smem:$0x3FDB];
	s0 =	simm.s32 @p2 $0x1  }
0x17: {  	s4 =	simm.s32 $0x1BF5;
	[smem:$0x3FB8] =	sst s0  }
0x18: {  	s0 =	sld [smem:$0x3F9B];
	_ =	swait.ge [sflag:s4], $0x0  }
0x19: {  	s7 =	sld [smem:$0x3F9C]  }
0x1a: {  	s8 =	sadd.s32 $0xFFFFE003, lr  }
0x1b: {  	s9 =	sadd.s32 $0xFFFFFEF7, lr;
	s5 =	simm.s32 $0xFFFFFFFF;
	p2 =	slt.u32 s8, $0xFFFFF086  }
0x1c: {  	p1 =	slt.u32 s9, $0xF7A;
	s5 =	simm.s32 @!p2 $0x0  }
0x1d: {  	s5 =	simm.s32 @p1 $0x1;
	p0 =	seq.s32 s7, s2  }
0x1e: {  	s7 =	smul.u32 @!p0 $0xF7A, s2;
	p2 =	seq.s32 @!p0 s5, $0x0  }
0x1f: {  	s9 =	smul.u32 $0xF7A, s1;
	s8 =	simm.s32 @!p0 $0x1BF5;
	p2 =	por !p2, p0  }
0x20: {  	[sflag:s8] =	ssyncset.s32 @!p0 $0xFFFFF086;
	s6 =	sadd.s32 @!p0 s3, s7;
	s7 =	simm.s32 @!p0 $0x108  }
0x21: {  	s3 =	sadd.s32 s3, s9;
	s6 =	sadd.s32 @!p0 $0x88, s6;
	s7 =	simm.s32 @p2 $0x1082  }
0x22: {  	[simem:s7], [sflag:s8] =	dma.local @!p0 [hbm:s6], $0xF7A  }
0x23: {  	s9 =	sor.u32 $0xD0000000, s2;
	s6 =	simm.s32 $0x108;
	_ =	swait.ge @!p0 [sflag:s8], $0x0  }
0x24: {  	s3 =	sadd.s32 $0x88, s3;
	s6 =	simm.s32 @!p1 $0x1082;
	[sflag:s4] =	ssyncset.s32 $0xFFFFF086  }
0x25: {  	[simem:s6], [sflag:s4] =	dma.local [hbm:s3], $0xF7A  }
0x26: {  	[smem:$0x3F9C] =	sst s1;
	(tag) =	ssettag s2;
	_ =	strace s9  }
0x27: {  	s1 =	sld [smem:$0x3FAC]  }
0x28: {  	s2 =	sld [smem:$0x3FAD]  }
0x29: {  	s4 =	sld [smem:$0x3FAF]  }
0x2a: {  	p0 =	seq.s32 s5, $0x0;
	s5 =	sld [smem:$0x3FB0]  }
0x2b: {  	s6 =	sld [smem:$0x3FB1]  }
0x2c: {  	s7 =	sld [smem:$0x3FB2]  }
0x2d: {  	s3 =	simm.s32 $0x108;
	s8 =	sld [smem:$0x3FB3]  }
0x2e: {  	s3 =	simm.s32 @!p0 $0x1082;
	s9 =	sld [smem:$0x3FB4]  }
0x2f: {  	lr =	sadd.s32 s0, s3;
	s0 =	sld [smem:$0x3FAB]  }
0x30: {  	s3 =	sld [smem:$0x3FAE]  }
0x31: {  	[smem:$0x3FB7] =	sst s10  }
0x32: {  	s10 =	sld [smem:$0x3FB5];
	_ =	sdelay $0x3  }
0x33: {  	p0 =	seq.s32 s10, $0x1;
	s10 =	sld [smem:$0x3FB7];
	_ =	sdelay $0x3  }
0x34: {  	[smem:$0x3FB7] =	sst s10  }
0x35: {  	s10 =	sld [smem:$0x3FB6];
	_ =	sdelay $0x3  }
0x36: {  	p1 =	seq.s32 s10, $0x1;
	s10 =	sld [smem:$0x3FB7];
	_ =	sdelay $0x3  }
0x37: {  	[smem:$0x3FB7] =	sst s10  }
0x38: {  	s10 =	sld [smem:$0x3FB8]  }
0x39: {  	_ = 	snop;
	(pc) =	sbr.ind lr, $3  }
0x3a: {  	_ = 	snop  }
0x3b: {  	_ = 	snop  }
0x3c: {  	p2 =	seq.s32 s10, $0x1;
	s10 =	sld [smem:$0x3FB7]  }
0x3d: {  	_ =	shalt  }
0x3e: {  	_ =	shalt  }
0x3f: {  	_ =	shalt  }
0x40: {  	_ =	shalt  }
0x41: {  	_ =	shalt  }
0x42: {  	_ =	shalt  }
0x43: {  	_ =	shalt  }
0x44: {  	_ =	shalt  }
0x45: {  	_ =	shalt  }
0x46: {  	_ =	shalt  }
0x47: {  	_ =	shalt  }
0x48: {  	_ =	shalt  }
0x49: {  	_ =	shalt  }
0x4a: {  	_ =	shalt  }
0x4b: {  	_ =	shalt  }
0x4c: {  	_ =	shalt  }
0x4d: {  	_ =	shalt  }
0x4e: {  	_ =	shalt  }
0x4f: {  	_ =	shalt  }
0x50: {  	_ =	shalt  }
0x51: {  	_ =	shalt  }
0x52: {  	_ =	shalt  }
0x53: {  	_ =	shalt  }
0x54: {  	_ =	shalt  }
0x55: {  	_ =	shalt  }
0x56: {  	_ =	shalt  }
0x57: {  	_ =	shalt  }
0x58: {  	_ =	shalt  }
0x59: {  	_ =	shalt  }
0x5a: {  	_ =	shalt  }
0x5b: {  	_ =	shalt  }
0x5c: {  	_ =	shalt  }
0x5d: {  	_ =	shalt  }
0x5e: {  	_ =	shalt  }
0x5f: {  	_ =	shalt  }
0x60: {  	_ =	shalt  }
0x61: {  	_ =	shalt  }
0x62: {  	_ =	shalt  }
0x63: {  	_ =	shalt  }
0x64: {  	_ =	shalt  }
0x65: {  	_ =	shalt  }
0x66: {  	_ =	shalt  }
0x67: {  	_ =	shalt  }
0x68: {  	_ =	shalt  }
0x69: {  	_ =	shalt  }
0x6a: {  	_ =	shalt  }
0x6b: {  	_ =	shalt  }
0x6c: {  	_ =	shalt  }
0x6d: {  	_ =	shalt  }
0x6e: {  	_ =	shalt  }
0x6f: {  	_ =	shalt  }
0x70: {  	_ =	shalt  }
0x71: {  	_ =	shalt  }
0x72: {  	_ =	shalt  }
0x73: {  	_ =	shalt  }
0x74: {  	_ =	shalt  }
0x75: {  	_ =	shalt  }
0x76: {  	_ =	shalt  }
0x77: {  	_ =	shalt  }
0x78: {  	_ =	shalt  }
0x79: {  	_ =	shalt  }
0x7a: {  	_ =	shalt  }
0x7b: {  	_ =	shalt  }
0x7c: {  	_ =	shalt  }
0x7d: {  	_ =	shalt  }
0x7e: {  	_ =	shalt  }
0x7f: {  	_ =	shalt  }
0x80: {  	_ =	shalt  }
0x81: {  	_ =	shalt  }
0x82: {  	_ =	shalt  }
0x83: {  	_ =	shalt  }
0x84: {  	_ =	shalt  }
0x85: {  	_ =	shalt  }
0x86: {  	_ =	shalt  }
0x87: {  	_ =	shalt  }
.Lfunc_end0:
.L_simem_size_0:
called_computation_lowered:
.L_overlay_start_0:
0x88: {  	s2 =	sld [smem:$0x3FD9]  }
0x89: {  	s3 =	sld [smem:$0x3FFE];
	_ =	sdelay $0x1  }
0x8a: {  	s1 =	srdreg.scid  }
0x8b: {  	s0 =	sand.u32 $0x1, s1  }
0x8c: {  	s17 =	sshll.u32 s0, $0xA;
	s2 =	sadd.s32 s3, s2  }
0x8d: {  	s2 =	sadd.s32 s2, s17  }
0x8e: {  	[smem:$0x3FC3] =	sst s2  }
0x8f: {  	_ = 	snop  }
0x90: {  	s2 =	sld [smem:$0x3FC7]  }
0x91: {  	s18 =	sld [smem:$0x3FD0];
	(tm) =	ssettm $0x1  }
0x92: {  	s4 =	sld [smem:$0x3FFB];
	_ =	sdelay $0x3  }
0x93: {  	_ =	strace s4  }
0x94: {  	s4 =	sld [smem:$0x3FFC];
	_ =	sdelay $0x3  }
0x95: {  	_ =	strace s4  }
0x96: {  	s4 =	sld [smem:$0x3FFD];
	_ =	sdelay $0x3  }
0x97: {  	_ =	strace s4  }
0x98: {  	_ =	strace $0x8FFFFFFF  }
0x99: {  	s19 =	sld [smem:$0x3FDB];
	_ =	sdelay $0x1  }
0x9a: {  	s5 =	simm.s32 $_scs_section_size  }
0x9b: {  	s6 =	simm.s32 $_size__tile_overlayer_lowered;
	s7 =	simm.s32 $_tile_overlayer_lowered  }
0x9c: {  	s22 =	simm.s32 $0x1BFF;
	s21 =	sshll.u32 s7, $0x1;
	s4 =	sadd.s32 s5, s19  }
0x9d: {  	s8 =	simm.s32 $0x0;
	s20 =	sshll.u32 s6, $0x1;
	s6 =	sadd.s32 s21, s4  }
0x9e: {  	[timem:s8], [sflag:s22] =	dma.local [hbm:s6], s20  }
0x9f: {  	_ =	swait.ge [sflag:s22], s20  }
0xa0: {  	s5 =	ssub.s32 $0x0, s20;
	[sflag:s22] =	ssyncset.done $0x0  }
0xa1: {  	[sflag:s22] =	ssyncadd.s32 s5;
	_ =	sdelay $0x1  }
0xa2: {  	s23 =	simm.s32 $0x1B8B  }
0xa3: {  	_ =	swait.ge [sflag:s23], $0x1  }
0xa4: {  	[sflag:s23] =	ssyncset.done $0x0  }
0xa5: {  	s25 =	simm.s32 $0x1B8E;
	s24 =	sld [smem:$0x3FFE];
	[sflag:s23] =	ssyncadd.s32 $0xFFFFFFFF  }
0xa6: {  	s26 =	simm.s32 $execute0_lowered;
	[smem:$0x3FD2] =	sst s25  }
0xa7: {  	s6 =	sshll.u32 s26, $0x1;
	_ =	strace $0x80000046;
	[dreg:$0x1] =	wrdreg $0xFFFFFFFF  }
0xa8: {  	s28 =	simm.s32 $_size_execute0_lowered;
	s4 =	sadd.s32 s4, s6;
	[dreg:$0x0] =	wrdreg $0x0  }
0xa9: {  	s6 =	sshll.u32 s28, $0x1;
	[dreg:$0x2] =	wrdreg s4  }
0xaa: {  	[dreg:$0x3] =	wrdreg s6  }
0xab: {  	[dreg:$0x4] =	wrdreg $0xC0  }
0xac: {  	_ =	task [dreg:s8], $0x5FFFF  }
0xad: {  	[dreg:$0x1] =	wrdreg $0xFFFFFFFF  }
0xae: {  	[dreg:$0x0] =	wrdreg $0x60  }
0xaf: {  	[dreg:$0x2] =	wrdreg s24  }
0xb0: {  	[dreg:$0x3] =	wrdreg s2  }
0xb1: {  	[dreg:$0x4] =	wrdreg s18  }
0xb2: {  	[dreg:$0x5] =	wrdreg $0x9  }
0xb3: {  	_ =	task.clear_ibuf [dreg:s8], $0x6FFFF;
	_ =	strace $0x90000046  }
0xb4: {  	s29 =	simm.s32 $0x9;
	_ =	strace $0x80000048  }
0xb5: {  	_ =	swait.ge [sflag:s29], $0x1  }
0xb6: {  	[sflag:s29] =	ssyncadd.s32 $0xFFFFFFFF  }
0xb7: {  	_ =	strace $0x90000048  }
0xb8: {  	_ =	sfence  }
0xb9: {  	s30 =	sld [smem:$0x0];
	_ =	sdelay $0x2  }
0xba: {  	s31 =	sshll.u32 s1, $0xD;
	s1 =	sshrl.u32 s1, $0x2  }
0xbb: {  	s3 =	sand.u32 $0x4000, s31;
	s1 =	sadd.s32 s1, s30  }
0xbc: {  	s0 =	sor.u32 s3, s0;
	s1 =	sshll.u32 s1, $0x11  }
0xbd: {  	s0 =	sor.u32 s1, s0  }
0xbe: {  	s0 =	sadd.s32 $0x8F2B, s0  }
0xbf: {  	[sflag:s0] =	ssyncadd.remote.s32 $0x1  }
0xc0: {  	_ =	sfence.sel $0xFFFF  }
0xc1: {  	[dreg:$0x0] =	wrdreg $0xFFFFFFFF;
	(pc) =	sbr.abs _section_cstart, $3  }
0xc2: {  	[dreg:$0x1] =	wrdreg $0xFFFFFFFF  }
0xc3: {  	_ =	task.clear_ibuf [dreg:s8], $0x2FFFF;
	_ =	strace $0x9FFFFFFF  }
0xc4: {  	(tm) =	ssettm $0x7FFFFFFF  }
0xc5: {  	_ =	shalt  }
tec
execute0_lowered:
.L_overlay_start_1:
0x0: {  	(tag) =	ssettag $0x1  }
0x1: {  	s1 =	rddreg [dreg:$0x0];
	s3 =	srdreg.scid  }
0x2: {  	s2 =	rddreg [dreg:$0x1];
	s0 =	stileid.u32;
	s4 =	simm.s32 $0x0  }
0x3: {  	s10 =	simm.s32 $0x3;
	s11 =	simm.s32 $0xD1E0;
	s12 =	simm.s32 $0x68  }
0x4: {  	s13 =	simm.s32 $0x6800;
	s14 =	simm.s32 $0x60;
	s15 =	simm.s32 $0x8200  }
0x5: {  	s16 =	simm.s32 $0x9C00;
	s17 =	simm.s32 $0xB600;
	s18 =	simm.s32 $0x1  }
0x6: {  	s19 =	simm.s32 $0xD0D0;
	s20 =	simm.s32 $0x2;
	s5 =	sand.u32 $0x1, s3  }
0x7: {  	s21 =	simm.s32 $0x0;
	s6 =	sshll.u32 s0, $0x8;
	s7 =	sshll.u32 s5, $0x7  }
0x8: {  	s3 =	rddreg [dreg:$0x2];
	s8 =	ssub.s32 $0x2, s5;
	s6 =	sor.u32 s7, s6  }
0x9: {  	[smem:$0x7FF] =	sst s4;
	s9 =	sshrl.u32 s8, $0x1;
	s7 =	smul.u32 $0x19, s6  }
0xa: {  	_ =	strace $0x80000047;
	s5 =	sadd.s32 $0xF42E00, s1;
	s8 =	ssub.s32 s8, s9  }
0xb: {  	s9 =	simm.s32 $0xD1A0;
	s7 =	sadd.s32 s7, s1;
	s1 =	sadd.s32 s6, s1  }
0xc: {  	v6 =	vlaneseq.u32;
	vm0 =	vcmask $0x704;
	vm1 =	vcmask $0x3F04;
	s8 =	smax.u32 s8, $0x1;
	s6 =	sadd.s32 $0xA00, s7;
	s7 =	sadd.s32 $0x19A00, s1  }
.LBB2_1:
0xd: {  	[tilespmem:s9], [sflag:$0x3] =	stream.linear.gather [hbm4b:s2+s4], $0x40, $0x38;
	[tilespmem:$0xDA60] =	vst v63  }
0xe: {  	_ =	swait.ge [sflag:s10], $0x40  }
0xf: {  	[sflag:s10] =	ssyncset.done $0x0  }
0x10: {  	[sflag:s10] =	ssyncadd.s32 $0xFFFFFFC0  }
0x11: {  	[tilespmem:s11], [sflag:$0x3] =	stream.linear.gather [hbm4b:s3+s4], $0x80, $0x38;
	[tilespmem:$0xDA60] =	vst v63  }
0x12: {  	_ =	swait.ge [sflag:s10], $0x80  }
0x13: {  	s1 =	simm.s32 $0x19;
	s24 =	sadd.s32 $0x0, s6;
	[sflag:s10] =	ssyncset.done $0x0  }
0x14: {  	s22 =	simm.s32 $0xD0;
	s23 =	simm.s32 $0x0;
	[sflag:s10] =	ssyncadd.s32 $0xFFFFFF80  }
.LBB2_2:
0x15: {  	[tilespmem:s23], [sflag:$0x3] =	stream.linear.gather [hbm4b:s24+s4], $0xC8, $0x38;
	[tilespmem:$0xDA60] =	vst v63  }
0x16: {  	s24 =	smov.u32 s1;
	s23 =	smov.u32 s22;
	p0 =	sne.s32 s1, $0xC67  }
.Ltmp0:
0x17: {  	s1 =	sadd.s32 $0x19, s1;
	(pc) =	sbr.rel @p0 .LBB2_2-.Ltmp0, $2  }
0x18: {  	_ =	sdelay $0x2  }
0x19: {  	s22 =	sadd.s32 $0xD0, s22;
	s24 =	sadd.s32 s24, s6  }
0x1a: {  	[tilespmem:s23], [sflag:$0x3] =	stream.linear.gather [hbm4b:s24+s4], $0xC8, $0x38;
	[tilespmem:$0xDA60] =	vst v63  }
0x1b: {  	_ =	swait.ge [sflag:s10], $0x6400  }
0x1c: {  	[sflag:s10] =	ssyncset.done $0x0  }
0x1d: {  	[sflag:s10] =	ssyncadd.s32 $0xFFFF9C00  }
0x1e: {  	v0 =	vld [tilespmem:$0xD1A0];
	_ =	sdelay $0x4  }
0x1f: {  	v1 =	vbroadcast v0, $0x0;
	_ =	sdelay $0x1  }
0x20: {  	[tilespmem:$0x1FC00] =	vst v1;
	v1 =	vbroadcast v0, $0x1  }
0x21: {  	v2 =	vbroadcast v0, $0x6  }
0x22: {  	[tilespmem:$0x1FC10] =	vst v1;
	v1 =	vbroadcast v0, $0x2  }
0x23: {  	v12 =	vbroadcast v0, $0x7;
	[tilespmem:$0x1FC60] =	vst v2  }
0x24: {  	[tilespmem:$0x1FC20] =	vst v1;
	v1 =	vbroadcast v0, $0x3  }
0x25: {  	v16 =	vbroadcast v0, $0x8;
	[tilespmem:$0x1FD90] =	vst v12  }
0x26: {  	[tilespmem:$0x1FC30] =	vst v1;
	v1 =	vbroadcast v0, $0x4  }
0x27: {  	v15 =	vbroadcast v0, $0x9;
	[tilespmem:$0x1FDA0] =	vst v16  }
0x28: {  	[tilespmem:$0x1FC40] =	vst v1;
	v1 =	vbroadcast v0, $0x5  }
0x29: {  	v14 =	vbroadcast v0, $0xA;
	[tilespmem:$0x1FDB0] =	vst v15  }
0x2a: {  	v13 =	vbroadcast v0, $0xB;
	[tilespmem:$0x1FC50] =	vst v1;
	v1 =	vld [tilespmem:$0xD1B0]  }
0x2b: {  	v31 =	vbroadcast v0, $0xC;
	[tilespmem:$0x1FDC0] =	vst v14  }
0x2c: {  	v2 =	vbroadcast v0, $0xD;
	[tilespmem:$0x1FDD0] =	vst v13  }
0x2d: {  	v25 =	vbroadcast v0, $0xF;
	[tilespmem:$0x1FDE0] =	vst v31  }
0x2e: {  	[tilespmem:$0x1FC70] =	vst v2;
	v2 =	vbroadcast v0, $0xE  }
0x2f: {  	[tilespmem:$0x1FDF0] =	vst v25;
	v0 =	vbroadcast v1, $0x0  }
0x30: {  	[tilespmem:$0x1FC80] =	vst v2;
	v3 =	vbroadcast v1, $0x6  }
0x31: {  	v51 =	vbroadcast v1, $0x1;
	[tilespmem:$0x1FC90] =	vst v0  }
0x32: {  	v56 =	vbroadcast v1, $0x2;
	[tilespmem:$0x1FCB0] =	vst v3  }
0x33: {  	v32 =	vbroadcast v1, $0x4;
	[tilespmem:$0x1FE00] =	vst v51  }
0x34: {  	v35 =	vbroadcast v1, $0x5;
	[tilespmem:$0x1FE10] =	vst v56  }
0x35: {  	v37 =	vbroadcast v1, $0x7;
	[tilespmem:$0x1FE20] =	vst v32  }
0x36: {  	v42 =	vbroadcast v1, $0xD;
	[tilespmem:$0x1FE30] =	vst v35  }
0x37: {  	v28 =	vbroadcast v1, $0x9;
	[tilespmem:$0x1FE40] =	vst v37  }
0x38: {  	v3 =	vbroadcast v1, $0x8;
	[tilespmem:$0x1FE50] =	vst v42  }
0x39: {  	v0 =	vbroadcast v1, $0x3;
	[tilespmem:$0x1FE60] =	vst v28  }
0x3a: {  	[tilespmem:$0x1FCC0] =	vst v3;
	v3 =	vbroadcast v1, $0xA  }
0x3b: {  	v17 =	vbroadcast v1, $0xE;
	[tilespmem:$0x1FCA0] =	vst v0;
	v0 =	vld [tilespmem:$0xD1C0]  }
0x3c: {  	[tilespmem:$0x1FCD0] =	vst v3;
	v3 =	vbroadcast v1, $0xB  }
0x3d: {  	v53 =	vbroadcast v1, $0xF;
	[tilespmem:$0x1FE70] =	vst v17  }
0x3e: {  	s22 =	simm.s32 $0x0;
	[tilespmem:$0x1FCE0] =	vst v3;
	v3 =	vbroadcast v1, $0xC  }
0x3f: {  	[tilespmem:$0x1FE80] =	vst v53;
	v1 =	vld [tilespmem:$0xD1D0];
	[tilespmem:s13], [sflag:$0x1] =	stream.indirect.gather [hbm4b:s5+s12], $0x40, s22, s12, $0xb8  }
0x40: {  	v36 =	vbroadcast v0, $0x0;
	[tilespmem:$0x1FCF0] =	vst v3  }
0x41: {  	v38 =	vbroadcast v0, $0x1;
	[tilespmem:s15], [sflag:$0x1] =	stream.indirect.gather [hbm4b:s5+s14], $0x40, s12, s14, $0xb8;
	[tilespmem:$0xDA60] =	vst v63  }
0x42: {  	v45 =	vbroadcast v0, $0x2;
	[tilespmem:$0x1FE90] =	vst v36  }
0x43: {  	v47 =	vbroadcast v0, $0x3;
	[tilespmem:$0x1FEA0] =	vst v38  }
0x44: {  	v44 =	vbroadcast v0, $0x4;
	[tilespmem:$0x1FEB0] =	vst v45  }
0x45: {  	v49 =	vbroadcast v0, $0x5;
	[tilespmem:$0x1FEC0] =	vst v47  }
0x46: {  	v40 =	vbroadcast v0, $0x6;
	[tilespmem:$0x1FED0] =	vst v44  }
0x47: {  	v48 =	vbroadcast v0, $0x7;
	[tilespmem:$0x1FEE0] =	vst v49  }
0x48: {  	v52 =	vbroadcast v0, $0x8;
	[tilespmem:$0x1FEF0] =	vst v40  }
0x49: {  	v54 =	vbroadcast v0, $0xA;
	[tilespmem:$0x1FF00] =	vst v48  }
0x4a: {  	v39 =	vbroadcast v0, $0xB;
	[tilespmem:$0x1FF10] =	vst v52  }
0x4b: {  	v57 =	vbroadcast v0, $0xD;
	[tilespmem:$0x1FF20] =	vst v54  }
0x4c: {  	v58 =	vbroadcast v0, $0xE;
	[tilespmem:$0x1FF30] =	vst v39  }
0x4d: {  	v3 =	vbroadcast v0, $0x9;
	[tilespmem:$0x1FF40] =	vst v57  }
0x4e: {  	v59 =	vbroadcast v0, $0xF;
	[tilespmem:$0x1FF50] =	vst v58  }
0x4f: {  	[tilespmem:$0x1FD00] =	vst v3;
	v3 =	vbroadcast v0, $0xC  }
0x50: {  	[tilespmem:$0x1FF60] =	vst v59;
	v2 =	vbroadcast v1, $0x6  }
0x51: {  	v60 =	vbroadcast v1, $0x0;
	[tilespmem:$0x1FD10] =	vst v3  }
0x52: {  	v61 =	vbroadcast v1, $0x1;
	[tilespmem:$0x1FD20] =	vst v2  }
0x53: {  	v62 =	vbroadcast v1, $0x2;
	[tilespmem:$0x1FF70] =	vst v60  }
0x54: {  	v63 =	vbroadcast v1, $0x3;
	[tilespmem:$0x1FF80] =	vst v61  }
0x55: {  	v0 =	vbroadcast v1, $0x4;
	[tilespmem:$0x1FF90] =	vst v62  }
0x56: {  	v2 =	vbroadcast v1, $0x8;
	[tilespmem:$0x1FFA0] =	vst v63  }
0x57: {  	v21 =	vbroadcast v1, $0x5;
	[tilespmem:$0x1FFB0] =	vst v0  }
0x58: {  	[tilespmem:$0x1FD30] =	vst v2;
	v2 =	vbroadcast v1, $0x9  }
0x59: {  	v23 =	vbroadcast v1, $0x7;
	[tilespmem:$0x1FFC0] =	vst v21  }
0x5a: {  	[tilespmem:$0x1FD40] =	vst v2;
	v2 =	vbroadcast v1, $0xC  }
0x5b: {  	v33 =	vbroadcast v1, $0xA;
	[tilespmem:$0x1FFD0] =	vst v23  }
0x5c: {  	[tilespmem:$0x1FD50] =	vst v2;
	v2 =	vbroadcast v1, $0xD  }
0x5d: {  	v34 =	vbroadcast v1, $0xB;
	[tilespmem:$0x1FFE0] =	vst v33  }
0x5e: {  	[tilespmem:$0x1FD60] =	vst v2;
	v2 =	vbroadcast v1, $0xE  }
0x5f: {  	[tilespmem:$0x1FFF0] =	vst v34;
	v1 =	vbroadcast v1, $0xF  }
0x60: {  	[tilespmem:$0x1FD70] =	vst v2  }
0x61: {  	s23 =	simm.s32 $0xD0;
	s24 =	simm.s32 $0x0;
	s25 =	simm.s32 $0x0;
	[tilespmem:$0x1FD80] =	vst v1  }
.LBB2_4:
0x62: {  	s26 =	sshllo.u32 s25, $0x1  }
0x63: {  	s1 =	smul.u32 $0x340, s26;
	_ =	sdelay $0x1  }
0x64: {  	s1 =	sshra.s32 s1, $0x2  }
0x65: {  	v1 =	vor.u32 s22, v6;
	[tilespmem:s16], [sflag:$0x2] =	stream.indirect.gather [hbm4b:s5+s12], $0x40, s1, s12, $0xb8;
	[tilespmem:$0xDA60] =	vst v63  }
0x66: {  	v2 =	vshll.u32 v1, $0x6;
	s1 =	sadd.s32 $0x68, s1  }
0x67: {  	[tilespmem:s17], [sflag:$0x2] =	stream.indirect.gather [hbm4b:s5+s14], $0x40, s1, s14, $0xb8;
	[tilespmem:$0xDA60] =	vst v63  }
0x68: {  	v3 =	vor.u32 $0x1, v2;
	_ =	swait.ge [sflag:s18], $0x3200  }
0x69: {  	[sflag:s18] =	ssyncset.done $0x0  }
0x6a: {  	v4 =	vor.u32 $0x2, v2;
	v41 =	vld [tilespmem:$0x1FC00];
	[sflag:s18] =	ssyncadd.s32 $0xFFFFCE00  }
0x6b: {  	v5 =	vld.idx.msk [tilespmem:v2+s13+$0x0], $0xffff  }
0x6c: {  	v26 =	vmov v39;
	v6 =	vor.u32 $0x3, v2;
	v39 =	vld [tilespmem:$0x1FC10]  }
0x6d: {  	v3 =	vld.idx.msk [tilespmem:v3+s13+$0x0], $0xffff  }
0x6e: {  	v24 =	vmov v38;
	v38 =	vmov v37;
	v7 =	vor.u32 $0x4, v2;
	v37 =	vld [tilespmem:$0x1FC20]  }
0x6f: {  	v4 =	vld.idx.msk [tilespmem:v4+s13+$0x0], $0xffff  }
0x70: {  	v19 =	vmovc v45;
	v45 =	vmov v35;
	v8 =	vor.u32 $0x5, v2;
	v35 =	vld [tilespmem:$0x1FC30];
	v5 =	vmul.f32 v5, v41  }
0x71: {  	v6 =	vld.idx.msk [tilespmem:v6+s13+$0x0], $0xffff  }
0x72: {  	v9 =	vor.u32 $0x6, v2;
	v27 =	vld [tilespmem:$0x1FC40];
	v3 =	vmul.f32 v3, v39;
	v5 =	vadd.f32 $0.0e+00, v5  }
0x73: {  	v7 =	vld.idx.msk [tilespmem:v7+s13+$0x0], $0xffff  }
0x74: {  	v10 =	vor.u32 $0x7, v2;
	v22 =	vld [tilespmem:$0x1FC50];
	v4 =	vmul.f32 v4, v37;
	v3 =	vadd.f32 v3, v5  }
0x75: {  	v5 =	vld.idx.msk [tilespmem:v8+s13+$0x0], $0xffff  }
0x76: {  	v29 =	vld [tilespmem:$0x1FC60];
	v8 =	vor.u32 $0x8, v2;
	v3 =	vadd.f32 v4, v3;
	v4 =	vmul.f32 v6, v35  }
0x77: {  	v6 =	vld.idx.msk [tilespmem:v9+s13+$0x0], $0xffff  }
0x78: {  	v55 =	vor.u32 $0x9, v2;
	v3 =	vadd.f32 v4, v3;
	v4 =	vmul.f32 v7, v27  }
0x79: {  	v7 =	vld.idx.msk [tilespmem:v10+s13+$0x0], $0xffff  }
0x7a: {  	v20 =	vmovc v44;
	v44 =	vmovc v36;
	v36 =	vor.u32 $0xA, v2;
	v3 =	vadd.f32 v4, v3;
	v4 =	vmul.f32 v5, v22  }
0x7b: {  	v5 =	vld.idx.msk [tilespmem:v8+s13+$0x0], $0xffff  }
0x7c: {  	v8 =	vor.u32 $0xB, v2;
	v3 =	vadd.f32 v4, v3;
	v4 =	vmul.f32 v6, v29  }
0x7d: {  	v6 =	vld.idx.msk [tilespmem:v55+s13+$0x0], $0xffff  }
0x7e: {  	v43 =	vor.u32 $0xC, v2;
	v3 =	vadd.f32 v4, v3;
	v4 =	vmul.f32 v7, v12  }
0x7f: {  	v7 =	vld.idx.msk [tilespmem:v36+s13+$0x0], $0xffff  }
0x80: {  	v11 =	vmovc v48;
	v48 =	vor.u32 $0xD, v2;
	v3 =	vadd.f32 v4, v3;
	v4 =	vmul.f32 v5, v16  }
0x81: {  	v5 =	vld.idx.msk [tilespmem:v8+s13+$0x0], $0xffff  }
0x82: {  	v8 =	vor.u32 $0xE, v2;
	v3 =	vadd.f32 v4, v3;
	v4 =	vmul.f32 v6, v15  }
0x83: {  	v6 =	vld.idx.msk [tilespmem:v43+s13+$0x0], $0xffff  }
0x84: {  	v18 =	vmovc v49;
	v49 =	vor.u32 $0xF, v2;
	v36 =	vld [tilespmem:$0x1FC70];
	v3 =	vadd.f32 v4, v3;
	v4 =	vmul.f32 v7, v14  }
0x85: {  	v7 =	vld.idx.msk [tilespmem:v48+s13+$0x0], $0xffff  }
0x86: {  	v55 =	vld [tilespmem:$0x1FC80];
	v3 =	vadd.f32 v4, v3;
	v4 =	vmul.f32 v5, v13  }
0x87: {  	v5 =	vld.idx.msk [tilespmem:v8+s13+$0x0], $0xffff  }
0x88: {  	v50 =	vor.u32 $0x10, v2;
	v3 =	vadd.f32 v4, v3;
	v4 =	vmul.f32 v6, v31  }
0x89: {  	v46 =	vmov v51;
	v51 =	vor.u32 $0x12, v2;
	v6 =	vld.idx.msk [tilespmem:v49+s13+$0x0], $0xffff  }
0x8a: {  	v3 =	vadd.f32 v4, v3;
	v4 =	vmul.f32 v7, v36;
	_ =	sdelay $0x1  }
0x8b: {  	v8 =	vor.u32 $0x11, v2;
	v3 =	vadd.f32 v4, v3;
	v4 =	vmul.f32 v5, v55  }
0x8c: {  	v7 =	vld.idx.msk [tilespmem:v50+s13+$0x0], $0xffff  }
0x8d: {  	v3 =	vadd.f32 v4, v3;
	v4 =	vmul.f32 v6, v25;
	v6 =	vld.idx.msk [tilespmem:v51+s13+$0x0], $0xffff  }
0x8e: {  	v51 =	vld [tilespmem:$0x1FC90]  }
0x8f: {  	v10 =	vor.u32 $0x13, v2  }
0x90: {  	v5 =	vld.idx.msk [tilespmem:v8+s13+$0x0], $0xffff  }
0x91: {  	v8 =	vor.u32 $0x14, v2;
	_ =	sdelay $0x1  }
0x92: {  	v9 =	vor.u32 $0x15, v2;
	v48 =	vld [tilespmem:$0x1FCA0];
	v3 =	vadd.f32 v4, v3;
	v4 =	vmul.f32 v7, v51  }
0x93: {  	v7 =	vld.idx.msk [tilespmem:v10+s13+$0x0], $0xffff  }
0x94: {  	v3 =	vadd.f32 v4, v3;
	v4 =	vmul.f32 v5, v46  }
0x95: {  	v5 =	vld.idx.msk [tilespmem:v8+s13+$0x0], $0xffff  }
0x96: {  	v3 =	vadd.f32 v4, v3;
	v4 =	vmul.f32 v6, v56  }
0x97: {  	v6 =	vld.idx.msk [tilespmem:v9+s13+$0x0], $0xffff  }
0x98: {  	v10 =	vor.u32 $0x16, v2;
	v3 =	vadd.f32 v4, v3;
	v4 =	vmul.f32 v7, v48;
	_ =	sdelay $0x1  }
0x99: {  	v3 =	vadd.f32 v4, v3;
	v4 =	vmul.f32 v5, v32;
	_ =	sdelay $0x1  }
0x9a: {  	v8 =	vor.u32 $0x17, v2;
	v3 =	vadd.f32 v4, v3;
	v4 =	vmul.f32 v6, v45  }
0x9b: {  	v9 =	vor.u32 $0x18, v2;
	v7 =	vld.idx.msk [tilespmem:v10+s13+$0x0], $0xffff  }
0x9c: {  	v46 =	vmov v56;
	v56 =	vor.u32 $0x19, v2;
	v3 =	vadd.f32 v4, v3;
	v4 =	vld [tilespmem:$0x1FCB0];
	_ =	sdelay $0x2  }
0x9d: {  	v5 =	vld.idx.msk [tilespmem:v8+s13+$0x0], $0xffff  }
0x9e: {  	v6 =	vld.idx.msk [tilespmem:v9+s13+$0x0], $0xffff  }
0x9f: {  	v8 =	vor.u32 $0x1A, v2;
	v4 =	vmul.f32 v7, v4;
	v7 =	vld.idx.msk [tilespmem:v56+s13+$0x0], $0xffff  }
0xa0: {  	v56 =	vld [tilespmem:$0x1FCC0]  }
0xa1: {  	v9 =	vor.u32 $0x1B, v2;
	_ =	sdelay $0x1  }
0xa2: {  	v49 =	vld [tilespmem:$0x1FCD0];
	v10 =	vor.u32 $0x1C, v2;
	v3 =	vadd.f32 v4, v3;
	v4 =	vmul.f32 v5, v38  }
0xa3: {  	v5 =	vld.idx.msk [tilespmem:v8+s13+$0x0], $0xffff  }
0xa4: {  	v50 =	vld [tilespmem:$0x1FCE0];
	v8 =	vor.u32 $0x1D, v2;
	v3 =	vadd.f32 v4, v3;
	v4 =	vmul.f32 v6, v56  }
0xa5: {  	v6 =	vld.idx.msk [tilespmem:v9+s13+$0x0], $0xffff  }
0xa6: {  	v38 =	vld [tilespmem:$0x1FCF0];
	v9 =	vor.u32 $0x1E, v2;
	v3 =	vadd.f32 v4, v3;
	v4 =	vmul.f32 v7, v28  }
0xa7: {  	v7 =	vld.idx.msk [tilespmem:v10+s13+$0x0], $0xffff  }
0xa8: {  	v10 =	vor.u32 $0x1F, v2;
	v3 =	vadd.f32 v4, v3;
	v4 =	vmul.f32 v5, v49  }
0xa9: {  	v5 =	vld.idx.msk [tilespmem:v8+s13+$0x0], $0xffff  }
0xaa: {  	v8 =	vor.u32 $0x20, v2;
	v3 =	vadd.f32 v4, v3;
	v4 =	vmul.f32 v6, v50  }
0xab: {  	v6 =	vld.idx.msk [tilespmem:v9+s13+$0x0], $0xffff  }
0xac: {  	v9 =	vor.u32 $0x21, v2;
	v3 =	vadd.f32 v4, v3;
	v4 =	vmul.f32 v7, v38  }
0xad: {  	v7 =	vld.idx.msk [tilespmem:v10+s13+$0x0], $0xffff  }
0xae: {  	v10 =	vor.u32 $0x22, v2;
	v3 =	vadd.f32 v4, v3;
	v4 =	vmul.f32 v5, v42  }
0xaf: {  	v5 =	vld.idx.msk [tilespmem:v8+s13+$0x0], $0xffff  }
0xb0: {  	v8 =	vor.u32 $0x23, v2;
	v3 =	vadd.f32 v4, v3;
	v4 =	vmul.f32 v6, v17  }
0xb1: {  	v6 =	vld.idx.msk [tilespmem:v9+s13+$0x0], $0xffff  }
0xb2: {  	v38 =	vor.u32 $0x24, v2;
	v3 =	vadd.f32 v4, v3;
	v4 =	vmul.f32 v7, v53  }
0xb3: {  	v7 =	vld.idx.msk [tilespmem:v10+s13+$0x0], $0xffff  }
0xb4: {  	v42 =	vor.u32 $0x25, v2;
	v3 =	vadd.f32 v4, v3;
	v4 =	vmul.f32 v5, v44  }
0xb5: {  	v5 =	vld.idx.msk [tilespmem:v8+s13+$0x0], $0xffff  }
0xb6: {  	v8 =	vor.u32 $0x26, v2;
	v3 =	vadd.f32 v4, v3;
	v4 =	vmul.f32 v6, v24  }
0xb7: {  	v6 =	vld.idx.msk [tilespmem:v38+s13+$0x0], $0xffff  }
0xb8: {  	v53 =	vor.u32 $0x27, v2;
	v3 =	vadd.f32 v4, v3;
	v4 =	vmul.f32 v7, v19  }
0xb9: {  	v7 =	vld.idx.msk [tilespmem:v42+s13+$0x0], $0xffff  }
0xba: {  	v38 =	vor.u32 $0x28, v2;
	v3 =	vadd.f32 v4, v3;
	v4 =	vmul.f32 v5, v47  }
0xbb: {  	v5 =	vld.idx.msk [tilespmem:v8+s13+$0x0], $0xffff  }
0xbc: {  	v3 =	vadd.f32 v4, v3;
	v4 =	vmul.f32 v6, v20  }
0xbd: {  	v6 =	vld.idx.msk [tilespmem:v53+s13+$0x0], $0xffff  }
0xbe: {  	v8 =	vor.u32 $0x29, v2;
	v3 =	vadd.f32 v4, v3;
	v4 =	vmul.f32 v7, v18  }
0xbf: {  	v53 =	vor.u32 $0x2B, v2;
	v7 =	vld.idx.msk [tilespmem:v38+s13+$0x0], $0xffff  }
0xc0: {  	v3 =	vadd.f32 v4, v3;
	v4 =	vmul.f32 v5, v40;
	_ =	sdelay $0x1  }
0xc1: {  	v42 =	vor.u32 $0x2A, v2;
	v3 =	vadd.f32 v4, v3;
	v4 =	vmul.f32 v6, v11  }
0xc2: {  	v5 =	vld.idx.msk [tilespmem:v8+s13+$0x0], $0xffff  }
0xc3: {  	v3 =	vadd.f32 v4, v3;
	v4 =	vmul.f32 v7, v52;
	v7 =	vld.idx.msk [tilespmem:v53+s13+$0x0], $0xffff  }
0xc4: {  	v53 =	vld [tilespmem:$0x1FD00]  }
0xc5: {  	v8 =	vor.u32 $0x2C, v2  }
0xc6: {  	v6 =	vld.idx.msk [tilespmem:v42+s13+$0x0], $0xffff  }
0xc7: {  	v38 =	vor.u32 $0x2D, v2;
	_ =	sdelay $0x1  }
0xc8: {  	v43 =	vmovc v25;
	v25 =	vld [tilespmem:$0x1FD10];
	v40 =	vor.u32 $0x2E, v2;
	v3 =	vadd.f32 v4, v3;
	v4 =	vmul.f32 v5, v53  }
0xc9: {  	v5 =	vld.idx.msk [tilespmem:v8+s13+$0x0], $0xffff  }
0xca: {  	v8 =	vor.u32 $0x2F, v2;
	v3 =	vadd.f32 v4, v3;
	v4 =	vmul.f32 v6, v54  }
0xcb: {  	v6 =	vld.idx.msk [tilespmem:v38+s13+$0x0], $0xffff  }
0xcc: {  	v42 =	vor.u32 $0x30, v2;
	v3 =	vadd.f32 v4, v3;
	v4 =	vmul.f32 v7, v26  }
0xcd: {  	v7 =	vld.idx.msk [tilespmem:v40+s13+$0x0], $0xffff  }
0xce: {  	v38 =	vor.u32 $0x31, v2;
	v3 =	vadd.f32 v4, v3;
	v4 =	vmul.f32 v5, v25  }
0xcf: {  	v5 =	vld.idx.msk [tilespmem:v8+s13+$0x0], $0xffff  }
0xd0: {  	v8 =	vor.u32 $0x32, v2;
	v3 =	vadd.f32 v4, v3;
	v4 =	vmul.f32 v6, v57  }
0xd1: {  	v6 =	vld.idx.msk [tilespmem:v42+s13+$0x0], $0xffff  }
0xd2: {  	v40 =	vor.u32 $0x33, v2;
	v3 =	vadd.f32 v4, v3;
	v4 =	vmul.f32 v7, v58  }
0xd3: {  	v7 =	vld.idx.msk [tilespmem:v38+s13+$0x0], $0xffff  }
0xd4: {  	v42 =	vor.u32 $0x34, v2;
	v3 =	vadd.f32 v4, v3;
	v4 =	vmul.f32 v5, v59  }
0xd5: {  	v5 =	vld.idx.msk [tilespmem:v8+s13+$0x0], $0xffff  }
0xd6: {  	v8 =	vor.u32 $0x35, v2;
	v3 =	vadd.f32 v4, v3;
	v4 =	vmul.f32 v6, v60  }
0xd7: {  	v6 =	vld.idx.msk [tilespmem:v40+s13+$0x0], $0xffff  }
0xd8: {  	v38 =	vor.u32 $0x36, v2;
	v3 =	vadd.f32 v4, v3;
	v4 =	vmul.f32 v7, v61  }
0xd9: {  	v7 =	vld.idx.msk [tilespmem:v42+s13+$0x0], $0xffff  }
0xda: {  	v40 =	vor.u32 $0x37, v2;
	v3 =	vadd.f32 v4, v3;
	v4 =	vmul.f32 v5, v62  }
0xdb: {  	v5 =	vld.idx.msk [tilespmem:v8+s13+$0x0], $0xffff  }
0xdc: {  	v11 =	vld [tilespmem:$0x1FD20];
	v8 =	vor.u32 $0x38, v2;
	v3 =	vadd.f32 v4, v3;
	v4 =	vmul.f32 v6, v63  }
0xdd: {  	v6 =	vld.idx.msk [tilespmem:v38+s13+$0x0], $0xffff  }
0xde: {  	v42 =	vor.u32 $0x39, v2;
	v3 =	vadd.f32 v4, v3;
	v4 =	vmul.f32 v7, v0  }
0xdf: {  	v7 =	vld.idx.msk [tilespmem:v40+s13+$0x0], $0xffff  }
0xe0: {  	v24 =	vld [tilespmem:$0x1FD30];
	v38 =	vor.u32 $0x3A, v2;
	v3 =	vadd.f32 v4, v3;
	v4 =	vmul.f32 v5, v21  }
0xe1: {  	v5 =	vld.idx.msk [tilespmem:v8+s13+$0x0], $0xffff  }
0xe2: {  	v25 =	vld [tilespmem:$0x1FD40];
	v8 =	vor.u32 $0x3B, v2;
	v3 =	vadd.f32 v4, v3;
	v4 =	vmul.f32 v6, v11  }
0xe3: {  	v6 =	vld.idx.msk [tilespmem:v42+s13+$0x0], $0xffff  }
0xe4: {  	v40 =	vor.u32 $0x3C, v2;
	v3 =	vadd.f32 v4, v3;
	v4 =	vmul.f32 v7, v23  }
0xe5: {  	v7 =	vld.idx.msk [tilespmem:v38+s13+$0x0], $0xffff  }
0xe6: {  	v42 =	vor.u32 $0x3D, v2;
	v3 =	vadd.f32 v4, v3;
	v4 =	vmul.f32 v5, v24  }
0xe7: {  	v5 =	vld.idx.msk [tilespmem:v8+s13+$0x0], $0xffff  }
0xe8: {  	v26 =	vld [tilespmem:$0x1FD50];
	v8 =	vor.u32 $0x3E, v2;
	v3 =	vadd.f32 v4, v3;
	v4 =	vmul.f32 v6, v25  }
0xe9: {  	v6 =	vld.idx.msk [tilespmem:v40+s13+$0x0], $0xffff  }
0xea: {  	v19 =	vld [tilespmem:$0x1FD60];
	v2 =	vor.u32 $0x3F, v2;
	v3 =	vadd.f32 v4, v3;
	v4 =	vmul.f32 v7, v33  }
0xeb: {  	v7 =	vld.idx.msk [tilespmem:v42+s13+$0x0], $0xffff  }
0xec: {  	v18 =	vld [tilespmem:$0x1FD70];
	v3 =	vadd.f32 v4, v3;
	v4 =	vmul.f32 v5, v34  }
0xed: {  	v5 =	vld.idx.msk [tilespmem:v8+s13+$0x0], $0xffff  }
0xee: {  	v20 =	vld [tilespmem:$0x1FD80];
	v3 =	vadd.f32 v4, v3;
	v4 =	vmul.f32 v6, v26  }
0xef: {  	v2 =	vld.idx.msk [tilespmem:v2+s13+$0x0], $0xffff  }
0xf0: {  	v3 =	vadd.f32 v4, v3;
	v4 =	vmul.f32 v7, v19;
	_ =	sdelay $0x1  }
0xf1: {  	v3 =	vadd.f32 v4, v3;
	v4 =	vmul.f32 v5, v18;
	_ =	sdelay $0x1  }
0xf2: {  	v2 =	vmul.f32 v2, v20;
	v3 =	vadd.f32 v4, v3;
	_ =	sdelay $0x1  }
0xf3: {  	v2 =	vadd.f32 v2, v3;
	_ =	sdelay $0x1  }
0xf4: {  	v2 =	vadd.f32 v2, v2;
	_ =	sdelay $0x1  }
0xf5: {  	v2 =	vmul.f32 $1.442695020e+00, v2;
	_ =	sdelay $0x1  }
0xf6: {  	(erf) = vpow2.f32 v2;
	_ =	sdelay $0x8  }
0xf7: {  	v2 =	vpop (erf)  }
0xf8: {  	v2 =	vadd.f32 $1.000000000e+00, v2;
	_ =	sdelay $0x1  }
0xf9: {  	(erf) = vrcp.f32 v2;
	_ =	sdelay $0x6  }
0xfa: {  	v4 =	vld [tilespmem:s24+$0x0];
	_ =	sdelay $0x1  }
0xfb: {  	v30 =	vlaneseq.u32;
	s0 =	simm.s32 $0x10;
	v3 =	vpop (erf)  }
0xfc: {  	v2 =	vor.u32 s0, v30;
	v5 =	vadd.f32 v3, v3  }
0xfd: {  	v3 =	vshll.u32 v2, $0x6  }
0xfe: {  	vm3 =	vlt.u32 v1, $0xC8;
	vm2 =	vne.s32 v4, $0x0;
	v1 =	vsub.f32 $1.000000000e+00, v5  }
0xff: {  	vm2 =	vmand vm3, vm2;
	v4 =	vor.u32 $0x1, v3  }
0x100: {  	s29 =	simm.s32 $0xD000;
	v1 =	vnsel vm2, $0xFF800000, v1  }
0x101: {  	v5 =	vor.u32 $0x2, v3;
	[tilespmem:s29+$0x0] =	vst v1  }
0x102: {  	v6 =	vld.idx.msk [tilespmem:v3+s13+$0x0], $0xffff  }
0x103: {  	v7 =	vor.u32 $0x3, v3  }
0x104: {  	v4 =	vld.idx.msk [tilespmem:v4+s13+$0x0], $0xffff  }
0x105: {  	v8 =	vor.u32 $0x4, v3  }
0x106: {  	v5 =	vld.idx.msk [tilespmem:v5+s13+$0x0], $0xffff  }
0x107: {  	v38 =	vor.u32 $0x5, v3;
	v6 =	vmul.f32 v6, v41  }
0x108: {  	v7 =	vld.idx.msk [tilespmem:v7+s13+$0x0], $0xffff  }
0x109: {  	v41 =	vor.u32 $0x6, v3;
	v4 =	vmul.f32 v4, v39;
	v6 =	vadd.f32 $0.0e+00, v6  }
0x10a: {  	v8 =	vld.idx.msk [tilespmem:v8+s13+$0x0], $0xffff  }
0x10b: {  	v5 =	vmul.f32 v5, v37;
	v4 =	vadd.f32 v4, v6;
	v6 =	vor.u32 $0x7, v3  }
0x10c: {  	v9 =	vld.idx.msk [tilespmem:v38+s13+$0x0], $0xffff  }
0x10d: {  	v7 =	vmul.f32 v7, v35;
	v4 =	vadd.f32 v5, v4;
	v5 =	vor.u32 $0x8, v3  }
0x10e: {  	v10 =	vld.idx.msk [tilespmem:v41+s13+$0x0], $0xffff  }
0x10f: {  	v8 =	vmul.f32 v8, v27;
	v4 =	vadd.f32 v7, v4;
	v7 =	vor.u32 $0x9, v3  }
0x110: {  	v6 =	vld.idx.msk [tilespmem:v6+s13+$0x0], $0xffff  }
0x111: {  	v9 =	vmul.f32 v9, v22;
	v4 =	vadd.f32 v8, v4;
	v8 =	vor.u32 $0xA, v3  }
0x112: {  	v5 =	vld.idx.msk [tilespmem:v5+s13+$0x0], $0xffff  }
0x113: {  	v42 =	vor.u32 $0xB, v3;
	v10 =	vmul.f32 v10, v29;
	v4 =	vadd.f32 v9, v4  }
0x114: {  	v7 =	vld.idx.msk [tilespmem:v7+s13+$0x0], $0xffff  }
0x115: {  	v33 =	vor.u32 $0xC, v3;
	v4 =	vadd.f32 v10, v4;
	v6 =	vmul.f32 v6, v12  }
0x116: {  	v8 =	vld.idx.msk [tilespmem:v8+s13+$0x0], $0xffff  }
0x117: {  	v4 =	vadd.f32 v6, v4;
	v6 =	vor.u32 $0xD, v3;
	v5 =	vmul.f32 v5, v16  }
0x118: {  	v9 =	vld.idx.msk [tilespmem:v42+s13+$0x0], $0xffff  }
0x119: {  	v4 =	vadd.f32 v5, v4;
	v5 =	vor.u32 $0xE, v3;
	v7 =	vmul.f32 v7, v15  }
0x11a: {  	v10 =	vld.idx.msk [tilespmem:v33+s13+$0x0], $0xffff  }
0x11b: {  	v4 =	vadd.f32 v7, v4;
	v7 =	vor.u32 $0xF, v3;
	v8 =	vmul.f32 v8, v14  }
0x11c: {  	v6 =	vld.idx.msk [tilespmem:v6+s13+$0x0], $0xffff  }
0x11d: {  	v9 =	vmul.f32 v9, v13;
	v4 =	vadd.f32 v8, v4;
	v8 =	vor.u32 $0x10, v3  }
0x11e: {  	v5 =	vld.idx.msk [tilespmem:v5+s13+$0x0], $0xffff  }
0x11f: {  	v40 =	vmovc v34;
	v34 =	vor.u32 $0x11, v3;
	v10 =	vmul.f32 v10, v31;
	v4 =	vadd.f32 v9, v4  }
0x120: {  	v7 =	vld.idx.msk [tilespmem:v7+s13+$0x0], $0xffff  }
0x121: {  	v35 =	vor.u32 $0x12, v3;
	v4 =	vadd.f32 v10, v4;
	v6 =	vmul.f32 v6, v36  }
0x122: {  	v8 =	vld.idx.msk [tilespmem:v8+s13+$0x0], $0xffff  }
0x123: {  	v29 =	vld [tilespmem:$0x1FE00];
	v4 =	vadd.f32 v6, v4;
	v6 =	vor.u32 $0x13, v3;
	v5 =	vmul.f32 v5, v55  }
0x124: {  	v9 =	vld.idx.msk [tilespmem:v34+s13+$0x0], $0xffff  }
0x125: {  	v4 =	vadd.f32 v5, v4;
	v5 =	vor.u32 $0x14, v3;
	v7 =	vmul.f32 v7, v43  }
0x126: {  	v10 =	vld.idx.msk [tilespmem:v35+s13+$0x0], $0xffff  }
0x127: {  	v4 =	vadd.f32 v7, v4;
	v7 =	vor.u32 $0x15, v3;
	v8 =	vmul.f32 v8, v51  }
0x128: {  	v6 =	vld.idx.msk [tilespmem:v6+s13+$0x0], $0xffff  }
0x129: {  	v9 =	vmul.f32 v9, v29;
	v4 =	vadd.f32 v8, v4;
	v8 =	vor.u32 $0x16, v3  }
0x12a: {  	v5 =	vld.idx.msk [tilespmem:v5+s13+$0x0], $0xffff  }
0x12b: {  	v37 =	vor.u32 $0x17, v3;
	v10 =	vmul.f32 v10, v46;
	v4 =	vadd.f32 v9, v4  }
0x12c: {  	v7 =	vld.idx.msk [tilespmem:v7+s13+$0x0], $0xffff  }
0x12d: {  	v38 =	vor.u32 $0x18, v3;
	v35 =	vld [tilespmem:$0x1FCB0];
	v4 =	vadd.f32 v10, v4;
	v6 =	vmul.f32 v6, v48  }
0x12e: {  	v8 =	vld.idx.msk [tilespmem:v8+s13+$0x0], $0xffff  }
0x12f: {  	v36 =	vld [tilespmem:$0x1FE40];
	v4 =	vadd.f32 v6, v4;
	v6 =	vor.u32 $0x19, v3;
	v5 =	vmul.f32 v5, v32  }
0x130: {  	v9 =	vld.idx.msk [tilespmem:v37+s13+$0x0], $0xffff  }
0x131: {  	v4 =	vadd.f32 v5, v4;
	v5 =	vor.u32 $0x1A, v3;
	v7 =	vmul.f32 v7, v45  }
0x132: {  	v10 =	vld.idx.msk [tilespmem:v38+s13+$0x0], $0xffff  }
0x133: {  	v4 =	vadd.f32 v7, v4;
	v7 =	vor.u32 $0x1B, v3;
	v8 =	vmul.f32 v8, v35  }
0x134: {  	v6 =	vld.idx.msk [tilespmem:v6+s13+$0x0], $0xffff  }
0x135: {  	v9 =	vmul.f32 v9, v36;
	v4 =	vadd.f32 v8, v4;
	v8 =	vor.u32 $0x1C, v3  }
0x136: {  	v5 =	vld.idx.msk [tilespmem:v5+s13+$0x0], $0xffff  }
0x137: {  	v30 =	vmovc v46;
	v46 =	vor.u32 $0x1D, v3;
	v10 =	vmul.f32 v10, v56;
	v4 =	vadd.f32 v9, v4  }
0x138: {  	v7 =	vld.idx.msk [tilespmem:v7+s13+$0x0], $0xffff  }
0x139: {  	v41 =	vmovc v48;
	v37 =	vld [tilespmem:$0x1FCF0];
	v48 =	vor.u32 $0x1E, v3;
	v4 =	vadd.f32 v10, v4;
	v6 =	vmul.f32 v6, v28  }
0x13a: {  	v8 =	vld.idx.msk [tilespmem:v8+s13+$0x0], $0xffff  }
0x13b: {  	v39 =	vld [tilespmem:$0x1FE50];
	v4 =	vadd.f32 v6, v4;
	v6 =	vor.u32 $0x1F, v3;
	v5 =	vmul.f32 v5, v49  }
0x13c: {  	v9 =	vld.idx.msk [tilespmem:v46+s13+$0x0], $0xffff  }
0x13d: {  	v4 =	vadd.f32 v5, v4;
	v5 =	vor.u32 $0x20, v3;
	v7 =	vmul.f32 v7, v50  }
0x13e: {  	v10 =	vld.idx.msk [tilespmem:v48+s13+$0x0], $0xffff  }
0x13f: {  	v43 =	vld [tilespmem:$0x1FE80];
	v4 =	vadd.f32 v7, v4;
	v7 =	vor.u32 $0x21, v3;
	v8 =	vmul.f32 v8, v37  }
0x140: {  	v6 =	vld.idx.msk [tilespmem:v6+s13+$0x0], $0xffff  }
0x141: {  	v9 =	vmul.f32 v9, v39;
	v4 =	vadd.f32 v8, v4;
	v8 =	vor.u32 $0x22, v3  }
0x142: {  	v5 =	vld.idx.msk [tilespmem:v5+s13+$0x0], $0xffff  }
0x143: {  	v42 =	vmovc v49;
	v33 =	vmovc v45;
	v45 =	vld [tilespmem:$0x1FEA0];
	v49 =	vor.u32 $0x23, v3;
	v10 =	vmul.f32 v10, v17;
	v4 =	vadd.f32 v9, v4  }
0x144: {  	v7 =	vld.idx.msk [tilespmem:v7+s13+$0x0], $0xffff  }
0x145: {  	v51 =	vor.u32 $0x24, v3;
	v46 =	vld [tilespmem:$0x1FEB0];
	v4 =	vadd.f32 v10, v4;
	v6 =	vmul.f32 v6, v43  }
0x146: {  	v8 =	vld.idx.msk [tilespmem:v8+s13+$0x0], $0xffff  }
0x147: {  	v4 =	vadd.f32 v6, v4;
	v6 =	vor.u32 $0x25, v3;
	v5 =	vmul.f32 v5, v44  }
0x148: {  	v9 =	vld.idx.msk [tilespmem:v49+s13+$0x0], $0xffff  }
0x149: {  	v48 =	vld [tilespmem:$0x1FED0];
	v4 =	vadd.f32 v5, v4;
	v5 =	vor.u32 $0x26, v3;
	v7 =	vmul.f32 v7, v45  }
0x14a: {  	v10 =	vld.idx.msk [tilespmem:v51+s13+$0x0], $0xffff  }
0x14b: {  	v49 =	vld [tilespmem:$0x1FEE0];
	v4 =	vadd.f32 v7, v4;
	v7 =	vor.u32 $0x27, v3;
	v8 =	vmul.f32 v8, v46  }
0x14c: {  	v6 =	vld.idx.msk [tilespmem:v6+s13+$0x0], $0xffff  }
0x14d: {  	v27 =	vld [tilespmem:$0x1FEF0];
	v9 =	vmul.f32 v9, v47;
	v4 =	vadd.f32 v8, v4;
	v8 =	vor.u32 $0x28, v3  }
0x14e: {  	v5 =	vld.idx.msk [tilespmem:v5+s13+$0x0], $0xffff  }
0x14f: {  	v55 =	vor.u32 $0x29, v3;
	v51 =	vld [tilespmem:$0x1FF00];
	v10 =	vmul.f32 v10, v48;
	v4 =	vadd.f32 v9, v4  }
0x150: {  	v7 =	vld.idx.msk [tilespmem:v7+s13+$0x0], $0xffff  }
0x151: {  	v38 =	vmovc v56;
	v56 =	vor.u32 $0x2A, v3;
	v4 =	vadd.f32 v10, v4;
	v6 =	vmul.f32 v6, v49  }
0x152: {  	v8 =	vld.idx.msk [tilespmem:v8+s13+$0x0], $0xffff  }
0x153: {  	v4 =	vadd.f32 v6, v4;
	v6 =	vor.u32 $0x2B, v3;
	v5 =	vmul.f32 v5, v27  }
0x154: {  	v9 =	vld.idx.msk [tilespmem:v55+s13+$0x0], $0xffff  }
0x155: {  	v4 =	vadd.f32 v5, v4;
	v5 =	vor.u32 $0x2C, v3;
	v7 =	vmul.f32 v7, v51  }
0x156: {  	v10 =	vld.idx.msk [tilespmem:v56+s13+$0x0], $0xffff  }
0x157: {  	v55 =	vld [tilespmem:$0x1FF30];
	v4 =	vadd.f32 v7, v4;
	v7 =	vor.u32 $0x2D, v3;
	v8 =	vmul.f32 v8, v52  }
0x158: {  	v6 =	vld.idx.msk [tilespmem:v6+s13+$0x0], $0xffff  }
0x159: {  	v56 =	vld [tilespmem:$0x1FD10];
	v9 =	vmul.f32 v9, v53;
	v4 =	vadd.f32 v8, v4;
	v8 =	vor.u32 $0x2E, v3  }
0x15a: {  	v5 =	vld.idx.msk [tilespmem:v5+s13+$0x0], $0xffff  }
0x15b: {  	v10 =	vmul.f32 v10, v54;
	v4 =	vadd.f32 v9, v4;
	v9 =	vor.u32 $0x2F, v3  }
0x15c: {  	v7 =	vld.idx.msk [tilespmem:v7+s13+$0x0], $0xffff  }
0x15d: {  	v34 =	vor.u32 $0x30, v3;
	v4 =	vadd.f32 v10, v4;
	v6 =	vmul.f32 v6, v55  }
0x15e: {  	v8 =	vld.idx.msk [tilespmem:v8+s13+$0x0], $0xffff  }
0x15f: {  	v4 =	vadd.f32 v6, v4;
	v6 =	vor.u32 $0x31, v3;
	v5 =	vmul.f32 v5, v56  }
0x160: {  	v9 =	vld.idx.msk [tilespmem:v9+s13+$0x0], $0xffff  }
0x161: {  	v4 =	vadd.f32 v5, v4;
	v5 =	vor.u32 $0x32, v3;
	v7 =	vmul.f32 v7, v57  }
0x162: {  	v10 =	vld.idx.msk [tilespmem:v34+s13+$0x0], $0xffff  }
0x163: {  	v4 =	vadd.f32 v7, v4;
	v7 =	vor.u32 $0x33, v3;
	v8 =	vmul.f32 v8, v58  }
0x164: {  	v6 =	vld.idx.msk [tilespmem:v6+s13+$0x0], $0xffff  }
0x165: {  	v4 =	vadd.f32 v8, v4;
	v8 =	vor.u32 $0x34, v3;
	v9 =	vmul.f32 v9, v59  }
0x166: {  	v5 =	vld.idx.msk [tilespmem:v5+s13+$0x0], $0xffff  }
0x167: {  	v10 =	vmul.f32 v10, v60;
	v4 =	vadd.f32 v9, v4;
	v9 =	vor.u32 $0x35, v3  }
0x168: {  	v7 =	vld.idx.msk [tilespmem:v7+s13+$0x0], $0xffff  }
0x169: {  	v34 =	vor.u32 $0x36, v3;
	v4 =	vadd.f32 v10, v4;
	v6 =	vmul.f32 v6, v61  }
0x16a: {  	v8 =	vld.idx.msk [tilespmem:v8+s13+$0x0], $0xffff  }
0x16b: {  	v4 =	vadd.f32 v6, v4;
	v5 =	vmul.f32 v5, v62  }
0x16c: {  	v6 =	vor.u32 $0x37, v3;
	v9 =	vld.idx.msk [tilespmem:v9+s13+$0x0], $0xffff  }
0x16d: {  	v4 =	vadd.f32 v5, v4;
	v7 =	vmul.f32 v7, v63  }
0x16e: {  	v10 =	vld.idx.msk [tilespmem:v34+s13+$0x0], $0xffff;
	v5 =	vor.u32 $0x38, v3  }
0x16f: {  	v4 =	vadd.f32 v7, v4;
	v7 =	vor.u32 $0x39, v3;
	v8 =	vmul.f32 v8, v0  }
0x170: {  	v34 =	vor.u32 $0x3C, v3  }
0x171: {  	v6 =	vld.idx.msk [tilespmem:v6+s13+$0x0], $0xffff;
	v4 =	vadd.f32 v8, v4;
	v9 =	vmul.f32 v9, v21  }
0x172: {  	v8 =	vor.u32 $0x3A, v3  }
0x173: {  	v10 =	vmul.f32 v10, v11;
	v5 =	vld.idx.msk [tilespmem:v5+s13+$0x0], $0xffff;
	v4 =	vadd.f32 v9, v4  }
0x174: {  	v9 =	vor.u32 $0x3B, v3;
	v7 =	vld.idx.msk [tilespmem:v7+s13+$0x0], $0xffff  }
0x175: {  	v4 =	vadd.f32 v10, v4;
	v10 =	vld.idx.msk [tilespmem:v34+s13+$0x0], $0xffff  }
0x176: {  	v6 =	vmul.f32 v6, v23;
	v34 =	vld [tilespmem:$0x1FFE0]  }
0x177: {  	v8 =	vld.idx.msk [tilespmem:v8+s13+$0x0], $0xffff  }
0x178: {  	v4 =	vadd.f32 v6, v4;
	v6 =	vor.u32 $0x3D, v3;
	v5 =	vmul.f32 v5, v24  }
0x179: {  	v9 =	vld.idx.msk [tilespmem:v9+s13+$0x0], $0xffff  }
0x17a: {  	v4 =	vadd.f32 v5, v4;
	v5 =	vor.u32 $0x3E, v3;
	v7 =	vmul.f32 v7, v25;
	_ =	sdelay $0x1  }
0x17b: {  	v3 =	vor.u32 $0x3F, v3;
	v4 =	vadd.f32 v7, v4;
	v7 =	vmul.f32 v8, v34  }
0x17c: {  	v6 =	vld.idx.msk [tilespmem:v6+s13+$0x0], $0xffff  }
0x17d: {  	v4 =	vadd.f32 v7, v4;
	v7 =	vmul.f32 v9, v40  }
0x17e: {  	v5 =	vld.idx.msk [tilespmem:v5+s13+$0x0], $0xffff  }
0x17f: {  	v4 =	vadd.f32 v7, v4;
	v7 =	vmul.f32 v10, v26  }
0x180: {  	v3 =	vld.idx.msk [tilespmem:v3+s13+$0x0], $0xffff  }
0x181: {  	v4 =	vadd.f32 v7, v4;
	v6 =	vmul.f32 v6, v19;
	_ =	sdelay $0x1  }
0x182: {  	v4 =	vadd.f32 v6, v4;
	v5 =	vmul.f32 v5, v18;
	_ =	sdelay $0x1  }
0x183: {  	v3 =	vmul.f32 v3, v20;
	v4 =	vadd.f32 v5, v4;
	_ =	sdelay $0x1  }
0x184: {  	v3 =	vadd.f32 v3, v4;
	_ =	sdelay $0x1  }
0x185: {  	v3 =	vadd.f32 v3, v3;
	_ =	sdelay $0x1  }
0x186: {  	v3 =	vmul.f32 $1.442695020e+00, v3;
	_ =	sdelay $0x1  }
0x187: {  	(erf) = vpow2.f32 v3;
	_ =	sdelay $0x8  }
0x188: {  	v3 =	vpop (erf)  }
0x189: {  	v3 =	vadd.f32 $1.000000000e+00, v3;
	_ =	sdelay $0x1  }
0x18a: {  	(erf) = vrcp.f32 v3;
	_ =	sdelay $0x6  }
0x18b: {  	v22 =	vmov v31;
	v31 =	vmov v41  }
0x18c: {  	v41 =	vmovc v17;
	v17 =	vld [tilespmem:$0x1FC90];
	v20 =	vmovc v34;
	v18 =	vmov v40;
	v34 =	vmov v35;
	v3 =	vimm.f32 $-Inf  }
0x18d: {  	s30 =	sadd.s32 $0x10, s24;
	s0 =	simm.s32 $0x20;
	v40 =	vmov v28;
	v28 =	vld [tilespmem:$0x1FDF0];
	v1 =	vmax.f32 v3, v1;
	v3 =	vlaneseq.u32;
	v6 =	vpop (erf)  }
0x18e: {  	s28 =	sshll.u32 s25, $0x1;
	s31 =	simm.s32 $0x30;
	v35 =	vmovc v50;
	v50 =	vmovc v27;
	v27 =	vmov v11;
	v5 =	vld [tilespmem:s30+$0x0];
	v4 =	vor.u32 s0, v3;
	v6 =	vadd.f32 v6, v6  }
.LBB2_5:
0x18f: {  	_ =	sdelay $0x2  }
0x190: {  	v3 =	vshll.u32 v4, $0x6  }
0x191: {  	vm3 =	vlt.u32 v2, $0xC8;
	vm2 =	vne.s32 v5, $0x0;
	v5 =	vsub.f32 $1.000000000e+00, v6  }
0x192: {  	v2 =	vmov v4;
	v4 =	vor.u32 $0x1, v3;
	vm2 =	vmand vm3, vm2  }
0x193: {  	s29 =	sadd.s32 $0x10, s29;
	v5 =	vnsel vm2, $0xFF800000, v5  }
0x194: {  	v10 =	vld [tilespmem:$0x1FC00];
	[tilespmem:s29+$0x0] =	vst v5  }
0x195: {  	v1 =	vmax.f32 v1, v5;
	v5 =	vld.idx.msk [tilespmem:v3+s13+$0x0], $0xffff  }
0x196: {  	v11 =	vld [tilespmem:$0x1FC10]  }
0x197: {  	v4 =	vld.idx.msk [tilespmem:v4+s13+$0x0], $0xffff  }
0x198: {  	v6 =	vor.u32 $0x2, v3;
	_ =	sdelay $0x1  }
0x199: {  	v5 =	vmul.f32 v5, v10;
	_ =	sdelay $0x1  }
0x19a: {  	v4 =	vmul.f32 v4, v11;
	v5 =	vadd.f32 $0.0e+00, v5  }
0x19b: {  	v6 =	vld.idx.msk [tilespmem:v6+s13+$0x0], $0xffff  }
0x19c: {  	v4 =	vadd.f32 v4, v5;
	v5 =	vld [tilespmem:$0x1FC20]  }
0x19d: {  	v7 =	vor.u32 $0x3, v3;
	_ =	sdelay $0x3  }
0x19e: {  	v5 =	vmul.f32 v6, v5  }
0x19f: {  	v7 =	vld.idx.msk [tilespmem:v7+s13+$0x0], $0xffff  }
0x1a0: {  	v4 =	vadd.f32 v5, v4;
	v5 =	vld [tilespmem:$0x1FC30]  }
0x1a1: {  	v8 =	vor.u32 $0x4, v3;
	_ =	sdelay $0x3  }
0x1a2: {  	v5 =	vmul.f32 v7, v5  }
0x1a3: {  	v8 =	vld.idx.msk [tilespmem:v8+s13+$0x0], $0xffff  }
0x1a4: {  	v4 =	vadd.f32 v5, v4;
	v5 =	vld [tilespmem:$0x1FC40]  }
0x1a5: {  	v9 =	vor.u32 $0x5, v3;
	_ =	sdelay $0x3  }
0x1a6: {  	v5 =	vmul.f32 v8, v5  }
0x1a7: {  	v6 =	vld.idx.msk [tilespmem:v9+s13+$0x0], $0xffff  }
0x1a8: {  	v4 =	vadd.f32 v5, v4;
	v5 =	vld [tilespmem:$0x1FC50]  }
0x1a9: {  	v10 =	vor.u32 $0x6, v3;
	_ =	sdelay $0x2  }
0x1aa: {  	v11 =	vor.u32 $0x7, v3  }
0x1ab: {  	v5 =	vmul.f32 v6, v5  }
0x1ac: {  	v9 =	vor.u32 $0x8, v3;
	v7 =	vld.idx.msk [tilespmem:v10+s13+$0x0], $0xffff  }
0x1ad: {  	v4 =	vadd.f32 v5, v4;
	v5 =	vld [tilespmem:$0x1FC60]  }
0x1ae: {  	v10 =	vor.u32 $0x9, v3  }
0x1af: {  	v8 =	vld.idx.msk [tilespmem:v11+s13+$0x0], $0xffff  }
0x1b0: {  	v11 =	vor.u32 $0xA, v3  }
0x1b1: {  	v6 =	vld.idx.msk [tilespmem:v9+s13+$0x0], $0xffff  }
0x1b2: {  	v9 =	vor.u32 $0xB, v3;
	v5 =	vmul.f32 v7, v5  }
0x1b3: {  	v7 =	vld.idx.msk [tilespmem:v10+s13+$0x0], $0xffff  }
0x1b4: {  	v10 =	vor.u32 $0xC, v3;
	v4 =	vadd.f32 v5, v4;
	v5 =	vmul.f32 v8, v12  }
0x1b5: {  	v8 =	vld.idx.msk [tilespmem:v11+s13+$0x0], $0xffff  }
0x1b6: {  	v4 =	vadd.f32 v5, v4;
	v5 =	vmul.f32 v6, v16  }
0x1b7: {  	v6 =	vld.idx.msk [tilespmem:v9+s13+$0x0], $0xffff  }
0x1b8: {  	v4 =	vadd.f32 v5, v4;
	v5 =	vmul.f32 v7, v15  }
0x1b9: {  	v7 =	vld.idx.msk [tilespmem:v10+s13+$0x0], $0xffff  }
0x1ba: {  	v11 =	vor.u32 $0xD, v3;
	v4 =	vadd.f32 v5, v4;
	v5 =	vmul.f32 v8, v14;
	_ =	sdelay $0x1  }
0x1bb: {  	v4 =	vadd.f32 v5, v4;
	v5 =	vmul.f32 v6, v13;
	_ =	sdelay $0x1  }
0x1bc: {  	v4 =	vadd.f32 v5, v4;
	v5 =	vmul.f32 v7, v22  }
0x1bd: {  	v8 =	vld.idx.msk [tilespmem:v11+s13+$0x0], $0xffff  }
0x1be: {  	v4 =	vadd.f32 v5, v4;
	v5 =	vld [tilespmem:$0x1FC70]  }
0x1bf: {  	v9 =	vor.u32 $0xE, v3;
	_ =	sdelay $0x2  }
0x1c0: {  	v10 =	vor.u32 $0xF, v3  }
0x1c1: {  	v5 =	vmul.f32 v8, v5  }
0x1c2: {  	v11 =	vor.u32 $0x10, v3;
	v6 =	vld.idx.msk [tilespmem:v9+s13+$0x0], $0xffff  }
0x1c3: {  	v4 =	vadd.f32 v5, v4;
	v5 =	vld [tilespmem:$0x1FC80]  }
0x1c4: {  	v9 =	vor.u32 $0x11, v3  }
0x1c5: {  	v7 =	vld.idx.msk [tilespmem:v10+s13+$0x0], $0xffff  }
0x1c6: {  	v10 =	vor.u32 $0x12, v3  }
0x1c7: {  	v8 =	vld.idx.msk [tilespmem:v11+s13+$0x0], $0xffff  }
0x1c8: {  	v11 =	vor.u32 $0x13, v3;
	v5 =	vmul.f32 v6, v5  }
0x1c9: {  	v6 =	vld.idx.msk [tilespmem:v9+s13+$0x0], $0xffff  }
0x1ca: {  	v9 =	vor.u32 $0x14, v3;
	v4 =	vadd.f32 v5, v4;
	v5 =	vmul.f32 v7, v28  }
0x1cb: {  	v7 =	vld.idx.msk [tilespmem:v10+s13+$0x0], $0xffff  }
0x1cc: {  	v10 =	vor.u32 $0x15, v3;
	v4 =	vadd.f32 v5, v4;
	v5 =	vmul.f32 v8, v17  }
0x1cd: {  	v8 =	vld.idx.msk [tilespmem:v11+s13+$0x0], $0xffff  }
0x1ce: {  	v11 =	vor.u32 $0x16, v3;
	v4 =	vadd.f32 v5, v4;
	v5 =	vmul.f32 v6, v29  }
0x1cf: {  	v6 =	vld.idx.msk [tilespmem:v9+s13+$0x0], $0xffff  }
0x1d0: {  	v9 =	vor.u32 $0x17, v3;
	v4 =	vadd.f32 v5, v4;
	v5 =	vmul.f32 v7, v30  }
0x1d1: {  	v7 =	vld.idx.msk [tilespmem:v10+s13+$0x0], $0xffff  }
0x1d2: {  	v10 =	vor.u32 $0x18, v3;
	v4 =	vadd.f32 v5, v4;
	v5 =	vmul.f32 v8, v31  }
0x1d3: {  	v8 =	vld.idx.msk [tilespmem:v11+s13+$0x0], $0xffff  }
0x1d4: {  	v11 =	vor.u32 $0x19, v3;
	v4 =	vadd.f32 v5, v4;
	v5 =	vmul.f32 v6, v32  }
0x1d5: {  	v6 =	vld.idx.msk [tilespmem:v9+s13+$0x0], $0xffff  }
0x1d6: {  	v9 =	vor.u32 $0x1A, v3;
	v4 =	vadd.f32 v5, v4;
	v5 =	vmul.f32 v7, v33  }
0x1d7: {  	v7 =	vld.idx.msk [tilespmem:v10+s13+$0x0], $0xffff  }
0x1d8: {  	v10 =	vor.u32 $0x1B, v3;
	v4 =	vadd.f32 v5, v4;
	v5 =	vmul.f32 v8, v34  }
0x1d9: {  	v8 =	vld.idx.msk [tilespmem:v11+s13+$0x0], $0xffff  }
0x1da: {  	v11 =	vor.u32 $0x1C, v3;
	v4 =	vadd.f32 v5, v4;
	v5 =	vmul.f32 v6, v36  }
0x1db: {  	v6 =	vld.idx.msk [tilespmem:v9+s13+$0x0], $0xffff  }
0x1dc: {  	v9 =	vor.u32 $0x1D, v3;
	v4 =	vadd.f32 v5, v4;
	v5 =	vmul.f32 v7, v38  }
0x1dd: {  	v7 =	vld.idx.msk [tilespmem:v10+s13+$0x0], $0xffff  }
0x1de: {  	v10 =	vor.u32 $0x1E, v3;
	v4 =	vadd.f32 v5, v4;
	v5 =	vmul.f32 v8, v40  }
0x1df: {  	v8 =	vld.idx.msk [tilespmem:v11+s13+$0x0], $0xffff  }
0x1e0: {  	v11 =	vor.u32 $0x1F, v3;
	v4 =	vadd.f32 v5, v4;
	v5 =	vmul.f32 v6, v42  }
0x1e1: {  	v6 =	vld.idx.msk [tilespmem:v9+s13+$0x0], $0xffff  }
0x1e2: {  	v9 =	vor.u32 $0x20, v3;
	v4 =	vadd.f32 v5, v4;
	v5 =	vmul.f32 v7, v35  }
0x1e3: {  	v7 =	vld.idx.msk [tilespmem:v10+s13+$0x0], $0xffff  }
0x1e4: {  	v10 =	vor.u32 $0x21, v3;
	v4 =	vadd.f32 v5, v4;
	v5 =	vmul.f32 v8, v37  }
0x1e5: {  	v8 =	vld.idx.msk [tilespmem:v11+s13+$0x0], $0xffff  }
0x1e6: {  	v11 =	vor.u32 $0x22, v3;
	v4 =	vadd.f32 v5, v4;
	v5 =	vmul.f32 v6, v39  }
0x1e7: {  	v6 =	vld.idx.msk [tilespmem:v9+s13+$0x0], $0xffff  }
0x1e8: {  	v9 =	vor.u32 $0x23, v3;
	v4 =	vadd.f32 v5, v4;
	v5 =	vmul.f32 v7, v41  }
0x1e9: {  	v7 =	vld.idx.msk [tilespmem:v10+s13+$0x0], $0xffff  }
0x1ea: {  	v10 =	vor.u32 $0x24, v3;
	v4 =	vadd.f32 v5, v4;
	v5 =	vmul.f32 v8, v43  }
0x1eb: {  	v8 =	vld.idx.msk [tilespmem:v11+s13+$0x0], $0xffff  }
0x1ec: {  	v11 =	vor.u32 $0x25, v3;
	v4 =	vadd.f32 v5, v4;
	v5 =	vmul.f32 v6, v44  }
0x1ed: {  	v6 =	vld.idx.msk [tilespmem:v9+s13+$0x0], $0xffff  }
0x1ee: {  	v9 =	vor.u32 $0x26, v3;
	v4 =	vadd.f32 v5, v4;
	v5 =	vmul.f32 v7, v45  }
0x1ef: {  	v7 =	vld.idx.msk [tilespmem:v10+s13+$0x0], $0xffff  }
0x1f0: {  	v10 =	vor.u32 $0x27, v3;
	v4 =	vadd.f32 v5, v4;
	v5 =	vmul.f32 v8, v46  }
0x1f1: {  	v8 =	vld.idx.msk [tilespmem:v11+s13+$0x0], $0xffff  }
0x1f2: {  	v11 =	vor.u32 $0x28, v3;
	v4 =	vadd.f32 v5, v4;
	v5 =	vmul.f32 v6, v47  }
0x1f3: {  	v6 =	vld.idx.msk [tilespmem:v9+s13+$0x0], $0xffff  }
0x1f4: {  	v9 =	vor.u32 $0x29, v3;
	v4 =	vadd.f32 v5, v4;
	v5 =	vmul.f32 v7, v48  }
0x1f5: {  	v7 =	vld.idx.msk [tilespmem:v10+s13+$0x0], $0xffff  }
0x1f6: {  	v10 =	vor.u32 $0x2A, v3;
	v4 =	vadd.f32 v5, v4;
	v5 =	vmul.f32 v8, v49  }
0x1f7: {  	v8 =	vld.idx.msk [tilespmem:v11+s13+$0x0], $0xffff  }
0x1f8: {  	v11 =	vor.u32 $0x2B, v3;
	v4 =	vadd.f32 v5, v4;
	v5 =	vmul.f32 v6, v50  }
0x1f9: {  	v6 =	vld.idx.msk [tilespmem:v9+s13+$0x0], $0xffff  }
0x1fa: {  	v9 =	vor.u32 $0x2C, v3;
	v4 =	vadd.f32 v5, v4;
	v5 =	vmul.f32 v7, v51  }
0x1fb: {  	v7 =	vld.idx.msk [tilespmem:v10+s13+$0x0], $0xffff  }
0x1fc: {  	v10 =	vor.u32 $0x2D, v3;
	v4 =	vadd.f32 v5, v4;
	v5 =	vmul.f32 v8, v52  }
0x1fd: {  	v8 =	vld.idx.msk [tilespmem:v11+s13+$0x0], $0xffff  }
0x1fe: {  	v11 =	vor.u32 $0x2E, v3;
	v4 =	vadd.f32 v5, v4;
	v5 =	vmul.f32 v6, v53  }
0x1ff: {  	v6 =	vld.idx.msk [tilespmem:v9+s13+$0x0], $0xffff  }
0x200: {  	v9 =	vor.u32 $0x2F, v3;
	v4 =	vadd.f32 v5, v4;
	v5 =	vmul.f32 v7, v54  }
0x201: {  	v7 =	vld.idx.msk [tilespmem:v10+s13+$0x0], $0xffff  }
0x202: {  	v10 =	vor.u32 $0x30, v3;
	v4 =	vadd.f32 v5, v4;
	v5 =	vmul.f32 v8, v55  }
0x203: {  	v8 =	vld.idx.msk [tilespmem:v11+s13+$0x0], $0xffff  }
0x204: {  	v11 =	vor.u32 $0x31, v3;
	v4 =	vadd.f32 v5, v4;
	v5 =	vmul.f32 v6, v56  }
0x205: {  	v6 =	vld.idx.msk [tilespmem:v9+s13+$0x0], $0xffff  }
0x206: {  	v9 =	vor.u32 $0x32, v3;
	v4 =	vadd.f32 v5, v4;
	v5 =	vmul.f32 v7, v57  }
0x207: {  	v7 =	vld.idx.msk [tilespmem:v10+s13+$0x0], $0xffff  }
0x208: {  	v10 =	vor.u32 $0x33, v3;
	v4 =	vadd.f32 v5, v4;
	v5 =	vmul.f32 v8, v58  }
0x209: {  	v8 =	vld.idx.msk [tilespmem:v11+s13+$0x0], $0xffff  }
0x20a: {  	v11 =	vor.u32 $0x34, v3;
	v4 =	vadd.f32 v5, v4;
	v5 =	vmul.f32 v6, v59  }
0x20b: {  	v6 =	vld.idx.msk [tilespmem:v9+s13+$0x0], $0xffff  }
0x20c: {  	v9 =	vor.u32 $0x35, v3;
	v4 =	vadd.f32 v5, v4;
	v5 =	vmul.f32 v7, v60  }
0x20d: {  	v7 =	vld.idx.msk [tilespmem:v10+s13+$0x0], $0xffff  }
0x20e: {  	v10 =	vor.u32 $0x36, v3;
	v4 =	vadd.f32 v5, v4;
	v5 =	vmul.f32 v8, v61  }
0x20f: {  	v8 =	vld.idx.msk [tilespmem:v11+s13+$0x0], $0xffff  }
0x210: {  	v11 =	vor.u32 $0x37, v3;
	v4 =	vadd.f32 v5, v4;
	v5 =	vmul.f32 v6, v62  }
0x211: {  	v6 =	vld.idx.msk [tilespmem:v9+s13+$0x0], $0xffff  }
0x212: {  	v9 =	vor.u32 $0x38, v3;
	v4 =	vadd.f32 v5, v4;
	v5 =	vmul.f32 v7, v63  }
0x213: {  	v7 =	vld.idx.msk [tilespmem:v10+s13+$0x0], $0xffff  }
0x214: {  	v10 =	vor.u32 $0x39, v3;
	v4 =	vadd.f32 v5, v4;
	v5 =	vmul.f32 v8, v0  }
0x215: {  	v8 =	vld.idx.msk [tilespmem:v11+s13+$0x0], $0xffff  }
0x216: {  	v11 =	vor.u32 $0x3A, v3;
	v4 =	vadd.f32 v5, v4;
	v5 =	vmul.f32 v6, v21  }
0x217: {  	v6 =	vld.idx.msk [tilespmem:v9+s13+$0x0], $0xffff  }
0x218: {  	v9 =	vor.u32 $0x3B, v3;
	v4 =	vadd.f32 v5, v4;
	v5 =	vmul.f32 v7, v27  }
0x219: {  	v7 =	vld.idx.msk [tilespmem:v10+s13+$0x0], $0xffff  }
0x21a: {  	v10 =	vor.u32 $0x3C, v3;
	v4 =	vadd.f32 v5, v4;
	v5 =	vmul.f32 v8, v23  }
0x21b: {  	v8 =	vld.idx.msk [tilespmem:v11+s13+$0x0], $0xffff  }
0x21c: {  	v11 =	vor.u32 $0x3D, v3;
	v4 =	vadd.f32 v5, v4;
	v5 =	vmul.f32 v6, v24  }
0x21d: {  	v6 =	vld.idx.msk [tilespmem:v9+s13+$0x0], $0xffff  }
0x21e: {  	v4 =	vadd.f32 v5, v4;
	v5 =	vmul.f32 v7, v25  }
0x21f: {  	v7 =	vld.idx.msk [tilespmem:v10+s13+$0x0], $0xffff  }
0x220: {  	v4 =	vadd.f32 v5, v4;
	v5 =	vmul.f32 v8, v20  }
0x221: {  	v8 =	vld.idx.msk [tilespmem:v11+s13+$0x0], $0xffff  }
0x222: {  	v9 =	vor.u32 $0x3E, v3;
	v4 =	vadd.f32 v5, v4;
	v5 =	vmul.f32 v6, v18;
	_ =	sdelay $0x1  }
0x223: {  	v4 =	vadd.f32 v5, v4;
	v5 =	vmul.f32 v7, v26;
	_ =	sdelay $0x1  }
0x224: {  	v4 =	vadd.f32 v5, v4;
	v5 =	vmul.f32 v8, v19  }
0x225: {  	v6 =	vld.idx.msk [tilespmem:v9+s13+$0x0], $0xffff  }
0x226: {  	v4 =	vadd.f32 v5, v4;
	v5 =	vld [tilespmem:$0x1FD70]  }
0x227: {  	v3 =	vor.u32 $0x3F, v3;
	_ =	sdelay $0x3  }
0x228: {  	v5 =	vmul.f32 v6, v5  }
0x229: {  	v3 =	vld.idx.msk [tilespmem:v3+s13+$0x0], $0xffff  }
0x22a: {  	v4 =	vadd.f32 v5, v4;
	v5 =	vld [tilespmem:$0x1FD80];
	_ =	sdelay $0x4  }
0x22b: {  	v3 =	vmul.f32 v3, v5;
	_ =	sdelay $0x1  }
0x22c: {  	v3 =	vadd.f32 v3, v4;
	_ =	sdelay $0x1  }
0x22d: {  	v3 =	vadd.f32 v3, v3;
	_ =	sdelay $0x1  }
0x22e: {  	v3 =	vmul.f32 $1.442695020e+00, v3;
	_ =	sdelay $0x1  }
0x22f: {  	(erf) = vpow2.f32 v3;
	_ =	sdelay $0x8  }
0x230: {  	v3 =	vpop (erf)  }
0x231: {  	v3 =	vadd.f32 $1.000000000e+00, v3;
	_ =	sdelay $0x1  }
0x232: {  	(erf) = vrcp.f32 v3;
	_ =	sdelay $0x4  }
0x233: {  	p0 =	sne.s32 s31, $0xC0  }
.Ltmp1:
0x234: {  	_ = 	snop;
	(pc) =	sbr.rel @p0 .LBB2_5-.Ltmp1, $3  }
0x235: {  	_ =	sdelay $0x1  }
0x236: {  	s30 =	sadd.s32 $0x10, s30;
	v4 =	vlaneseq.u32;
	v3 =	vpop (erf)  }
0x237: {  	v5 =	vld [tilespmem:s30+$0x0];
	v4 =	vor.u32 s31, v4;
	s31 =	sadd.s32 $0x10, s31;
	v6 =	vadd.f32 v3, v3  }
0x238: {  	_ =	sdelay $0x2  }
0x239: {  	v3 =	vshll.u32 v4, $0x6  }
0x23a: {  	vm3 =	vlt.u32 v2, $0xC8;
	v2 =	vsub.f32 $1.000000000e+00, v6;
	vm2 =	vne.s32 v5, $0x0  }
0x23b: {  	vm2 =	vmand vm3, vm2  }
0x23c: {  	v2 =	vnsel vm2, $0xFF800000, v2  }
0x23d: {  	s29 =	sadd.s32 $0x10, s29;
	[tilespmem:$0x1FBF0] =	vst v2  }
0x23e: {  	v5 =	vor.u32 $0x1, v3;
	[tilespmem:s29+$0x0] =	vst v2;
	v2 =	vld [tilespmem:$0x1FC00]  }
0x23f: {  	v7 =	vld.idx.msk [tilespmem:v3+s13+$0x0], $0xffff;
	_ =	sdelay $0x3  }
0x240: {  	v6 =	vor.u32 $0x2, v3;
	v5 =	vld.idx.msk [tilespmem:v5+s13+$0x0], $0xffff  }
0x241: {  	v7 =	vmul.f32 v7, v2;
	v2 =	vld [tilespmem:$0x1FC10];
	_ =	sdelay $0x3  }
0x242: {  	v8 =	vor.u32 $0x3, v3;
	v6 =	vld.idx.msk [tilespmem:v6+s13+$0x0], $0xffff  }
0x243: {  	v5 =	vmul.f32 v5, v2;
	v2 =	vld [tilespmem:$0x1FC20];
	_ =	sdelay $0x3  }
0x244: {  	v9 =	vor.u32 $0x4, v3;
	v8 =	vld.idx.msk [tilespmem:v8+s13+$0x0], $0xffff  }
0x245: {  	v6 =	vmul.f32 v6, v2;
	v2 =	vld [tilespmem:$0x1FC30];
	_ =	sdelay $0x3  }
0x246: {  	v10 =	vor.u32 $0x5, v3;
	v9 =	vld.idx.msk [tilespmem:v9+s13+$0x0], $0xffff  }
0x247: {  	v8 =	vmul.f32 v8, v2;
	v2 =	vld [tilespmem:$0x1FC40];
	_ =	sdelay $0x3  }
0x248: {  	v11 =	vor.u32 $0x6, v3;
	v10 =	vld.idx.msk [tilespmem:v10+s13+$0x0], $0xffff  }
0x249: {  	v7 =	vadd.f32 $0.0e+00, v7;
	v9 =	vmul.f32 v9, v2;
	v2 =	vld [tilespmem:$0x1FC50];
	_ =	sdelay $0x1  }
0x24a: {  	v5 =	vadd.f32 v5, v7;
	v7 =	vor.u32 $0x7, v3;
	_ =	sdelay $0x1  }
0x24b: {  	v11 =	vld.idx.msk [tilespmem:v11+s13+$0x0], $0xffff;
	v5 =	vadd.f32 v6, v5  }
0x24c: {  	v10 =	vmul.f32 v10, v2;
	v2 =	vld [tilespmem:$0x1FC60]  }
0x24d: {  	v6 =	vor.u32 $0x8, v3;
	v5 =	vadd.f32 v8, v5  }
0x24e: {  	v7 =	vld.idx.msk [tilespmem:v7+s13+$0x0], $0xffff  }
0x24f: {  	v5 =	vadd.f32 v9, v5  }
0x250: {  	v8 =	vor.u32 $0x9, v3  }
0x251: {  	v5 =	vadd.f32 v10, v5;
	v11 =	vmul.f32 v11, v2  }
0x252: {  	v6 =	vld.idx.msk [tilespmem:v6+s13+$0x0], $0xffff;
	v9 =	vor.u32 $0xA, v3  }
0x253: {  	v7 =	vmul.f32 v7, v12;
	v5 =	vadd.f32 v11, v5  }
0x254: {  	v10 =	vor.u32 $0xB, v3  }
0x255: {  	v8 =	vld.idx.msk [tilespmem:v8+s13+$0x0], $0xffff;
	v5 =	vadd.f32 v7, v5;
	v7 =	vor.u32 $0xD, v3  }
0x256: {  	v11 =	vor.u32 $0xC, v3  }
0x257: {  	v6 =	vmul.f32 v6, v16;
	v9 =	vld.idx.msk [tilespmem:v9+s13+$0x0], $0xffff  }
0x258: {  	v2 =	vld [tilespmem:$0x1FC70]  }
0x259: {  	v10 =	vld.idx.msk [tilespmem:v10+s13+$0x0], $0xffff;
	v5 =	vadd.f32 v6, v5;
	v6 =	vor.u32 $0xE, v3  }
0x25a: {  	v8 =	vmul.f32 v8, v15;
	v7 =	vld.idx.msk [tilespmem:v7+s13+$0x0], $0xffff  }
0x25b: {  	v11 =	vld.idx.msk [tilespmem:v11+s13+$0x0], $0xffff  }
0x25c: {  	v12 =	vor.u32 $0xF, v3;
	v9 =	vmul.f32 v9, v14;
	v5 =	vadd.f32 v8, v5;
	_ =	sdelay $0x1  }
0x25d: {  	v14 =	vor.u32 $0x10, v3;
	v10 =	vmul.f32 v10, v13;
	v5 =	vadd.f32 v9, v5;
	v6 =	vld.idx.msk [tilespmem:v6+s13+$0x0], $0xffff  }
0x25e: {  	v7 =	vmul.f32 v7, v2;
	v2 =	vld [tilespmem:$0x1FC80]  }
0x25f: {  	v15 =	vor.u32 $0x11, v3;
	v5 =	vadd.f32 v10, v5;
	v11 =	vmul.f32 v11, v22  }
0x260: {  	v8 =	vld.idx.msk [tilespmem:v12+s13+$0x0], $0xffff  }
0x261: {  	v12 =	vor.u32 $0x12, v3;
	v5 =	vadd.f32 v11, v5  }
0x262: {  	v9 =	vld.idx.msk [tilespmem:v14+s13+$0x0], $0xffff  }
0x263: {  	v5 =	vadd.f32 v7, v5;
	v7 =	vor.u32 $0x13, v3;
	v6 =	vmul.f32 v6, v2  }
0x264: {  	v10 =	vld.idx.msk [tilespmem:v15+s13+$0x0], $0xffff  }
0x265: {  	v8 =	vmul.f32 v8, v28;
	v5 =	vadd.f32 v6, v5;
	v6 =	vor.u32 $0x14, v3  }
0x266: {  	v11 =	vld.idx.msk [tilespmem:v12+s13+$0x0], $0xffff  }
0x267: {  	v13 =	vor.u32 $0x15, v3;
	v9 =	vmul.f32 v9, v17;
	v5 =	vadd.f32 v8, v5  }
0x268: {  	v7 =	vld.idx.msk [tilespmem:v7+s13+$0x0], $0xffff  }
0x269: {  	v14 =	vor.u32 $0x16, v3;
	v10 =	vmul.f32 v10, v29;
	v5 =	vadd.f32 v9, v5  }
0x26a: {  	v6 =	vld.idx.msk [tilespmem:v6+s13+$0x0], $0xffff  }
0x26b: {  	v15 =	vor.u32 $0x17, v3;
	v11 =	vmul.f32 v11, v30;
	v5 =	vadd.f32 v10, v5  }
0x26c: {  	v8 =	vld.idx.msk [tilespmem:v13+s13+$0x0], $0xffff  }
0x26d: {  	v30 =	vor.u32 $0x18, v3;
	v7 =	vmul.f32 v7, v31;
	v5 =	vadd.f32 v11, v5  }
0x26e: {  	v9 =	vld.idx.msk [tilespmem:v14+s13+$0x0], $0xffff  }
0x26f: {  	v5 =	vadd.f32 v7, v5;
	v7 =	vor.u32 $0x19, v3;
	v6 =	vmul.f32 v6, v32  }
0x270: {  	v10 =	vld.idx.msk [tilespmem:v15+s13+$0x0], $0xffff  }
0x271: {  	v8 =	vmul.f32 v8, v33;
	v5 =	vadd.f32 v6, v5;
	v6 =	vor.u32 $0x1A, v3  }
0x272: {  	v11 =	vld.idx.msk [tilespmem:v30+s13+$0x0], $0xffff  }
0x273: {  	v31 =	vor.u32 $0x1B, v3;
	v9 =	vmul.f32 v9, v34;
	v5 =	vadd.f32 v8, v5  }
0x274: {  	v7 =	vld.idx.msk [tilespmem:v7+s13+$0x0], $0xffff  }
0x275: {  	v32 =	vor.u32 $0x1C, v3;
	v10 =	vmul.f32 v10, v36;
	v5 =	vadd.f32 v9, v5  }
0x276: {  	v6 =	vld.idx.msk [tilespmem:v6+s13+$0x0], $0xffff  }
0x277: {  	v33 =	vor.u32 $0x1D, v3;
	v11 =	vmul.f32 v11, v38;
	v5 =	vadd.f32 v10, v5  }
0x278: {  	v8 =	vld.idx.msk [tilespmem:v31+s13+$0x0], $0xffff  }
0x279: {  	v34 =	vor.u32 $0x1E, v3;
	v5 =	vadd.f32 v11, v5;
	v7 =	vmul.f32 v7, v40  }
0x27a: {  	v9 =	vld.idx.msk [tilespmem:v32+s13+$0x0], $0xffff  }
0x27b: {  	v5 =	vadd.f32 v7, v5;
	v7 =	vor.u32 $0x1F, v3;
	v6 =	vmul.f32 v6, v42  }
0x27c: {  	v10 =	vld.idx.msk [tilespmem:v33+s13+$0x0], $0xffff  }
0x27d: {  	v8 =	vmul.f32 v8, v35;
	v5 =	vadd.f32 v6, v5;
	v6 =	vor.u32 $0x20, v3  }
0x27e: {  	v11 =	vld.idx.msk [tilespmem:v34+s13+$0x0], $0xffff  }
0x27f: {  	v36 =	vor.u32 $0x21, v3;
	v9 =	vmul.f32 v9, v37;
	v5 =	vadd.f32 v8, v5  }
0x280: {  	v7 =	vld.idx.msk [tilespmem:v7+s13+$0x0], $0xffff  }
0x281: {  	v38 =	vor.u32 $0x22, v3;
	v10 =	vmul.f32 v10, v39;
	v5 =	vadd.f32 v9, v5  }
0x282: {  	v6 =	vld.idx.msk [tilespmem:v6+s13+$0x0], $0xffff  }
0x283: {  	v40 =	vor.u32 $0x23, v3;
	v11 =	vmul.f32 v11, v41;
	v5 =	vadd.f32 v10, v5  }
0x284: {  	v8 =	vld.idx.msk [tilespmem:v36+s13+$0x0], $0xffff  }
0x285: {  	v42 =	vor.u32 $0x24, v3;
	v5 =	vadd.f32 v11, v5;
	v7 =	vmul.f32 v7, v43  }
0x286: {  	v9 =	vld.idx.msk [tilespmem:v38+s13+$0x0], $0xffff  }
0x287: {  	v5 =	vadd.f32 v7, v5;
	v7 =	vor.u32 $0x25, v3;
	v6 =	vmul.f32 v6, v44  }
0x288: {  	v10 =	vld.idx.msk [tilespmem:v40+s13+$0x0], $0xffff  }
0x289: {  	v8 =	vmul.f32 v8, v45;
	v5 =	vadd.f32 v6, v5;
	v6 =	vor.u32 $0x26, v3  }
0x28a: {  	v11 =	vld.idx.msk [tilespmem:v42+s13+$0x0], $0xffff  }
0x28b: {  	v45 =	vor.u32 $0x27, v3;
	v9 =	vmul.f32 v9, v46;
	v5 =	vadd.f32 v8, v5  }
0x28c: {  	v7 =	vld.idx.msk [tilespmem:v7+s13+$0x0], $0xffff  }
0x28d: {  	v46 =	vor.u32 $0x28, v3;
	v10 =	vmul.f32 v10, v47;
	v5 =	vadd.f32 v9, v5  }
0x28e: {  	v6 =	vld.idx.msk [tilespmem:v6+s13+$0x0], $0xffff  }
0x28f: {  	v47 =	vor.u32 $0x29, v3;
	v11 =	vmul.f32 v11, v48;
	v5 =	vadd.f32 v10, v5  }
0x290: {  	v8 =	vld.idx.msk [tilespmem:v45+s13+$0x0], $0xffff  }
0x291: {  	v48 =	vor.u32 $0x2A, v3;
	v5 =	vadd.f32 v11, v5;
	v7 =	vmul.f32 v7, v49  }
0x292: {  	v9 =	vld.idx.msk [tilespmem:v46+s13+$0x0], $0xffff  }
0x293: {  	v5 =	vadd.f32 v7, v5;
	v7 =	vor.u32 $0x2B, v3;
	v6 =	vmul.f32 v6, v50  }
0x294: {  	v10 =	vld.idx.msk [tilespmem:v47+s13+$0x0], $0xffff  }
0x295: {  	v8 =	vmul.f32 v8, v51;
	v5 =	vadd.f32 v6, v5;
	v6 =	vor.u32 $0x2C, v3  }
0x296: {  	v11 =	vld.idx.msk [tilespmem:v48+s13+$0x0], $0xffff  }
0x297: {  	v49 =	vor.u32 $0x2D, v3;
	v9 =	vmul.f32 v9, v52;
	v5 =	vadd.f32 v8, v5  }
0x298: {  	v7 =	vld.idx.msk [tilespmem:v7+s13+$0x0], $0xffff  }
0x299: {  	v50 =	vor.u32 $0x2E, v3;
	v10 =	vmul.f32 v10, v53;
	v5 =	vadd.f32 v9, v5  }
0x29a: {  	v6 =	vld.idx.msk [tilespmem:v6+s13+$0x0], $0xffff  }
0x29b: {  	v51 =	vor.u32 $0x2F, v3;
	v11 =	vmul.f32 v11, v54;
	v5 =	vadd.f32 v10, v5  }
0x29c: {  	v8 =	vld.idx.msk [tilespmem:v49+s13+$0x0], $0xffff  }
0x29d: {  	v52 =	vor.u32 $0x30, v3;
	v5 =	vadd.f32 v11, v5;
	v7 =	vmul.f32 v7, v55  }
0x29e: {  	v9 =	vld.idx.msk [tilespmem:v50+s13+$0x0], $0xffff  }
0x29f: {  	v5 =	vadd.f32 v7, v5;
	v7 =	vor.u32 $0x31, v3;
	v6 =	vmul.f32 v6, v56  }
0x2a0: {  	v10 =	vld.idx.msk [tilespmem:v51+s13+$0x0], $0xffff  }
0x2a1: {  	v8 =	vmul.f32 v8, v57;
	v5 =	vadd.f32 v6, v5;
	v6 =	vor.u32 $0x32, v3  }
0x2a2: {  	v11 =	vld.idx.msk [tilespmem:v52+s13+$0x0], $0xffff  }
0x2a3: {  	v53 =	vor.u32 $0x33, v3;
	v9 =	vmul.f32 v9, v58;
	v5 =	vadd.f32 v8, v5  }
0x2a4: {  	v7 =	vld.idx.msk [tilespmem:v7+s13+$0x0], $0xffff  }
0x2a5: {  	v54 =	vor.u32 $0x34, v3;
	v10 =	vmul.f32 v10, v59;
	v5 =	vadd.f32 v9, v5  }
0x2a6: {  	v6 =	vld.idx.msk [tilespmem:v6+s13+$0x0], $0xffff  }
0x2a7: {  	v55 =	vor.u32 $0x35, v3;
	v11 =	vmul.f32 v11, v60;
	v5 =	vadd.f32 v10, v5  }
0x2a8: {  	v8 =	vld.idx.msk [tilespmem:v53+s13+$0x0], $0xffff  }
0x2a9: {  	v56 =	vor.u32 $0x36, v3;
	v5 =	vadd.f32 v11, v5;
	v7 =	vmul.f32 v7, v61  }
0x2aa: {  	v9 =	vld.idx.msk [tilespmem:v54+s13+$0x0], $0xffff  }
0x2ab: {  	v5 =	vadd.f32 v7, v5;
	v7 =	vor.u32 $0x37, v3;
	v6 =	vmul.f32 v6, v62  }
0x2ac: {  	v10 =	vld.idx.msk [tilespmem:v55+s13+$0x0], $0xffff  }
0x2ad: {  	v8 =	vmul.f32 v8, v63;
	v5 =	vadd.f32 v6, v5;
	v6 =	vor.u32 $0x38, v3  }
0x2ae: {  	v11 =	vld.idx.msk [tilespmem:v56+s13+$0x0], $0xffff  }
0x2af: {  	v57 =	vor.u32 $0x39, v3;
	v9 =	vmul.f32 v9, v0;
	v5 =	vadd.f32 v8, v5  }
0x2b0: {  	v7 =	vld.idx.msk [tilespmem:v7+s13+$0x0], $0xffff  }
0x2b1: {  	v58 =	vor.u32 $0x3A, v3;
	v10 =	vmul.f32 v10, v21;
	v5 =	vadd.f32 v9, v5  }
0x2b2: {  	v6 =	vld.idx.msk [tilespmem:v6+s13+$0x0], $0xffff  }
0x2b3: {  	v59 =	vor.u32 $0x3B, v3;
	v11 =	vmul.f32 v11, v27;
	v5 =	vadd.f32 v10, v5  }
0x2b4: {  	v8 =	vld.idx.msk [tilespmem:v57+s13+$0x0], $0xffff  }
0x2b5: {  	v60 =	vor.u32 $0x3C, v3;
	v5 =	vadd.f32 v11, v5;
	v7 =	vmul.f32 v7, v23  }
0x2b6: {  	v9 =	vld.idx.msk [tilespmem:v58+s13+$0x0], $0xffff  }
0x2b7: {  	v5 =	vadd.f32 v7, v5;
	v7 =	vor.u32 $0x3D, v3;
	v6 =	vmul.f32 v6, v24  }
0x2b8: {  	v10 =	vld.idx.msk [tilespmem:v59+s13+$0x0], $0xffff  }
0x2b9: {  	v8 =	vmul.f32 v8, v25;
	v5 =	vadd.f32 v6, v5;
	v6 =	vor.u32 $0x3E, v3  }
0x2ba: {  	v11 =	vld.idx.msk [tilespmem:v60+s13+$0x0], $0xffff  }
0x2bb: {  	v61 =	vmul.f32 v9, v20;
	v3 =	vor.u32 $0x3F, v3;
	v5 =	vadd.f32 v8, v5  }
0x2bc: {  	v7 =	vld.idx.msk [tilespmem:v7+s13+$0x0], $0xffff  }
0x2bd: {  	v40 =	vld [tilespmem:$0x1FD70];
	v62 =	vmul.f32 v10, v18;
	v5 =	vadd.f32 v61, v5  }
0x2be: {  	v6 =	vld.idx.msk [tilespmem:v6+s13+$0x0], $0xffff  }
0x2bf: {  	v42 =	vld [tilespmem:$0x1FD80];
	v63 =	vmul.f32 v11, v26;
	v5 =	vadd.f32 v62, v5  }
0x2c0: {  	v3 =	vld.idx.msk [tilespmem:v3+s13+$0x0], $0xffff  }
0x2c1: {  	v5 =	vadd.f32 v63, v5;
	v7 =	vmul.f32 v7, v19;
	_ =	sdelay $0x1  }
0x2c2: {  	v5 =	vadd.f32 v7, v5;
	v6 =	vmul.f32 v6, v40;
	_ =	sdelay $0x1  }
0x2c3: {  	v3 =	vmul.f32 v3, v42;
	v5 =	vadd.f32 v6, v5;
	_ =	sdelay $0x1  }
0x2c4: {  	v3 =	vadd.f32 v3, v5;
	_ =	sdelay $0x1  }
0x2c5: {  	v3 =	vadd.f32 v3, v3;
	_ =	sdelay $0x1  }
0x2c6: {  	v3 =	vmul.f32 $1.442695020e+00, v3;
	_ =	sdelay $0x1  }
0x2c7: {  	(erf) = vpow2.f32 v3;
	_ =	sdelay $0x8  }
0x2c8: {  	v3 =	vpop (erf)  }
0x2c9: {  	v3 =	vadd.f32 $1.000000000e+00, v3;
	_ =	sdelay $0x1  }
0x2ca: {  	(erf) = vrcp.f32 v3;
	_ =	sdelay $0x5  }
0x2cb: {  	s1 =	sadd.s32 $0x10, s30  }
0x2cc: {  	v3 =	vld [tilespmem:s1+$0x0];
	_ =	sdelay $0x1  }
0x2cd: {  	v0 =	vld [tilespmem:$0x1FBF0];
	v5 =	vpop (erf)  }
0x2ce: {  	v5 =	vadd.f32 v5, v5;
	_ =	sdelay $0x1  }
0x2cf: {  	vm3 =	vlt.u32 v4, $0xC8;
	vm2 =	vne.s32 v3, $0x0;
	v3 =	vsub.f32 $1.000000000e+00, v5  }
0x2d0: {  	vm2 =	vmand vm3, vm2  }
0x2d1: {  	v1 =	vmax.f32 v1, v0;
	v2 =	vnsel vm2, $0xFF800000, v3  }
0x2d2: {  	v1 =	vmax.f32 v1, v2  }
0x2d3: {  	(xrf0) =	vmax.scan.msk.f32 $0xffff, v1;
	_ =	sdelay $0x1  }
0x2d4: {  	s0 =	sadd.s32 $0x10, s29  }
0x2d5: {  	s30 =	simm.s32 $0x0;
	[tilespmem:s0+$0x0] =	vst v2  }
0x2d6: {  	v3 =	vld [tilespmem:s30+$0xD000];
	_ =	sdelay $0x1  }
0x2d7: {  	s29 =	simm.s32 $0x10;
	v1, _, _ =	vpop (xrf0)  }
0x2d8: {  	v2 =	vld [tilespmem:s29+$0xD000];
	v5 =	vbroadcast v1, $0xF;
	_ =	sdelay $0x1  }
0x2d9: {  	v1 =	vsub.f32 v3, v5;
	_ =	sdelay $0x1  }
0x2da: {  	v1 =	vmul.f32 $1.442695020e+00, v1  }
0x2db: {  	v4 =	vsub.f32 v2, v5  }
0x2dc: {  	(erf) = vpow2.f32 v1  }
0x2dd: {  	v6 =	vmul.f32 $1.442695020e+00, v4  }
0x2de: {  	s31 =	simm.s32 $0x20  }
0x2df: {  	v4 =	vld [tilespmem:s31+$0xD000];
	(erf) = vpow2.f32 v6;
	_ =	sdelay $0x2  }
0x2e0: {  	v34 =	vmovc v18;
	v0 =	vmov v17;
	v18 =	vimm.f32 $0.0e+00;
	s1 =	simm.s32 $0xC0;
	v1 =	vimm.f32 $0.0e+00  }
.LBB2_7:
0x2e1: {  	p0 =	sne.s32 s1, $0x300  }
.Ltmp2:
0x2e2: {  	s0 =	sshra.s32 s1, $0x2;
	s1 =	sadd.s32 $0x40, s1;
	vm2 =	vlt.f32 v3, $-Inf;
	vm3 =	vgt.f32 v3, $-Inf;
	v3 =	vmovc v2;
	v6 =	vsub.f32 v4, v5;
	v2 =	vmovc v4;
	(pc) =	sbr.rel @p0 .LBB2_7-.Ltmp2, $4  }
0x2e3: {  	vm2 =	vmor vm3, vm2;
	v4 =	vld [tilespmem:s0+$0xD000];
	v7 =	vpop (erf)  }
0x2e4: {  	v6 =	vmul.f32 $1.442695020e+00, v6;
	v7 =	vnsel vm2, $0x0, v7  }
0x2e5: {  	[tilespmem:s30+$0xD0D0] =	vst v7;
	v1 =	vadd.f32 v7, v1;
	s30 =	smov.u32 s29;
	s29 =	smov.u32 s31;
	s31 =	smov.u32 s0  }
0x2e6: {  	(erf) = vpow2.f32 v6  }
0x2e7: {  	_ = 	snop  }
0x2e8: {  	v5 =	vsub.f32 v4, v5;
	_ =	sdelay $0x1  }
0x2e9: {  	v5 =	vmul.f32 $1.442695020e+00, v5;
	_ =	sdelay $0x1  }
0x2ea: {  	(erf) = vpow2.f32 v5;
	_ =	sdelay $0x4  }
0x2eb: {  	vm2 =	vlt.f32 v3, $-Inf;
	vm3 =	vgt.f32 v3, $-Inf  }
0x2ec: {  	v3 =	vpop (erf);
	vm2 =	vmor vm3, vm2  }
0x2ed: {  	vm3 =	vgt.f32 v2, $-Inf;
	v3 =	vnsel vm2, $0x0, v3;
	vm2 =	vlt.f32 v2, $-Inf  }
0x2ee: {  	vm4 =	vgt.f32 v4, $-Inf;
	vm2 =	vmor vm3, vm2;
	vm3 =	vlt.f32 v4, $-Inf;
	v2 =	vpop (erf)  }
0x2ef: {  	[tilespmem:s30+$0xD0D0] =	vst v3;
	v4 =	vnsel vm2, $0x0, v2;
	vm2 =	vmor vm4, vm3;
	v2 =	vpop (erf)  }
0x2f0: {  	[tilespmem:s29+$0xD0D0] =	vst v4;
	v7 =	vnsel vm2, $0x0, v2  }
0x2f1: {  	s29 =	simm.s32 $0x6880;
	[tilespmem:s31+$0xD0D0] =	vst v7  }
0x2f2: {  	v5 =	vld [tilespmem:s29+$0x40]  }
0x2f3: {  	s1 =	simm.s32 $0x2;
	v16 =	vld [tilespmem:s29+$0x50]  }
0x2f4: {  	s0 =	simm.s32 $0x1;
	v6 =	vmov s1;
	s1 =	simm.s32 $0x3;
	v8 =	vld [tilespmem:s29+$0x0]  }
0x2f5: {  	v6 =	vand.u32 $0xFFFFFFFE, v6;
	v10 =	vmov s1;
	v2 =	vmov s0;
	s31 =	simm.s32 $0x0;
	v9 =	vld [tilespmem:s29+$0x10]  }
0x2f6: {  	v6 =	vbroadcast v6, $0x0;
	v2 =	vand.u32 $0xFFFFFFFD, v2;
	v11 =	vmov s31;
	v15 =	vld [tilespmem:s29+$0xFFFFFFD0]  }
0x2f7: {  	v13 =	vbroadcast v2, $0x0;
	v17 =	vld [tilespmem:s29+$0xFFFFFF80];
	v2 =	vand.u32 $0xFFFFFFFC, v11  }
0x2f8: {  	v22 =	vld [tilespmem:s29+$0xFFFFFF90];
	v14 =	vbroadcast v2, $0x0  }
0x2f9: {  	v59 =	vld [tilespmem:s29+$0xFFFFFFA0]  }
0x2fa: {  	v11 =	vld [tilespmem:s29+$0xFFFFFFC0]  }
0x2fb: {  	v2 =	vld.idx.msk [tilespmem:v10+s19+$0x0], $0xffff  }
0x2fc: {  	s1 =	simm.s32 $0x5;
	s31 =	simm.s32 $0x6;
	v10 =	vld.idx.msk [tilespmem:v6+s19+$0x0], $0xffff  }
0x2fd: {  	v1 =	vadd.f32 v3, v1;
	v3 =	vmov s1;
	v6 =	vmov s31;
	v13 =	vld.idx.msk [tilespmem:v13+s19+$0x0], $0xffff  }
0x2fe: {  	v3 =	vand.u32 $0xFFFFFFFD, v3;
	v6 =	vand.u32 $0xFFFFFFFE, v6;
	v14 =	vld.idx.msk [tilespmem:v14+s19+$0x0], $0xffff  }
0x2ff: {  	v37 =	vmovc v19;
	v3 =	vbroadcast v3, $0x0;
	v1 =	vadd.f32 v4, v1;
	v19 =	vld [tilespmem:s29+$0xFFFFFFB0];
	v4 =	vbroadcast v6, $0x0  }
0x300: {  	v12 =	vld [tilespmem:s29+$0xFFFFFFE0];
	v5 =	vmul.f32 v5, v2;
	v6 =	vmul.f32 v16, v2  }
0x301: {  	v43 =	vmovc v20;
	v28 =	vadd.f32 v7, v1;
	v23 =	vld [tilespmem:s29+$0xFFFFFFF0];
	s31 =	simm.s32 $0x4;
	v20 =	vmul.f32 v8, v10;
	v21 =	vmul.f32 v9, v10  }
0x302: {  	v38 =	vmovc v27;
	s1 =	simm.s32 $0x7;
	v27 =	vld [tilespmem:s29+$0x20];
	v1 =	vmov s31;
	v60 =	vmul.f32 v11, v13;
	v61 =	vmul.f32 v15, v13  }
0x303: {  	v29 =	vld [tilespmem:s29+$0x30];
	v8 =	vmov s1;
	v7 =	vmul.f32 v17, v14;
	v9 =	vmul.f32 v22, v14  }
0x304: {  	v51 =	vmovc v42;
	v62 =	vld [tilespmem:s29+$0x60];
	v11 =	vand.u32 $0xFFFFFFFC, v1;
	v15 =	vmul.f32 v59, v14;
	v14 =	vmul.f32 v19, v14  }
0x305: {  	v35 =	vmovc v40;
	v63 =	vmul.f32 v12, v13;
	v12 =	vld [tilespmem:s29+$0x70];
	s29 =	simm.s32 $0x6980;
	v19 =	vadd.f32 v7, v18;
	v9 =	vadd.f32 v9, v18  }
0x306: {  	v41 =	vmovc v26;
	v1 =	vld [tilespmem:s29+$0x40];
	v15 =	vadd.f32 v15, v18;
	v16 =	vadd.f32 v14, v18;
	v14 =	vmul.f32 v23, v13  }
0x307: {  	v46 =	vmovc v34;
	v7 =	vld [tilespmem:s29+$0x50];
	v13 =	vmul.f32 v27, v10;
	v17 =	vadd.f32 v60, v19;
	v18 =	vadd.f32 v61, v9  }
0x308: {  	v47 =	vmovc v25;
	v9 =	vld [tilespmem:s29+$0x0];
	v15 =	vadd.f32 v63, v15;
	v16 =	vadd.f32 v14, v16;
	v19 =	vmul.f32 v29, v10  }
0x309: {  	v39 =	vmovc v24;
	s30 =	simm.s32 $0xB;
	v10 =	vld [tilespmem:s29+$0x10];
	v14 =	vmul.f32 v62, v2;
	v17 =	vadd.f32 v20, v17;
	v18 =	vadd.f32 v21, v18  }
.LBB2_9:
0x30a: {  	p0 =	sne.s32 s30, $0xC7;
	v20 =	vld [tilespmem:s29+$0xFFFFFFC0];
	v13 =	vadd.f32 v13, v15;
	v15 =	vadd.f32 v19, v16;
	v2 =	vmul.f32 v12, v2  }
0x30b: {  	v11 =	vbroadcast v11, $0x0;
	v12 =	vld [tilespmem:s29+$0xFFFFFFD0];
	v16 =	vadd.f32 v5, v17;
	v17 =	vadd.f32 v6, v18  }
0x30c: {  	v18 =	vld [tilespmem:s29+$0xFFFFFF80];
	v13 =	vadd.f32 v14, v13;
	v14 =	vadd.f32 v2, v15  }
0x30d: {  	v15 =	vld [tilespmem:s29+$0xFFFFFF90]  }
0x30e: {  	v2 =	vld.idx.msk [tilespmem:v8+s19+$0x0], $0xffff  }
0x30f: {  	v19 =	vld.idx.msk [tilespmem:v4+s19+$0x0], $0xffff  }
0x310: {  	s0 =	sadd.s32 $0xFFFFFFFE, s30;
	s1 =	sadd.s32 $0xFFFFFFFF, s30;
	v21 =	vld.idx.msk [tilespmem:v3+s19+$0x0], $0xffff  }
0x311: {  	v4 =	vmov s1;
	v3 =	vmov s0;
	v22 =	vld.idx.msk [tilespmem:v11+s19+$0x0], $0xffff  }
0x312: {  	v4 =	vand.u32 $0xFFFFFFFE, v4;
	v3 =	vand.u32 $0xFFFFFFFD, v3;
	v23 =	vld [tilespmem:s29+$0xFFFFFFA0]  }
0x313: {  	v4 =	vbroadcast v4, $0x0;
	v3 =	vbroadcast v3, $0x0;
	v24 =	vld [tilespmem:s29+$0xFFFFFFB0]  }
0x314: {  	v5 =	vmul.f32 v1, v2;
	v6 =	vmul.f32 v7, v2;
	v25 =	vld [tilespmem:s29+$0xFFFFFFE0]  }
0x315: {  	v26 =	vmul.f32 v9, v19;
	v27 =	vmul.f32 v10, v19;
	v7 =	vld [tilespmem:s29+$0xFFFFFFF0]  }
0x316: {  	v8 =	vmov s30;
	s0 =	sadd.s32 $0xFFFFFFFD, s30;
	v9 =	vmul.f32 v20, v21;
	v10 =	vmul.f32 v12, v21;
	v20 =	vld [tilespmem:s29+$0x20]  }
0x317: {  	v1 =	vmov s0;
	v12 =	vmul.f32 v18, v22;
	v15 =	vmul.f32 v15, v22;
	v18 =	vld [tilespmem:s29+$0x30]  }
0x318: {  	v11 =	vand.u32 $0xFFFFFFFC, v1;
	v23 =	vmul.f32 v23, v22;
	v22 =	vmul.f32 v24, v22;
	v24 =	vld [tilespmem:s29+$0x60]  }
.Ltmp3:
0x319: {  	v16 =	vadd.f32 v12, v16;
	v15 =	vadd.f32 v15, v17;
	v17 =	vmul.f32 v25, v21;
	v12 =	vld [tilespmem:s29+$0x70];
	s29 =	sadd.s32 $0x100, s29;
	(pc) =	sbr.rel @p0 .LBB2_9-.Ltmp3, $4  }
0x31a: {  	v23 =	vadd.f32 v23, v13;
	v1 =	vld [tilespmem:s29+$0x40];
	v14 =	vadd.f32 v22, v14;
	v21 =	vmul.f32 v7, v21  }
0x31b: {  	v22 =	vadd.f32 v9, v16;
	v25 =	vadd.f32 v10, v15;
	v7 =	vld [tilespmem:s29+$0x50];
	v13 =	vmul.f32 v20, v19  }
0x31c: {  	v15 =	vadd.f32 v17, v23;
	v9 =	vld [tilespmem:s29+$0x0];
	v16 =	vadd.f32 v21, v14;
	v19 =	vmul.f32 v18, v19  }
0x31d: {  	s30 =	sadd.s32 $0x4, s30;
	v17 =	vadd.f32 v26, v22;
	v18 =	vadd.f32 v27, v25;
	v10 =	vld [tilespmem:s29+$0x10];
	v14 =	vmul.f32 v24, v2  }
0x31e: {  	v20 =	vld [tilespmem:s29+$0xFFFFFFC0]  }
0x31f: {  	v11 =	vbroadcast v11, $0x0;
	v21 =	vld [tilespmem:s29+$0xFFFFFFD0]  }
0x320: {  	v22 =	vld [tilespmem:s29+$0xFFFFFF80]  }
0x321: {  	v23 =	vld [tilespmem:s29+$0xFFFFFF90]  }
0x322: {  	v4 =	vld.idx.msk [tilespmem:v4+s19+$0x0], $0xffff  }
0x323: {  	v3 =	vld.idx.msk [tilespmem:v3+s19+$0x0], $0xffff  }
0x324: {  	v13 =	vadd.f32 v13, v15;
	v15 =	vadd.f32 v19, v16;
	v16 =	vld [tilespmem:s29+$0xFFFFFFE0]  }
0x325: {  	v11 =	vld.idx.msk [tilespmem:v11+s19+$0x0], $0xffff  }
0x326: {  	v24 =	vld [tilespmem:s29+$0xFFFFFFA0]  }
0x327: {  	v8 =	vld.idx.msk [tilespmem:v8+s19+$0x0], $0xffff  }
0x328: {  	v25 =	vld [tilespmem:s29+$0xFFFFFFB0];
	v2 =	vmul.f32 v12, v2  }
0x329: {  	v12 =	vld [tilespmem:s29+$0xFFFFFFF0];
	v5 =	vadd.f32 v5, v17;
	v6 =	vadd.f32 v6, v18;
	v9 =	vmul.f32 v9, v4  }
0x32a: {  	v19 =	vld [tilespmem:s29+$0x30];
	v13 =	vadd.f32 v14, v13;
	v16 =	vmul.f32 v16, v3;
	v17 =	vmul.f32 v22, v11  }
0x32b: {  	v14 =	vld [tilespmem:s29+$0x20];
	v2 =	vadd.f32 v2, v15;
	v18 =	vmul.f32 v23, v11;
	v15 =	vmul.f32 v24, v11  }
0x32c: {  	v57 =	vld [tilespmem:s29+$0x70];
	v10 =	vmul.f32 v10, v4;
	v5 =	vadd.f32 v17, v5;
	v17 =	vmul.f32 v20, v3  }
0x32d: {  	v58 =	vld [tilespmem:$0xD220];
	v6 =	vadd.f32 v18, v6;
	v13 =	vadd.f32 v15, v13;
	v15 =	vmul.f32 v21, v3  }
0x32e: {  	v1 =	vmul.f32 v1, v8;
	v11 =	vmul.f32 v25, v11;
	v18 =	vld [tilespmem:s29+$0x60]  }
0x32f: {  	v3 =	vmul.f32 v12, v3;
	v12 =	vld [tilespmem:$0xD1F0];
	v5 =	vadd.f32 v17, v5;
	v6 =	vadd.f32 v15, v6  }
0x330: {  	v14 =	vmul.f32 v14, v4;
	v2 =	vadd.f32 v11, v2;
	v17 =	vld [tilespmem:$0xD1E0];
	v13 =	vadd.f32 v16, v13  }
0x331: {  	v59 =	vld [tilespmem:$0xD230];
	v7 =	vmul.f32 v7, v8;
	v5 =	vadd.f32 v9, v5;
	v6 =	vadd.f32 v10, v6  }
0x332: {  	v2 =	vadd.f32 v3, v2;
	v3 =	vmul.f32 v19, v4;
	v4 =	vadd.f32 v14, v13;
	v13 =	vld [tilespmem:$0xD200]  }
0x333: {  	v1 =	vadd.f32 v1, v5;
	v5 =	vmul.f32 v18, v8;
	v6 =	vadd.f32 v7, v6;
	v7 =	vld [tilespmem:$0xD240]  }
0x334: {  	v2 =	vadd.f32 v3, v2;
	v3 =	vmul.f32 v57, v8;
	v8 =	vld [tilespmem:$0xD210]  }
0x335: {  	v4 =	vadd.f32 v5, v4;
	v5 =	vmul.f32 v17, v1;
	v60 =	vmul.f32 v12, v6;
	v12 =	vld [tilespmem:$0xD250]  }
0x336: {  	v1 =	vmul.f32 v58, v1;
	v6 =	vmul.f32 v59, v6  }
0x337: {  	v2 =	vadd.f32 v3, v2;
	v3 =	vadd.f32 v60, v5;
	v5 =	vmul.f32 v13, v4  }
0x338: {  	(xrf2) =	vadd.scan.msk.f32 $0xffff, v28;
	v1 =	vadd.f32 v6, v1;
	v4 =	vmul.f32 v7, v4  }
0x339: {  	v3 =	vadd.f32 v5, v3;
	v5 =	vmul.f32 v8, v2  }
0x33a: {  	v1 =	vadd.f32 v4, v1;
	v2 =	vmul.f32 v12, v2  }
0x33b: {  	v3 =	vadd.f32 v5, v3  }
0x33c: {  	v1 =	vadd.f32 v2, v1  }
0x33d: {  	(xrf2) =	vadd.scan.msk.f32 $0xffff, v3  }
0x33e: {  	(xrf2) =	vadd.scan.msk.f32 $0xffff, v1;
	_ =	sdelay $0x3  }
0x33f: {  	v1, _, _ =	vpop (xrf2)  }
0x340: {  	v1 =	vbroadcast v1, $0xF;
	_ =	sdelay $0x1  }
0x341: {  	(erf) = vrcp.f32 v1;
	_ =	sdelay $0x1  }
0x342: {  	v1, _, _ =	vpop (xrf2)  }
0x343: {  	v2, _, _ =	vpop (xrf2)  }
0x344: {  	v2 =	vbroadcast v2, $0xF;
	_ =	sdelay $0x1  }
0x345: {  	v2 =	vnsel vm0, $0x0, v2  }
0x346: {  	v1 =	vbroadcast v1, $0xF  }
0x347: {  	s0 =	smin.u32 s28, $0x7D  }
0x348: {  	s0 =	smul.u32 $0x340, s0;
	v1 =	vsel vm1, v2, v1;
	v2 =	vpop (erf)  }
0x349: {  	s1 =	sshll.u32 s25, $0x5;
	v1 =	vmul.f32 v1, v2  }
0x34a: {  	s1 =	sand.u32 $0x3FFFFFE0, s1;
	s0 =	sshrl.u32 s0, $0x2  }
0x34b: {  	s28 =	simm.s32 $0x0;
	s31 =	sadd.s32 $0x1A0, s0;
	[tilespmem:s1+$0xD260] =	vst v1;
	v1 =	vlaneseq.u32  }
0x34c: {  	[tilespmem:s13], [sflag:$0x1] =	stream.indirect.gather [hbm4b:s5+s12], $0x40, s31, s12, $0xb8;
	v1 =	vor.u32 s28, v1;
	[tilespmem:$0xDA60] =	vst v63  }
0x34d: {  	s0 =	sadd.s32 $0x208, s0;
	v2 =	vshll.u32 v1, $0x6  }
0x34e: {  	[tilespmem:s15], [sflag:$0x1] =	stream.indirect.gather [hbm4b:s5+s14], $0x40, s0, s14, $0xb8;
	[tilespmem:$0xDA60] =	vst v63  }
0x34f: {  	v3 =	vor.u32 $0x1, v2;
	_ =	swait.ge [sflag:s20], $0x3200  }
0x350: {  	[sflag:s20] =	ssyncset.done $0x0  }
0x351: {  	v4 =	vor.u32 $0x2, v2;
	v19 =	vld [tilespmem:$0x1FC00];
	[sflag:s20] =	ssyncadd.s32 $0xFFFFCE00  }
0x352: {  	v5 =	vld.idx.msk [tilespmem:v2+s16+$0x0], $0xffff  }
0x353: {  	v6 =	vor.u32 $0x3, v2;
	v16 =	vld [tilespmem:$0x1FC10]  }
0x354: {  	v3 =	vld.idx.msk [tilespmem:v3+s16+$0x0], $0xffff  }
0x355: {  	v7 =	vor.u32 $0x4, v2;
	v12 =	vld [tilespmem:$0x1FC20]  }
0x356: {  	v4 =	vld.idx.msk [tilespmem:v4+s16+$0x0], $0xffff  }
0x357: {  	v8 =	vor.u32 $0x5, v2;
	v13 =	vld [tilespmem:$0x1FC30];
	v5 =	vmul.f32 v5, v19  }
0x358: {  	v6 =	vld.idx.msk [tilespmem:v6+s16+$0x0], $0xffff  }
0x359: {  	v61 =	vor.u32 $0x6, v2;
	v14 =	vld [tilespmem:$0x1FC40];
	v3 =	vmul.f32 v3, v16;
	v5 =	vadd.f32 $0.0e+00, v5  }
0x35a: {  	v7 =	vld.idx.msk [tilespmem:v7+s16+$0x0], $0xffff  }
0x35b: {  	v62 =	vor.u32 $0x7, v2;
	v15 =	vld [tilespmem:$0x1FC50];
	v4 =	vmul.f32 v4, v12;
	v3 =	vadd.f32 v3, v5  }
0x35c: {  	v5 =	vld.idx.msk [tilespmem:v8+s16+$0x0], $0xffff  }
0x35d: {  	v17 =	vld [tilespmem:$0x1FC60];
	v8 =	vor.u32 $0x8, v2;
	v3 =	vadd.f32 v4, v3;
	v4 =	vmul.f32 v6, v13  }
0x35e: {  	v6 =	vld.idx.msk [tilespmem:v61+s16+$0x0], $0xffff  }
0x35f: {  	v63 =	vor.u32 $0x9, v2;
	v18 =	vld [tilespmem:$0x1FD90];
	v3 =	vadd.f32 v4, v3;
	v4 =	vmul.f32 v7, v14  }
0x360: {  	v7 =	vld.idx.msk [tilespmem:v62+s16+$0x0], $0xffff  }
0x361: {  	v32 =	vor.u32 $0xA, v2;
	v20 =	vld [tilespmem:$0x1FDA0];
	v3 =	vadd.f32 v4, v3;
	v4 =	vmul.f32 v5, v15  }
0x362: {  	v5 =	vld.idx.msk [tilespmem:v8+s16+$0x0], $0xffff  }
0x363: {  	v21 =	vld [tilespmem:$0x1FDB0];
	v8 =	vor.u32 $0xB, v2;
	v3 =	vadd.f32 v4, v3;
	v4 =	vmul.f32 v6, v17  }
0x364: {  	v6 =	vld.idx.msk [tilespmem:v63+s16+$0x0], $0xffff  }
0x365: {  	v33 =	vor.u32 $0xC, v2;
	v22 =	vld [tilespmem:$0x1FDC0];
	v3 =	vadd.f32 v4, v3;
	v4 =	vmul.f32 v7, v18  }
0x366: {  	v7 =	vld.idx.msk [tilespmem:v32+s16+$0x0], $0xffff  }
0x367: {  	v34 =	vor.u32 $0xD, v2;
	v28 =	vld [tilespmem:$0x1FDD0];
	v3 =	vadd.f32 v4, v3;
	v4 =	vmul.f32 v5, v20  }
0x368: {  	v5 =	vld.idx.msk [tilespmem:v8+s16+$0x0], $0xffff  }
0x369: {  	v31 =	vld [tilespmem:$0x1FDE0];
	v8 =	vor.u32 $0xE, v2;
	v3 =	vadd.f32 v4, v3;
	v4 =	vmul.f32 v6, v21  }
0x36a: {  	v6 =	vld.idx.msk [tilespmem:v33+s16+$0x0], $0xffff  }
0x36b: {  	v36 =	vor.u32 $0xF, v2;
	v32 =	vld [tilespmem:$0x1FC70];
	v3 =	vadd.f32 v4, v3;
	v4 =	vmul.f32 v7, v22  }
0x36c: {  	v7 =	vld.idx.msk [tilespmem:v34+s16+$0x0], $0xffff  }
0x36d: {  	v40 =	vor.u32 $0x10, v2;
	v33 =	vld [tilespmem:$0x1FC80];
	v3 =	vadd.f32 v4, v3;
	v4 =	vmul.f32 v5, v28  }
0x36e: {  	v5 =	vld.idx.msk [tilespmem:v8+s16+$0x0], $0xffff  }
0x36f: {  	v34 =	vld [tilespmem:$0x1FDF0];
	v8 =	vor.u32 $0x11, v2;
	v3 =	vadd.f32 v4, v3;
	v4 =	vmul.f32 v6, v31  }
0x370: {  	v6 =	vld.idx.msk [tilespmem:v36+s16+$0x0], $0xffff  }
0x371: {  	v42 =	vor.u32 $0x12, v2;
	v3 =	vadd.f32 v4, v3;
	v4 =	vmul.f32 v7, v32  }
0x372: {  	v7 =	vld.idx.msk [tilespmem:v40+s16+$0x0], $0xffff  }
0x373: {  	v44 =	vor.u32 $0x13, v2;
	v11 =	vld [tilespmem:$0x1FE00];
	v3 =	vadd.f32 v4, v3;
	v4 =	vmul.f32 v5, v33  }
0x374: {  	v5 =	vld.idx.msk [tilespmem:v8+s16+$0x0], $0xffff  }
0x375: {  	v25 =	vld [tilespmem:$0x1FE10];
	v8 =	vor.u32 $0x14, v2;
	v3 =	vadd.f32 v4, v3;
	v4 =	vmul.f32 v6, v34  }
0x376: {  	v6 =	vld.idx.msk [tilespmem:v42+s16+$0x0], $0xffff  }
0x377: {  	v45 =	vor.u32 $0x15, v2;
	v26 =	vld [tilespmem:$0x1FCA0];
	v3 =	vadd.f32 v4, v3;
	v4 =	vmul.f32 v7, v0  }
0x378: {  	v7 =	vld.idx.msk [tilespmem:v44+s16+$0x0], $0xffff  }
0x379: {  	v48 =	vor.u32 $0x16, v2;
	v40 =	vld [tilespmem:$0x1FE20];
	v3 =	vadd.f32 v4, v3;
	v4 =	vmul.f32 v5, v11  }
0x37a: {  	v5 =	vld.idx.msk [tilespmem:v8+s16+$0x0], $0xffff  }
0x37b: {  	v27 =	vld [tilespmem:$0x1FE30];
	v8 =	vor.u32 $0x17, v2;
	v3 =	vadd.f32 v4, v3;
	v4 =	vmul.f32 v6, v25  }
0x37c: {  	v6 =	vld.idx.msk [tilespmem:v45+s16+$0x0], $0xffff  }
0x37d: {  	v49 =	vor.u32 $0x18, v2;
	v29 =	vld [tilespmem:$0x1FCB0];
	v3 =	vadd.f32 v4, v3;
	v4 =	vmul.f32 v7, v26  }
0x37e: {  	v7 =	vld.idx.msk [tilespmem:v48+s16+$0x0], $0xffff  }
0x37f: {  	v50 =	vor.u32 $0x19, v2;
	v56 =	vld [tilespmem:$0x1FE40];
	v3 =	vadd.f32 v4, v3;
	v4 =	vmul.f32 v5, v40  }
0x380: {  	v5 =	vld.idx.msk [tilespmem:v8+s16+$0x0], $0xffff  }
0x381: {  	v59 =	vld [tilespmem:$0x1FCC0];
	v8 =	vor.u32 $0x1A, v2;
	v3 =	vadd.f32 v4, v3;
	v4 =	vmul.f32 v6, v27  }
0x382: {  	v6 =	vld.idx.msk [tilespmem:v49+s16+$0x0], $0xffff  }
0x383: {  	v52 =	vor.u32 $0x1B, v2;
	v42 =	vld [tilespmem:$0x1FE60];
	v3 =	vadd.f32 v4, v3;
	v4 =	vmul.f32 v7, v29  }
0x384: {  	v7 =	vld.idx.msk [tilespmem:v50+s16+$0x0], $0xffff  }
0x385: {  	v53 =	vor.u32 $0x1C, v2;
	v60 =	vld [tilespmem:$0x1FCD0];
	v3 =	vadd.f32 v4, v3;
	v4 =	vmul.f32 v5, v56  }
0x386: {  	v5 =	vld.idx.msk [tilespmem:v8+s16+$0x0], $0xffff  }
0x387: {  	v61 =	vld [tilespmem:$0x1FCE0];
	v8 =	vor.u32 $0x1D, v2;
	v3 =	vadd.f32 v4, v3;
	v4 =	vmul.f32 v6, v59  }
0x388: {  	v6 =	vld.idx.msk [tilespmem:v52+s16+$0x0], $0xffff  }
0x389: {  	v58 =	vor.u32 $0x1E, v2;
	v63 =	vld [tilespmem:$0x1FCF0];
	v3 =	vadd.f32 v4, v3;
	v4 =	vmul.f32 v7, v42  }
0x38a: {  	v7 =	vld.idx.msk [tilespmem:v53+s16+$0x0], $0xffff  }
0x38b: {  	v36 =	vor.u32 $0x1F, v2;
	v50 =	vld [tilespmem:$0x1FE50];
	v3 =	vadd.f32 v4, v3;
	v4 =	vmul.f32 v5, v60  }
0x38c: {  	v5 =	vld.idx.msk [tilespmem:v8+s16+$0x0], $0xffff  }
0x38d: {  	v53 =	vld [tilespmem:$0x1FE70];
	v8 =	vor.u32 $0x20, v2;
	v3 =	vadd.f32 v4, v3;
	v4 =	vmul.f32 v6, v61  }
0x38e: {  	v44 =	vor.u32 $0x21, v2;
	v6 =	vld.idx.msk [tilespmem:v58+s16+$0x0], $0xffff  }
0x38f: {  	v49 =	vld [tilespmem:$0x1FE80];
	v3 =	vadd.f32 v4, v3;
	v4 =	vmul.f32 v7, v63  }
0x390: {  	v45 =	vor.u32 $0x22, v2;
	v7 =	vld.idx.msk [tilespmem:v36+s16+$0x0], $0xffff  }
0x391: {  	v3 =	vadd.f32 v4, v3;
	v4 =	vmul.f32 v5, v50  }
0x392: {  	v5 =	vld.idx.msk [tilespmem:v8+s16+$0x0], $0xffff  }
0x393: {  	v3 =	vadd.f32 v4, v3;
	v4 =	vmul.f32 v6, v53;
	v6 =	vld.idx.msk [tilespmem:v44+s16+$0x0], $0xffff  }
0x394: {  	v44 =	vld [tilespmem:$0x1FE90]  }
0x395: {  	v3 =	vadd.f32 v4, v3;
	v4 =	vmul.f32 v7, v49;
	v7 =	vld.idx.msk [tilespmem:v45+s16+$0x0], $0xffff  }
0x396: {  	v45 =	vld [tilespmem:$0x1FEA0];
	_ =	sdelay $0x2  }
0x397: {  	v3 =	vadd.f32 v4, v3;
	v4 =	vmul.f32 v5, v44;
	_ =	sdelay $0x1  }
0x398: {  	v3 =	vadd.f32 v4, v3;
	v4 =	vmul.f32 v6, v45  }
0x399: {  	v8 =	vor.u32 $0x23, v2  }
0x39a: {  	v58 =	vor.u32 $0x25, v2;
	v3 =	vadd.f32 v4, v3;
	v4 =	vld [tilespmem:$0x1FEB0];
	_ =	sdelay $0x2  }
0x39b: {  	v57 =	vor.u32 $0x24, v2  }
0x39c: {  	v5 =	vld.idx.msk [tilespmem:v8+s16+$0x0], $0xffff  }
0x39d: {  	v4 =	vmul.f32 v7, v4;
	v7 =	vld.idx.msk [tilespmem:v58+s16+$0x0], $0xffff  }
0x39e: {  	v58 =	vld [tilespmem:$0x1FEC0]  }
0x39f: {  	v30 =	vld [tilespmem:$0x1FED0]  }
0x3a0: {  	v6 =	vld.idx.msk [tilespmem:v57+s16+$0x0], $0xffff;
	_ =	sdelay $0x1  }
0x3a1: {  	v48 =	vld [tilespmem:$0x1FEE0]  }
0x3a2: {  	v8 =	vor.u32 $0x26, v2;
	v3 =	vadd.f32 v4, v3;
	v4 =	vmul.f32 v5, v58;
	_ =	sdelay $0x1  }
0x3a3: {  	v3 =	vadd.f32 v4, v3;
	v4 =	vmul.f32 v6, v30;
	_ =	sdelay $0x1  }
0x3a4: {  	v3 =	vadd.f32 v4, v3;
	v4 =	vmul.f32 v7, v48  }
0x3a5: {  	v5 =	vld.idx.msk [tilespmem:v8+s16+$0x0], $0xffff  }
0x3a6: {  	v3 =	vadd.f32 v4, v3;
	v4 =	vld [tilespmem:$0x1FEF0]  }
0x3a7: {  	v62 =	vor.u32 $0x27, v2;
	_ =	sdelay $0x2  }
0x3a8: {  	v36 =	vor.u32 $0x28, v2  }
0x3a9: {  	v4 =	vmul.f32 v5, v4  }
0x3aa: {  	v6 =	vld.idx.msk [tilespmem:v62+s16+$0x0], $0xffff  }
0x3ab: {  	v3 =	vadd.f32 v4, v3;
	v4 =	vld [tilespmem:$0x1FF00]  }
0x3ac: {  	v62 =	vld [tilespmem:$0x1FF10]  }
0x3ad: {  	v7 =	vld.idx.msk [tilespmem:v36+s16+$0x0], $0xffff  }
0x3ae: {  	v8 =	vor.u32 $0x29, v2;
	_ =	sdelay $0x1  }
0x3af: {  	v4 =	vmul.f32 v6, v4;
	_ =	sdelay $0x1  }
0x3b0: {  	v3 =	vadd.f32 v4, v3;
	v4 =	vmul.f32 v7, v62  }
0x3b1: {  	v5 =	vld.idx.msk [tilespmem:v8+s16+$0x0], $0xffff  }
0x3b2: {  	v3 =	vadd.f32 v4, v3;
	v4 =	vld [tilespmem:$0x1FD00]  }
0x3b3: {  	v52 =	vor.u32 $0x2A, v2;
	_ =	sdelay $0x3  }
0x3b4: {  	v4 =	vmul.f32 v5, v4  }
0x3b5: {  	v6 =	vld.idx.msk [tilespmem:v52+s16+$0x0], $0xffff  }
0x3b6: {  	v3 =	vadd.f32 v4, v3;
	v4 =	vld [tilespmem:$0x1FF20]  }
0x3b7: {  	v54 =	vor.u32 $0x2B, v2;
	_ =	sdelay $0x3  }
0x3b8: {  	v4 =	vmul.f32 v6, v4  }
0x3b9: {  	v7 =	vld.idx.msk [tilespmem:v54+s16+$0x0], $0xffff  }
0x3ba: {  	v3 =	vadd.f32 v4, v3;
	v4 =	vld [tilespmem:$0x1FF30]  }
0x3bb: {  	v8 =	vor.u32 $0x2C, v2;
	_ =	sdelay $0x3  }
0x3bc: {  	v4 =	vmul.f32 v7, v4  }
0x3bd: {  	v5 =	vld.idx.msk [tilespmem:v8+s16+$0x0], $0xffff  }
0x3be: {  	v3 =	vadd.f32 v4, v3;
	v4 =	vld [tilespmem:$0x1FD10]  }
0x3bf: {  	v55 =	vor.u32 $0x2D, v2;
	_ =	sdelay $0x3  }
0x3c0: {  	v4 =	vmul.f32 v5, v4  }
0x3c1: {  	v6 =	vld.idx.msk [tilespmem:v55+s16+$0x0], $0xffff  }
0x3c2: {  	v3 =	vadd.f32 v4, v3;
	v4 =	vld [tilespmem:$0x1FF40]  }
0x3c3: {  	v57 =	vor.u32 $0x2E, v2;
	_ =	sdelay $0x3  }
0x3c4: {  	v4 =	vmul.f32 v6, v4  }
0x3c5: {  	v7 =	vld.idx.msk [tilespmem:v57+s16+$0x0], $0xffff  }
0x3c6: {  	v3 =	vadd.f32 v4, v3;
	v4 =	vld [tilespmem:$0x1FF50]  }
0x3c7: {  	v8 =	vor.u32 $0x2F, v2;
	_ =	sdelay $0x3  }
0x3c8: {  	v4 =	vmul.f32 v7, v4  }
0x3c9: {  	v5 =	vld.idx.msk [tilespmem:v8+s16+$0x0], $0xffff  }
0x3ca: {  	v3 =	vadd.f32 v4, v3;
	v4 =	vld [tilespmem:$0x1FF60]  }
0x3cb: {  	v36 =	vor.u32 $0x30, v2;
	_ =	sdelay $0x3  }
0x3cc: {  	v4 =	vmul.f32 v5, v4  }
0x3cd: {  	v6 =	vld.idx.msk [tilespmem:v36+s16+$0x0], $0xffff  }
0x3ce: {  	v3 =	vadd.f32 v4, v3;
	v4 =	vld [tilespmem:$0x1FF70]  }
0x3cf: {  	v52 =	vor.u32 $0x31, v2;
	_ =	sdelay $0x3  }
0x3d0: {  	v4 =	vmul.f32 v6, v4  }
0x3d1: {  	v7 =	vld.idx.msk [tilespmem:v52+s16+$0x0], $0xffff  }
0x3d2: {  	v3 =	vadd.f32 v4, v3;
	v4 =	vld [tilespmem:$0x1FF80]  }
0x3d3: {  	v8 =	vor.u32 $0x32, v2;
	_ =	sdelay $0x3  }
0x3d4: {  	v4 =	vmul.f32 v7, v4  }
0x3d5: {  	v5 =	vld.idx.msk [tilespmem:v8+s16+$0x0], $0xffff  }
0x3d6: {  	v3 =	vadd.f32 v4, v3;
	v4 =	vld [tilespmem:$0x1FF90]  }
0x3d7: {  	v54 =	vor.u32 $0x33, v2;
	_ =	sdelay $0x2  }
0x3d8: {  	v55 =	vor.u32 $0x34, v2  }
0x3d9: {  	v4 =	vmul.f32 v5, v4  }
0x3da: {  	v6 =	vld.idx.msk [tilespmem:v54+s16+$0x0], $0xffff  }
0x3db: {  	v3 =	vadd.f32 v4, v3;
	v4 =	vld [tilespmem:$0x1FFA0]  }
0x3dc: {  	v24 =	vmov v0;
	v0 =	vld [tilespmem:$0x1FFB0];
	v8 =	vor.u32 $0x35, v2  }
0x3dd: {  	v36 =	vor.u32 $0x37, v2;
	v7 =	vld.idx.msk [tilespmem:v55+s16+$0x0], $0xffff;
	_ =	sdelay $0x2  }
0x3de: {  	v57 =	vor.u32 $0x36, v2;
	v4 =	vmul.f32 v6, v4  }
0x3df: {  	v5 =	vld.idx.msk [tilespmem:v8+s16+$0x0], $0xffff  }
0x3e0: {  	v3 =	vadd.f32 v4, v3;
	v4 =	vmul.f32 v7, v0;
	v7 =	vld.idx.msk [tilespmem:v36+s16+$0x0], $0xffff  }
0x3e1: {  	v36 =	vld [tilespmem:$0x1FFC0];
	_ =	sdelay $0x1  }
0x3e2: {  	v6 =	vld.idx.msk [tilespmem:v57+s16+$0x0], $0xffff;
	_ =	sdelay $0x1  }
0x3e3: {  	v8 =	vor.u32 $0x38, v2  }
0x3e4: {  	v3 =	vadd.f32 v4, v3;
	v4 =	vmul.f32 v5, v36  }
0x3e5: {  	v52 =	vor.u32 $0x39, v2  }
0x3e6: {  	v3 =	vadd.f32 v4, v3;
	v4 =	vmul.f32 v6, v38;
	v38 =	vld [tilespmem:$0x1FFD0]  }
0x3e7: {  	v54 =	vor.u32 $0x3A, v2  }
0x3e8: {  	v5 =	vld.idx.msk [tilespmem:v8+s16+$0x0], $0xffff  }
0x3e9: {  	v8 =	vor.u32 $0x3B, v2  }
0x3ea: {  	v6 =	vld.idx.msk [tilespmem:v52+s16+$0x0], $0xffff  }
0x3eb: {  	v55 =	vor.u32 $0x3C, v2;
	v3 =	vadd.f32 v4, v3;
	v4 =	vmul.f32 v7, v38  }
0x3ec: {  	v7 =	vld.idx.msk [tilespmem:v54+s16+$0x0], $0xffff  }
0x3ed: {  	v57 =	vor.u32 $0x3D, v2;
	v3 =	vadd.f32 v4, v3;
	v4 =	vmul.f32 v5, v39  }
0x3ee: {  	v5 =	vld.idx.msk [tilespmem:v8+s16+$0x0], $0xffff  }
0x3ef: {  	v8 =	vor.u32 $0x3E, v2;
	v3 =	vadd.f32 v4, v3;
	v4 =	vmul.f32 v6, v47  }
0x3f0: {  	v6 =	vld.idx.msk [tilespmem:v55+s16+$0x0], $0xffff  }
0x3f1: {  	v2 =	vor.u32 $0x3F, v2;
	v3 =	vadd.f32 v4, v3;
	v4 =	vmul.f32 v7, v43  }
0x3f2: {  	v7 =	vld.idx.msk [tilespmem:v57+s16+$0x0], $0xffff  }
0x3f3: {  	v3 =	vadd.f32 v4, v3;
	v4 =	vmul.f32 v5, v46  }
0x3f4: {  	v5 =	vld.idx.msk [tilespmem:v8+s16+$0x0], $0xffff  }
0x3f5: {  	v3 =	vadd.f32 v4, v3;
	v4 =	vmul.f32 v6, v41  }
0x3f6: {  	v2 =	vld.idx.msk [tilespmem:v2+s16+$0x0], $0xffff  }
0x3f7: {  	v3 =	vadd.f32 v4, v3;
	v4 =	vmul.f32 v7, v37;
	_ =	sdelay $0x1  }
0x3f8: {  	v3 =	vadd.f32 v4, v3;
	v4 =	vmul.f32 v5, v35;
	_ =	sdelay $0x1  }
0x3f9: {  	v2 =	vmul.f32 v2, v51;
	v3 =	vadd.f32 v4, v3;
	_ =	sdelay $0x1  }
0x3fa: {  	v2 =	vadd.f32 v2, v3;
	_ =	sdelay $0x1  }
0x3fb: {  	v2 =	vadd.f32 v2, v2;
	_ =	sdelay $0x1  }
0x3fc: {  	v2 =	vmul.f32 $1.442695020e+00, v2;
	_ =	sdelay $0x1  }
0x3fd: {  	(erf) = vpow2.f32 v2;
	_ =	sdelay $0x8  }
0x3fe: {  	v2 =	vpop (erf)  }
0x3ff: {  	v2 =	vadd.f32 $1.000000000e+00, v2;
	_ =	sdelay $0x1  }
0x400: {  	(erf) = vrcp.f32 v2;
	_ =	sdelay $0x6  }
0x401: {  	v4 =	vld [tilespmem:s23+$0x0];
	_ =	sdelay $0x1  }
0x402: {  	v23 =	vlaneseq.u32;
	s1 =	simm.s32 $0x10;
	v3 =	vpop (erf)  }
0x403: {  	v2 =	vor.u32 s1, v23;
	v5 =	vadd.f32 v3, v3  }
0x404: {  	v3 =	vshll.u32 v2, $0x6  }
0x405: {  	vm3 =	vlt.u32 v1, $0xC8;
	vm2 =	vne.s32 v4, $0x0;
	v1 =	vsub.f32 $1.000000000e+00, v5  }
0x406: {  	vm2 =	vmand vm3, vm2;
	v4 =	vor.u32 $0x1, v3  }
0x407: {  	s28 =	simm.s32 $0xD000;
	v1 =	vnsel vm2, $0xFF800000, v1  }
0x408: {  	v5 =	vor.u32 $0x2, v3;
	[tilespmem:s28+$0x0] =	vst v1  }
0x409: {  	v6 =	vld.idx.msk [tilespmem:v3+s16+$0x0], $0xffff  }
0x40a: {  	v7 =	vor.u32 $0x3, v3  }
0x40b: {  	v4 =	vld.idx.msk [tilespmem:v4+s16+$0x0], $0xffff  }
0x40c: {  	v8 =	vor.u32 $0x4, v3  }
0x40d: {  	v5 =	vld.idx.msk [tilespmem:v5+s16+$0x0], $0xffff  }
0x40e: {  	v47 =	vor.u32 $0x5, v3;
	v6 =	vmul.f32 v6, v19  }
0x40f: {  	v7 =	vld.idx.msk [tilespmem:v7+s16+$0x0], $0xffff  }
0x410: {  	v51 =	vor.u32 $0x6, v3;
	v4 =	vmul.f32 v4, v16;
	v6 =	vadd.f32 $0.0e+00, v6  }
0x411: {  	v8 =	vld.idx.msk [tilespmem:v8+s16+$0x0], $0xffff  }
0x412: {  	v5 =	vmul.f32 v5, v12;
	v4 =	vadd.f32 v4, v6;
	v6 =	vor.u32 $0x7, v3  }
0x413: {  	v9 =	vld.idx.msk [tilespmem:v47+s16+$0x0], $0xffff  }
0x414: {  	v7 =	vmul.f32 v7, v13;
	v4 =	vadd.f32 v5, v4;
	v5 =	vor.u32 $0x8, v3  }
0x415: {  	v10 =	vld.idx.msk [tilespmem:v51+s16+$0x0], $0xffff  }
0x416: {  	v8 =	vmul.f32 v8, v14;
	v4 =	vadd.f32 v7, v4;
	v7 =	vor.u32 $0x9, v3  }
0x417: {  	v6 =	vld.idx.msk [tilespmem:v6+s16+$0x0], $0xffff  }
0x418: {  	v9 =	vmul.f32 v9, v15;
	v4 =	vadd.f32 v8, v4;
	v8 =	vor.u32 $0xA, v3  }
0x419: {  	v5 =	vld.idx.msk [tilespmem:v5+s16+$0x0], $0xffff  }
0x41a: {  	v52 =	vor.u32 $0xB, v3;
	v10 =	vmul.f32 v10, v17;
	v4 =	vadd.f32 v9, v4  }
0x41b: {  	v7 =	vld.idx.msk [tilespmem:v7+s16+$0x0], $0xffff  }
0x41c: {  	v54 =	vor.u32 $0xC, v3;
	v4 =	vadd.f32 v10, v4;
	v6 =	vmul.f32 v6, v18  }
0x41d: {  	v8 =	vld.idx.msk [tilespmem:v8+s16+$0x0], $0xffff  }
0x41e: {  	v4 =	vadd.f32 v6, v4;
	v6 =	vor.u32 $0xD, v3;
	v5 =	vmul.f32 v5, v20  }
0x41f: {  	v9 =	vld.idx.msk [tilespmem:v52+s16+$0x0], $0xffff  }
0x420: {  	v4 =	vadd.f32 v5, v4;
	v5 =	vor.u32 $0xE, v3;
	v7 =	vmul.f32 v7, v21  }
0x421: {  	v10 =	vld.idx.msk [tilespmem:v54+s16+$0x0], $0xffff  }
0x422: {  	v4 =	vadd.f32 v7, v4;
	v7 =	vor.u32 $0xF, v3;
	v8 =	vmul.f32 v8, v22  }
0x423: {  	v6 =	vld.idx.msk [tilespmem:v6+s16+$0x0], $0xffff  }
0x424: {  	v9 =	vmul.f32 v9, v28;
	v4 =	vadd.f32 v8, v4;
	v8 =	vor.u32 $0x10, v3  }
0x425: {  	v5 =	vld.idx.msk [tilespmem:v5+s16+$0x0], $0xffff  }
0x426: {  	v55 =	vor.u32 $0x11, v3;
	v10 =	vmul.f32 v10, v31;
	v4 =	vadd.f32 v9, v4  }
0x427: {  	v7 =	vld.idx.msk [tilespmem:v7+s16+$0x0], $0xffff  }
0x428: {  	v35 =	vor.u32 $0x12, v3;
	v4 =	vadd.f32 v10, v4;
	v6 =	vmul.f32 v6, v32  }
0x429: {  	v8 =	vld.idx.msk [tilespmem:v8+s16+$0x0], $0xffff  }
0x42a: {  	v4 =	vadd.f32 v6, v4;
	v6 =	vor.u32 $0x13, v3;
	v5 =	vmul.f32 v5, v33  }
0x42b: {  	v9 =	vld.idx.msk [tilespmem:v55+s16+$0x0], $0xffff  }
0x42c: {  	v4 =	vadd.f32 v5, v4;
	v5 =	vor.u32 $0x14, v3;
	v7 =	vmul.f32 v7, v34  }
0x42d: {  	v10 =	vld.idx.msk [tilespmem:v35+s16+$0x0], $0xffff  }
0x42e: {  	v4 =	vadd.f32 v7, v4;
	v7 =	vor.u32 $0x15, v3;
	v8 =	vmul.f32 v8, v24  }
0x42f: {  	v6 =	vld.idx.msk [tilespmem:v6+s16+$0x0], $0xffff  }
0x430: {  	v9 =	vmul.f32 v9, v11;
	v4 =	vadd.f32 v8, v4;
	v8 =	vor.u32 $0x16, v3  }
0x431: {  	v5 =	vld.idx.msk [tilespmem:v5+s16+$0x0], $0xffff  }
0x432: {  	v39 =	vor.u32 $0x17, v3;
	v10 =	vmul.f32 v10, v25;
	v4 =	vadd.f32 v9, v4  }
0x433: {  	v7 =	vld.idx.msk [tilespmem:v7+s16+$0x0], $0xffff  }
0x434: {  	v46 =	vor.u32 $0x18, v3;
	v4 =	vadd.f32 v10, v4;
	v6 =	vmul.f32 v6, v26  }
0x435: {  	v8 =	vld.idx.msk [tilespmem:v8+s16+$0x0], $0xffff  }
0x436: {  	v4 =	vadd.f32 v6, v4;
	v6 =	vor.u32 $0x19, v3;
	v5 =	vmul.f32 v5, v40  }
0x437: {  	v9 =	vld.idx.msk [tilespmem:v39+s16+$0x0], $0xffff  }
0x438: {  	v4 =	vadd.f32 v5, v4;
	v5 =	vor.u32 $0x1A, v3;
	v7 =	vmul.f32 v7, v27  }
0x439: {  	v10 =	vld.idx.msk [tilespmem:v46+s16+$0x0], $0xffff  }
0x43a: {  	v4 =	vadd.f32 v7, v4;
	v7 =	vor.u32 $0x1B, v3;
	v8 =	vmul.f32 v8, v29  }
0x43b: {  	v6 =	vld.idx.msk [tilespmem:v6+s16+$0x0], $0xffff  }
0x43c: {  	v9 =	vmul.f32 v9, v56;
	v4 =	vadd.f32 v8, v4;
	v8 =	vor.u32 $0x1C, v3  }
0x43d: {  	v5 =	vld.idx.msk [tilespmem:v5+s16+$0x0], $0xffff  }
0x43e: {  	v51 =	vor.u32 $0x1D, v3;
	v10 =	vmul.f32 v10, v59;
	v4 =	vadd.f32 v9, v4  }
0x43f: {  	v7 =	vld.idx.msk [tilespmem:v7+s16+$0x0], $0xffff  }
0x440: {  	v37 =	vmovc v32;
	v32 =	vor.u32 $0x1E, v3;
	v4 =	vadd.f32 v10, v4;
	v6 =	vmul.f32 v6, v42  }
0x441: {  	v8 =	vld.idx.msk [tilespmem:v8+s16+$0x0], $0xffff  }
0x442: {  	v4 =	vadd.f32 v6, v4;
	v6 =	vor.u32 $0x1F, v3;
	v5 =	vmul.f32 v5, v60  }
0x443: {  	v9 =	vld.idx.msk [tilespmem:v51+s16+$0x0], $0xffff  }
0x444: {  	v4 =	vadd.f32 v5, v4;
	v5 =	vor.u32 $0x20, v3;
	v7 =	vmul.f32 v7, v61  }
0x445: {  	v10 =	vld.idx.msk [tilespmem:v32+s16+$0x0], $0xffff  }
0x446: {  	v4 =	vadd.f32 v7, v4;
	v7 =	vor.u32 $0x21, v3;
	v8 =	vmul.f32 v8, v63  }
0x447: {  	v6 =	vld.idx.msk [tilespmem:v6+s16+$0x0], $0xffff  }
0x448: {  	v9 =	vmul.f32 v9, v50;
	v4 =	vadd.f32 v8, v4;
	v8 =	vor.u32 $0x22, v3  }
0x449: {  	v5 =	vld.idx.msk [tilespmem:v5+s16+$0x0], $0xffff  }
0x44a: {  	v33 =	vor.u32 $0x23, v3;
	v10 =	vmul.f32 v10, v53;
	v4 =	vadd.f32 v9, v4  }
0x44b: {  	v7 =	vld.idx.msk [tilespmem:v7+s16+$0x0], $0xffff  }
0x44c: {  	v0 =	vmovc v24;
	v34 =	vor.u32 $0x24, v3;
	v24 =	vmovc v40;
	v40 =	vld [tilespmem:$0x1FEB0];
	v4 =	vadd.f32 v10, v4;
	v6 =	vmul.f32 v6, v49  }
0x44d: {  	v8 =	vld.idx.msk [tilespmem:v8+s16+$0x0], $0xffff  }
0x44e: {  	v4 =	vadd.f32 v6, v4;
	v6 =	vor.u32 $0x25, v3;
	v5 =	vmul.f32 v5, v44  }
0x44f: {  	v9 =	vld.idx.msk [tilespmem:v33+s16+$0x0], $0xffff  }
0x450: {  	v4 =	vadd.f32 v5, v4;
	v5 =	vor.u32 $0x26, v3;
	v7 =	vmul.f32 v7, v45  }
0x451: {  	v10 =	vld.idx.msk [tilespmem:v34+s16+$0x0], $0xffff  }
0x452: {  	v32 =	vld [tilespmem:$0x1FEF0];
	v4 =	vadd.f32 v7, v4;
	v7 =	vor.u32 $0x27, v3;
	v8 =	vmul.f32 v8, v40  }
0x453: {  	v12 =	vmov v25;
	v25 =	vmov v42;
	v42 =	vor.u32 $0x29, v3;
	v6 =	vld.idx.msk [tilespmem:v6+s16+$0x0], $0xffff  }
0x454: {  	v33 =	vld [tilespmem:$0x1FF00];
	v9 =	vmul.f32 v9, v58;
	v4 =	vadd.f32 v8, v4;
	v8 =	vor.u32 $0x28, v3  }
0x455: {  	v5 =	vld.idx.msk [tilespmem:v5+s16+$0x0], $0xffff  }
0x456: {  	v54 =	vmovc v27;
	v27 =	vmovc v58;
	v34 =	vld [tilespmem:$0x1FD00];
	v58 =	vor.u32 $0x2A, v3;
	v10 =	vmul.f32 v10, v30;
	v4 =	vadd.f32 v9, v4  }
0x457: {  	v7 =	vld.idx.msk [tilespmem:v7+s16+$0x0], $0xffff  }
0x458: {  	v9 =	vld.idx.msk [tilespmem:v42+s16+$0x0], $0xffff;
	v4 =	vadd.f32 v10, v4;
	v6 =	vmul.f32 v6, v48  }
0x459: {  	v8 =	vld.idx.msk [tilespmem:v8+s16+$0x0], $0xffff  }
0x45a: {  	v42 =	vld [tilespmem:$0x1FF20];
	v4 =	vadd.f32 v6, v4;
	v6 =	vor.u32 $0x2B, v3;
	v5 =	vmul.f32 v5, v32  }
0x45b: {  	v51 =	vmov v61;
	v10 =	vld.idx.msk [tilespmem:v58+s16+$0x0], $0xffff  }
0x45c: {  	v61 =	vmovc v50;
	v50 =	vmovc v32;
	v32 =	vld [tilespmem:$0x1FD10];
	v4 =	vadd.f32 v5, v4;
	v5 =	vor.u32 $0x2C, v3;
	v7 =	vmul.f32 v7, v33  }
0x45d: {  	v39 =	vmovc v45;
	v45 =	vmovc v40;
	v14 =	vmov v34;
	v40 =	vor.u32 $0x2F, v3;
	v9 =	vmul.f32 v9, v34;
	v34 =	vld [tilespmem:$0x1FF50]  }
0x45e: {  	v46 =	vmovc v29;
	v29 =	vmovc v62;
	v4 =	vadd.f32 v7, v4;
	v7 =	vor.u32 $0x2D, v3;
	v8 =	vmul.f32 v8, v62;
	v62 =	vld [tilespmem:$0x1FF30]  }
0x45f: {  	v13 =	vmov v26;
	v26 =	vmov v53;
	v6 =	vld.idx.msk [tilespmem:v6+s16+$0x0], $0xffff  }
0x460: {  	v53 =	vmovc v49;
	v49 =	vmovc v48;
	v48 =	vmov v33;
	v33 =	vld [tilespmem:$0x1FF40];
	v4 =	vadd.f32 v8, v4;
	v8 =	vor.u32 $0x2E, v3  }
0x461: {  	v5 =	vld.idx.msk [tilespmem:v5+s16+$0x0], $0xffff  }
0x462: {  	v10 =	vmul.f32 v10, v42;
	v4 =	vadd.f32 v9, v4;
	v9 =	vld.idx.msk [tilespmem:v40+s16+$0x0], $0xffff  }
0x463: {  	v58 =	vor.u32 $0x30, v3;
	v7 =	vld.idx.msk [tilespmem:v7+s16+$0x0], $0xffff  }
0x464: {  	v40 =	vld [tilespmem:$0x1FF60];
	v4 =	vadd.f32 v10, v4;
	v6 =	vmul.f32 v6, v62  }
0x465: {  	v8 =	vld.idx.msk [tilespmem:v8+s16+$0x0], $0xffff  }
0x466: {  	v4 =	vadd.f32 v6, v4;
	v5 =	vmul.f32 v5, v32  }
0x467: {  	v6 =	vor.u32 $0x31, v3  }
0x468: {  	v10 =	vld.idx.msk [tilespmem:v58+s16+$0x0], $0xffff;
	v4 =	vadd.f32 v5, v4;
	v5 =	vor.u32 $0x32, v3;
	v7 =	vmul.f32 v7, v33  }
0x469: {  	v43 =	vmovc v18;
	v15 =	vmov v42;
	v42 =	vor.u32 $0x35, v3;
	v17 =	vmov v32;
	v32 =	vld [tilespmem:$0x1FF70]  }
0x46a: {  	v18 =	vmovc v40;
	v9 =	vmul.f32 v9, v40;
	v40 =	vld [tilespmem:$0x1FF90];
	v4 =	vadd.f32 v7, v4;
	v8 =	vmul.f32 v8, v34  }
0x46b: {  	v58 =	vmov v34;
	v7 =	vor.u32 $0x33, v3;
	v34 =	vld [tilespmem:$0x1FF80]  }
0x46c: {  	v6 =	vld.idx.msk [tilespmem:v6+s16+$0x0], $0xffff;
	v4 =	vadd.f32 v8, v4  }
0x46d: {  	v8 =	vor.u32 $0x34, v3;
	v5 =	vld.idx.msk [tilespmem:v5+s16+$0x0], $0xffff  }
0x46e: {  	v4 =	vadd.f32 v9, v4;
	v9 =	vld.idx.msk [tilespmem:v42+s16+$0x0], $0xffff  }
0x46f: {  	v55 =	vmov v56;
	v56 =	vmov v59;
	v10 =	vmul.f32 v10, v32;
	v42 =	vld [tilespmem:$0x1FFA0]  }
0x470: {  	v59 =	vmovc v60;
	v60 =	vmovc v63;
	v63 =	vmov v30;
	v30 =	vmov v33;
	v33 =	vor.u32 $0x36, v3;
	v7 =	vld.idx.msk [tilespmem:v7+s16+$0x0], $0xffff  }
0x471: {  	v23 =	vmovc v19;
	v19 =	vmov v32;
	v32 =	vld [tilespmem:$0x1FFB0];
	v4 =	vadd.f32 v10, v4;
	v6 =	vmul.f32 v6, v34  }
0x472: {  	v8 =	vld.idx.msk [tilespmem:v8+s16+$0x0], $0xffff  }
0x473: {  	v4 =	vadd.f32 v6, v4;
	v6 =	vor.u32 $0x37, v3;
	v5 =	vmul.f32 v5, v40;
	_ =	sdelay $0x1  }
0x474: {  	v10 =	vld.idx.msk [tilespmem:v33+s16+$0x0], $0xffff;
	v4 =	vadd.f32 v5, v4;
	v5 =	vor.u32 $0x38, v3;
	v7 =	vmul.f32 v7, v42  }
0x475: {  	v20 =	vmov v34;
	v34 =	vld [tilespmem:$0x1FD20]  }
0x476: {  	v4 =	vadd.f32 v7, v4;
	v7 =	vor.u32 $0x39, v3;
	v8 =	vmul.f32 v8, v32  }
0x477: {  	v6 =	vld.idx.msk [tilespmem:v6+s16+$0x0], $0xffff  }
0x478: {  	v16 =	vmovc v62;
	v62 =	vmov v40;
	v40 =	vld [tilespmem:$0x1FD30];
	v9 =	vmul.f32 v9, v36;
	v4 =	vadd.f32 v8, v4  }
0x479: {  	v5 =	vld.idx.msk [tilespmem:v5+s16+$0x0], $0xffff  }
0x47a: {  	v41 =	vmovc v21;
	v21 =	vmov v42;
	v42 =	vld [tilespmem:$0x1FD40];
	v10 =	vmul.f32 v10, v34;
	v4 =	vadd.f32 v9, v4  }
0x47b: {  	v7 =	vld.idx.msk [tilespmem:v7+s16+$0x0], $0xffff  }
0x47c: {  	v8 =	vor.u32 $0x3A, v3;
	v4 =	vadd.f32 v10, v4;
	v6 =	vmul.f32 v6, v38;
	_ =	sdelay $0x1  }
0x47d: {  	v4 =	vadd.f32 v6, v4;
	v5 =	vmul.f32 v5, v40;
	_ =	sdelay $0x1  }
0x47e: {  	v4 =	vadd.f32 v5, v4;
	v7 =	vmul.f32 v7, v42  }
0x47f: {  	v8 =	vld.idx.msk [tilespmem:v8+s16+$0x0], $0xffff  }
0x480: {  	v33 =	vor.u32 $0x3B, v3;
	v4 =	vadd.f32 v7, v4;
	v7 =	vld [tilespmem:$0x1FFE0];
	_ =	sdelay $0x4  }
0x481: {  	v9 =	vld.idx.msk [tilespmem:v33+s16+$0x0], $0xffff;
	v33 =	vmov v7;
	v7 =	vmul.f32 v8, v7;
	_ =	sdelay $0x1  }
0x482: {  	v4 =	vadd.f32 v7, v4;
	v7 =	vld [tilespmem:$0x1FFF0]  }
0x483: {  	v36 =	vor.u32 $0x3C, v3;
	_ =	sdelay $0x3  }
0x484: {  	v52 =	vmovc v28;
	v28 =	vmov v34;
	v34 =	vmov v7;
	v7 =	vmul.f32 v9, v7  }
0x485: {  	v10 =	vld.idx.msk [tilespmem:v36+s16+$0x0], $0xffff  }
0x486: {  	v4 =	vadd.f32 v7, v4;
	v7 =	vld [tilespmem:$0x1FD50]  }
0x487: {  	v6 =	vor.u32 $0x3D, v3;
	_ =	sdelay $0x3  }
0x488: {  	v36 =	vmov v7;
	v7 =	vmul.f32 v10, v7  }
0x489: {  	v6 =	vld.idx.msk [tilespmem:v6+s16+$0x0], $0xffff  }
0x48a: {  	v4 =	vadd.f32 v7, v4;
	v7 =	vld [tilespmem:$0x1FD60]  }
0x48b: {  	v5 =	vor.u32 $0x3E, v3;
	_ =	sdelay $0x3  }
0x48c: {  	v6 =	vmul.f32 v6, v7  }
0x48d: {  	v5 =	vld.idx.msk [tilespmem:v5+s16+$0x0], $0xffff  }
0x48e: {  	v4 =	vadd.f32 v6, v4;
	v6 =	vld [tilespmem:$0x1FD70]  }
0x48f: {  	v3 =	vor.u32 $0x3F, v3;
	_ =	sdelay $0x3  }
0x490: {  	v5 =	vmul.f32 v5, v6  }
0x491: {  	v3 =	vld.idx.msk [tilespmem:v3+s16+$0x0], $0xffff  }
0x492: {  	v4 =	vadd.f32 v5, v4;
	v5 =	vld [tilespmem:$0x1FD80];
	_ =	sdelay $0x4  }
0x493: {  	v3 =	vmul.f32 v3, v5;
	_ =	sdelay $0x1  }
0x494: {  	v3 =	vadd.f32 v3, v4;
	_ =	sdelay $0x1  }
0x495: {  	v3 =	vadd.f32 v3, v3;
	_ =	sdelay $0x1  }
0x496: {  	v3 =	vmul.f32 $1.442695020e+00, v3;
	_ =	sdelay $0x1  }
0x497: {  	(erf) = vpow2.f32 v3;
	_ =	sdelay $0x8  }
0x498: {  	v3 =	vpop (erf)  }
0x499: {  	v3 =	vadd.f32 $1.000000000e+00, v3;
	_ =	sdelay $0x1  }
0x49a: {  	(erf) = vrcp.f32 v3;
	_ =	sdelay $0x6  }
0x49b: {  	v57 =	vmov v31  }
0x49c: {  	v47 =	vmovc v22;
	v35 =	vmovc v11;
	v22 =	vmov v32;
	v31 =	vmov v40;
	v3 =	vimm.f32 $-Inf  }
0x49d: {  	s29 =	sadd.s32 $0x10, s23;
	s31 =	simm.s32 $0x20;
	v40 =	vmov v6;
	v1 =	vmax.f32 v3, v1;
	v3 =	vlaneseq.u32;
	v6 =	vpop (erf)  }
0x49e: {  	s30 =	simm.s32 $0x30;
	v32 =	vmovc v42;
	v38 =	vmovc v7;
	v42 =	vmov v5;
	v5 =	vld [tilespmem:s29+$0x0];
	v4 =	vor.u32 s31, v3;
	v6 =	vadd.f32 v6, v6  }
.LBB2_11:
0x49f: {  	_ =	sdelay $0x2  }
0x4a0: {  	v3 =	vshll.u32 v4, $0x6  }
0x4a1: {  	vm3 =	vlt.u32 v2, $0xC8;
	vm2 =	vne.s32 v5, $0x0;
	v5 =	vsub.f32 $1.000000000e+00, v6  }
0x4a2: {  	v2 =	vmov v4;
	v4 =	vor.u32 $0x1, v3;
	vm2 =	vmand vm3, vm2  }
0x4a3: {  	s28 =	sadd.s32 $0x10, s28;
	v5 =	vnsel vm2, $0xFF800000, v5  }
0x4a4: {  	[tilespmem:s28+$0x0] =	vst v5  }
0x4a5: {  	v1 =	vmax.f32 v1, v5;
	v5 =	vld.idx.msk [tilespmem:v3+s16+$0x0], $0xffff  }
0x4a6: {  	v11 =	vld [tilespmem:$0x1FC10]  }
0x4a7: {  	v4 =	vld.idx.msk [tilespmem:v4+s16+$0x0], $0xffff  }
0x4a8: {  	v6 =	vor.u32 $0x2, v3;
	_ =	sdelay $0x1  }
0x4a9: {  	v5 =	vmul.f32 v5, v23;
	_ =	sdelay $0x1  }
0x4aa: {  	v4 =	vmul.f32 v4, v11;
	v5 =	vadd.f32 $0.0e+00, v5  }
0x4ab: {  	v6 =	vld.idx.msk [tilespmem:v6+s16+$0x0], $0xffff  }
0x4ac: {  	v4 =	vadd.f32 v4, v5;
	v5 =	vld [tilespmem:$0x1FC20]  }
0x4ad: {  	v7 =	vor.u32 $0x3, v3;
	_ =	sdelay $0x3  }
0x4ae: {  	v5 =	vmul.f32 v6, v5  }
0x4af: {  	v7 =	vld.idx.msk [tilespmem:v7+s16+$0x0], $0xffff  }
0x4b0: {  	v4 =	vadd.f32 v5, v4;
	v5 =	vld [tilespmem:$0x1FC30]  }
0x4b1: {  	v8 =	vor.u32 $0x4, v3;
	_ =	sdelay $0x3  }
0x4b2: {  	v5 =	vmul.f32 v7, v5  }
0x4b3: {  	v8 =	vld.idx.msk [tilespmem:v8+s16+$0x0], $0xffff  }
0x4b4: {  	v4 =	vadd.f32 v5, v4;
	v5 =	vld [tilespmem:$0x1FC40]  }
0x4b5: {  	v9 =	vor.u32 $0x5, v3;
	_ =	sdelay $0x3  }
0x4b6: {  	v5 =	vmul.f32 v8, v5  }
0x4b7: {  	v6 =	vld.idx.msk [tilespmem:v9+s16+$0x0], $0xffff  }
0x4b8: {  	v4 =	vadd.f32 v5, v4;
	v5 =	vld [tilespmem:$0x1FC50]  }
0x4b9: {  	v10 =	vor.u32 $0x6, v3;
	_ =	sdelay $0x2  }
0x4ba: {  	v11 =	vor.u32 $0x7, v3  }
0x4bb: {  	v5 =	vmul.f32 v6, v5  }
0x4bc: {  	v7 =	vld.idx.msk [tilespmem:v10+s16+$0x0], $0xffff  }
0x4bd: {  	v4 =	vadd.f32 v5, v4;
	v5 =	vld [tilespmem:$0x1FC60];
	_ =	sdelay $0x1  }
0x4be: {  	v8 =	vld.idx.msk [tilespmem:v11+s16+$0x0], $0xffff  }
0x4bf: {  	v9 =	vor.u32 $0x8, v3;
	_ =	sdelay $0x1  }
0x4c0: {  	v5 =	vmul.f32 v7, v5  }
0x4c1: {  	v10 =	vor.u32 $0x9, v3  }
0x4c2: {  	v4 =	vadd.f32 v5, v4;
	v5 =	vmul.f32 v8, v43  }
0x4c3: {  	v11 =	vor.u32 $0xA, v3;
	v6 =	vld.idx.msk [tilespmem:v9+s16+$0x0], $0xffff  }
0x4c4: {  	v4 =	vadd.f32 v5, v4;
	v5 =	vld [tilespmem:$0x1FDA0]  }
0x4c5: {  	v9 =	vor.u32 $0xB, v3  }
0x4c6: {  	v7 =	vld.idx.msk [tilespmem:v10+s16+$0x0], $0xffff  }
0x4c7: {  	v10 =	vor.u32 $0xC, v3  }
0x4c8: {  	v8 =	vld.idx.msk [tilespmem:v11+s16+$0x0], $0xffff  }
0x4c9: {  	v11 =	vor.u32 $0xD, v3;
	v5 =	vmul.f32 v6, v5  }
0x4ca: {  	v6 =	vld.idx.msk [tilespmem:v9+s16+$0x0], $0xffff  }
0x4cb: {  	v4 =	vadd.f32 v5, v4;
	v5 =	vmul.f32 v7, v41  }
0x4cc: {  	v7 =	vld.idx.msk [tilespmem:v10+s16+$0x0], $0xffff  }
0x4cd: {  	v4 =	vadd.f32 v5, v4;
	v5 =	vmul.f32 v8, v47  }
0x4ce: {  	v8 =	vld.idx.msk [tilespmem:v11+s16+$0x0], $0xffff  }
0x4cf: {  	v9 =	vor.u32 $0xE, v3;
	v4 =	vadd.f32 v5, v4;
	v5 =	vmul.f32 v6, v52;
	_ =	sdelay $0x1  }
0x4d0: {  	v4 =	vadd.f32 v5, v4;
	v5 =	vmul.f32 v7, v57;
	_ =	sdelay $0x1  }
0x4d1: {  	v4 =	vadd.f32 v5, v4;
	v5 =	vmul.f32 v8, v37  }
0x4d2: {  	v6 =	vld.idx.msk [tilespmem:v9+s16+$0x0], $0xffff  }
0x4d3: {  	v4 =	vadd.f32 v5, v4;
	v5 =	vld [tilespmem:$0x1FC80]  }
0x4d4: {  	v10 =	vor.u32 $0xF, v3;
	_ =	sdelay $0x2  }
0x4d5: {  	v11 =	vor.u32 $0x10, v3  }
0x4d6: {  	v5 =	vmul.f32 v6, v5  }
0x4d7: {  	v9 =	vor.u32 $0x11, v3;
	v7 =	vld.idx.msk [tilespmem:v10+s16+$0x0], $0xffff  }
0x4d8: {  	v4 =	vadd.f32 v5, v4;
	v5 =	vld [tilespmem:$0x1FDF0]  }
0x4d9: {  	v10 =	vor.u32 $0x12, v3  }
0x4da: {  	v8 =	vld.idx.msk [tilespmem:v11+s16+$0x0], $0xffff  }
0x4db: {  	v11 =	vor.u32 $0x13, v3  }
0x4dc: {  	v6 =	vld.idx.msk [tilespmem:v9+s16+$0x0], $0xffff  }
0x4dd: {  	v9 =	vor.u32 $0x14, v3;
	v5 =	vmul.f32 v7, v5  }
0x4de: {  	v7 =	vld.idx.msk [tilespmem:v10+s16+$0x0], $0xffff  }
0x4df: {  	v10 =	vor.u32 $0x15, v3;
	v4 =	vadd.f32 v5, v4;
	v5 =	vmul.f32 v8, v0  }
0x4e0: {  	v8 =	vld.idx.msk [tilespmem:v11+s16+$0x0], $0xffff  }
0x4e1: {  	v11 =	vor.u32 $0x16, v3;
	v4 =	vadd.f32 v5, v4;
	v5 =	vmul.f32 v6, v35  }
0x4e2: {  	v6 =	vld.idx.msk [tilespmem:v9+s16+$0x0], $0xffff  }
0x4e3: {  	v9 =	vor.u32 $0x17, v3;
	v4 =	vadd.f32 v5, v4;
	v5 =	vmul.f32 v7, v12  }
0x4e4: {  	v7 =	vld.idx.msk [tilespmem:v10+s16+$0x0], $0xffff  }
0x4e5: {  	v10 =	vor.u32 $0x18, v3;
	v4 =	vadd.f32 v5, v4;
	v5 =	vmul.f32 v8, v13  }
0x4e6: {  	v8 =	vld.idx.msk [tilespmem:v11+s16+$0x0], $0xffff  }
0x4e7: {  	v11 =	vor.u32 $0x19, v3;
	v4 =	vadd.f32 v5, v4;
	v5 =	vmul.f32 v6, v24  }
0x4e8: {  	v6 =	vld.idx.msk [tilespmem:v9+s16+$0x0], $0xffff  }
0x4e9: {  	v9 =	vor.u32 $0x1A, v3;
	v4 =	vadd.f32 v5, v4;
	v5 =	vmul.f32 v7, v54  }
0x4ea: {  	v7 =	vld.idx.msk [tilespmem:v10+s16+$0x0], $0xffff  }
0x4eb: {  	v10 =	vor.u32 $0x1B, v3;
	v4 =	vadd.f32 v5, v4;
	v5 =	vmul.f32 v8, v46  }
0x4ec: {  	v8 =	vld.idx.msk [tilespmem:v11+s16+$0x0], $0xffff  }
0x4ed: {  	v11 =	vor.u32 $0x1C, v3;
	v4 =	vadd.f32 v5, v4;
	v5 =	vmul.f32 v6, v55  }
0x4ee: {  	v6 =	vld.idx.msk [tilespmem:v9+s16+$0x0], $0xffff  }
0x4ef: {  	v9 =	vor.u32 $0x1D, v3;
	v4 =	vadd.f32 v5, v4;
	v5 =	vmul.f32 v7, v56  }
0x4f0: {  	v7 =	vld.idx.msk [tilespmem:v10+s16+$0x0], $0xffff  }
0x4f1: {  	v10 =	vor.u32 $0x1E, v3;
	v4 =	vadd.f32 v5, v4;
	v5 =	vmul.f32 v8, v25  }
0x4f2: {  	v8 =	vld.idx.msk [tilespmem:v11+s16+$0x0], $0xffff  }
0x4f3: {  	v11 =	vor.u32 $0x1F, v3;
	v4 =	vadd.f32 v5, v4;
	v5 =	vmul.f32 v6, v59  }
0x4f4: {  	v6 =	vld.idx.msk [tilespmem:v9+s16+$0x0], $0xffff  }
0x4f5: {  	v9 =	vor.u32 $0x20, v3;
	v4 =	vadd.f32 v5, v4;
	v5 =	vmul.f32 v7, v51  }
0x4f6: {  	v7 =	vld.idx.msk [tilespmem:v10+s16+$0x0], $0xffff  }
0x4f7: {  	v10 =	vor.u32 $0x21, v3;
	v4 =	vadd.f32 v5, v4;
	v5 =	vmul.f32 v8, v60  }
0x4f8: {  	v8 =	vld.idx.msk [tilespmem:v11+s16+$0x0], $0xffff  }
0x4f9: {  	v11 =	vor.u32 $0x22, v3;
	v4 =	vadd.f32 v5, v4;
	v5 =	vmul.f32 v6, v61  }
0x4fa: {  	v6 =	vld.idx.msk [tilespmem:v9+s16+$0x0], $0xffff  }
0x4fb: {  	v9 =	vor.u32 $0x23, v3;
	v4 =	vadd.f32 v5, v4;
	v5 =	vmul.f32 v7, v26  }
0x4fc: {  	v7 =	vld.idx.msk [tilespmem:v10+s16+$0x0], $0xffff  }
0x4fd: {  	v10 =	vor.u32 $0x24, v3;
	v4 =	vadd.f32 v5, v4;
	v5 =	vmul.f32 v8, v53  }
0x4fe: {  	v8 =	vld.idx.msk [tilespmem:v11+s16+$0x0], $0xffff  }
0x4ff: {  	v11 =	vor.u32 $0x25, v3;
	v4 =	vadd.f32 v5, v4;
	v5 =	vmul.f32 v6, v44  }
0x500: {  	v6 =	vld.idx.msk [tilespmem:v9+s16+$0x0], $0xffff  }
0x501: {  	v9 =	vor.u32 $0x26, v3;
	v4 =	vadd.f32 v5, v4;
	v5 =	vmul.f32 v7, v39  }
0x502: {  	v7 =	vld.idx.msk [tilespmem:v10+s16+$0x0], $0xffff  }
0x503: {  	v10 =	vor.u32 $0x27, v3;
	v4 =	vadd.f32 v5, v4;
	v5 =	vmul.f32 v8, v45  }
0x504: {  	v8 =	vld.idx.msk [tilespmem:v11+s16+$0x0], $0xffff  }
0x505: {  	v11 =	vor.u32 $0x28, v3;
	v4 =	vadd.f32 v5, v4;
	v5 =	vmul.f32 v6, v27  }
0x506: {  	v6 =	vld.idx.msk [tilespmem:v9+s16+$0x0], $0xffff  }
0x507: {  	v9 =	vor.u32 $0x29, v3;
	v4 =	vadd.f32 v5, v4;
	v5 =	vmul.f32 v7, v63  }
0x508: {  	v7 =	vld.idx.msk [tilespmem:v10+s16+$0x0], $0xffff  }
0x509: {  	v10 =	vor.u32 $0x2A, v3;
	v4 =	vadd.f32 v5, v4;
	v5 =	vmul.f32 v8, v49  }
0x50a: {  	v8 =	vld.idx.msk [tilespmem:v11+s16+$0x0], $0xffff  }
0x50b: {  	v11 =	vor.u32 $0x2B, v3;
	v4 =	vadd.f32 v5, v4;
	v5 =	vmul.f32 v6, v50  }
0x50c: {  	v6 =	vld.idx.msk [tilespmem:v9+s16+$0x0], $0xffff  }
0x50d: {  	v9 =	vor.u32 $0x2C, v3;
	v4 =	vadd.f32 v5, v4;
	v5 =	vmul.f32 v7, v48  }
0x50e: {  	v7 =	vld.idx.msk [tilespmem:v10+s16+$0x0], $0xffff  }
0x50f: {  	v10 =	vor.u32 $0x2D, v3;
	v4 =	vadd.f32 v5, v4;
	v5 =	vmul.f32 v8, v29  }
0x510: {  	v8 =	vld.idx.msk [tilespmem:v11+s16+$0x0], $0xffff  }
0x511: {  	v11 =	vor.u32 $0x2E, v3;
	v4 =	vadd.f32 v5, v4;
	v5 =	vmul.f32 v6, v14  }
0x512: {  	v6 =	vld.idx.msk [tilespmem:v9+s16+$0x0], $0xffff  }
0x513: {  	v9 =	vor.u32 $0x2F, v3;
	v4 =	vadd.f32 v5, v4;
	v5 =	vmul.f32 v7, v15  }
0x514: {  	v7 =	vld.idx.msk [tilespmem:v10+s16+$0x0], $0xffff  }
0x515: {  	v10 =	vor.u32 $0x30, v3;
	v4 =	vadd.f32 v5, v4;
	v5 =	vmul.f32 v8, v16  }
0x516: {  	v8 =	vld.idx.msk [tilespmem:v11+s16+$0x0], $0xffff  }
0x517: {  	v11 =	vor.u32 $0x31, v3;
	v4 =	vadd.f32 v5, v4;
	v5 =	vmul.f32 v6, v17  }
0x518: {  	v6 =	vld.idx.msk [tilespmem:v9+s16+$0x0], $0xffff  }
0x519: {  	v9 =	vor.u32 $0x32, v3;
	v4 =	vadd.f32 v5, v4;
	v5 =	vmul.f32 v7, v30  }
0x51a: {  	v7 =	vld.idx.msk [tilespmem:v10+s16+$0x0], $0xffff  }
0x51b: {  	v10 =	vor.u32 $0x33, v3;
	v4 =	vadd.f32 v5, v4;
	v5 =	vmul.f32 v8, v58  }
0x51c: {  	v8 =	vld.idx.msk [tilespmem:v11+s16+$0x0], $0xffff  }
0x51d: {  	v11 =	vor.u32 $0x34, v3;
	v4 =	vadd.f32 v5, v4;
	v5 =	vmul.f32 v6, v18  }
0x51e: {  	v6 =	vld.idx.msk [tilespmem:v9+s16+$0x0], $0xffff  }
0x51f: {  	v4 =	vadd.f32 v5, v4;
	v5 =	vmul.f32 v7, v19  }
0x520: {  	v7 =	vld.idx.msk [tilespmem:v10+s16+$0x0], $0xffff  }
0x521: {  	v4 =	vadd.f32 v5, v4;
	v5 =	vmul.f32 v8, v20  }
0x522: {  	v8 =	vld.idx.msk [tilespmem:v11+s16+$0x0], $0xffff  }
0x523: {  	v9 =	vor.u32 $0x35, v3;
	v4 =	vadd.f32 v5, v4;
	v5 =	vmul.f32 v6, v62;
	_ =	sdelay $0x1  }
0x524: {  	v4 =	vadd.f32 v5, v4;
	v5 =	vmul.f32 v7, v21  }
0x525: {  	v10 =	vor.u32 $0x36, v3  }
0x526: {  	v4 =	vadd.f32 v5, v4;
	v5 =	vmul.f32 v8, v22  }
0x527: {  	v6 =	vld.idx.msk [tilespmem:v9+s16+$0x0], $0xffff  }
0x528: {  	v4 =	vadd.f32 v5, v4;
	v5 =	vld [tilespmem:$0x1FFC0];
	_ =	sdelay $0x1  }
0x529: {  	v7 =	vld.idx.msk [tilespmem:v10+s16+$0x0], $0xffff  }
0x52a: {  	v11 =	vor.u32 $0x37, v3;
	_ =	sdelay $0x1  }
0x52b: {  	v5 =	vmul.f32 v6, v5  }
0x52c: {  	v9 =	vor.u32 $0x38, v3  }
0x52d: {  	v4 =	vadd.f32 v5, v4;
	v5 =	vmul.f32 v7, v28  }
0x52e: {  	v10 =	vor.u32 $0x39, v3;
	v8 =	vld.idx.msk [tilespmem:v11+s16+$0x0], $0xffff  }
0x52f: {  	v4 =	vadd.f32 v5, v4;
	v5 =	vld [tilespmem:$0x1FFD0]  }
0x530: {  	v11 =	vor.u32 $0x3A, v3  }
0x531: {  	v6 =	vld.idx.msk [tilespmem:v9+s16+$0x0], $0xffff  }
0x532: {  	v9 =	vor.u32 $0x3B, v3  }
0x533: {  	v7 =	vld.idx.msk [tilespmem:v10+s16+$0x0], $0xffff  }
0x534: {  	v10 =	vor.u32 $0x3C, v3;
	v5 =	vmul.f32 v8, v5  }
0x535: {  	v8 =	vld.idx.msk [tilespmem:v11+s16+$0x0], $0xffff  }
0x536: {  	v11 =	vor.u32 $0x3D, v3;
	v4 =	vadd.f32 v5, v4;
	v5 =	vmul.f32 v6, v31  }
0x537: {  	v6 =	vld.idx.msk [tilespmem:v9+s16+$0x0], $0xffff  }
0x538: {  	v9 =	vor.u32 $0x3E, v3;
	v4 =	vadd.f32 v5, v4;
	v5 =	vmul.f32 v7, v32  }
0x539: {  	v7 =	vld.idx.msk [tilespmem:v10+s16+$0x0], $0xffff  }
0x53a: {  	v3 =	vor.u32 $0x3F, v3;
	v4 =	vadd.f32 v5, v4;
	v5 =	vmul.f32 v8, v33  }
0x53b: {  	v8 =	vld.idx.msk [tilespmem:v11+s16+$0x0], $0xffff  }
0x53c: {  	v4 =	vadd.f32 v5, v4;
	v5 =	vmul.f32 v6, v34  }
0x53d: {  	v6 =	vld.idx.msk [tilespmem:v9+s16+$0x0], $0xffff  }
0x53e: {  	v4 =	vadd.f32 v5, v4;
	v5 =	vmul.f32 v7, v36  }
0x53f: {  	v3 =	vld.idx.msk [tilespmem:v3+s16+$0x0], $0xffff  }
0x540: {  	v4 =	vadd.f32 v5, v4;
	v5 =	vmul.f32 v8, v38;
	_ =	sdelay $0x1  }
0x541: {  	v4 =	vadd.f32 v5, v4;
	v5 =	vmul.f32 v6, v40;
	_ =	sdelay $0x1  }
0x542: {  	v3 =	vmul.f32 v3, v42;
	v4 =	vadd.f32 v5, v4;
	_ =	sdelay $0x1  }
0x543: {  	v3 =	vadd.f32 v3, v4;
	_ =	sdelay $0x1  }
0x544: {  	v3 =	vadd.f32 v3, v3;
	_ =	sdelay $0x1  }
0x545: {  	v3 =	vmul.f32 $1.442695020e+00, v3;
	_ =	sdelay $0x1  }
0x546: {  	(erf) = vpow2.f32 v3;
	_ =	sdelay $0x8  }
0x547: {  	v3 =	vpop (erf)  }
0x548: {  	v3 =	vadd.f32 $1.000000000e+00, v3;
	_ =	sdelay $0x1  }
0x549: {  	(erf) = vrcp.f32 v3;
	_ =	sdelay $0x4  }
0x54a: {  	p0 =	sne.s32 s30, $0xC0  }
.Ltmp4:
0x54b: {  	_ = 	snop;
	(pc) =	sbr.rel @p0 .LBB2_11-.Ltmp4, $3  }
0x54c: {  	_ =	sdelay $0x1  }
0x54d: {  	s29 =	sadd.s32 $0x10, s29;
	v4 =	vlaneseq.u32;
	v3 =	vpop (erf)  }
0x54e: {  	v5 =	vld [tilespmem:s29+$0x0];
	v4 =	vor.u32 s30, v4;
	s30 =	sadd.s32 $0x10, s30;
	v6 =	vadd.f32 v3, v3  }
0x54f: {  	_ =	sdelay $0x2  }
0x550: {  	v3 =	vshll.u32 v4, $0x6  }
0x551: {  	vm3 =	vlt.u32 v2, $0xC8;
	v2 =	vsub.f32 $1.000000000e+00, v6;
	vm2 =	vne.s32 v5, $0x0  }
0x552: {  	vm2 =	vmand vm3, vm2  }
0x553: {  	s28 =	sadd.s32 $0x10, s28;
	v2 =	vnsel vm2, $0xFF800000, v2  }
0x554: {  	v5 =	vor.u32 $0x1, v3;
	[tilespmem:s28+$0x0] =	vst v2  }
0x555: {  	v7 =	vld.idx.msk [tilespmem:v3+s16+$0x0], $0xffff;
	_ =	sdelay $0x3  }
0x556: {  	v6 =	vor.u32 $0x2, v3;
	v5 =	vld.idx.msk [tilespmem:v5+s16+$0x0], $0xffff  }
0x557: {  	v7 =	vmul.f32 v7, v23;
	v23 =	vld [tilespmem:$0x1FC10];
	_ =	sdelay $0x3  }
0x558: {  	v8 =	vor.u32 $0x3, v3;
	v6 =	vld.idx.msk [tilespmem:v6+s16+$0x0], $0xffff  }
0x559: {  	v5 =	vmul.f32 v5, v23;
	v23 =	vld [tilespmem:$0x1FC20];
	_ =	sdelay $0x3  }
0x55a: {  	v9 =	vor.u32 $0x4, v3;
	v8 =	vld.idx.msk [tilespmem:v8+s16+$0x0], $0xffff  }
0x55b: {  	v6 =	vmul.f32 v6, v23;
	v23 =	vld [tilespmem:$0x1FC30];
	_ =	sdelay $0x3  }
0x55c: {  	v10 =	vor.u32 $0x5, v3;
	v9 =	vld.idx.msk [tilespmem:v9+s16+$0x0], $0xffff  }
0x55d: {  	v8 =	vmul.f32 v8, v23;
	v23 =	vld [tilespmem:$0x1FC40];
	_ =	sdelay $0x3  }
0x55e: {  	v11 =	vor.u32 $0x6, v3;
	v10 =	vld.idx.msk [tilespmem:v10+s16+$0x0], $0xffff  }
0x55f: {  	v7 =	vadd.f32 $0.0e+00, v7;
	v9 =	vmul.f32 v9, v23;
	v23 =	vld [tilespmem:$0x1FC50];
	_ =	sdelay $0x1  }
0x560: {  	v5 =	vadd.f32 v5, v7  }
0x561: {  	v7 =	vor.u32 $0x7, v3  }
0x562: {  	v11 =	vld.idx.msk [tilespmem:v11+s16+$0x0], $0xffff;
	v5 =	vadd.f32 v6, v5;
	v6 =	vor.u32 $0x8, v3  }
0x563: {  	v10 =	vmul.f32 v10, v23;
	v23 =	vld [tilespmem:$0x1FC60];
	_ =	sdelay $0x1  }
0x564: {  	v5 =	vadd.f32 v8, v5  }
0x565: {  	v7 =	vld.idx.msk [tilespmem:v7+s16+$0x0], $0xffff  }
0x566: {  	v6 =	vld.idx.msk [tilespmem:v6+s16+$0x0], $0xffff;
	v5 =	vadd.f32 v9, v5  }
0x567: {  	v8 =	vor.u32 $0x9, v3;
	v11 =	vmul.f32 v11, v23;
	v23 =	vld [tilespmem:$0x1FDA0]  }
0x568: {  	v5 =	vadd.f32 v10, v5  }
0x569: {  	v9 =	vor.u32 $0xA, v3  }
0x56a: {  	v7 =	vmul.f32 v7, v43;
	v5 =	vadd.f32 v11, v5  }
0x56b: {  	v10 =	vor.u32 $0xB, v3  }
0x56c: {  	v8 =	vld.idx.msk [tilespmem:v8+s16+$0x0], $0xffff;
	v5 =	vadd.f32 v7, v5;
	v6 =	vmul.f32 v6, v23  }
0x56d: {  	v11 =	vor.u32 $0xC, v3  }
0x56e: {  	v9 =	vld.idx.msk [tilespmem:v9+s16+$0x0], $0xffff;
	v5 =	vadd.f32 v6, v5;
	v6 =	vor.u32 $0xE, v3  }
0x56f: {  	v7 =	vor.u32 $0xD, v3  }
0x570: {  	v10 =	vld.idx.msk [tilespmem:v10+s16+$0x0], $0xffff  }
0x571: {  	v8 =	vmul.f32 v8, v41;
	v23 =	vld [tilespmem:$0x1FC80]  }
0x572: {  	v43 =	vor.u32 $0xF, v3;
	v11 =	vld.idx.msk [tilespmem:v11+s16+$0x0], $0xffff  }
0x573: {  	v9 =	vmul.f32 v9, v47;
	v5 =	vadd.f32 v8, v5;
	v6 =	vld.idx.msk [tilespmem:v6+s16+$0x0], $0xffff  }
0x574: {  	v7 =	vld.idx.msk [tilespmem:v7+s16+$0x0], $0xffff  }
0x575: {  	v47 =	vor.u32 $0x10, v3;
	v10 =	vmul.f32 v10, v52;
	v5 =	vadd.f32 v9, v5;
	_ =	sdelay $0x1  }
0x576: {  	v52 =	vor.u32 $0x11, v3;
	v8 =	vld.idx.msk [tilespmem:v43+s16+$0x0], $0xffff;
	v11 =	vmul.f32 v11, v57;
	v5 =	vadd.f32 v10, v5  }
0x577: {  	v6 =	vmul.f32 v6, v23;
	v23 =	vld [tilespmem:$0x1FDF0]  }
0x578: {  	v57 =	vor.u32 $0x12, v3;
	v7 =	vmul.f32 v7, v37;
	v5 =	vadd.f32 v11, v5  }
0x579: {  	v9 =	vld.idx.msk [tilespmem:v47+s16+$0x0], $0xffff  }
0x57a: {  	v5 =	vadd.f32 v7, v5;
	v7 =	vor.u32 $0x13, v3  }
0x57b: {  	v10 =	vld.idx.msk [tilespmem:v52+s16+$0x0], $0xffff  }
0x57c: {  	v5 =	vadd.f32 v6, v5;
	v6 =	vor.u32 $0x14, v3;
	v8 =	vmul.f32 v8, v23  }
0x57d: {  	v11 =	vld.idx.msk [tilespmem:v57+s16+$0x0], $0xffff  }
0x57e: {  	v41 =	vor.u32 $0x15, v3;
	v9 =	vmul.f32 v9, v0;
	v5 =	vadd.f32 v8, v5  }
0x57f: {  	v7 =	vld.idx.msk [tilespmem:v7+s16+$0x0], $0xffff  }
0x580: {  	v43 =	vor.u32 $0x16, v3;
	v10 =	vmul.f32 v10, v35;
	v5 =	vadd.f32 v9, v5  }
0x581: {  	v6 =	vld.idx.msk [tilespmem:v6+s16+$0x0], $0xffff  }
0x582: {  	v47 =	vor.u32 $0x17, v3;
	v11 =	vmul.f32 v11, v12;
	v5 =	vadd.f32 v10, v5  }
0x583: {  	v8 =	vld.idx.msk [tilespmem:v41+s16+$0x0], $0xffff  }
0x584: {  	v52 =	vor.u32 $0x18, v3;
	v7 =	vmul.f32 v7, v13;
	v5 =	vadd.f32 v11, v5  }
0x585: {  	v9 =	vld.idx.msk [tilespmem:v43+s16+$0x0], $0xffff  }
0x586: {  	v6 =	vmul.f32 v6, v24;
	v5 =	vadd.f32 v7, v5;
	v7 =	vor.u32 $0x19, v3  }
0x587: {  	v10 =	vld.idx.msk [tilespmem:v47+s16+$0x0], $0xffff  }
0x588: {  	v8 =	vmul.f32 v8, v54;
	v5 =	vadd.f32 v6, v5;
	v6 =	vor.u32 $0x1A, v3  }
0x589: {  	v11 =	vld.idx.msk [tilespmem:v52+s16+$0x0], $0xffff  }
0x58a: {  	v57 =	vor.u32 $0x1B, v3;
	v9 =	vmul.f32 v9, v46;
	v5 =	vadd.f32 v8, v5  }
0x58b: {  	v7 =	vld.idx.msk [tilespmem:v7+s16+$0x0], $0xffff  }
0x58c: {  	v13 =	vor.u32 $0x1C, v3;
	v10 =	vmul.f32 v10, v55;
	v5 =	vadd.f32 v9, v5  }
0x58d: {  	v6 =	vld.idx.msk [tilespmem:v6+s16+$0x0], $0xffff  }
0x58e: {  	v37 =	vor.u32 $0x1D, v3;
	v11 =	vmul.f32 v11, v56;
	v5 =	vadd.f32 v10, v5  }
0x58f: {  	v8 =	vld.idx.msk [tilespmem:v57+s16+$0x0], $0xffff  }
0x590: {  	v41 =	vor.u32 $0x1E, v3;
	v5 =	vadd.f32 v11, v5;
	v7 =	vmul.f32 v7, v25  }
0x591: {  	v9 =	vld.idx.msk [tilespmem:v13+s16+$0x0], $0xffff  }
0x592: {  	v5 =	vadd.f32 v7, v5;
	v7 =	vor.u32 $0x1F, v3;
	v6 =	vmul.f32 v6, v59  }
0x593: {  	v10 =	vld.idx.msk [tilespmem:v37+s16+$0x0], $0xffff  }
0x594: {  	v8 =	vmul.f32 v8, v51;
	v5 =	vadd.f32 v6, v5;
	v6 =	vor.u32 $0x20, v3  }
0x595: {  	v11 =	vld.idx.msk [tilespmem:v41+s16+$0x0], $0xffff  }
0x596: {  	v43 =	vor.u32 $0x21, v3;
	v9 =	vmul.f32 v9, v60;
	v5 =	vadd.f32 v8, v5  }
0x597: {  	v7 =	vld.idx.msk [tilespmem:v7+s16+$0x0], $0xffff  }
0x598: {  	v46 =	vor.u32 $0x22, v3;
	v10 =	vmul.f32 v10, v61;
	v5 =	vadd.f32 v9, v5  }
0x599: {  	v6 =	vld.idx.msk [tilespmem:v6+s16+$0x0], $0xffff  }
0x59a: {  	v47 =	vor.u32 $0x23, v3;
	v11 =	vmul.f32 v11, v26;
	v5 =	vadd.f32 v10, v5  }
0x59b: {  	v8 =	vld.idx.msk [tilespmem:v43+s16+$0x0], $0xffff  }
0x59c: {  	v51 =	vor.u32 $0x24, v3;
	v5 =	vadd.f32 v11, v5;
	v7 =	vmul.f32 v7, v53  }
0x59d: {  	v9 =	vld.idx.msk [tilespmem:v46+s16+$0x0], $0xffff  }
0x59e: {  	v5 =	vadd.f32 v7, v5;
	v7 =	vor.u32 $0x25, v3;
	v6 =	vmul.f32 v6, v44  }
0x59f: {  	v10 =	vld.idx.msk [tilespmem:v47+s16+$0x0], $0xffff  }
0x5a0: {  	v8 =	vmul.f32 v8, v39;
	v5 =	vadd.f32 v6, v5;
	v6 =	vor.u32 $0x26, v3  }
0x5a1: {  	v11 =	vld.idx.msk [tilespmem:v51+s16+$0x0], $0xffff  }
0x5a2: {  	v52 =	vor.u32 $0x27, v3;
	v9 =	vmul.f32 v9, v45;
	v5 =	vadd.f32 v8, v5  }
0x5a3: {  	v7 =	vld.idx.msk [tilespmem:v7+s16+$0x0], $0xffff  }
0x5a4: {  	v56 =	vor.u32 $0x28, v3;
	v10 =	vmul.f32 v10, v27;
	v5 =	vadd.f32 v9, v5  }
0x5a5: {  	v6 =	vld.idx.msk [tilespmem:v6+s16+$0x0], $0xffff  }
0x5a6: {  	v57 =	vor.u32 $0x29, v3;
	v11 =	vmul.f32 v11, v63;
	v5 =	vadd.f32 v10, v5  }
0x5a7: {  	v8 =	vld.idx.msk [tilespmem:v52+s16+$0x0], $0xffff  }
0x5a8: {  	v59 =	vor.u32 $0x2A, v3;
	v5 =	vadd.f32 v11, v5;
	v7 =	vmul.f32 v7, v49  }
0x5a9: {  	v9 =	vld.idx.msk [tilespmem:v56+s16+$0x0], $0xffff  }
0x5aa: {  	v5 =	vadd.f32 v7, v5;
	v7 =	vor.u32 $0x2B, v3;
	v6 =	vmul.f32 v6, v50  }
0x5ab: {  	v10 =	vld.idx.msk [tilespmem:v57+s16+$0x0], $0xffff  }
0x5ac: {  	v8 =	vmul.f32 v8, v48;
	v5 =	vadd.f32 v6, v5;
	v6 =	vor.u32 $0x2C, v3  }
0x5ad: {  	v11 =	vld.idx.msk [tilespmem:v59+s16+$0x0], $0xffff  }
0x5ae: {  	v60 =	vor.u32 $0x2D, v3;
	v9 =	vmul.f32 v9, v29;
	v5 =	vadd.f32 v8, v5  }
0x5af: {  	v7 =	vld.idx.msk [tilespmem:v7+s16+$0x0], $0xffff  }
0x5b0: {  	v13 =	vor.u32 $0x2E, v3;
	v10 =	vmul.f32 v10, v14;
	v5 =	vadd.f32 v9, v5  }
0x5b1: {  	v6 =	vld.idx.msk [tilespmem:v6+s16+$0x0], $0xffff  }
0x5b2: {  	v14 =	vor.u32 $0x2F, v3;
	v11 =	vmul.f32 v11, v15;
	v5 =	vadd.f32 v10, v5  }
0x5b3: {  	v8 =	vld.idx.msk [tilespmem:v60+s16+$0x0], $0xffff  }
0x5b4: {  	v29 =	vor.u32 $0x30, v3;
	v5 =	vadd.f32 v11, v5;
	v7 =	vmul.f32 v7, v16  }
0x5b5: {  	v9 =	vld.idx.msk [tilespmem:v13+s16+$0x0], $0xffff  }
0x5b6: {  	v5 =	vadd.f32 v7, v5;
	v7 =	vor.u32 $0x31, v3;
	v6 =	vmul.f32 v6, v17  }
0x5b7: {  	v10 =	vld.idx.msk [tilespmem:v14+s16+$0x0], $0xffff  }
0x5b8: {  	v8 =	vmul.f32 v8, v30;
	v5 =	vadd.f32 v6, v5;
	v6 =	vor.u32 $0x32, v3  }
0x5b9: {  	v11 =	vld.idx.msk [tilespmem:v29+s16+$0x0], $0xffff  }
0x5ba: {  	v57 =	vmovc v30;
	v30 =	vor.u32 $0x33, v3;
	v9 =	vmul.f32 v9, v58;
	v5 =	vadd.f32 v8, v5  }
0x5bb: {  	v37 =	vor.u32 $0x34, v3;
	v7 =	vld.idx.msk [tilespmem:v7+s16+$0x0], $0xffff  }
0x5bc: {  	v41 =	vor.u32 $0x35, v3;
	v10 =	vmul.f32 v10, v18;
	v5 =	vadd.f32 v9, v5  }
0x5bd: {  	v6 =	vld.idx.msk [tilespmem:v6+s16+$0x0], $0xffff  }
0x5be: {  	v23 =	vld [tilespmem:$0x1FFC0];
	v11 =	vmul.f32 v11, v19;
	v5 =	vadd.f32 v10, v5  }
0x5bf: {  	v8 =	vld.idx.msk [tilespmem:v30+s16+$0x0], $0xffff  }
0x5c0: {  	v43 =	vor.u32 $0x36, v3;
	v9 =	vld.idx.msk [tilespmem:v37+s16+$0x0], $0xffff;
	v5 =	vadd.f32 v11, v5;
	v7 =	vmul.f32 v7, v20  }
0x5c1: {  	v10 =	vld.idx.msk [tilespmem:v41+s16+$0x0], $0xffff  }
0x5c2: {  	v5 =	vadd.f32 v7, v5;
	v7 =	vor.u32 $0x37, v3;
	v6 =	vmul.f32 v6, v62;
	_ =	sdelay $0x1  }
0x5c3: {  	v8 =	vmul.f32 v8, v21;
	v5 =	vadd.f32 v6, v5;
	v6 =	vor.u32 $0x38, v3  }
0x5c4: {  	v46 =	vor.u32 $0x39, v3;
	v11 =	vld.idx.msk [tilespmem:v43+s16+$0x0], $0xffff  }
0x5c5: {  	v9 =	vmul.f32 v9, v22;
	v10 =	vmul.f32 v10, v23;
	v23 =	vld [tilespmem:$0x1FFD0];
	v5 =	vadd.f32 v8, v5  }
0x5c6: {  	v7 =	vld.idx.msk [tilespmem:v7+s16+$0x0], $0xffff  }
0x5c7: {  	v47 =	vor.u32 $0x3A, v3;
	v5 =	vadd.f32 v9, v5  }
0x5c8: {  	v6 =	vld.idx.msk [tilespmem:v6+s16+$0x0], $0xffff  }
0x5c9: {  	v51 =	vor.u32 $0x3B, v3;
	v11 =	vmul.f32 v11, v28;
	v5 =	vadd.f32 v10, v5  }
0x5ca: {  	v8 =	vld.idx.msk [tilespmem:v46+s16+$0x0], $0xffff  }
0x5cb: {  	v52 =	vor.u32 $0x3C, v3;
	v5 =	vadd.f32 v11, v5;
	v7 =	vmul.f32 v7, v23  }
0x5cc: {  	v9 =	vld.idx.msk [tilespmem:v47+s16+$0x0], $0xffff  }
0x5cd: {  	v5 =	vadd.f32 v7, v5;
	v7 =	vor.u32 $0x3D, v3;
	v6 =	vmul.f32 v6, v31  }
0x5ce: {  	v10 =	vld.idx.msk [tilespmem:v51+s16+$0x0], $0xffff  }
0x5cf: {  	v8 =	vmul.f32 v8, v32;
	v5 =	vadd.f32 v6, v5;
	v6 =	vor.u32 $0x3E, v3  }
0x5d0: {  	v11 =	vld.idx.msk [tilespmem:v52+s16+$0x0], $0xffff  }
0x5d1: {  	v56 =	vmul.f32 v9, v33;
	v3 =	vor.u32 $0x3F, v3;
	v5 =	vadd.f32 v8, v5  }
0x5d2: {  	v7 =	vld.idx.msk [tilespmem:v7+s16+$0x0], $0xffff  }
0x5d3: {  	v59 =	vmul.f32 v10, v34;
	v5 =	vadd.f32 v56, v5  }
0x5d4: {  	v6 =	vld.idx.msk [tilespmem:v6+s16+$0x0], $0xffff  }
0x5d5: {  	v60 =	vmul.f32 v11, v36;
	v5 =	vadd.f32 v59, v5  }
0x5d6: {  	v3 =	vld.idx.msk [tilespmem:v3+s16+$0x0], $0xffff  }
0x5d7: {  	v5 =	vadd.f32 v60, v5;
	v7 =	vmul.f32 v7, v38;
	_ =	sdelay $0x1  }
0x5d8: {  	v5 =	vadd.f32 v7, v5;
	v6 =	vmul.f32 v6, v40;
	_ =	sdelay $0x1  }
0x5d9: {  	v3 =	vmul.f32 v3, v42;
	v5 =	vadd.f32 v6, v5;
	_ =	sdelay $0x1  }
0x5da: {  	v3 =	vadd.f32 v3, v5;
	_ =	sdelay $0x1  }
0x5db: {  	v3 =	vadd.f32 v3, v3;
	_ =	sdelay $0x1  }
0x5dc: {  	v3 =	vmul.f32 $1.442695020e+00, v3;
	_ =	sdelay $0x1  }
0x5dd: {  	(erf) = vpow2.f32 v3;
	_ =	sdelay $0x8  }
0x5de: {  	v3 =	vpop (erf)  }
0x5df: {  	v3 =	vadd.f32 $1.000000000e+00, v3;
	_ =	sdelay $0x1  }
0x5e0: {  	(erf) = vrcp.f32 v3;
	_ =	sdelay $0x5  }
0x5e1: {  	s0 =	sadd.s32 $0x10, s29  }
0x5e2: {  	v3 =	vld [tilespmem:s0+$0x0];
	_ =	sdelay $0x1  }
0x5e3: {  	v5 =	vpop (erf)  }
0x5e4: {  	v5 =	vadd.f32 v5, v5;
	_ =	sdelay $0x1  }
0x5e5: {  	vm3 =	vlt.u32 v4, $0xC8;
	vm2 =	vne.s32 v3, $0x0;
	v3 =	vsub.f32 $1.000000000e+00, v5  }
0x5e6: {  	vm2 =	vmand vm3, vm2  }
0x5e7: {  	v1 =	vmax.f32 v1, v2;
	v2 =	vnsel vm2, $0xFF800000, v3  }
0x5e8: {  	v1 =	vmax.f32 v1, v2  }
0x5e9: {  	(xrf0) =	vmax.scan.msk.f32 $0xffff, v1;
	_ =	sdelay $0x1  }
0x5ea: {  	s31 =	sadd.s32 $0x10, s28  }
0x5eb: {  	s29 =	simm.s32 $0x0;
	[tilespmem:s31+$0x0] =	vst v2  }
0x5ec: {  	v3 =	vld [tilespmem:s29+$0xD000];
	_ =	sdelay $0x1  }
0x5ed: {  	s28 =	simm.s32 $0x10;
	v1, _, _ =	vpop (xrf0)  }
0x5ee: {  	v2 =	vld [tilespmem:s28+$0xD000];
	v5 =	vbroadcast v1, $0xF;
	_ =	sdelay $0x1  }
0x5ef: {  	v1 =	vsub.f32 v3, v5;
	_ =	sdelay $0x1  }
0x5f0: {  	v1 =	vmul.f32 $1.442695020e+00, v1  }
0x5f1: {  	v4 =	vsub.f32 v2, v5  }
0x5f2: {  	(erf) = vpow2.f32 v1  }
0x5f3: {  	v6 =	vmul.f32 $1.442695020e+00, v4  }
0x5f4: {  	s30 =	simm.s32 $0x20  }
0x5f5: {  	v4 =	vld [tilespmem:s30+$0xD000];
	(erf) = vpow2.f32 v6  }
0x5f6: {  	v26 =	vimm.f32 $0.0e+00;
	v37 =	vmov v55;
	v51 =	vmov v35  }
0x5f7: {  	v35 =	vmovc v54;
	v54 =	vmovc v15;
	v36 =	vmov v44;
	v44 =	vmov v63;
	v56 =	vmov v12  }
0x5f8: {  	s1 =	simm.s32 $0xC0;
	v38 =	vmovc v39;
	v39 =	vmovc v16;
	v42 =	vmov v61;
	v40 =	vmov v50;
	v1 =	vimm.f32 $0.0e+00  }
.LBB2_13:
0x5f9: {  	p0 =	sne.s32 s1, $0x300  }
.Ltmp5:
0x5fa: {  	s0 =	sshra.s32 s1, $0x2;
	s1 =	sadd.s32 $0x40, s1;
	vm2 =	vlt.f32 v3, $-Inf;
	vm3 =	vgt.f32 v3, $-Inf;
	v3 =	vmovc v2;
	v6 =	vsub.f32 v4, v5;
	v2 =	vmovc v4;
	(pc) =	sbr.rel @p0 .LBB2_13-.Ltmp5, $4  }
0x5fb: {  	vm2 =	vmor vm3, vm2;
	v4 =	vld [tilespmem:s0+$0xD000];
	v7 =	vpop (erf)  }
0x5fc: {  	v6 =	vmul.f32 $1.442695020e+00, v6;
	v7 =	vnsel vm2, $0x0, v7  }
0x5fd: {  	[tilespmem:s29+$0xD0D0] =	vst v7;
	v1 =	vadd.f32 v7, v1;
	s29 =	smov.u32 s28;
	s28 =	smov.u32 s30;
	s30 =	smov.u32 s0  }
0x5fe: {  	(erf) = vpow2.f32 v6  }
0x5ff: {  	_ = 	snop  }
0x600: {  	v5 =	vsub.f32 v4, v5;
	_ =	sdelay $0x1  }
0x601: {  	v5 =	vmul.f32 $1.442695020e+00, v5;
	_ =	sdelay $0x1  }
0x602: {  	(erf) = vpow2.f32 v5;
	_ =	sdelay $0x4  }
0x603: {  	vm2 =	vlt.f32 v3, $-Inf;
	vm3 =	vgt.f32 v3, $-Inf  }
0x604: {  	v3 =	vpop (erf);
	vm2 =	vmor vm3, vm2  }
0x605: {  	vm3 =	vgt.f32 v2, $-Inf;
	v3 =	vnsel vm2, $0x0, v3;
	vm2 =	vlt.f32 v2, $-Inf  }
0x606: {  	vm4 =	vgt.f32 v4, $-Inf;
	vm2 =	vmor vm3, vm2;
	vm3 =	vlt.f32 v4, $-Inf;
	v2 =	vpop (erf)  }
0x607: {  	[tilespmem:s29+$0xD0D0] =	vst v3;
	v4 =	vnsel vm2, $0x0, v2;
	vm2 =	vmor vm4, vm3;
	v2 =	vpop (erf)  }
0x608: {  	[tilespmem:s28+$0xD0D0] =	vst v4;
	v6 =	vnsel vm2, $0x0, v2  }
0x609: {  	s1 =	simm.s32 $0x2;
	s28 =	simm.s32 $0x9C80;
	[tilespmem:s30+$0xD0D0] =	vst v6  }
0x60a: {  	v7 =	vmov s1;
	v5 =	vld [tilespmem:s28+$0x40]  }
0x60b: {  	s0 =	simm.s32 $0x1;
	v7 =	vand.u32 $0xFFFFFFFE, v7;
	v8 =	vld [tilespmem:s28+$0x50]  }
0x60c: {  	s31 =	simm.s32 $0x0;
	v7 =	vbroadcast v7, $0x0;
	v2 =	vmov s0;
	v9 =	vld [tilespmem:s28+$0x0]  }
0x60d: {  	v11 =	vmov s31;
	v2 =	vand.u32 $0xFFFFFFFD, v2;
	v12 =	vld [tilespmem:s28+$0x10]  }
0x60e: {  	s30 =	simm.s32 $0x3;
	v13 =	vbroadcast v2, $0x0;
	v2 =	vand.u32 $0xFFFFFFFC, v11;
	v11 =	vld [tilespmem:s28+$0xFFFFFFC0]  }
0x60f: {  	v10 =	vmov s30;
	v15 =	vld [tilespmem:s28+$0xFFFFFFD0]  }
0x610: {  	v16 =	vld [tilespmem:s28+$0xFFFFFF80];
	v14 =	vbroadcast v2, $0x0  }
0x611: {  	v17 =	vld [tilespmem:s28+$0xFFFFFF90]  }
0x612: {  	v59 =	vmov v18;
	v18 =	vld.idx.msk [tilespmem:v7+s19+$0x0], $0xffff  }
0x613: {  	v61 =	vmov v20;
	v20 =	vld [tilespmem:s28+$0xFFFFFFB0]  }
0x614: {  	s31 =	simm.s32 $0x6;
	s30 =	simm.s32 $0x5;
	v2 =	vld.idx.msk [tilespmem:v10+s19+$0x0], $0xffff  }
0x615: {  	v1 =	vadd.f32 v3, v1;
	v7 =	vmov s31;
	v3 =	vmov s30;
	v10 =	vld.idx.msk [tilespmem:v13+s19+$0x0], $0xffff  }
0x616: {  	v7 =	vand.u32 $0xFFFFFFFE, v7;
	v3 =	vand.u32 $0xFFFFFFFD, v3;
	v13 =	vld.idx.msk [tilespmem:v14+s19+$0x0], $0xffff  }
0x617: {  	v60 =	vmovc v19;
	v19 =	vadd.f32 v4, v1;
	v4 =	vbroadcast v7, $0x0;
	v3 =	vbroadcast v3, $0x0;
	v14 =	vld [tilespmem:s28+$0xFFFFFFA0]  }
0x618: {  	v50 =	vld [tilespmem:s28+$0xFFFFFFE0];
	v52 =	vmul.f32 v9, v18;
	v23 =	vmul.f32 v12, v18  }
0x619: {  	v28 =	vadd.f32 v6, v19;
	v6 =	vld [tilespmem:s28+$0xFFFFFFF0];
	s30 =	simm.s32 $0x7;
	v5 =	vmul.f32 v5, v2;
	v1 =	vmul.f32 v8, v2  }
0x61a: {  	s31 =	simm.s32 $0x4;
	v19 =	vld [tilespmem:s28+$0x20];
	v7 =	vmov s30;
	v9 =	vmul.f32 v11, v10;
	v15 =	vmul.f32 v15, v10  }
0x61b: {  	v24 =	vld [tilespmem:s28+$0x30];
	v8 =	vmov s31;
	v12 =	vmul.f32 v16, v13;
	v16 =	vmul.f32 v17, v13  }
0x61c: {  	v11 =	vand.u32 $0xFFFFFFFC, v8;
	v14 =	vmul.f32 v14, v13;
	v13 =	vmul.f32 v20, v13;
	v20 =	vld [tilespmem:s28+$0x60]  }
0x61d: {  	v63 =	vmovc v21;
	v21 =	vmul.f32 v50, v10;
	v17 =	vadd.f32 v12, v26;
	v16 =	vadd.f32 v16, v26;
	v12 =	vld [tilespmem:s28+$0x70];
	s28 =	simm.s32 $0x9D80  }
0x61e: {  	v55 =	vmul.f32 v6, v10;
	v25 =	vadd.f32 v14, v26;
	v13 =	vadd.f32 v13, v26;
	v8 =	vld [tilespmem:s28+$0x40]  }
0x61f: {  	v14 =	vmul.f32 v19, v18;
	v6 =	vld [tilespmem:s28+$0x50];
	v27 =	vadd.f32 v9, v17;
	v15 =	vadd.f32 v15, v16  }
0x620: {  	v19 =	vmul.f32 v24, v18;
	v10 =	vld [tilespmem:s28+$0x0];
	v16 =	vadd.f32 v21, v25;
	v17 =	vadd.f32 v55, v13  }
0x621: {  	v0 =	vmovc v22;
	s29 =	simm.s32 $0xB;
	v9 =	vld [tilespmem:s28+$0x10];
	v13 =	vmul.f32 v20, v2;
	v18 =	vadd.f32 v52, v27;
	v15 =	vadd.f32 v23, v15  }
.LBB2_15:
0x622: {  	p0 =	sne.s32 s29, $0xC7;
	v20 =	vld [tilespmem:s28+$0xFFFFFFC0];
	v14 =	vadd.f32 v14, v16;
	v16 =	vadd.f32 v19, v17;
	v2 =	vmul.f32 v12, v2  }
0x623: {  	v11 =	vbroadcast v11, $0x0;
	v12 =	vld [tilespmem:s28+$0xFFFFFFD0];
	v17 =	vadd.f32 v5, v18;
	v15 =	vadd.f32 v1, v15  }
0x624: {  	v18 =	vld [tilespmem:s28+$0xFFFFFF80];
	v13 =	vadd.f32 v13, v14;
	v14 =	vadd.f32 v2, v16  }
0x625: {  	v16 =	vld [tilespmem:s28+$0xFFFFFF90]  }
0x626: {  	v2 =	vld.idx.msk [tilespmem:v7+s19+$0x0], $0xffff  }
0x627: {  	v19 =	vld.idx.msk [tilespmem:v4+s19+$0x0], $0xffff  }
0x628: {  	s0 =	sadd.s32 $0xFFFFFFFE, s29;
	s1 =	sadd.s32 $0xFFFFFFFF, s29;
	v21 =	vld.idx.msk [tilespmem:v3+s19+$0x0], $0xffff  }
0x629: {  	v1 =	vmov s0;
	v3 =	vmov s1;
	v22 =	vld.idx.msk [tilespmem:v11+s19+$0x0], $0xffff  }
0x62a: {  	v1 =	vand.u32 $0xFFFFFFFD, v1;
	v4 =	vand.u32 $0xFFFFFFFE, v3;
	v23 =	vld [tilespmem:s28+$0xFFFFFFA0]  }
0x62b: {  	v3 =	vbroadcast v1, $0x0;
	v4 =	vbroadcast v4, $0x0;
	v24 =	vld [tilespmem:s28+$0xFFFFFFB0]  }
0x62c: {  	v5 =	vmul.f32 v8, v2;
	v1 =	vmul.f32 v6, v2;
	v25 =	vld [tilespmem:s28+$0xFFFFFFE0]  }
0x62d: {  	v26 =	vmul.f32 v10, v19;
	v27 =	vmul.f32 v9, v19;
	v6 =	vld [tilespmem:s28+$0xFFFFFFF0]  }
0x62e: {  	s0 =	sadd.s32 $0xFFFFFFFD, s29;
	v7 =	vmov s29;
	v9 =	vmul.f32 v20, v21;
	v10 =	vmul.f32 v12, v21;
	v20 =	vld [tilespmem:s28+$0x20]  }
0x62f: {  	v8 =	vmov s0;
	v12 =	vmul.f32 v18, v22;
	v16 =	vmul.f32 v16, v22;
	v18 =	vld [tilespmem:s28+$0x30]  }
0x630: {  	v11 =	vand.u32 $0xFFFFFFFC, v8;
	v23 =	vmul.f32 v23, v22;
	v22 =	vmul.f32 v24, v22;
	v24 =	vld [tilespmem:s28+$0x60]  }
.Ltmp6:
0x631: {  	v17 =	vadd.f32 v12, v17;
	v15 =	vadd.f32 v16, v15;
	v16 =	vmul.f32 v25, v21;
	v12 =	vld [tilespmem:s28+$0x70];
	s28 =	sadd.s32 $0x100, s28;
	(pc) =	sbr.rel @p0 .LBB2_15-.Ltmp6, $4  }
0x632: {  	v13 =	vadd.f32 v23, v13;
	v8 =	vld [tilespmem:s28+$0x40];
	v22 =	vadd.f32 v22, v14;
	v21 =	vmul.f32 v6, v21  }
0x633: {  	v23 =	vadd.f32 v9, v17;
	v15 =	vadd.f32 v10, v15;
	v6 =	vld [tilespmem:s28+$0x50];
	v14 =	vmul.f32 v20, v19  }
0x634: {  	v16 =	vadd.f32 v16, v13;
	v10 =	vld [tilespmem:s28+$0x0];
	v17 =	vadd.f32 v21, v22;
	v19 =	vmul.f32 v18, v19  }
0x635: {  	s29 =	sadd.s32 $0x4, s29;
	v18 =	vadd.f32 v26, v23;
	v15 =	vadd.f32 v27, v15;
	v9 =	vld [tilespmem:s28+$0x10];
	v13 =	vmul.f32 v24, v2  }
0x636: {  	v20 =	vld [tilespmem:s28+$0xFFFFFFC0]  }
0x637: {  	v21 =	vld [tilespmem:s28+$0xFFFFFFD0]  }
0x638: {  	v11 =	vbroadcast v11, $0x0;
	v22 =	vld [tilespmem:s28+$0xFFFFFF80]  }
0x639: {  	v23 =	vld [tilespmem:s28+$0xFFFFFF90]  }
0x63a: {  	v7 =	vld.idx.msk [tilespmem:v7+s19+$0x0], $0xffff  }
0x63b: {  	v4 =	vld.idx.msk [tilespmem:v4+s19+$0x0], $0xffff  }
0x63c: {  	v3 =	vld.idx.msk [tilespmem:v3+s19+$0x0], $0xffff  }
0x63d: {  	v24 =	vld [tilespmem:s28+$0xFFFFFFA0]  }
0x63e: {  	v11 =	vld.idx.msk [tilespmem:v11+s19+$0x0], $0xffff  }
0x63f: {  	v25 =	vld [tilespmem:s28+$0xFFFFFFB0]  }
0x640: {  	v14 =	vadd.f32 v14, v16;
	v16 =	vadd.f32 v19, v17;
	v17 =	vld [tilespmem:s28+$0xFFFFFFE0]  }
0x641: {  	v2 =	vmul.f32 v12, v2;
	v12 =	vld [tilespmem:s28+$0xFFFFFFF0];
	v5 =	vadd.f32 v5, v18;
	v8 =	vmul.f32 v8, v7  }
0x642: {  	v47 =	vld [tilespmem:$0xD1E0];
	v1 =	vadd.f32 v1, v15;
	v10 =	vmul.f32 v10, v4;
	v15 =	vmul.f32 v20, v3  }
0x643: {  	v18 =	vld [tilespmem:s28+$0x20];
	v13 =	vadd.f32 v13, v14;
	v14 =	vmul.f32 v22, v11;
	v19 =	vmul.f32 v23, v11  }
0x644: {  	v50 =	vld [tilespmem:$0xD230];
	v2 =	vadd.f32 v2, v16;
	v21 =	vmul.f32 v21, v3;
	v16 =	vmul.f32 v24, v11  }
0x645: {  	v20 =	vld [tilespmem:s28+$0x30];
	v17 =	vmul.f32 v17, v3;
	v5 =	vadd.f32 v14, v5;
	v1 =	vadd.f32 v19, v1  }
0x646: {  	v9 =	vmul.f32 v9, v4;
	v11 =	vmul.f32 v25, v11;
	v22 =	vld [tilespmem:s28+$0x60];
	v13 =	vadd.f32 v16, v13  }
0x647: {  	v3 =	vmul.f32 v12, v3;
	v14 =	vld [tilespmem:s28+$0x70];
	v5 =	vadd.f32 v15, v5;
	v1 =	vadd.f32 v21, v1  }
0x648: {  	v12 =	vmul.f32 v18, v4;
	v2 =	vadd.f32 v11, v2;
	v15 =	vld [tilespmem:$0xD1F0];
	v13 =	vadd.f32 v17, v13  }
0x649: {  	v6 =	vmul.f32 v6, v7;
	v16 =	vld [tilespmem:$0xD220];
	v5 =	vadd.f32 v10, v5;
	v1 =	vadd.f32 v9, v1  }
0x64a: {  	v52 =	vld [tilespmem:$0xD200];
	v2 =	vadd.f32 v3, v2;
	v3 =	vmul.f32 v20, v4;
	v4 =	vadd.f32 v12, v13  }
0x64b: {  	v12 =	vmul.f32 v22, v7;
	v5 =	vadd.f32 v8, v5;
	v1 =	vadd.f32 v6, v1;
	v6 =	vld [tilespmem:$0xD240]  }
0x64c: {  	v2 =	vadd.f32 v3, v2;
	v3 =	vmul.f32 v14, v7;
	v7 =	vld [tilespmem:$0xD210]  }
0x64d: {  	v4 =	vadd.f32 v12, v4;
	v12 =	vld [tilespmem:$0xD250];
	v8 =	vmul.f32 v47, v5;
	v55 =	vmul.f32 v15, v1  }
0x64e: {  	v5 =	vmul.f32 v16, v5;
	v1 =	vmul.f32 v50, v1  }
0x64f: {  	v2 =	vadd.f32 v3, v2;
	v3 =	vadd.f32 v55, v8;
	v8 =	vmul.f32 v52, v4  }
0x650: {  	(xrf2) =	vadd.scan.msk.f32 $0xffff, v28;
	v1 =	vadd.f32 v1, v5;
	v4 =	vmul.f32 v6, v4  }
0x651: {  	v5 =	vmul.f32 v7, v2;
	v3 =	vadd.f32 v8, v3  }
0x652: {  	v2 =	vmul.f32 v12, v2;
	v1 =	vadd.f32 v4, v1  }
0x653: {  	v3 =	vadd.f32 v5, v3  }
0x654: {  	v1 =	vadd.f32 v2, v1  }
0x655: {  	(xrf2) =	vadd.scan.msk.f32 $0xffff, v3  }
0x656: {  	(xrf2) =	vadd.scan.msk.f32 $0xffff, v1;
	_ =	sdelay $0x3  }
0x657: {  	v1, _, _ =	vpop (xrf2)  }
0x658: {  	v1 =	vbroadcast v1, $0xF  }
0x659: {  	v31 =	vld [tilespmem:$0x1FDE0]  }
0x65a: {  	v32 =	vld [tilespmem:$0x1FE20];
	(erf) = vrcp.f32 v1  }
0x65b: {  	v28 =	vld [tilespmem:$0x1FE60]  }
0x65c: {  	v25 =	vld [tilespmem:$0x1FDF0];
	v1, _, _ =	vpop (xrf2)  }
0x65d: {  	v23 =	vld [tilespmem:$0x1FFD0];
	v2, _, _ =	vpop (xrf2)  }
0x65e: {  	v21 =	vld [tilespmem:$0x1FFC0];
	v2 =	vbroadcast v2, $0xF  }
0x65f: {  	v17 =	vld [tilespmem:$0x1FE70]  }
0x660: {  	s25 =	sadd.s32 $0x1, s25;
	v13 =	vld [tilespmem:$0x1FDD0];
	v2 =	vnsel vm0, $0x0, v2  }
0x661: {  	p0 =	sne.s32 s25, $0x40;
	v14 =	vld [tilespmem:$0x1FDC0];
	v1 =	vbroadcast v1, $0xF  }
.Ltmp7:
0x662: {  	v16 =	vld [tilespmem:$0x1FDA0];
	(pc) =	sbr.rel @p0 .LBB2_4-.Ltmp7, $4  }
0x663: {  	v15 =	vld [tilespmem:$0x1FDB0];
	v1 =	vsel vm1, v2, v1;
	v2 =	vpop (erf)  }
0x664: {  	s0 =	sshll.u32 s26, $0x4;
	v47 =	vld [tilespmem:$0x1FEC0];
	v1 =	vmul.f32 v1, v2  }
0x665: {  	s0 =	sand.u32 $0x3FFFFFF0, s0;
	v52 =	vld [tilespmem:$0x1FF10]  }
0x666: {  	s24 =	sadd.s32 $0x1A0, s24;
	s23 =	sadd.s32 $0x1A0, s23;
	v6 =	vlaneseq.u32;
	v12 =	vld [tilespmem:$0x1FD90];
	[tilespmem:s0+$0xD260] =	vst v1  }
0x667: {  	_ =	swait.ge [sflag:s18], $0x3200  }
0x668: {  	s1 =	simm.s32 $0xD260;
	s22 =	simm.s32 $0x1;
	[sflag:s18] =	ssyncset.done $0x0  }
0x669: {  	s24 =	sadd.s32 $0x0, s7;
	s23 =	simm.s32 $0xD270;
	[sflag:s18] =	ssyncadd.s32 $0xFFFFCE00  }
.LBB2_18:
0x66a: {  	[hbm4b:s24+s4] =	stream.linear.scatter [tilespmem:s1], [sflag:$0x3], $0x2, $0x38;
	[tilespmem:$0xDA60] =	vst v63  }
0x66b: {  	s0 =	smov.u32 s22;
	s1 =	smov.u32 s23;
	p0 =	sne.s32 s22, $0x7F  }
.Ltmp8:
0x66c: {  	s22 =	sadd.s32 $0x1, s22;
	(pc) =	sbr.rel @p0 .LBB2_18-.Ltmp8, $2  }
0x66d: {  	_ =	sdelay $0x2  }
0x66e: {  	s23 =	sadd.s32 $0x10, s23;
	s24 =	sadd.s32 s0, s7  }
0x66f: {  	s21 =	sadd.s32 $0x1, s21  }
0x670: {  	p0 =	sne.s32 s21, s8  }
.Ltmp9:
0x671: {  	_ = 	snop;
	(pc) =	sbr.rel @p0 .LBB2_1-.Ltmp9, $4  }
0x672: {  	[hbm4b:s24+s4] =	stream.linear.scatter [tilespmem:s1], [sflag:$0x3], $0x2, $0x38;
	[tilespmem:$0xDA60] =	vst v63  }
0x673: {  	_ =	swait.ge [sflag:s10], $0x100  }
0x674: {  	[sflag:s10] =	ssyncset.done $0x0  }
0x675: {  	[sflag:s10] =	ssyncadd.s32 $0xFFFFFF00  }
0x676: {  	_ =	sfence.sel $0x180000  }
0x677: {  	[bflag:$0x0] =	sbarrier.arrive $0xFFFF  }
0x678: {  	_ =	strace $0x90000047  }
0x679: {  	s0 =	stileid.u32;
	[bflag:$0x2] =	sbarrier.arrive $0xFFFF  }
0x67a: {  	p0 =	sne.s32 s0, $0x0;
	s0 =	rddreg [dreg:$0x3]  }
0x67b: {  	s0 =	sadd.s32 @!p0 $0x100000, s0  }
0x67c: {  	[sflag:s0] =	ssyncadd.tile.s32 @!p0 $0x1;
	_ =	shalt  }
.Lfunc_end2:
_tile_overlayer_lowered:
.L_overlay_start_2:
0x67d: {  	(tag) =	ssettag $0x2  }
0x67e: {  	s0 =	rddreg [dreg:$0x0];
	s2 =	stileid.u32  }
0x67f: {  	s1 =	rddreg [dreg:$0x1];
	p0 =	sne.s32 s2, $0x0  }
0x680: {  	s3 =	rddreg [dreg:$0x2];
	[bflag:$0x3] =	sbarrier.arrive $0xFFFF;
	s2 =	simm.s32 @!p0 $0x1C03  }
0x681: {  	[timem:s3], [sflag:s2] =	dma.local @!p0 [hbm:s0], s1  }
0x682: {  	s0 =	simm.s32 @!p0 $0x3  }
0x683: {  	_ =	swait.ge @!p0 [sflag:s0], s1  }
0x684: {  	s1 =	ssub.s32 @!p0 $0x0, s1;
	[sflag:s0] =	ssyncset.done @!p0 $0x0  }
0x685: {  	[sflag:s0] =	ssyncadd.s32 @!p0 s1  }
0x686: {  	[bflag:$0x3] =	sbarrier.arrive $0xFFFF  }
0x687: {  	_ =	shalt  }

</sc_bundles>
